<compile_context>
chip_gen: v7x
topology: tpu7x:2x2x1
jax: 0.10.2.dev20260603
libtpu: 0.0.44.dev20260713+nightly
codegen_flags: <defaults>
</compile_context>

<pallas_src>
import jax
import jax.numpy as jnp
from jax import lax
from jax.experimental import pallas as pl
from jax.experimental.pallas import tpu as pltpu
from jax.experimental.pallas import tpu_sc as plsc

NC, NS, L = 2, 16, 16
NW = NC * NS

D = 64
WPR = D // 2

V = 1_000_000
B = 4096
H = 200

RB = 8192
RB4 = RB // 4
NBLK = (V + RB - 1) // RB
VS = NBLK * RB


def _rne_bf16_bits(x):
    xi = jax.lax.bitcast_convert_type(x, jnp.uint32)
    return (xi + jnp.uint32(0x7FFF) + ((xi >> 16) & jnp.uint32(1))) >> 16


def _pack_tc_body(in_ref, out_ref):
    xlo = in_ref[0:WPR, :]
    xhi = in_ref[WPR:D, :]
    w = _rne_bf16_bits(xlo) | (_rne_bf16_bits(xhi) << 16)
    wq = jnp.concatenate(
        [w[:, p * RB4 : (p + 1) * RB4] for p in range(4)], axis=0
    )
    out_ref[...] = jax.lax.bitcast_convert_type(jnp.transpose(wq), jnp.int32)


def _pack_table(tabT):
    return pl.pallas_call(
        _pack_tc_body,
        grid=(NBLK,),
        in_specs=[pl.BlockSpec((D, RB), lambda i: (0, i))],
        out_specs=pl.BlockSpec((RB4, 128), lambda i: (i, 0)),
        out_shape=jax.ShapeDtypeStruct((NBLK * RB4, 128), jnp.int32),
    )(tabT)


GB = 128
NBUF = 8
BLOCKS = H * (B // GB)
BPW = BLOCKS // NW
GROUPS = BPW // NBUF
IPW = BPW * GB


def _slot_map_all(idx_v):

    sh = RB4.bit_length() - 1

    def body(g, _):
        v = idx_v[pl.ds(g * L, L)]
        hi = v & jnp.int32(-RB)
        q4 = (v & jnp.int32(RB4 - 1)) << 2
        p = (v >> sh) & jnp.int32(3)
        idx_v[pl.ds(g * L, L)] = hi | q4 | p
        return ()

    lax.fori_loop(0, IPW // L, body, (), unroll=4)


def _cpair_block(rows_v, tr_v):
    iota2 = lax.iota(jnp.int32, L) * 2
    m16 = jnp.int32(0xFFFF)

    def row_body(r, _):
        rsp = jnp.full((L,), r, dtype=jnp.int32)
        we = plsc.load_gather(rows_v, [rsp, iota2])
        wo = plsc.load_gather(rows_v, [rsp, iota2 + 1])
        lo = (we & m16) | (wo << 16)
        hi = lax.shift_right_logical(we, 16) | (wo & ~m16)
        tr_v[r, pl.ds(0, 2 * L)] = plsc.bitcast(lo, jnp.bfloat16)
        tr_v[r, pl.ds(2 * L, 2 * L)] = plsc.bitcast(hi, jnp.bfloat16)
        return ()

    lax.fori_loop(0, GB, row_body, (), unroll=2)


def _gather_body(idx_hbm, wtab_hbm, out_hbm, idx_v, rows_v, tr_v, sems):
    isem, gsems, osems = sems
    wid = lax.axis_index("s") * NC + lax.axis_index("c")
    base = wid * BPW

    def gather_copy(t, slot):
        return pltpu.make_async_copy(
            wtab_hbm.at[idx_v.at[pl.ds((t - base) * GB, GB)]],
            rows_v.at[slot],
            gsems[slot],
        )

    def out_copy(t, slot):
        h = t // (B // GB)
        j = t % (B // GB)
        return pltpu.make_async_copy(
            tr_v.at[slot],
            out_hbm.at[pl.ds(j * GB, GB), h, :],
            osems[slot],
        )

    pltpu.make_async_copy(
        idx_hbm.at[pl.ds(wid * IPW, IPW)], idx_v, isem
    ).start()
    pltpu.make_async_copy(
        idx_hbm.at[pl.ds(wid * IPW, IPW)], idx_v, isem
    ).wait()
    _slot_map_all(idx_v)

    for s in range(NBUF):
        gather_copy(base + s, s).start()

    def group_body(g, _):
        t0 = base + g * NBUF
        for s in range(NBUF):
            t = t0 + s
            gather_copy(t, s).wait()

            @pl.when(g > 0)
            def _():
                out_copy(t - NBUF, s).wait()

            _cpair_block(rows_v.at[s], tr_v.at[s])
            out_copy(t, s).start()

            @pl.when(g < GROUPS - 1)
            def _():
                gather_copy(t + NBUF, s).start()

        return ()

    lax.fori_loop(0, GROUPS, group_body, (), unroll=False)
    for s in range(NBUF):
        out_copy(base + (GROUPS - 1) * NBUF + s, s).wait()


def _gather(idx_flat, wtab2):
    mesh = plsc.VectorSubcoreMesh(
        core_axis_name="c", subcore_axis_name="s", num_cores=NC, num_subcores=NS
    )
    kfn = pl.kernel(
        _gather_body,
        out_type=jax.ShapeDtypeStruct((B, H, D), jnp.bfloat16),
        mesh=mesh,
        scratch_types=[
            pltpu.VMEM((IPW,), jnp.int32),
            pltpu.VMEM((NBUF, GB, WPR), jnp.int32),
            pltpu.VMEM((NBUF, GB, D), jnp.bfloat16),
            (
                pltpu.SemaphoreType.DMA,
                [pltpu.SemaphoreType.DMA] * NBUF,
                [pltpu.SemaphoreType.DMA] * NBUF,
            ),
        ],
        compiler_params=pltpu.CompilerParams(
            needs_layout_passes=False, use_tc_tiling_on_sc=False
        ),
    )
    return kfn(idx_flat, wtab2)


@jax.jit
def _run(input, embedding_weight):
    tabT = jnp.transpose(embedding_weight)
    wtab = _pack_table(tabT)
    wtab2 = wtab.reshape(VS, WPR)
    idx_flat = jnp.transpose(input).reshape(B * H)
    return _gather(idx_flat, wtab2)


def kernel(input, embedding_weight):
    return _run(input, embedding_weight)

# --- scband reference (transcript-rebuilt; emitter-appended) ---
"""Pipeline reference for scband-casted-embedding-1829656068686 (READ-ONLY COPY).

The authoritative reference and input builder live on the scoring server;
editing this copy changes nothing except your own understanding.
"""

import jax, jax.numpy as jnp
import numpy as np

NUM_EMBEDDINGS = 1000000
EMBEDDING_DIM = 64
INIT_STD = 0.02
BATCH = 4096
HIST = 200


def _trunc_normal(key, shape, std):
    # approximate trunc_normal_(std=std) with +/-2*std truncation via clipping
    x = jax.random.truncated_normal(key, -2.0, 2.0, shape, dtype=jnp.float32) * std
    return x


def setup_inputs(seed: int = 0) -> dict:
    key = jax.random.key(seed)
    k1, k2 = jax.random.split(key)
    indices = jax.random.randint(k1, (BATCH, HIST), 0, NUM_EMBEDDINGS, dtype=jnp.int32)
    embedding_weight = _trunc_normal(k2, (NUM_EMBEDDINGS, EMBEDDING_DIM), INIT_STD)
    return {"input": indices, "embedding_weight": embedding_weight}


def reference(input, embedding_weight):
    # CastedEmbedding.forward: F.embedding(input, weight.to(bfloat16))
    w = embedding_weight.astype(jnp.bfloat16)
    return jnp.take(w, input, axis=0)

if __name__ == "__main__":
    import jax
    _d = setup_inputs()
    print(jax.jit(kernel)(*tuple(_d.values())))

</pallas_src>

<mosaic_0001>
#map = affine_map<(d0, d1) -> (0)>
#map1 = affine_map<(d0, d1) -> (0, 0)>
#map2 = affine_map<(d0, d1) -> (0, 0, 0)>
module attributes {stable_mosaic.version = 14 : i64} {
  func.func @_gather_body(%arg0: i32, %arg1: i32, %arg2: memref<819200xi32, #tpu.memory_space<hbm>>, %arg3: memref<1007616x32xi32, #tpu.memory_space<hbm>>, %arg4: memref<4096x200x64xbf16, #tpu.memory_space<hbm>>, %arg5: memref<25600xi32, #tpu.memory_space<vmem>>, %arg6: memref<8x128x32xi32, #tpu.memory_space<vmem>>, %arg7: memref<8x128x64xbf16, #tpu.memory_space<vmem>>, %arg8: memref<!tpu.dma_semaphore, #tpu.memory_space<semaphore_mem>>, %arg9: memref<!tpu.dma_semaphore, #tpu.memory_space<semaphore_mem>>, %arg10: memref<!tpu.dma_semaphore, #tpu.memory_space<semaphore_mem>>, %arg11: memref<!tpu.dma_semaphore, #tpu.memory_space<semaphore_mem>>, %arg12: memref<!tpu.dma_semaphore, #tpu.memory_space<semaphore_mem>>, %arg13: memref<!tpu.dma_semaphore, #tpu.memory_space<semaphore_mem>>, %arg14: memref<!tpu.dma_semaphore, #tpu.memory_space<semaphore_mem>>, %arg15: memref<!tpu.dma_semaphore, #tpu.memory_space<semaphore_mem>>, %arg16: memref<!tpu.dma_semaphore, #tpu.memory_space<semaphore_mem>>, %arg17: memref<!tpu.dma_semaphore, #tpu.memory_space<semaphore_mem>>, %arg18: memref<!tpu.dma_semaphore, #tpu.memory_space<semaphore_mem>>, %arg19: memref<!tpu.dma_semaphore, #tpu.memory_space<semaphore_mem>>, %arg20: memref<!tpu.dma_semaphore, #tpu.memory_space<semaphore_mem>>, %arg21: memref<!tpu.dma_semaphore, #tpu.memory_space<semaphore_mem>>, %arg22: memref<!tpu.dma_semaphore, #tpu.memory_space<semaphore_mem>>, %arg23: memref<!tpu.dma_semaphore, #tpu.memory_space<semaphore_mem>>, %arg24: memref<!tpu.dma_semaphore, #tpu.memory_space<semaphore_mem>>) attributes {dimension_semantics = [#tpu.dimension_semantics<core_parallel>, #tpu.dimension_semantics<subcore_parallel>], iteration_bounds = array<i64: 2, 16>, scalar_prefetch = 0 : i64, scratch_operands = 20 : i64, tpu.core_type = #tpu.core_type<sc_vector_subcore>, window_params = [{transform_indices = #map}, {transform_indices = #map1}, {transform_indices = #map2}]} {
    %mul3A = arith.constant 2 : i32
    %mul3A_0 = arith.muli %arg1, %mul3A : i32
    %add3A = arith.addi %mul3A_0, %arg0 : i32
    %mul3A_1 = arith.constant 200 : i32
    %mul3A_2 = arith.muli %add3A, %mul3A_1 : i32
    %mul3A_3 = arith.constant 25600 : i32
    %mul3A_4 = arith.muli %add3A, %mul3A_3 : i32
    %dma_start3A = tpu.memref_slice %arg2[%mul3A_4] : memref<819200xi32, #tpu.memory_space<hbm>> -> memref<25600xi32, #tpu.memory_space<hbm>>
    %dma_start3A_5 = tpu.memref_slice %arg2[%mul3A_4] : memref<819200xi32, #tpu.memory_space<hbm>> -> memref<25600xi32, #tpu.memory_space<hbm>>
    tpu.enqueue_dma source(%dma_start3A_5 : memref<25600xi32, #tpu.memory_space<hbm>>) target(%arg5 : memref<25600xi32, #tpu.memory_space<vmem>>) target_semaphore(%arg8 : memref<!tpu.dma_semaphore, #tpu.memory_space<semaphore_mem>>)
    %mul3A_6 = arith.constant 25600 : i32
    %mul3A_7 = arith.muli %add3A, %mul3A_6 : i32
    %dma_wait3A = tpu.memref_slice %arg2[%mul3A_7] : memref<819200xi32, #tpu.memory_space<hbm>> -> memref<25600xi32, #tpu.memory_space<hbm>>
    %dma_wait3A_8 = tpu.memref_slice %arg2[%mul3A_7] : memref<819200xi32, #tpu.memory_space<hbm>> -> memref<25600xi32, #tpu.memory_space<hbm>>
    tpu.wait_dma2 semaphore(%arg8 : memref<!tpu.dma_semaphore, #tpu.memory_space<semaphore_mem>>) src(%dma_wait3A_8 : memref<25600xi32, #tpu.memory_space<hbm>>) dst(%arg5 : memref<25600xi32, #tpu.memory_space<vmem>>)
    %scan3A = arith.constant 0 : i32
    %scan3A_9 = arith.constant 1600 : i32
    %scan3A_10 = arith.addi %scan3A, %scan3A_9 : i32
    %scan3A_11 = arith.constant 4 : i32
    scf.for %scan3A_608 = %scan3A to %scan3A_10 step %scan3A_11  : i32 {
      %mul3A_609 = arith.constant 16 : i32
      %mul3A_610 = arith.muli %scan3A_608, %mul3A_609 : i32
      %get3A = arith.index_cast %mul3A_610 : i32 to index
      %get3A_611 = tpu.vector_load %arg5[%get3A] {strides = array<i32>} : memref<25600xi32, #tpu.memory_space<vmem>>, vector<16xi32>,
      %and3A_612 = arith.constant -8192 : i32
      %and3A_613 = vector.broadcast %and3A_612 : i32 to vector<16xi32>
      %and3A_614 = arith.andi %get3A_611, %and3A_613 : vector<16xi32>
      %and3A_615 = arith.constant 2047 : i32
      %and3A_616 = vector.broadcast %and3A_615 : i32 to vector<16xi32>
      %and3A_617 = arith.andi %get3A_611, %and3A_616 : vector<16xi32>
      %shift_left3A = arith.constant 2 : i32
      %shift_left3A_618 = vector.broadcast %shift_left3A : i32 to vector<16xi32>
      %shift_left3A_619 = arith.shli %and3A_617, %shift_left3A_618 : vector<16xi32>
      %shift_right_arithmetic3A = arith.constant 11 : i32
      %shift_right_arithmetic3A_620 = vector.broadcast %shift_right_arithmetic3A : i32 to vector<16xi32>
      %shift_right_arithmetic3A_621 = arith.shrsi %get3A_611, %shift_right_arithmetic3A_620 : vector<16xi32>
      %and3A_622 = arith.constant 3 : i32
      %and3A_623 = vector.broadcast %and3A_622 : i32 to vector<16xi32>
      %and3A_624 = arith.andi %shift_right_arithmetic3A_621, %and3A_623 : vector<16xi32>
      %or3A = arith.ori %and3A_614, %shift_left3A_619 : vector<16xi32>
      %or3A_625 = arith.ori %or3A, %and3A_624 : vector<16xi32>
      %mul3A_626 = arith.constant 16 : i32
      %mul3A_627 = arith.muli %scan3A_608, %mul3A_626 : i32
      %swap3A = arith.index_cast %mul3A_627 : i32 to index
      %swap3A_628 = tpu.vector_load %arg5[%swap3A] {strides = array<i32>} : memref<25600xi32, #tpu.memory_space<vmem>>, vector<16xi32>,
      tpu.vector_store %arg5[%swap3A], %or3A_625 {strides = array<i32>} : memref<25600xi32, #tpu.memory_space<vmem>>, vector<16xi32>,
      %scan3A_629 = arith.constant 1 : i32
      %scan3A_630 = arith.addi %scan3A_608, %scan3A_629 : i32
      %mul3A_631 = arith.constant 16 : i32
      %mul3A_632 = arith.muli %scan3A_630, %mul3A_631 : i32
      %get3A_633 = arith.index_cast %mul3A_632 : i32 to index
      %get3A_634 = tpu.vector_load %arg5[%get3A_633] {strides = array<i32>} : memref<25600xi32, #tpu.memory_space<vmem>>, vector<16xi32>,
      %and3A_635 = arith.constant -8192 : i32
      %and3A_636 = vector.broadcast %and3A_635 : i32 to vector<16xi32>
      %and3A_637 = arith.andi %get3A_634, %and3A_636 : vector<16xi32>
      %and3A_638 = arith.constant 2047 : i32
      %and3A_639 = vector.broadcast %and3A_638 : i32 to vector<16xi32>
      %and3A_640 = arith.andi %get3A_634, %and3A_639 : vector<16xi32>
      %shift_left3A_641 = arith.constant 2 : i32
      %shift_left3A_642 = vector.broadcast %shift_left3A_641 : i32 to vector<16xi32>
      %shift_left3A_643 = arith.shli %and3A_640, %shift_left3A_642 : vector<16xi32>
      %shift_right_arithmetic3A_644 = arith.constant 11 : i32
      %shift_right_arithmetic3A_645 = vector.broadcast %shift_right_arithmetic3A_644 : i32 to vector<16xi32>
      %shift_right_arithmetic3A_646 = arith.shrsi %get3A_634, %shift_right_arithmetic3A_645 : vector<16xi32>
      %and3A_647 = arith.constant 3 : i32
      %and3A_648 = vector.broadcast %and3A_647 : i32 to vector<16xi32>
      %and3A_649 = arith.andi %shift_right_arithmetic3A_646, %and3A_648 : vector<16xi32>
      %or3A_650 = arith.ori %and3A_637, %shift_left3A_643 : vector<16xi32>
      %or3A_651 = arith.ori %or3A_650, %and3A_649 : vector<16xi32>
      %mul3A_652 = arith.constant 16 : i32
      %mul3A_653 = arith.muli %scan3A_630, %mul3A_652 : i32
      %swap3A_654 = arith.index_cast %mul3A_653 : i32 to index
      %swap3A_655 = tpu.vector_load %arg5[%swap3A_654] {strides = array<i32>} : memref<25600xi32, #tpu.memory_space<vmem>>, vector<16xi32>,
      tpu.vector_store %arg5[%swap3A_654], %or3A_651 {strides = array<i32>} : memref<25600xi32, #tpu.memory_space<vmem>>, vector<16xi32>,
      %scan3A_656 = arith.constant 2 : i32
      %scan3A_657 = arith.addi %scan3A_608, %scan3A_656 : i32
      %mul3A_658 = arith.constant 16 : i32
      %mul3A_659 = arith.muli %scan3A_657, %mul3A_658 : i32
      %get3A_660 = arith.index_cast %mul3A_659 : i32 to index
      %get3A_661 = tpu.vector_load %arg5[%get3A_660] {strides = array<i32>} : memref<25600xi32, #tpu.memory_space<vmem>>, vector<16xi32>,
      %and3A_662 = arith.constant -8192 : i32
      %and3A_663 = vector.broadcast %and3A_662 : i32 to vector<16xi32>
      %and3A_664 = arith.andi %get3A_661, %and3A_663 : vector<16xi32>
      %and3A_665 = arith.constant 2047 : i32
      %and3A_666 = vector.broadcast %and3A_665 : i32 to vector<16xi32>
      %and3A_667 = arith.andi %get3A_661, %and3A_666 : vector<16xi32>
      %shift_left3A_668 = arith.constant 2 : i32
      %shift_left3A_669 = vector.broadcast %shift_left3A_668 : i32 to vector<16xi32>
      %shift_left3A_670 = arith.shli %and3A_667, %shift_left3A_669 : vector<16xi32>
      %shift_right_arithmetic3A_671 = arith.constant 11 : i32
      %shift_right_arithmetic3A_672 = vector.broadcast %shift_right_arithmetic3A_671 : i32 to vector<16xi32>
      %shift_right_arithmetic3A_673 = arith.shrsi %get3A_661, %shift_right_arithmetic3A_672 : vector<16xi32>
      %and3A_674 = arith.constant 3 : i32
      %and3A_675 = vector.broadcast %and3A_674 : i32 to vector<16xi32>
      %and3A_676 = arith.andi %shift_right_arithmetic3A_673, %and3A_675 : vector<16xi32>
      %or3A_677 = arith.ori %and3A_664, %shift_left3A_670 : vector<16xi32>
      %or3A_678 = arith.ori %or3A_677, %and3A_676 : vector<16xi32>
      %mul3A_679 = arith.constant 16 : i32
      %mul3A_680 = arith.muli %scan3A_657, %mul3A_679 : i32
      %swap3A_681 = arith.index_cast %mul3A_680 : i32 to index
      %swap3A_682 = tpu.vector_load %arg5[%swap3A_681] {strides = array<i32>} : memref<25600xi32, #tpu.memory_space<vmem>>, vector<16xi32>,
      tpu.vector_store %arg5[%swap3A_681], %or3A_678 {strides = array<i32>} : memref<25600xi32, #tpu.memory_space<vmem>>, vector<16xi32>,
      %scan3A_683 = arith.constant 3 : i32
      %scan3A_684 = arith.addi %scan3A_608, %scan3A_683 : i32
      %mul3A_685 = arith.constant 16 : i32
      %mul3A_686 = arith.muli %scan3A_684, %mul3A_685 : i32
      %get3A_687 = arith.index_cast %mul3A_686 : i32 to index
      %get3A_688 = tpu.vector_load %arg5[%get3A_687] {strides = array<i32>} : memref<25600xi32, #tpu.memory_space<vmem>>, vector<16xi32>,
      %and3A_689 = arith.constant -8192 : i32
      %and3A_690 = vector.broadcast %and3A_689 : i32 to vector<16xi32>
      %and3A_691 = arith.andi %get3A_688, %and3A_690 : vector<16xi32>
      %and3A_692 = arith.constant 2047 : i32
      %and3A_693 = vector.broadcast %and3A_692 : i32 to vector<16xi32>
      %and3A_694 = arith.andi %get3A_688, %and3A_693 : vector<16xi32>
      %shift_left3A_695 = arith.constant 2 : i32
      %shift_left3A_696 = vector.broadcast %shift_left3A_695 : i32 to vector<16xi32>
      %shift_left3A_697 = arith.shli %and3A_694, %shift_left3A_696 : vector<16xi32>
      %shift_right_arithmetic3A_698 = arith.constant 11 : i32
      %shift_right_arithmetic3A_699 = vector.broadcast %shift_right_arithmetic3A_698 : i32 to vector<16xi32>
      %shift_right_arithmetic3A_700 = arith.shrsi %get3A_688, %shift_right_arithmetic3A_699 : vector<16xi32>
      %and3A_701 = arith.constant 3 : i32
      %and3A_702 = vector.broadcast %and3A_701 : i32 to vector<16xi32>
      %and3A_703 = arith.andi %shift_right_arithmetic3A_700, %and3A_702 : vector<16xi32>
      %or3A_704 = arith.ori %and3A_691, %shift_left3A_697 : vector<16xi32>
      %or3A_705 = arith.ori %or3A_704, %and3A_703 : vector<16xi32>
      %mul3A_706 = arith.constant 16 : i32
      %mul3A_707 = arith.muli %scan3A_684, %mul3A_706 : i32
      %swap3A_708 = arith.index_cast %mul3A_707 : i32 to index
      %swap3A_709 = tpu.vector_load %arg5[%swap3A_708] {strides = array<i32>} : memref<25600xi32, #tpu.memory_space<vmem>>, vector<16xi32>,
      tpu.vector_store %arg5[%swap3A_708], %or3A_705 {strides = array<i32>} : memref<25600xi32, #tpu.memory_space<vmem>>, vector<16xi32>,
    }
    %scan3A_12 = arith.constant 1600 : i32
    %add3A_13 = arith.constant 0 : i32
    %add3A_14 = arith.addi %mul3A_2, %add3A_13 : i32
    %sub3A = arith.subi %add3A_14, %mul3A_2 : i32
    %mul3A_15 = arith.constant 128 : i32
    %mul3A_16 = arith.muli %sub3A, %mul3A_15 : i32
    %dma_start3A_17 = arith.constant 0 : i32
    %dma_start3A_18 = arith.constant 0 : i32
    %dma_start3A_19 = arith.constant 0 : i32
    %dma_start3A_20 = tpu.memref_slice %arg6[%dma_start3A_17, %dma_start3A_18, %dma_start3A_19] : memref<8x128x32xi32, #tpu.memory_space<vmem>> -> memref<1x128x32xi32, #tpu.memory_space<vmem>>
    %dma_start3A_21 = tpu.memref_squeeze %dma_start3A_20 : memref<1x128x32xi32, #tpu.memory_space<vmem>> -> memref<128x32xi32, #tpu.memory_space<vmem>>
    %dma_start3A_22 = tpu.memref_slice %arg5[%mul3A_16] : memref<25600xi32, #tpu.memory_space<vmem>> -> memref<128xi32, #tpu.memory_space<vmem>>
    %dma_start3A_23 = arith.constant 0 : i32
    %dma_start3A_24 = arith.constant 0 : i32
    %dma_start3A_25 = tpu.memref_slice %arg3[%dma_start3A_23, %dma_start3A_24] : memref<1007616x32xi32, #tpu.memory_space<hbm>> -> memref<1007616x32xi32, #tpu.memory_space<hbm>>
    tpu.enqueue_indirect_dma source(%dma_start3A_25 : memref<1007616x32xi32, #tpu.memory_space<hbm>>) target(%dma_start3A_21 : memref<128x32xi32, #tpu.memory_space<vmem>>) offsets(%dma_start3A_22 : memref<128xi32, #tpu.memory_space<vmem>>) semaphore(%arg9 : memref<!tpu.dma_semaphore, #tpu.memory_space<semaphore_mem>>)
    %add3A_26 = arith.constant 1 : i32
    %add3A_27 = arith.addi %mul3A_2, %add3A_26 : i32
    %sub3A_28 = arith.subi %add3A_27, %mul3A_2 : i32
    %mul3A_29 = arith.constant 128 : i32
    %mul3A_30 = arith.muli %sub3A_28, %mul3A_29 : i32
    %dma_start3A_31 = arith.constant 1 : i32
    %dma_start3A_32 = arith.constant 0 : i32
    %dma_start3A_33 = arith.constant 0 : i32
    %dma_start3A_34 = tpu.memref_slice %arg6[%dma_start3A_31, %dma_start3A_32, %dma_start3A_33] : memref<8x128x32xi32, #tpu.memory_space<vmem>> -> memref<1x128x32xi32, #tpu.memory_space<vmem>>
    %dma_start3A_35 = tpu.memref_squeeze %dma_start3A_34 : memref<1x128x32xi32, #tpu.memory_space<vmem>> -> memref<128x32xi32, #tpu.memory_space<vmem>>
    %dma_start3A_36 = tpu.memref_slice %arg5[%mul3A_30] : memref<25600xi32, #tpu.memory_space<vmem>> -> memref<128xi32, #tpu.memory_space<vmem>>
    %dma_start3A_37 = arith.constant 0 : i32
    %dma_start3A_38 = arith.constant 0 : i32
    %dma_start3A_39 = tpu.memref_slice %arg3[%dma_start3A_37, %dma_start3A_38] : memref<1007616x32xi32, #tpu.memory_space<hbm>> -> memref<1007616x32xi32, #tpu.memory_space<hbm>>
    tpu.enqueue_indirect_dma source(%dma_start3A_39 : memref<1007616x32xi32, #tpu.memory_space<hbm>>) target(%dma_start3A_35 : memref<128x32xi32, #tpu.memory_space<vmem>>) offsets(%dma_start3A_36 : memref<128xi32, #tpu.memory_space<vmem>>) semaphore(%arg10 : memref<!tpu.dma_semaphore, #tpu.memory_space<semaphore_mem>>)
    %add3A_40 = arith.constant 2 : i32
    %add3A_41 = arith.addi %mul3A_2, %add3A_40 : i32
    %sub3A_42 = arith.subi %add3A_41, %mul3A_2 : i32
    %mul3A_43 = arith.constant 128 : i32
    %mul3A_44 = arith.muli %sub3A_42, %mul3A_43 : i32
    %dma_start3A_45 = arith.constant 2 : i32
    %dma_start3A_46 = arith.constant 0 : i32
    %dma_start3A_47 = arith.constant 0 : i32
    %dma_start3A_48 = tpu.memref_slice %arg6[%dma_start3A_45, %dma_start3A_46, %dma_start3A_47] : memref<8x128x32xi32, #tpu.memory_space<vmem>> -> memref<1x128x32xi32, #tpu.memory_space<vmem>>
    %dma_start3A_49 = tpu.memref_squeeze %dma_start3A_48 : memref<1x128x32xi32, #tpu.memory_space<vmem>> -> memref<128x32xi32, #tpu.memory_space<vmem>>
    %dma_start3A_50 = tpu.memref_slice %arg5[%mul3A_44] : memref<25600xi32, #tpu.memory_space<vmem>> -> memref<128xi32, #tpu.memory_space<vmem>>
    %dma_start3A_51 = arith.constant 0 : i32
    %dma_start3A_52 = arith.constant 0 : i32
    %dma_start3A_53 = tpu.memref_slice %arg3[%dma_start3A_51, %dma_start3A_52] : memref<1007616x32xi32, #tpu.memory_space<hbm>> -> memref<1007616x32xi32, #tpu.memory_space<hbm>>
    tpu.enqueue_indirect_dma source(%dma_start3A_53 : memref<1007616x32xi32, #tpu.memory_space<hbm>>) target(%dma_start3A_49 : memref<128x32xi32, #tpu.memory_space<vmem>>) offsets(%dma_start3A_50 : memref<128xi32, #tpu.memory_space<vmem>>) semaphore(%arg11 : memref<!tpu.dma_semaphore, #tpu.memory_space<semaphore_mem>>)
    %add3A_54 = arith.constant 3 : i32
    %add3A_55 = arith.addi %mul3A_2, %add3A_54 : i32
    %sub3A_56 = arith.subi %add3A_55, %mul3A_2 : i32
    %mul3A_57 = arith.constant 128 : i32
    %mul3A_58 = arith.muli %sub3A_56, %mul3A_57 : i32
    %dma_start3A_59 = arith.constant 3 : i32
    %dma_start3A_60 = arith.constant 0 : i32
    %dma_start3A_61 = arith.constant 0 : i32
    %dma_start3A_62 = tpu.memref_slice %arg6[%dma_start3A_59, %dma_start3A_60, %dma_start3A_61] : memref<8x128x32xi32, #tpu.memory_space<vmem>> -> memref<1x128x32xi32, #tpu.memory_space<vmem>>
    %dma_start3A_63 = tpu.memref_squeeze %dma_start3A_62 : memref<1x128x32xi32, #tpu.memory_space<vmem>> -> memref<128x32xi32, #tpu.memory_space<vmem>>
    %dma_start3A_64 = tpu.memref_slice %arg5[%mul3A_58] : memref<25600xi32, #tpu.memory_space<vmem>> -> memref<128xi32, #tpu.memory_space<vmem>>
    %dma_start3A_65 = arith.constant 0 : i32
    %dma_start3A_66 = arith.constant 0 : i32
    %dma_start3A_67 = tpu.memref_slice %arg3[%dma_start3A_65, %dma_start3A_66] : memref<1007616x32xi32, #tpu.memory_space<hbm>> -> memref<1007616x32xi32, #tpu.memory_space<hbm>>
    tpu.enqueue_indirect_dma source(%dma_start3A_67 : memref<1007616x32xi32, #tpu.memory_space<hbm>>) target(%dma_start3A_63 : memref<128x32xi32, #tpu.memory_space<vmem>>) offsets(%dma_start3A_64 : memref<128xi32, #tpu.memory_space<vmem>>) semaphore(%arg12 : memref<!tpu.dma_semaphore, #tpu.memory_space<semaphore_mem>>)
    %add3A_68 = arith.constant 4 : i32
    %add3A_69 = arith.addi %mul3A_2, %add3A_68 : i32
    %sub3A_70 = arith.subi %add3A_69, %mul3A_2 : i32
    %mul3A_71 = arith.constant 128 : i32
    %mul3A_72 = arith.muli %sub3A_70, %mul3A_71 : i32
    %dma_start3A_73 = arith.constant 4 : i32
    %dma_start3A_74 = arith.constant 0 : i32
    %dma_start3A_75 = arith.constant 0 : i32
    %dma_start3A_76 = tpu.memref_slice %arg6[%dma_start3A_73, %dma_start3A_74, %dma_start3A_75] : memref<8x128x32xi32, #tpu.memory_space<vmem>> -> memref<1x128x32xi32, #tpu.memory_space<vmem>>
    %dma_start3A_77 = tpu.memref_squeeze %dma_start3A_76 : memref<1x128x32xi32, #tpu.memory_space<vmem>> -> memref<128x32xi32, #tpu.memory_space<vmem>>
    %dma_start3A_78 = tpu.memref_slice %arg5[%mul3A_72] : memref<25600xi32, #tpu.memory_space<vmem>> -> memref<128xi32, #tpu.memory_space<vmem>>
    %dma_start3A_79 = arith.constant 0 : i32
    %dma_start3A_80 = arith.constant 0 : i32
    %dma_start3A_81 = tpu.memref_slice %arg3[%dma_start3A_79, %dma_start3A_80] : memref<1007616x32xi32, #tpu.memory_space<hbm>> -> memref<1007616x32xi32, #tpu.memory_space<hbm>>
    tpu.enqueue_indirect_dma source(%dma_start3A_81 : memref<1007616x32xi32, #tpu.memory_space<hbm>>) target(%dma_start3A_77 : memref<128x32xi32, #tpu.memory_space<vmem>>) offsets(%dma_start3A_78 : memref<128xi32, #tpu.memory_space<vmem>>) semaphore(%arg13 : memref<!tpu.dma_semaphore, #tpu.memory_space<semaphore_mem>>)
    %add3A_82 = arith.constant 5 : i32
    %add3A_83 = arith.addi %mul3A_2, %add3A_82 : i32
    %sub3A_84 = arith.subi %add3A_83, %mul3A_2 : i32
    %mul3A_85 = arith.constant 128 : i32
    %mul3A_86 = arith.muli %sub3A_84, %mul3A_85 : i32
    %dma_start3A_87 = arith.constant 5 : i32
    %dma_start3A_88 = arith.constant 0 : i32
    %dma_start3A_89 = arith.constant 0 : i32
    %dma_start3A_90 = tpu.memref_slice %arg6[%dma_start3A_87, %dma_start3A_88, %dma_start3A_89] : memref<8x128x32xi32, #tpu.memory_space<vmem>> -> memref<1x128x32xi32, #tpu.memory_space<vmem>>
    %dma_start3A_91 = tpu.memref_squeeze %dma_start3A_90 : memref<1x128x32xi32, #tpu.memory_space<vmem>> -> memref<128x32xi32, #tpu.memory_space<vmem>>
    %dma_start3A_92 = tpu.memref_slice %arg5[%mul3A_86] : memref<25600xi32, #tpu.memory_space<vmem>> -> memref<128xi32, #tpu.memory_space<vmem>>
    %dma_start3A_93 = arith.constant 0 : i32
    %dma_start3A_94 = arith.constant 0 : i32
    %dma_start3A_95 = tpu.memref_slice %arg3[%dma_start3A_93, %dma_start3A_94] : memref<1007616x32xi32, #tpu.memory_space<hbm>> -> memref<1007616x32xi32, #tpu.memory_space<hbm>>
    tpu.enqueue_indirect_dma source(%dma_start3A_95 : memref<1007616x32xi32, #tpu.memory_space<hbm>>) target(%dma_start3A_91 : memref<128x32xi32, #tpu.memory_space<vmem>>) offsets(%dma_start3A_92 : memref<128xi32, #tpu.memory_space<vmem>>) semaphore(%arg14 : memref<!tpu.dma_semaphore, #tpu.memory_space<semaphore_mem>>)
    %add3A_96 = arith.constant 6 : i32
    %add3A_97 = arith.addi %mul3A_2, %add3A_96 : i32
    %sub3A_98 = arith.subi %add3A_97, %mul3A_2 : i32
    %mul3A_99 = arith.constant 128 : i32
    %mul3A_100 = arith.muli %sub3A_98, %mul3A_99 : i32
    %dma_start3A_101 = arith.constant 6 : i32
    %dma_start3A_102 = arith.constant 0 : i32
    %dma_start3A_103 = arith.constant 0 : i32
    %dma_start3A_104 = tpu.memref_slice %arg6[%dma_start3A_101, %dma_start3A_102, %dma_start3A_103] : memref<8x128x32xi32, #tpu.memory_space<vmem>> -> memref<1x128x32xi32, #tpu.memory_space<vmem>>
    %dma_start3A_105 = tpu.memref_squeeze %dma_start3A_104 : memref<1x128x32xi32, #tpu.memory_space<vmem>> -> memref<128x32xi32, #tpu.memory_space<vmem>>
    %dma_start3A_106 = tpu.memref_slice %arg5[%mul3A_100] : memref<25600xi32, #tpu.memory_space<vmem>> -> memref<128xi32, #tpu.memory_space<vmem>>
    %dma_start3A_107 = arith.constant 0 : i32
    %dma_start3A_108 = arith.constant 0 : i32
    %dma_start3A_109 = tpu.memref_slice %arg3[%dma_start3A_107, %dma_start3A_108] : memref<1007616x32xi32, #tpu.memory_space<hbm>> -> memref<1007616x32xi32, #tpu.memory_space<hbm>>
    tpu.enqueue_indirect_dma source(%dma_start3A_109 : memref<1007616x32xi32, #tpu.memory_space<hbm>>) target(%dma_start3A_105 : memref<128x32xi32, #tpu.memory_space<vmem>>) offsets(%dma_start3A_106 : memref<128xi32, #tpu.memory_space<vmem>>) semaphore(%arg15 : memref<!tpu.dma_semaphore, #tpu.memory_space<semaphore_mem>>)
    %add3A_110 = arith.constant 7 : i32
    %add3A_111 = arith.addi %mul3A_2, %add3A_110 : i32
    %sub3A_112 = arith.subi %add3A_111, %mul3A_2 : i32
    %mul3A_113 = arith.constant 128 : i32
    %mul3A_114 = arith.muli %sub3A_112, %mul3A_113 : i32
    %dma_start3A_115 = arith.constant 7 : i32
    %dma_start3A_116 = arith.constant 0 : i32
    %dma_start3A_117 = arith.constant 0 : i32
    %dma_start3A_118 = tpu.memref_slice %arg6[%dma_start3A_115, %dma_start3A_116, %dma_start3A_117] : memref<8x128x32xi32, #tpu.memory_space<vmem>> -> memref<1x128x32xi32, #tpu.memory_space<vmem>>
    %dma_start3A_119 = tpu.memref_squeeze %dma_start3A_118 : memref<1x128x32xi32, #tpu.memory_space<vmem>> -> memref<128x32xi32, #tpu.memory_space<vmem>>
    %dma_start3A_120 = tpu.memref_slice %arg5[%mul3A_114] : memref<25600xi32, #tpu.memory_space<vmem>> -> memref<128xi32, #tpu.memory_space<vmem>>
    %dma_start3A_121 = arith.constant 0 : i32
    %dma_start3A_122 = arith.constant 0 : i32
    %dma_start3A_123 = tpu.memref_slice %arg3[%dma_start3A_121, %dma_start3A_122] : memref<1007616x32xi32, #tpu.memory_space<hbm>> -> memref<1007616x32xi32, #tpu.memory_space<hbm>>
    tpu.enqueue_indirect_dma source(%dma_start3A_123 : memref<1007616x32xi32, #tpu.memory_space<hbm>>) target(%dma_start3A_119 : memref<128x32xi32, #tpu.memory_space<vmem>>) offsets(%dma_start3A_120 : memref<128xi32, #tpu.memory_space<vmem>>) semaphore(%arg16 : memref<!tpu.dma_semaphore, #tpu.memory_space<semaphore_mem>>)
    %scan3A_124 = arith.constant 0 : i32
    %scan3A_125 = arith.constant 25 : i32
    %scan3A_126 = arith.addi %scan3A_124, %scan3A_125 : i32
    %scan3A_127 = arith.constant 1 : i32
    scf.for %scan3A_608 = %scan3A_124 to %scan3A_126 step %scan3A_127  : i32 {
      %mul3A_609 = arith.constant 8 : i32
      %mul3A_610 = arith.muli %scan3A_608, %mul3A_609 : i32
      %add3A_611 = arith.addi %mul3A_2, %mul3A_610 : i32
      %add3A_612 = arith.constant 0 : i32
      %add3A_613 = arith.addi %add3A_611, %add3A_612 : i32
      %sub3A_614 = arith.subi %add3A_613, %mul3A_2 : i32
      %mul3A_615 = arith.constant 128 : i32
      %mul3A_616 = arith.muli %sub3A_614, %mul3A_615 : i32
      %dma_wait3A_617 = arith.constant 0 : i32
      %dma_wait3A_618 = arith.constant 0 : i32
      %dma_wait3A_619 = arith.constant 0 : i32
      %dma_wait3A_620 = tpu.memref_slice %arg6[%dma_wait3A_617, %dma_wait3A_618, %dma_wait3A_619] : memref<8x128x32xi32, #tpu.memory_space<vmem>> -> memref<1x128x32xi32, #tpu.memory_space<vmem>>
      %dma_wait3A_621 = tpu.memref_squeeze %dma_wait3A_620 : memref<1x128x32xi32, #tpu.memory_space<vmem>> -> memref<128x32xi32, #tpu.memory_space<vmem>>
      %dma_wait3A_622 = tpu.memref_slice %arg5[%mul3A_616] : memref<25600xi32, #tpu.memory_space<vmem>> -> memref<128xi32, #tpu.memory_space<vmem>>
      %dma_wait3A_623 = arith.constant 0 : i32
      %dma_wait3A_624 = arith.constant 0 : i32
      %dma_wait3A_625 = tpu.memref_slice %arg3[%dma_wait3A_623, %dma_wait3A_624] : memref<1007616x32xi32, #tpu.memory_space<hbm>> -> memref<1007616x32xi32, #tpu.memory_space<hbm>>
      tpu.wait_indirect_dma semaphore(%arg9 : memref<!tpu.dma_semaphore, #tpu.memory_space<semaphore_mem>>) src(%dma_wait3A_625 : memref<1007616x32xi32, #tpu.memory_space<hbm>>) dst(%dma_wait3A_621 : memref<128x32xi32, #tpu.memory_space<vmem>>)
      %gt3A = arith.constant 0 : i32
      %gt3A_626 = arith.cmpi sgt, %scan3A_608, %gt3A : i32
      %convert_element_type3A = arith.extui %gt3A_626 : i1 to i32
      %cond3A = arith.constant 0 : i32
      %cond3A_627 = arith.cmpi ne, %convert_element_type3A, %cond3A : i32
      scf.if %cond3A_627 {
        %sub3A_1352 = arith.constant 8 : i32
        %sub3A_1353 = arith.subi %add3A_613, %sub3A_1352 : i32
        %jit3A_1354 = arith.constant 32 : i32
        %div3A_1355 = arith.divsi %sub3A_1353, %jit3A_1354 : i32
        %sign3A_1356 = arith.constant 0 : i32
        %sign3A_1357 = arith.cmpi sgt, %sub3A_1353, %sign3A_1356 : i32
        %sign3A_1358 = arith.extui %sign3A_1357 : i1 to i32
        %sign3A_1359 = arith.constant 0 : i32
        %sign3A_1360 = arith.cmpi slt, %sub3A_1353, %sign3A_1359 : i32
        %sign3A_1361 = arith.extui %sign3A_1360 : i1 to i32
        %sign3A_1362 = arith.subi %sign3A_1358, %sign3A_1361 : i32
        %sign3A_1363 = arith.constant 0 : i32
        %sign3A_1364 = arith.cmpi sgt, %jit3A_1354, %sign3A_1363 : i32
        %sign3A_1365 = arith.extui %sign3A_1364 : i1 to i32
        %sign3A_1366 = arith.constant 0 : i32
        %sign3A_1367 = arith.cmpi slt, %jit3A_1354, %sign3A_1366 : i32
        %sign3A_1368 = arith.extui %sign3A_1367 : i1 to i32
        %sign3A_1369 = arith.subi %sign3A_1365, %sign3A_1368 : i32
        %ne3A_1370 = arith.cmpi ne, %sign3A_1362, %sign3A_1369 : i32
        %rem3A_1371 = arith.remsi %sub3A_1353, %jit3A_1354 : i32
        %ne3A_1372 = arith.constant 0 : i32
        %ne3A_1373 = arith.cmpi ne, %rem3A_1371, %ne3A_1372 : i32
        %and3A_1374 = arith.andi %ne3A_1370, %ne3A_1373 : i1
        %sub3A_1375 = arith.constant 1 : i32
        %sub3A_1376 = arith.subi %div3A_1355, %sub3A_1375 : i32
        %select_n3A_1377 = arith.select %and3A_1374, %sub3A_1376, %div3A_1355 : i32
        %jit3A_1378 = arith.constant 32 : i32
        %eq3A_1379 = arith.constant 0 : i32
        %eq3A_1380 = arith.cmpi eq, %jit3A_1378, %eq3A_1379 : i32
        %jit3A_1381 = arith.constant 1 : i32
        %select_n3A_1382 = arith.select %eq3A_1380, %jit3A_1381, %jit3A_1378 : i32
        %rem3A_1383 = arith.remsi %sub3A_1353, %select_n3A_1382 : i32
        %ne3A_1384 = arith.constant 0 : i32
        %ne3A_1385 = arith.cmpi ne, %rem3A_1383, %ne3A_1384 : i32
        %lt3A_1386 = arith.constant 0 : i32
        %lt3A_1387 = arith.cmpi slt, %rem3A_1383, %lt3A_1386 : i32
        %lt3A_1388 = arith.constant 0 : i32
        %lt3A_1389 = arith.cmpi slt, %select_n3A_1382, %lt3A_1388 : i32
        %ne3A_1390 = arith.xori %lt3A_1387, %lt3A_1389 : i1
        %and3A_1391 = arith.andi %ne3A_1390, %ne3A_1385 : i1
        %add3A_1392 = arith.addi %rem3A_1383, %select_n3A_1382 : i32
        %select_n3A_1393 = arith.select %and3A_1391, %add3A_1392, %rem3A_1383 : i32
        %mul3A_1394 = arith.constant 128 : i32
        %mul3A_1395 = arith.muli %select_n3A_1393, %mul3A_1394 : i32
        %dma_wait3A_1396 = arith.constant 0 : i32
        %dma_wait3A_1397 = arith.constant 0 : i32
        %dma_wait3A_1398 = arith.constant 0 : i32
        %dma_wait3A_1399 = tpu.memref_slice %arg7[%dma_wait3A_1396, %dma_wait3A_1397, %dma_wait3A_1398] : memref<8x128x64xbf16, #tpu.memory_space<vmem>> -> memref<1x128x64xbf16, #tpu.memory_space<vmem>>
        %dma_wait3A_1400 = tpu.memref_squeeze %dma_wait3A_1399 : memref<1x128x64xbf16, #tpu.memory_space<vmem>> -> memref<128x64xbf16, #tpu.memory_space<vmem>>
        %dma_wait3A_1401 = arith.constant 0 : i32
        %dma_wait3A_1402 = tpu.memref_slice %arg4[%mul3A_1395, %select_n3A_1377, %dma_wait3A_1401] : memref<4096x200x64xbf16, #tpu.memory_space<hbm>> -> memref<128x1x64xbf16, #tpu.memory_space<hbm>>
        %dma_wait3A_1403 = tpu.memref_squeeze %dma_wait3A_1402 : memref<128x1x64xbf16, #tpu.memory_space<hbm>> -> memref<128x64xbf16, #tpu.memory_space<hbm>>
        %dma_wait3A_1404 = arith.constant 0 : i32
        %dma_wait3A_1405 = tpu.memref_slice %arg4[%mul3A_1395, %select_n3A_1377, %dma_wait3A_1404] : memref<4096x200x64xbf16, #tpu.memory_space<hbm>> -> memref<128x1x64xbf16, #tpu.memory_space<hbm>>
        %dma_wait3A_1406 = tpu.memref_squeeze %dma_wait3A_1405 : memref<128x1x64xbf16, #tpu.memory_space<hbm>> -> memref<128x64xbf16, #tpu.memory_space<hbm>>
        %dma_wait3A_1407 = arith.constant 0 : i32
        %dma_wait3A_1408 = arith.constant 0 : i32
        %dma_wait3A_1409 = tpu.memref_slice %arg7[%dma_wait3A_1396, %dma_wait3A_1407, %dma_wait3A_1408] : memref<8x128x64xbf16, #tpu.memory_space<vmem>> -> memref<1x128x64xbf16, #tpu.memory_space<vmem>>
        %dma_wait3A_1410 = tpu.memref_squeeze %dma_wait3A_1409 : memref<1x128x64xbf16, #tpu.memory_space<vmem>> -> memref<128x64xbf16, #tpu.memory_space<vmem>>
        tpu.wait_dma2 semaphore(%arg17 : memref<!tpu.dma_semaphore, #tpu.memory_space<semaphore_mem>>) src(%dma_wait3A_1410 : memref<128x64xbf16, #tpu.memory_space<vmem>>) dst(%dma_wait3A_1406 : memref<128x64xbf16, #tpu.memory_space<hbm>>)
      } else {
      }
      %iota3A = tpu.iota {dimensions = array<i32: 0>} : vector<16xi32>
      %mul3A_628 = arith.constant 2 : i32
      %mul3A_629 = vector.broadcast %mul3A_628 : i32 to vector<16xi32>
      %mul3A_630 = arith.muli %iota3A, %mul3A_629 : vector<16xi32>
      %scan3A_631 = arith.constant 0 : i32
      %scan3A_632 = arith.constant 65535 : i32
      %scan3A_633 = arith.constant 0 : i32
      %scan3A_634 = arith.constant 0 : i32
      %scan3A_635 = arith.constant 128 : i32
      %scan3A_636 = arith.addi %scan3A_634, %scan3A_635 : i32
      %scan3A_637 = arith.constant 2 : i32
      scf.for %scan3A_1352 = %scan3A_634 to %scan3A_636 step %scan3A_637  : i32 {
        %broadcast_in_dim3A = vector.broadcast %scan3A_1352 : i32 to vector<16xi32>
        %gather3A = arith.constant 0 : i32
        %gather3A_1353 = arith.constant 0 : i32
        %gather3A_1354 = tpu.memref_slice %arg6[%scan3A_631, %gather3A, %gather3A_1353] : memref<8x128x32xi32, #tpu.memory_space<vmem>> -> memref<1x128x32xi32, #tpu.memory_space<vmem>>
        %gather3A_1355 = tpu.memref_squeeze %gather3A_1354 : memref<1x128x32xi32, #tpu.memory_space<vmem>> -> memref<128x32xi32, #tpu.memory_space<vmem>>
        %gather3A_1356 = tpu.vector_load_idx %gather3A_1355[%broadcast_in_dim3A, %mul3A_630] : memref<128x32xi32, #tpu.memory_space<vmem>>[vector<16xi32>, vector<16xi32>], vector<16xi32>,
        %add3A_1357 = arith.constant 1 : i32
        %add3A_1358 = vector.broadcast %add3A_1357 : i32 to vector<16xi32>
        %add3A_1359 = arith.addi %mul3A_630, %add3A_1358 : vector<16xi32>
        %gather3A_1360 = arith.constant 0 : i32
        %gather3A_1361 = arith.constant 0 : i32
        %gather3A_1362 = tpu.memref_slice %arg6[%scan3A_631, %gather3A_1360, %gather3A_1361] : memref<8x128x32xi32, #tpu.memory_space<vmem>> -> memref<1x128x32xi32, #tpu.memory_space<vmem>>
        %gather3A_1363 = tpu.memref_squeeze %gather3A_1362 : memref<1x128x32xi32, #tpu.memory_space<vmem>> -> memref<128x32xi32, #tpu.memory_space<vmem>>
        %gather3A_1364 = tpu.vector_load_idx %gather3A_1363[%broadcast_in_dim3A, %add3A_1359] : memref<128x32xi32, #tpu.memory_space<vmem>>[vector<16xi32>, vector<16xi32>], vector<16xi32>,
        %and3A_1365 = vector.broadcast %scan3A_632 : i32 to vector<16xi32>
        %and3A_1366 = arith.andi %gather3A_1356, %and3A_1365 : vector<16xi32>
        %shift_left3A = arith.constant 16 : i32
        %shift_left3A_1367 = vector.broadcast %shift_left3A : i32 to vector<16xi32>
        %shift_left3A_1368 = arith.shli %gather3A_1364, %shift_left3A_1367 : vector<16xi32>
        %or3A = arith.ori %and3A_1366, %shift_left3A_1368 : vector<16xi32>
        %shift_right_logical3A = arith.constant 16 : i32
        %shift_right_logical3A_1369 = vector.broadcast %shift_right_logical3A : i32 to vector<16xi32>
        %shift_right_logical3A_1370 = arith.shrui %gather3A_1356, %shift_right_logical3A_1369 : vector<16xi32>
        %not3A = arith.constant -1 : i32
        %not3A_1371 = arith.xori %scan3A_632, %not3A : i32
        %and3A_1372 = vector.broadcast %not3A_1371 : i32 to vector<16xi32>
        %and3A_1373 = arith.andi %gather3A_1364, %and3A_1372 : vector<16xi32>
        %or3A_1374 = arith.ori %shift_right_logical3A_1370, %and3A_1373 : vector<16xi32>
        %bitcast3A = vector.bitcast %or3A : vector<16xi32> to vector<32xbf16>
        %swap3A = arith.constant 0 : i32
        %swap3A_1375 = arith.constant 0 : i32
        %swap3A_1376 = tpu.memref_slice %arg7[%scan3A_633, %swap3A, %swap3A_1375] : memref<8x128x64xbf16, #tpu.memory_space<vmem>> -> memref<1x128x64xbf16, #tpu.memory_space<vmem>>
        %swap3A_1377 = tpu.memref_squeeze %swap3A_1376 : memref<1x128x64xbf16, #tpu.memory_space<vmem>> -> memref<128x64xbf16, #tpu.memory_space<vmem>>
        %swap3A_1378 = arith.index_cast %scan3A_1352 : i32 to index
        %swap3A_1379 = arith.constant 0 : index
        %swap3A_1380 = tpu.vector_load %swap3A_1377[%swap3A_1378, %swap3A_1379] {strides = array<i32>} : memref<128x64xbf16, #tpu.memory_space<vmem>>, vector<32xbf16>,
        tpu.vector_store %swap3A_1377[%swap3A_1378, %swap3A_1379], %bitcast3A {strides = array<i32>} : memref<128x64xbf16, #tpu.memory_space<vmem>>, vector<32xbf16>,
        %bitcast3A_1381 = vector.bitcast %or3A_1374 : vector<16xi32> to vector<32xbf16>
        %swap3A_1382 = arith.constant 0 : i32
        %swap3A_1383 = arith.constant 0 : i32
        %swap3A_1384 = tpu.memref_slice %arg7[%scan3A_633, %swap3A_1382, %swap3A_1383] : memref<8x128x64xbf16, #tpu.memory_space<vmem>> -> memref<1x128x64xbf16, #tpu.memory_space<vmem>>
        %swap3A_1385 = tpu.memref_squeeze %swap3A_1384 : memref<1x128x64xbf16, #tpu.memory_space<vmem>> -> memref<128x64xbf16, #tpu.memory_space<vmem>>
        %swap3A_1386 = arith.index_cast %scan3A_1352 : i32 to index
        %swap3A_1387 = arith.constant 32 : index
        %swap3A_1388 = tpu.vector_load %swap3A_1385[%swap3A_1386, %swap3A_1387] {strides = array<i32>} : memref<128x64xbf16, #tpu.memory_space<vmem>>, vector<32xbf16>,
        tpu.vector_store %swap3A_1385[%swap3A_1386, %swap3A_1387], %bitcast3A_1381 {strides = array<i32>} : memref<128x64xbf16, #tpu.memory_space<vmem>>, vector<32xbf16>,
        %scan3A_1389 = arith.constant 1 : i32
        %scan3A_1390 = arith.addi %scan3A_1352, %scan3A_1389 : i32
        %broadcast_in_dim3A_1391 = vector.broadcast %scan3A_1390 : i32 to vector<16xi32>
        %gather3A_1392 = arith.constant 0 : i32
        %gather3A_1393 = arith.constant 0 : i32
        %gather3A_1394 = tpu.memref_slice %arg6[%scan3A_631, %gather3A_1392, %gather3A_1393] : memref<8x128x32xi32, #tpu.memory_space<vmem>> -> memref<1x128x32xi32, #tpu.memory_space<vmem>>
        %gather3A_1395 = tpu.memref_squeeze %gather3A_1394 : memref<1x128x32xi32, #tpu.memory_space<vmem>> -> memref<128x32xi32, #tpu.memory_space<vmem>>
        %gather3A_1396 = tpu.vector_load_idx %gather3A_1395[%broadcast_in_dim3A_1391, %mul3A_630] : memref<128x32xi32, #tpu.memory_space<vmem>>[vector<16xi32>, vector<16xi32>], vector<16xi32>,
        %add3A_1397 = arith.constant 1 : i32
        %add3A_1398 = vector.broadcast %add3A_1397 : i32 to vector<16xi32>
        %add3A_1399 = arith.addi %mul3A_630, %add3A_1398 : vector<16xi32>
        %gather3A_1400 = arith.constant 0 : i32
        %gather3A_1401 = arith.constant 0 : i32
        %gather3A_1402 = tpu.memref_slice %arg6[%scan3A_631, %gather3A_1400, %gather3A_1401] : memref<8x128x32xi32, #tpu.memory_space<vmem>> -> memref<1x128x32xi32, #tpu.memory_space<vmem>>
        %gather3A_1403 = tpu.memref_squeeze %gather3A_1402 : memref<1x128x32xi32, #tpu.memory_space<vmem>> -> memref<128x32xi32, #tpu.memory_space<vmem>>
        %gather3A_1404 = tpu.vector_load_idx %gather3A_1403[%broadcast_in_dim3A_1391, %add3A_1399] : memref<128x32xi32, #tpu.memory_space<vmem>>[vector<16xi32>, vector<16xi32>], vector<16xi32>,
        %and3A_1405 = vector.broadcast %scan3A_632 : i32 to vector<16xi32>
        %and3A_1406 = arith.andi %gather3A_1396, %and3A_1405 : vector<16xi32>
        %shift_left3A_1407 = arith.constant 16 : i32
        %shift_left3A_1408 = vector.broadcast %shift_left3A_1407 : i32 to vector<16xi32>
        %shift_left3A_1409 = arith.shli %gather3A_1404, %shift_left3A_1408 : vector<16xi32>
        %or3A_1410 = arith.ori %and3A_1406, %shift_left3A_1409 : vector<16xi32>
        %shift_right_logical3A_1411 = arith.constant 16 : i32
        %shift_right_logical3A_1412 = vector.broadcast %shift_right_logical3A_1411 : i32 to vector<16xi32>
        %shift_right_logical3A_1413 = arith.shrui %gather3A_1396, %shift_right_logical3A_1412 : vector<16xi32>
        %not3A_1414 = arith.constant -1 : i32
        %not3A_1415 = arith.xori %scan3A_632, %not3A_1414 : i32
        %and3A_1416 = vector.broadcast %not3A_1415 : i32 to vector<16xi32>
        %and3A_1417 = arith.andi %gather3A_1404, %and3A_1416 : vector<16xi32>
        %or3A_1418 = arith.ori %shift_right_logical3A_1413, %and3A_1417 : vector<16xi32>
        %bitcast3A_1419 = vector.bitcast %or3A_1410 : vector<16xi32> to vector<32xbf16>
        %swap3A_1420 = arith.constant 0 : i32
        %swap3A_1421 = arith.constant 0 : i32
        %swap3A_1422 = tpu.memref_slice %arg7[%scan3A_633, %swap3A_1420, %swap3A_1421] : memref<8x128x64xbf16, #tpu.memory_space<vmem>> -> memref<1x128x64xbf16, #tpu.memory_space<vmem>>
        %swap3A_1423 = tpu.memref_squeeze %swap3A_1422 : memref<1x128x64xbf16, #tpu.memory_space<vmem>> -> memref<128x64xbf16, #tpu.memory_space<vmem>>
        %swap3A_1424 = arith.index_cast %scan3A_1390 : i32 to index
        %swap3A_1425 = arith.constant 0 : index
        %swap3A_1426 = tpu.vector_load %swap3A_1423[%swap3A_1424, %swap3A_1425] {strides = array<i32>} : memref<128x64xbf16, #tpu.memory_space<vmem>>, vector<32xbf16>,
        tpu.vector_store %swap3A_1423[%swap3A_1424, %swap3A_1425], %bitcast3A_1419 {strides = array<i32>} : memref<128x64xbf16, #tpu.memory_space<vmem>>, vector<32xbf16>,
        %bitcast3A_1427 = vector.bitcast %or3A_1418 : vector<16xi32> to vector<32xbf16>
        %swap3A_1428 = arith.constant 0 : i32
        %swap3A_1429 = arith.constant 0 : i32
        %swap3A_1430 = tpu.memref_slice %arg7[%scan3A_633, %swap3A_1428, %swap3A_1429] : memref<8x128x64xbf16, #tpu.memory_space<vmem>> -> memref<1x128x64xbf16, #tpu.memory_space<vmem>>
        %swap3A_1431 = tpu.memref_squeeze %swap3A_1430 : memref<1x128x64xbf16, #tpu.memory_space<vmem>> -> memref<128x64xbf16, #tpu.memory_space<vmem>>
        %swap3A_1432 = arith.index_cast %scan3A_1390 : i32 to index
        %swap3A_1433 = arith.constant 32 : index
        %swap3A_1434 = tpu.vector_load %swap3A_1431[%swap3A_1432, %swap3A_1433] {strides = array<i32>} : memref<128x64xbf16, #tpu.memory_space<vmem>>, vector<32xbf16>,
        tpu.vector_store %swap3A_1431[%swap3A_1432, %swap3A_1433], %bitcast3A_1427 {strides = array<i32>} : memref<128x64xbf16, #tpu.memory_space<vmem>>, vector<32xbf16>,
      }
      %scan3A_638 = arith.constant 128 : i32
      %jit3A_639 = arith.constant 32 : i32
      %div3A_640 = arith.divsi %add3A_613, %jit3A_639 : i32
      %sign3A_641 = arith.constant 0 : i32
      %sign3A_642 = arith.cmpi sgt, %add3A_613, %sign3A_641 : i32
      %sign3A_643 = arith.extui %sign3A_642 : i1 to i32
      %sign3A_644 = arith.constant 0 : i32
      %sign3A_645 = arith.cmpi slt, %add3A_613, %sign3A_644 : i32
      %sign3A_646 = arith.extui %sign3A_645 : i1 to i32
      %sign3A_647 = arith.subi %sign3A_643, %sign3A_646 : i32
      %sign3A_648 = arith.constant 0 : i32
      %sign3A_649 = arith.cmpi sgt, %jit3A_639, %sign3A_648 : i32
      %sign3A_650 = arith.extui %sign3A_649 : i1 to i32
      %sign3A_651 = arith.constant 0 : i32
      %sign3A_652 = arith.cmpi slt, %jit3A_639, %sign3A_651 : i32
      %sign3A_653 = arith.extui %sign3A_652 : i1 to i32
      %sign3A_654 = arith.subi %sign3A_650, %sign3A_653 : i32
      %ne3A_655 = arith.cmpi ne, %sign3A_647, %sign3A_654 : i32
      %rem3A_656 = arith.remsi %add3A_613, %jit3A_639 : i32
      %ne3A_657 = arith.constant 0 : i32
      %ne3A_658 = arith.cmpi ne, %rem3A_656, %ne3A_657 : i32
      %and3A_659 = arith.andi %ne3A_655, %ne3A_658 : i1
      %sub3A_660 = arith.constant 1 : i32
      %sub3A_661 = arith.subi %div3A_640, %sub3A_660 : i32
      %select_n3A_662 = arith.select %and3A_659, %sub3A_661, %div3A_640 : i32
      %jit3A_663 = arith.constant 32 : i32
      %eq3A_664 = arith.constant 0 : i32
      %eq3A_665 = arith.cmpi eq, %jit3A_663, %eq3A_664 : i32
      %jit3A_666 = arith.constant 1 : i32
      %select_n3A_667 = arith.select %eq3A_665, %jit3A_666, %jit3A_663 : i32
      %rem3A_668 = arith.remsi %add3A_613, %select_n3A_667 : i32
      %ne3A_669 = arith.constant 0 : i32
      %ne3A_670 = arith.cmpi ne, %rem3A_668, %ne3A_669 : i32
      %lt3A_671 = arith.constant 0 : i32
      %lt3A_672 = arith.cmpi slt, %rem3A_668, %lt3A_671 : i32
      %lt3A_673 = arith.constant 0 : i32
      %lt3A_674 = arith.cmpi slt, %select_n3A_667, %lt3A_673 : i32
      %ne3A_675 = arith.xori %lt3A_672, %lt3A_674 : i1
      %and3A_676 = arith.andi %ne3A_675, %ne3A_670 : i1
      %add3A_677 = arith.addi %rem3A_668, %select_n3A_667 : i32
      %select_n3A_678 = arith.select %and3A_676, %add3A_677, %rem3A_668 : i32
      %mul3A_679 = arith.constant 128 : i32
      %mul3A_680 = arith.muli %select_n3A_678, %mul3A_679 : i32
      %dma_start3A_681 = arith.constant 0 : i32
      %dma_start3A_682 = arith.constant 0 : i32
      %dma_start3A_683 = arith.constant 0 : i32
      %dma_start3A_684 = tpu.memref_slice %arg7[%dma_start3A_681, %dma_start3A_682, %dma_start3A_683] : memref<8x128x64xbf16, #tpu.memory_space<vmem>> -> memref<1x128x64xbf16, #tpu.memory_space<vmem>>
      %dma_start3A_685 = tpu.memref_squeeze %dma_start3A_684 : memref<1x128x64xbf16, #tpu.memory_space<vmem>> -> memref<128x64xbf16, #tpu.memory_space<vmem>>
      %dma_start3A_686 = arith.constant 0 : i32
      %dma_start3A_687 = tpu.memref_slice %arg4[%mul3A_680, %select_n3A_662, %dma_start3A_686] : memref<4096x200x64xbf16, #tpu.memory_space<hbm>> -> memref<128x1x64xbf16, #tpu.memory_space<hbm>>
      %dma_start3A_688 = tpu.memref_squeeze %dma_start3A_687 : memref<128x1x64xbf16, #tpu.memory_space<hbm>> -> memref<128x64xbf16, #tpu.memory_space<hbm>>
      %dma_start3A_689 = arith.constant 0 : i32
      %dma_start3A_690 = tpu.memref_slice %arg4[%mul3A_680, %select_n3A_662, %dma_start3A_689] : memref<4096x200x64xbf16, #tpu.memory_space<hbm>> -> memref<128x1x64xbf16, #tpu.memory_space<hbm>>
      %dma_start3A_691 = tpu.memref_squeeze %dma_start3A_690 : memref<128x1x64xbf16, #tpu.memory_space<hbm>> -> memref<128x64xbf16, #tpu.memory_space<hbm>>
      %dma_start3A_692 = arith.constant 0 : i32
      %dma_start3A_693 = arith.constant 0 : i32
      %dma_start3A_694 = tpu.memref_slice %arg7[%dma_start3A_681, %dma_start3A_692, %dma_start3A_693] : memref<8x128x64xbf16, #tpu.memory_space<vmem>> -> memref<1x128x64xbf16, #tpu.memory_space<vmem>>
      %dma_start3A_695 = tpu.memref_squeeze %dma_start3A_694 : memref<1x128x64xbf16, #tpu.memory_space<vmem>> -> memref<128x64xbf16, #tpu.memory_space<vmem>>
      tpu.enqueue_dma source(%dma_start3A_695 : memref<128x64xbf16, #tpu.memory_space<vmem>>) target(%dma_start3A_691 : memref<128x64xbf16, #tpu.memory_space<hbm>>) target_semaphore(%arg17 : memref<!tpu.dma_semaphore, #tpu.memory_space<semaphore_mem>>)
      %lt3A_696 = arith.constant 24 : i32
      %lt3A_697 = arith.cmpi slt, %scan3A_608, %lt3A_696 : i32
      %convert_element_type3A_698 = arith.extui %lt3A_697 : i1 to i32
      %cond3A_699 = arith.constant 0 : i32
      %cond3A_700 = arith.cmpi ne, %convert_element_type3A_698, %cond3A_699 : i32
      scf.if %cond3A_700 {
        %add3A_1352 = arith.constant 8 : i32
        %add3A_1353 = arith.addi %add3A_613, %add3A_1352 : i32
        %sub3A_1354 = arith.subi %add3A_1353, %mul3A_2 : i32
        %mul3A_1355 = arith.constant 128 : i32
        %mul3A_1356 = arith.muli %sub3A_1354, %mul3A_1355 : i32
        %dma_start3A_1357 = arith.constant 0 : i32
        %dma_start3A_1358 = arith.constant 0 : i32
        %dma_start3A_1359 = arith.constant 0 : i32
        %dma_start3A_1360 = tpu.memref_slice %arg6[%dma_start3A_1357, %dma_start3A_1358, %dma_start3A_1359] : memref<8x128x32xi32, #tpu.memory_space<vmem>> -> memref<1x128x32xi32, #tpu.memory_space<vmem>>
        %dma_start3A_1361 = tpu.memref_squeeze %dma_start3A_1360 : memref<1x128x32xi32, #tpu.memory_space<vmem>> -> memref<128x32xi32, #tpu.memory_space<vmem>>
        %dma_start3A_1362 = tpu.memref_slice %arg5[%mul3A_1356] : memref<25600xi32, #tpu.memory_space<vmem>> -> memref<128xi32, #tpu.memory_space<vmem>>
        %dma_start3A_1363 = arith.constant 0 : i32
        %dma_start3A_1364 = arith.constant 0 : i32
        %dma_start3A_1365 = tpu.memref_slice %arg3[%dma_start3A_1363, %dma_start3A_1364] : memref<1007616x32xi32, #tpu.memory_space<hbm>> -> memref<1007616x32xi32, #tpu.memory_space<hbm>>
        tpu.enqueue_indirect_dma source(%dma_start3A_1365 : memref<1007616x32xi32, #tpu.memory_space<hbm>>) target(%dma_start3A_1361 : memref<128x32xi32, #tpu.memory_space<vmem>>) offsets(%dma_start3A_1362 : memref<128xi32, #tpu.memory_space<vmem>>) semaphore(%arg9 : memref<!tpu.dma_semaphore, #tpu.memory_space<semaphore_mem>>)
      } else {
      }
      %add3A_701 = arith.constant 1 : i32
      %add3A_702 = arith.addi %add3A_611, %add3A_701 : i32
      %sub3A_703 = arith.subi %add3A_702, %mul3A_2 : i32
      %mul3A_704 = arith.constant 128 : i32
      %mul3A_705 = arith.muli %sub3A_703, %mul3A_704 : i32
      %dma_wait3A_706 = arith.constant 1 : i32
      %dma_wait3A_707 = arith.constant 0 : i32
      %dma_wait3A_708 = arith.constant 0 : i32
      %dma_wait3A_709 = tpu.memref_slice %arg6[%dma_wait3A_706, %dma_wait3A_707, %dma_wait3A_708] : memref<8x128x32xi32, #tpu.memory_space<vmem>> -> memref<1x128x32xi32, #tpu.memory_space<vmem>>
      %dma_wait3A_710 = tpu.memref_squeeze %dma_wait3A_709 : memref<1x128x32xi32, #tpu.memory_space<vmem>> -> memref<128x32xi32, #tpu.memory_space<vmem>>
      %dma_wait3A_711 = tpu.memref_slice %arg5[%mul3A_705] : memref<25600xi32, #tpu.memory_space<vmem>> -> memref<128xi32, #tpu.memory_space<vmem>>
      %dma_wait3A_712 = arith.constant 0 : i32
      %dma_wait3A_713 = arith.constant 0 : i32
      %dma_wait3A_714 = tpu.memref_slice %arg3[%dma_wait3A_712, %dma_wait3A_713] : memref<1007616x32xi32, #tpu.memory_space<hbm>> -> memref<1007616x32xi32, #tpu.memory_space<hbm>>
      tpu.wait_indirect_dma semaphore(%arg10 : memref<!tpu.dma_semaphore, #tpu.memory_space<semaphore_mem>>) src(%dma_wait3A_714 : memref<1007616x32xi32, #tpu.memory_space<hbm>>) dst(%dma_wait3A_710 : memref<128x32xi32, #tpu.memory_space<vmem>>)
      %gt3A_715 = arith.constant 0 : i32
      %gt3A_716 = arith.cmpi sgt, %scan3A_608, %gt3A_715 : i32
      %convert_element_type3A_717 = arith.extui %gt3A_716 : i1 to i32
      %cond3A_718 = arith.constant 0 : i32
      %cond3A_719 = arith.cmpi ne, %convert_element_type3A_717, %cond3A_718 : i32
      scf.if %cond3A_719 {
        %sub3A_1352 = arith.constant 8 : i32
        %sub3A_1353 = arith.subi %add3A_702, %sub3A_1352 : i32
        %jit3A_1354 = arith.constant 32 : i32
        %div3A_1355 = arith.divsi %sub3A_1353, %jit3A_1354 : i32
        %sign3A_1356 = arith.constant 0 : i32
        %sign3A_1357 = arith.cmpi sgt, %sub3A_1353, %sign3A_1356 : i32
        %sign3A_1358 = arith.extui %sign3A_1357 : i1 to i32
        %sign3A_1359 = arith.constant 0 : i32
        %sign3A_1360 = arith.cmpi slt, %sub3A_1353, %sign3A_1359 : i32
        %sign3A_1361 = arith.extui %sign3A_1360 : i1 to i32
        %sign3A_1362 = arith.subi %sign3A_1358, %sign3A_1361 : i32
        %sign3A_1363 = arith.constant 0 : i32
        %sign3A_1364 = arith.cmpi sgt, %jit3A_1354, %sign3A_1363 : i32
        %sign3A_1365 = arith.extui %sign3A_1364 : i1 to i32
        %sign3A_1366 = arith.constant 0 : i32
        %sign3A_1367 = arith.cmpi slt, %jit3A_1354, %sign3A_1366 : i32
        %sign3A_1368 = arith.extui %sign3A_1367 : i1 to i32
        %sign3A_1369 = arith.subi %sign3A_1365, %sign3A_1368 : i32
        %ne3A_1370 = arith.cmpi ne, %sign3A_1362, %sign3A_1369 : i32
        %rem3A_1371 = arith.remsi %sub3A_1353, %jit3A_1354 : i32
        %ne3A_1372 = arith.constant 0 : i32
        %ne3A_1373 = arith.cmpi ne, %rem3A_1371, %ne3A_1372 : i32
        %and3A_1374 = arith.andi %ne3A_1370, %ne3A_1373 : i1
        %sub3A_1375 = arith.constant 1 : i32
        %sub3A_1376 = arith.subi %div3A_1355, %sub3A_1375 : i32
        %select_n3A_1377 = arith.select %and3A_1374, %sub3A_1376, %div3A_1355 : i32
        %jit3A_1378 = arith.constant 32 : i32
        %eq3A_1379 = arith.constant 0 : i32
        %eq3A_1380 = arith.cmpi eq, %jit3A_1378, %eq3A_1379 : i32
        %jit3A_1381 = arith.constant 1 : i32
        %select_n3A_1382 = arith.select %eq3A_1380, %jit3A_1381, %jit3A_1378 : i32
        %rem3A_1383 = arith.remsi %sub3A_1353, %select_n3A_1382 : i32
        %ne3A_1384 = arith.constant 0 : i32
        %ne3A_1385 = arith.cmpi ne, %rem3A_1383, %ne3A_1384 : i32
        %lt3A_1386 = arith.constant 0 : i32
        %lt3A_1387 = arith.cmpi slt, %rem3A_1383, %lt3A_1386 : i32
        %lt3A_1388 = arith.constant 0 : i32
        %lt3A_1389 = arith.cmpi slt, %select_n3A_1382, %lt3A_1388 : i32
        %ne3A_1390 = arith.xori %lt3A_1387, %lt3A_1389 : i1
        %and3A_1391 = arith.andi %ne3A_1390, %ne3A_1385 : i1
        %add3A_1392 = arith.addi %rem3A_1383, %select_n3A_1382 : i32
        %select_n3A_1393 = arith.select %and3A_1391, %add3A_1392, %rem3A_1383 : i32
        %mul3A_1394 = arith.constant 128 : i32
        %mul3A_1395 = arith.muli %select_n3A_1393, %mul3A_1394 : i32
        %dma_wait3A_1396 = arith.constant 1 : i32
        %dma_wait3A_1397 = arith.constant 0 : i32
        %dma_wait3A_1398 = arith.constant 0 : i32
        %dma_wait3A_1399 = tpu.memref_slice %arg7[%dma_wait3A_1396, %dma_wait3A_1397, %dma_wait3A_1398] : memref<8x128x64xbf16, #tpu.memory_space<vmem>> -> memref<1x128x64xbf16, #tpu.memory_space<vmem>>
        %dma_wait3A_1400 = tpu.memref_squeeze %dma_wait3A_1399 : memref<1x128x64xbf16, #tpu.memory_space<vmem>> -> memref<128x64xbf16, #tpu.memory_space<vmem>>
        %dma_wait3A_1401 = arith.constant 0 : i32
        %dma_wait3A_1402 = tpu.memref_slice %arg4[%mul3A_1395, %select_n3A_1377, %dma_wait3A_1401] : memref<4096x200x64xbf16, #tpu.memory_space<hbm>> -> memref<128x1x64xbf16, #tpu.memory_space<hbm>>
        %dma_wait3A_1403 = tpu.memref_squeeze %dma_wait3A_1402 : memref<128x1x64xbf16, #tpu.memory_space<hbm>> -> memref<128x64xbf16, #tpu.memory_space<hbm>>
        %dma_wait3A_1404 = arith.constant 0 : i32
        %dma_wait3A_1405 = tpu.memref_slice %arg4[%mul3A_1395, %select_n3A_1377, %dma_wait3A_1404] : memref<4096x200x64xbf16, #tpu.memory_space<hbm>> -> memref<128x1x64xbf16, #tpu.memory_space<hbm>>
        %dma_wait3A_1406 = tpu.memref_squeeze %dma_wait3A_1405 : memref<128x1x64xbf16, #tpu.memory_space<hbm>> -> memref<128x64xbf16, #tpu.memory_space<hbm>>
        %dma_wait3A_1407 = arith.constant 0 : i32
        %dma_wait3A_1408 = arith.constant 0 : i32
        %dma_wait3A_1409 = tpu.memref_slice %arg7[%dma_wait3A_1396, %dma_wait3A_1407, %dma_wait3A_1408] : memref<8x128x64xbf16, #tpu.memory_space<vmem>> -> memref<1x128x64xbf16, #tpu.memory_space<vmem>>
        %dma_wait3A_1410 = tpu.memref_squeeze %dma_wait3A_1409 : memref<1x128x64xbf16, #tpu.memory_space<vmem>> -> memref<128x64xbf16, #tpu.memory_space<vmem>>
        tpu.wait_dma2 semaphore(%arg18 : memref<!tpu.dma_semaphore, #tpu.memory_space<semaphore_mem>>) src(%dma_wait3A_1410 : memref<128x64xbf16, #tpu.memory_space<vmem>>) dst(%dma_wait3A_1406 : memref<128x64xbf16, #tpu.memory_space<hbm>>)
      } else {
      }
      %iota3A_720 = tpu.iota {dimensions = array<i32: 0>} : vector<16xi32>
      %mul3A_721 = arith.constant 2 : i32
      %mul3A_722 = vector.broadcast %mul3A_721 : i32 to vector<16xi32>
      %mul3A_723 = arith.muli %iota3A_720, %mul3A_722 : vector<16xi32>
      %scan3A_724 = arith.constant 1 : i32
      %scan3A_725 = arith.constant 65535 : i32
      %scan3A_726 = arith.constant 1 : i32
      %scan3A_727 = arith.constant 0 : i32
      %scan3A_728 = arith.constant 128 : i32
      %scan3A_729 = arith.addi %scan3A_727, %scan3A_728 : i32
      %scan3A_730 = arith.constant 2 : i32
      scf.for %scan3A_1352 = %scan3A_727 to %scan3A_729 step %scan3A_730  : i32 {
        %broadcast_in_dim3A = vector.broadcast %scan3A_1352 : i32 to vector<16xi32>
        %gather3A = arith.constant 0 : i32
        %gather3A_1353 = arith.constant 0 : i32
        %gather3A_1354 = tpu.memref_slice %arg6[%scan3A_724, %gather3A, %gather3A_1353] : memref<8x128x32xi32, #tpu.memory_space<vmem>> -> memref<1x128x32xi32, #tpu.memory_space<vmem>>
        %gather3A_1355 = tpu.memref_squeeze %gather3A_1354 : memref<1x128x32xi32, #tpu.memory_space<vmem>> -> memref<128x32xi32, #tpu.memory_space<vmem>>
        %gather3A_1356 = tpu.vector_load_idx %gather3A_1355[%broadcast_in_dim3A, %mul3A_723] : memref<128x32xi32, #tpu.memory_space<vmem>>[vector<16xi32>, vector<16xi32>], vector<16xi32>,
        %add3A_1357 = arith.constant 1 : i32
        %add3A_1358 = vector.broadcast %add3A_1357 : i32 to vector<16xi32>
        %add3A_1359 = arith.addi %mul3A_723, %add3A_1358 : vector<16xi32>
        %gather3A_1360 = arith.constant 0 : i32
        %gather3A_1361 = arith.constant 0 : i32
        %gather3A_1362 = tpu.memref_slice %arg6[%scan3A_724, %gather3A_1360, %gather3A_1361] : memref<8x128x32xi32, #tpu.memory_space<vmem>> -> memref<1x128x32xi32, #tpu.memory_space<vmem>>
        %gather3A_1363 = tpu.memref_squeeze %gather3A_1362 : memref<1x128x32xi32, #tpu.memory_space<vmem>> -> memref<128x32xi32, #tpu.memory_space<vmem>>
        %gather3A_1364 = tpu.vector_load_idx %gather3A_1363[%broadcast_in_dim3A, %add3A_1359] : memref<128x32xi32, #tpu.memory_space<vmem>>[vector<16xi32>, vector<16xi32>], vector<16xi32>,
        %and3A_1365 = vector.broadcast %scan3A_725 : i32 to vector<16xi32>
        %and3A_1366 = arith.andi %gather3A_1356, %and3A_1365 : vector<16xi32>
        %shift_left3A = arith.constant 16 : i32
        %shift_left3A_1367 = vector.broadcast %shift_left3A : i32 to vector<16xi32>
        %shift_left3A_1368 = arith.shli %gather3A_1364, %shift_left3A_1367 : vector<16xi32>
        %or3A = arith.ori %and3A_1366, %shift_left3A_1368 : vector<16xi32>
        %shift_right_logical3A = arith.constant 16 : i32
        %shift_right_logical3A_1369 = vector.broadcast %shift_right_logical3A : i32 to vector<16xi32>
        %shift_right_logical3A_1370 = arith.shrui %gather3A_1356, %shift_right_logical3A_1369 : vector<16xi32>
        %not3A = arith.constant -1 : i32
        %not3A_1371 = arith.xori %scan3A_725, %not3A : i32
        %and3A_1372 = vector.broadcast %not3A_1371 : i32 to vector<16xi32>
        %and3A_1373 = arith.andi %gather3A_1364, %and3A_1372 : vector<16xi32>
        %or3A_1374 = arith.ori %shift_right_logical3A_1370, %and3A_1373 : vector<16xi32>
        %bitcast3A = vector.bitcast %or3A : vector<16xi32> to vector<32xbf16>
        %swap3A = arith.constant 0 : i32
        %swap3A_1375 = arith.constant 0 : i32
        %swap3A_1376 = tpu.memref_slice %arg7[%scan3A_726, %swap3A, %swap3A_1375] : memref<8x128x64xbf16, #tpu.memory_space<vmem>> -> memref<1x128x64xbf16, #tpu.memory_space<vmem>>
        %swap3A_1377 = tpu.memref_squeeze %swap3A_1376 : memref<1x128x64xbf16, #tpu.memory_space<vmem>> -> memref<128x64xbf16, #tpu.memory_space<vmem>>
        %swap3A_1378 = arith.index_cast %scan3A_1352 : i32 to index
        %swap3A_1379 = arith.constant 0 : index
        %swap3A_1380 = tpu.vector_load %swap3A_1377[%swap3A_1378, %swap3A_1379] {strides = array<i32>} : memref<128x64xbf16, #tpu.memory_space<vmem>>, vector<32xbf16>,
        tpu.vector_store %swap3A_1377[%swap3A_1378, %swap3A_1379], %bitcast3A {strides = array<i32>} : memref<128x64xbf16, #tpu.memory_space<vmem>>, vector<32xbf16>,
        %bitcast3A_1381 = vector.bitcast %or3A_1374 : vector<16xi32> to vector<32xbf16>
        %swap3A_1382 = arith.constant 0 : i32
        %swap3A_1383 = arith.constant 0 : i32
        %swap3A_1384 = tpu.memref_slice %arg7[%scan3A_726, %swap3A_1382, %swap3A_1383] : memref<8x128x64xbf16, #tpu.memory_space<vmem>> -> memref<1x128x64xbf16, #tpu.memory_space<vmem>>
        %swap3A_1385 = tpu.memref_squeeze %swap3A_1384 : memref<1x128x64xbf16, #tpu.memory_space<vmem>> -> memref<128x64xbf16, #tpu.memory_space<vmem>>
        %swap3A_1386 = arith.index_cast %scan3A_1352 : i32 to index
        %swap3A_1387 = arith.constant 32 : index
        %swap3A_1388 = tpu.vector_load %swap3A_1385[%swap3A_1386, %swap3A_1387] {strides = array<i32>} : memref<128x64xbf16, #tpu.memory_space<vmem>>, vector<32xbf16>,
        tpu.vector_store %swap3A_1385[%swap3A_1386, %swap3A_1387], %bitcast3A_1381 {strides = array<i32>} : memref<128x64xbf16, #tpu.memory_space<vmem>>, vector<32xbf16>,
        %scan3A_1389 = arith.constant 1 : i32
        %scan3A_1390 = arith.addi %scan3A_1352, %scan3A_1389 : i32
        %broadcast_in_dim3A_1391 = vector.broadcast %scan3A_1390 : i32 to vector<16xi32>
        %gather3A_1392 = arith.constant 0 : i32
        %gather3A_1393 = arith.constant 0 : i32
        %gather3A_1394 = tpu.memref_slice %arg6[%scan3A_724, %gather3A_1392, %gather3A_1393] : memref<8x128x32xi32, #tpu.memory_space<vmem>> -> memref<1x128x32xi32, #tpu.memory_space<vmem>>
        %gather3A_1395 = tpu.memref_squeeze %gather3A_1394 : memref<1x128x32xi32, #tpu.memory_space<vmem>> -> memref<128x32xi32, #tpu.memory_space<vmem>>
        %gather3A_1396 = tpu.vector_load_idx %gather3A_1395[%broadcast_in_dim3A_1391, %mul3A_723] : memref<128x32xi32, #tpu.memory_space<vmem>>[vector<16xi32>, vector<16xi32>], vector<16xi32>,
        %add3A_1397 = arith.constant 1 : i32
        %add3A_1398 = vector.broadcast %add3A_1397 : i32 to vector<16xi32>
        %add3A_1399 = arith.addi %mul3A_723, %add3A_1398 : vector<16xi32>
        %gather3A_1400 = arith.constant 0 : i32
        %gather3A_1401 = arith.constant 0 : i32
        %gather3A_1402 = tpu.memref_slice %arg6[%scan3A_724, %gather3A_1400, %gather3A_1401] : memref<8x128x32xi32, #tpu.memory_space<vmem>> -> memref<1x128x32xi32, #tpu.memory_space<vmem>>
        %gather3A_1403 = tpu.memref_squeeze %gather3A_1402 : memref<1x128x32xi32, #tpu.memory_space<vmem>> -> memref<128x32xi32, #tpu.memory_space<vmem>>
        %gather3A_1404 = tpu.vector_load_idx %gather3A_1403[%broadcast_in_dim3A_1391, %add3A_1399] : memref<128x32xi32, #tpu.memory_space<vmem>>[vector<16xi32>, vector<16xi32>], vector<16xi32>,
        %and3A_1405 = vector.broadcast %scan3A_725 : i32 to vector<16xi32>
        %and3A_1406 = arith.andi %gather3A_1396, %and3A_1405 : vector<16xi32>
        %shift_left3A_1407 = arith.constant 16 : i32
        %shift_left3A_1408 = vector.broadcast %shift_left3A_1407 : i32 to vector<16xi32>
        %shift_left3A_1409 = arith.shli %gather3A_1404, %shift_left3A_1408 : vector<16xi32>
        %or3A_1410 = arith.ori %and3A_1406, %shift_left3A_1409 : vector<16xi32>
        %shift_right_logical3A_1411 = arith.constant 16 : i32
        %shift_right_logical3A_1412 = vector.broadcast %shift_right_logical3A_1411 : i32 to vector<16xi32>
        %shift_right_logical3A_1413 = arith.shrui %gather3A_1396, %shift_right_logical3A_1412 : vector<16xi32>
        %not3A_1414 = arith.constant -1 : i32
        %not3A_1415 = arith.xori %scan3A_725, %not3A_1414 : i32
        %and3A_1416 = vector.broadcast %not3A_1415 : i32 to vector<16xi32>
        %and3A_1417 = arith.andi %gather3A_1404, %and3A_1416 : vector<16xi32>
        %or3A_1418 = arith.ori %shift_right_logical3A_1413, %and3A_1417 : vector<16xi32>
        %bitcast3A_1419 = vector.bitcast %or3A_1410 : vector<16xi32> to vector<32xbf16>
        %swap3A_1420 = arith.constant 0 : i32
        %swap3A_1421 = arith.constant 0 : i32
        %swap3A_1422 = tpu.memref_slice %arg7[%scan3A_726, %swap3A_1420, %swap3A_1421] : memref<8x128x64xbf16, #tpu.memory_space<vmem>> -> memref<1x128x64xbf16, #tpu.memory_space<vmem>>
        %swap3A_1423 = tpu.memref_squeeze %swap3A_1422 : memref<1x128x64xbf16, #tpu.memory_space<vmem>> -> memref<128x64xbf16, #tpu.memory_space<vmem>>
        %swap3A_1424 = arith.index_cast %scan3A_1390 : i32 to index
        %swap3A_1425 = arith.constant 0 : index
        %swap3A_1426 = tpu.vector_load %swap3A_1423[%swap3A_1424, %swap3A_1425] {strides = array<i32>} : memref<128x64xbf16, #tpu.memory_space<vmem>>, vector<32xbf16>,
        tpu.vector_store %swap3A_1423[%swap3A_1424, %swap3A_1425], %bitcast3A_1419 {strides = array<i32>} : memref<128x64xbf16, #tpu.memory_space<vmem>>, vector<32xbf16>,
        %bitcast3A_1427 = vector.bitcast %or3A_1418 : vector<16xi32> to vector<32xbf16>
        %swap3A_1428 = arith.constant 0 : i32
        %swap3A_1429 = arith.constant 0 : i32
        %swap3A_1430 = tpu.memref_slice %arg7[%scan3A_726, %swap3A_1428, %swap3A_1429] : memref<8x128x64xbf16, #tpu.memory_space<vmem>> -> memref<1x128x64xbf16, #tpu.memory_space<vmem>>
        %swap3A_1431 = tpu.memref_squeeze %swap3A_1430 : memref<1x128x64xbf16, #tpu.memory_space<vmem>> -> memref<128x64xbf16, #tpu.memory_space<vmem>>
        %swap3A_1432 = arith.index_cast %scan3A_1390 : i32 to index
        %swap3A_1433 = arith.constant 32 : index
        %swap3A_1434 = tpu.vector_load %swap3A_1431[%swap3A_1432, %swap3A_1433] {strides = array<i32>} : memref<128x64xbf16, #tpu.memory_space<vmem>>, vector<32xbf16>,
        tpu.vector_store %swap3A_1431[%swap3A_1432, %swap3A_1433], %bitcast3A_1427 {strides = array<i32>} : memref<128x64xbf16, #tpu.memory_space<vmem>>, vector<32xbf16>,
      }
      %scan3A_731 = arith.constant 128 : i32
      %jit3A_732 = arith.constant 32 : i32
      %div3A_733 = arith.divsi %add3A_702, %jit3A_732 : i32
      %sign3A_734 = arith.constant 0 : i32
      %sign3A_735 = arith.cmpi sgt, %add3A_702, %sign3A_734 : i32
      %sign3A_736 = arith.extui %sign3A_735 : i1 to i32
      %sign3A_737 = arith.constant 0 : i32
      %sign3A_738 = arith.cmpi slt, %add3A_702, %sign3A_737 : i32
      %sign3A_739 = arith.extui %sign3A_738 : i1 to i32
      %sign3A_740 = arith.subi %sign3A_736, %sign3A_739 : i32
      %sign3A_741 = arith.constant 0 : i32
      %sign3A_742 = arith.cmpi sgt, %jit3A_732, %sign3A_741 : i32
      %sign3A_743 = arith.extui %sign3A_742 : i1 to i32
      %sign3A_744 = arith.constant 0 : i32
      %sign3A_745 = arith.cmpi slt, %jit3A_732, %sign3A_744 : i32
      %sign3A_746 = arith.extui %sign3A_745 : i1 to i32
      %sign3A_747 = arith.subi %sign3A_743, %sign3A_746 : i32
      %ne3A_748 = arith.cmpi ne, %sign3A_740, %sign3A_747 : i32
      %rem3A_749 = arith.remsi %add3A_702, %jit3A_732 : i32
      %ne3A_750 = arith.constant 0 : i32
      %ne3A_751 = arith.cmpi ne, %rem3A_749, %ne3A_750 : i32
      %and3A_752 = arith.andi %ne3A_748, %ne3A_751 : i1
      %sub3A_753 = arith.constant 1 : i32
      %sub3A_754 = arith.subi %div3A_733, %sub3A_753 : i32
      %select_n3A_755 = arith.select %and3A_752, %sub3A_754, %div3A_733 : i32
      %jit3A_756 = arith.constant 32 : i32
      %eq3A_757 = arith.constant 0 : i32
      %eq3A_758 = arith.cmpi eq, %jit3A_756, %eq3A_757 : i32
      %jit3A_759 = arith.constant 1 : i32
      %select_n3A_760 = arith.select %eq3A_758, %jit3A_759, %jit3A_756 : i32
      %rem3A_761 = arith.remsi %add3A_702, %select_n3A_760 : i32
      %ne3A_762 = arith.constant 0 : i32
      %ne3A_763 = arith.cmpi ne, %rem3A_761, %ne3A_762 : i32
      %lt3A_764 = arith.constant 0 : i32
      %lt3A_765 = arith.cmpi slt, %rem3A_761, %lt3A_764 : i32
      %lt3A_766 = arith.constant 0 : i32
      %lt3A_767 = arith.cmpi slt, %select_n3A_760, %lt3A_766 : i32
      %ne3A_768 = arith.xori %lt3A_765, %lt3A_767 : i1
      %and3A_769 = arith.andi %ne3A_768, %ne3A_763 : i1
      %add3A_770 = arith.addi %rem3A_761, %select_n3A_760 : i32
      %select_n3A_771 = arith.select %and3A_769, %add3A_770, %rem3A_761 : i32
      %mul3A_772 = arith.constant 128 : i32
      %mul3A_773 = arith.muli %select_n3A_771, %mul3A_772 : i32
      %dma_start3A_774 = arith.constant 1 : i32
      %dma_start3A_775 = arith.constant 0 : i32
      %dma_start3A_776 = arith.constant 0 : i32
      %dma_start3A_777 = tpu.memref_slice %arg7[%dma_start3A_774, %dma_start3A_775, %dma_start3A_776] : memref<8x128x64xbf16, #tpu.memory_space<vmem>> -> memref<1x128x64xbf16, #tpu.memory_space<vmem>>
      %dma_start3A_778 = tpu.memref_squeeze %dma_start3A_777 : memref<1x128x64xbf16, #tpu.memory_space<vmem>> -> memref<128x64xbf16, #tpu.memory_space<vmem>>
      %dma_start3A_779 = arith.constant 0 : i32
      %dma_start3A_780 = tpu.memref_slice %arg4[%mul3A_773, %select_n3A_755, %dma_start3A_779] : memref<4096x200x64xbf16, #tpu.memory_space<hbm>> -> memref<128x1x64xbf16, #tpu.memory_space<hbm>>
      %dma_start3A_781 = tpu.memref_squeeze %dma_start3A_780 : memref<128x1x64xbf16, #tpu.memory_space<hbm>> -> memref<128x64xbf16, #tpu.memory_space<hbm>>
      %dma_start3A_782 = arith.constant 0 : i32
      %dma_start3A_783 = tpu.memref_slice %arg4[%mul3A_773, %select_n3A_755, %dma_start3A_782] : memref<4096x200x64xbf16, #tpu.memory_space<hbm>> -> memref<128x1x64xbf16, #tpu.memory_space<hbm>>
      %dma_start3A_784 = tpu.memref_squeeze %dma_start3A_783 : memref<128x1x64xbf16, #tpu.memory_space<hbm>> -> memref<128x64xbf16, #tpu.memory_space<hbm>>
      %dma_start3A_785 = arith.constant 0 : i32
      %dma_start3A_786 = arith.constant 0 : i32
      %dma_start3A_787 = tpu.memref_slice %arg7[%dma_start3A_774, %dma_start3A_785, %dma_start3A_786] : memref<8x128x64xbf16, #tpu.memory_space<vmem>> -> memref<1x128x64xbf16, #tpu.memory_space<vmem>>
      %dma_start3A_788 = tpu.memref_squeeze %dma_start3A_787 : memref<1x128x64xbf16, #tpu.memory_space<vmem>> -> memref<128x64xbf16, #tpu.memory_space<vmem>>
      tpu.enqueue_dma source(%dma_start3A_788 : memref<128x64xbf16, #tpu.memory_space<vmem>>) target(%dma_start3A_784 : memref<128x64xbf16, #tpu.memory_space<hbm>>) target_semaphore(%arg18 : memref<!tpu.dma_semaphore, #tpu.memory_space<semaphore_mem>>)
      %lt3A_789 = arith.constant 24 : i32
      %lt3A_790 = arith.cmpi slt, %scan3A_608, %lt3A_789 : i32
      %convert_element_type3A_791 = arith.extui %lt3A_790 : i1 to i32
      %cond3A_792 = arith.constant 0 : i32
      %cond3A_793 = arith.cmpi ne, %convert_element_type3A_791, %cond3A_792 : i32
      scf.if %cond3A_793 {
        %add3A_1352 = arith.constant 8 : i32
        %add3A_1353 = arith.addi %add3A_702, %add3A_1352 : i32
        %sub3A_1354 = arith.subi %add3A_1353, %mul3A_2 : i32
        %mul3A_1355 = arith.constant 128 : i32
        %mul3A_1356 = arith.muli %sub3A_1354, %mul3A_1355 : i32
        %dma_start3A_1357 = arith.constant 1 : i32
        %dma_start3A_1358 = arith.constant 0 : i32
        %dma_start3A_1359 = arith.constant 0 : i32
        %dma_start3A_1360 = tpu.memref_slice %arg6[%dma_start3A_1357, %dma_start3A_1358, %dma_start3A_1359] : memref<8x128x32xi32, #tpu.memory_space<vmem>> -> memref<1x128x32xi32, #tpu.memory_space<vmem>>
        %dma_start3A_1361 = tpu.memref_squeeze %dma_start3A_1360 : memref<1x128x32xi32, #tpu.memory_space<vmem>> -> memref<128x32xi32, #tpu.memory_space<vmem>>
        %dma_start3A_1362 = tpu.memref_slice %arg5[%mul3A_1356] : memref<25600xi32, #tpu.memory_space<vmem>> -> memref<128xi32, #tpu.memory_space<vmem>>
        %dma_start3A_1363 = arith.constant 0 : i32
        %dma_start3A_1364 = arith.constant 0 : i32
        %dma_start3A_1365 = tpu.memref_slice %arg3[%dma_start3A_1363, %dma_start3A_1364] : memref<1007616x32xi32, #tpu.memory_space<hbm>> -> memref<1007616x32xi32, #tpu.memory_space<hbm>>
        tpu.enqueue_indirect_dma source(%dma_start3A_1365 : memref<1007616x32xi32, #tpu.memory_space<hbm>>) target(%dma_start3A_1361 : memref<128x32xi32, #tpu.memory_space<vmem>>) offsets(%dma_start3A_1362 : memref<128xi32, #tpu.memory_space<vmem>>) semaphore(%arg10 : memref<!tpu.dma_semaphore, #tpu.memory_space<semaphore_mem>>)
      } else {
      }
      %add3A_794 = arith.constant 2 : i32
      %add3A_795 = arith.addi %add3A_611, %add3A_794 : i32
      %sub3A_796 = arith.subi %add3A_795, %mul3A_2 : i32
      %mul3A_797 = arith.constant 128 : i32
      %mul3A_798 = arith.muli %sub3A_796, %mul3A_797 : i32
      %dma_wait3A_799 = arith.constant 2 : i32
      %dma_wait3A_800 = arith.constant 0 : i32
      %dma_wait3A_801 = arith.constant 0 : i32
      %dma_wait3A_802 = tpu.memref_slice %arg6[%dma_wait3A_799, %dma_wait3A_800, %dma_wait3A_801] : memref<8x128x32xi32, #tpu.memory_space<vmem>> -> memref<1x128x32xi32, #tpu.memory_space<vmem>>
      %dma_wait3A_803 = tpu.memref_squeeze %dma_wait3A_802 : memref<1x128x32xi32, #tpu.memory_space<vmem>> -> memref<128x32xi32, #tpu.memory_space<vmem>>
      %dma_wait3A_804 = tpu.memref_slice %arg5[%mul3A_798] : memref<25600xi32, #tpu.memory_space<vmem>> -> memref<128xi32, #tpu.memory_space<vmem>>
      %dma_wait3A_805 = arith.constant 0 : i32
      %dma_wait3A_806 = arith.constant 0 : i32
      %dma_wait3A_807 = tpu.memref_slice %arg3[%dma_wait3A_805, %dma_wait3A_806] : memref<1007616x32xi32, #tpu.memory_space<hbm>> -> memref<1007616x32xi32, #tpu.memory_space<hbm>>
      tpu.wait_indirect_dma semaphore(%arg11 : memref<!tpu.dma_semaphore, #tpu.memory_space<semaphore_mem>>) src(%dma_wait3A_807 : memref<1007616x32xi32, #tpu.memory_space<hbm>>) dst(%dma_wait3A_803 : memref<128x32xi32, #tpu.memory_space<vmem>>)
      %gt3A_808 = arith.constant 0 : i32
      %gt3A_809 = arith.cmpi sgt, %scan3A_608, %gt3A_808 : i32
      %convert_element_type3A_810 = arith.extui %gt3A_809 : i1 to i32
      %cond3A_811 = arith.constant 0 : i32
      %cond3A_812 = arith.cmpi ne, %convert_element_type3A_810, %cond3A_811 : i32
      scf.if %cond3A_812 {
        %sub3A_1352 = arith.constant 8 : i32
        %sub3A_1353 = arith.subi %add3A_795, %sub3A_1352 : i32
        %jit3A_1354 = arith.constant 32 : i32
        %div3A_1355 = arith.divsi %sub3A_1353, %jit3A_1354 : i32
        %sign3A_1356 = arith.constant 0 : i32
        %sign3A_1357 = arith.cmpi sgt, %sub3A_1353, %sign3A_1356 : i32
        %sign3A_1358 = arith.extui %sign3A_1357 : i1 to i32
        %sign3A_1359 = arith.constant 0 : i32
        %sign3A_1360 = arith.cmpi slt, %sub3A_1353, %sign3A_1359 : i32
        %sign3A_1361 = arith.extui %sign3A_1360 : i1 to i32
        %sign3A_1362 = arith.subi %sign3A_1358, %sign3A_1361 : i32
        %sign3A_1363 = arith.constant 0 : i32
        %sign3A_1364 = arith.cmpi sgt, %jit3A_1354, %sign3A_1363 : i32
        %sign3A_1365 = arith.extui %sign3A_1364 : i1 to i32
        %sign3A_1366 = arith.constant 0 : i32
        %sign3A_1367 = arith.cmpi slt, %jit3A_1354, %sign3A_1366 : i32
        %sign3A_1368 = arith.extui %sign3A_1367 : i1 to i32
        %sign3A_1369 = arith.subi %sign3A_1365, %sign3A_1368 : i32
        %ne3A_1370 = arith.cmpi ne, %sign3A_1362, %sign3A_1369 : i32
        %rem3A_1371 = arith.remsi %sub3A_1353, %jit3A_1354 : i32
        %ne3A_1372 = arith.constant 0 : i32
        %ne3A_1373 = arith.cmpi ne, %rem3A_1371, %ne3A_1372 : i32
        %and3A_1374 = arith.andi %ne3A_1370, %ne3A_1373 : i1
        %sub3A_1375 = arith.constant 1 : i32
        %sub3A_1376 = arith.subi %div3A_1355, %sub3A_1375 : i32
        %select_n3A_1377 = arith.select %and3A_1374, %sub3A_1376, %div3A_1355 : i32
        %jit3A_1378 = arith.constant 32 : i32
        %eq3A_1379 = arith.constant 0 : i32
        %eq3A_1380 = arith.cmpi eq, %jit3A_1378, %eq3A_1379 : i32
        %jit3A_1381 = arith.constant 1 : i32
        %select_n3A_1382 = arith.select %eq3A_1380, %jit3A_1381, %jit3A_1378 : i32
        %rem3A_1383 = arith.remsi %sub3A_1353, %select_n3A_1382 : i32
        %ne3A_1384 = arith.constant 0 : i32
        %ne3A_1385 = arith.cmpi ne, %rem3A_1383, %ne3A_1384 : i32
        %lt3A_1386 = arith.constant 0 : i32
        %lt3A_1387 = arith.cmpi slt, %rem3A_1383, %lt3A_1386 : i32
        %lt3A_1388 = arith.constant 0 : i32
        %lt3A_1389 = arith.cmpi slt, %select_n3A_1382, %lt3A_1388 : i32
        %ne3A_1390 = arith.xori %lt3A_1387, %lt3A_1389 : i1
        %and3A_1391 = arith.andi %ne3A_1390, %ne3A_1385 : i1
        %add3A_1392 = arith.addi %rem3A_1383, %select_n3A_1382 : i32
        %select_n3A_1393 = arith.select %and3A_1391, %add3A_1392, %rem3A_1383 : i32
        %mul3A_1394 = arith.constant 128 : i32
        %mul3A_1395 = arith.muli %select_n3A_1393, %mul3A_1394 : i32
        %dma_wait3A_1396 = arith.constant 2 : i32
        %dma_wait3A_1397 = arith.constant 0 : i32
        %dma_wait3A_1398 = arith.constant 0 : i32
        %dma_wait3A_1399 = tpu.memref_slice %arg7[%dma_wait3A_1396, %dma_wait3A_1397, %dma_wait3A_1398] : memref<8x128x64xbf16, #tpu.memory_space<vmem>> -> memref<1x128x64xbf16, #tpu.memory_space<vmem>>
        %dma_wait3A_1400 = tpu.memref_squeeze %dma_wait3A_1399 : memref<1x128x64xbf16, #tpu.memory_space<vmem>> -> memref<128x64xbf16, #tpu.memory_space<vmem>>
        %dma_wait3A_1401 = arith.constant 0 : i32
        %dma_wait3A_1402 = tpu.memref_slice %arg4[%mul3A_1395, %select_n3A_1377, %dma_wait3A_1401] : memref<4096x200x64xbf16, #tpu.memory_space<hbm>> -> memref<128x1x64xbf16, #tpu.memory_space<hbm>>
        %dma_wait3A_1403 = tpu.memref_squeeze %dma_wait3A_1402 : memref<128x1x64xbf16, #tpu.memory_space<hbm>> -> memref<128x64xbf16, #tpu.memory_space<hbm>>
        %dma_wait3A_1404 = arith.constant 0 : i32
        %dma_wait3A_1405 = tpu.memref_slice %arg4[%mul3A_1395, %select_n3A_1377, %dma_wait3A_1404] : memref<4096x200x64xbf16, #tpu.memory_space<hbm>> -> memref<128x1x64xbf16, #tpu.memory_space<hbm>>
        %dma_wait3A_1406 = tpu.memref_squeeze %dma_wait3A_1405 : memref<128x1x64xbf16, #tpu.memory_space<hbm>> -> memref<128x64xbf16, #tpu.memory_space<hbm>>
        %dma_wait3A_1407 = arith.constant 0 : i32
        %dma_wait3A_1408 = arith.constant 0 : i32
        %dma_wait3A_1409 = tpu.memref_slice %arg7[%dma_wait3A_1396, %dma_wait3A_1407, %dma_wait3A_1408] : memref<8x128x64xbf16, #tpu.memory_space<vmem>> -> memref<1x128x64xbf16, #tpu.memory_space<vmem>>
        %dma_wait3A_1410 = tpu.memref_squeeze %dma_wait3A_1409 : memref<1x128x64xbf16, #tpu.memory_space<vmem>> -> memref<128x64xbf16, #tpu.memory_space<vmem>>
        tpu.wait_dma2 semaphore(%arg19 : memref<!tpu.dma_semaphore, #tpu.memory_space<semaphore_mem>>) src(%dma_wait3A_1410 : memref<128x64xbf16, #tpu.memory_space<vmem>>) dst(%dma_wait3A_1406 : memref<128x64xbf16, #tpu.memory_space<hbm>>)
      } else {
      }
      %iota3A_813 = tpu.iota {dimensions = array<i32: 0>} : vector<16xi32>
      %mul3A_814 = arith.constant 2 : i32
      %mul3A_815 = vector.broadcast %mul3A_814 : i32 to vector<16xi32>
      %mul3A_816 = arith.muli %iota3A_813, %mul3A_815 : vector<16xi32>
      %scan3A_817 = arith.constant 2 : i32
      %scan3A_818 = arith.constant 65535 : i32
      %scan3A_819 = arith.constant 2 : i32
      %scan3A_820 = arith.constant 0 : i32
      %scan3A_821 = arith.constant 128 : i32
      %scan3A_822 = arith.addi %scan3A_820, %scan3A_821 : i32
      %scan3A_823 = arith.constant 2 : i32
      scf.for %scan3A_1352 = %scan3A_820 to %scan3A_822 step %scan3A_823  : i32 {
        %broadcast_in_dim3A = vector.broadcast %scan3A_1352 : i32 to vector<16xi32>
        %gather3A = arith.constant 0 : i32
        %gather3A_1353 = arith.constant 0 : i32
        %gather3A_1354 = tpu.memref_slice %arg6[%scan3A_817, %gather3A, %gather3A_1353] : memref<8x128x32xi32, #tpu.memory_space<vmem>> -> memref<1x128x32xi32, #tpu.memory_space<vmem>>
        %gather3A_1355 = tpu.memref_squeeze %gather3A_1354 : memref<1x128x32xi32, #tpu.memory_space<vmem>> -> memref<128x32xi32, #tpu.memory_space<vmem>>
        %gather3A_1356 = tpu.vector_load_idx %gather3A_1355[%broadcast_in_dim3A, %mul3A_816] : memref<128x32xi32, #tpu.memory_space<vmem>>[vector<16xi32>, vector<16xi32>], vector<16xi32>,
        %add3A_1357 = arith.constant 1 : i32
        %add3A_1358 = vector.broadcast %add3A_1357 : i32 to vector<16xi32>
        %add3A_1359 = arith.addi %mul3A_816, %add3A_1358 : vector<16xi32>
        %gather3A_1360 = arith.constant 0 : i32
        %gather3A_1361 = arith.constant 0 : i32
        %gather3A_1362 = tpu.memref_slice %arg6[%scan3A_817, %gather3A_1360, %gather3A_1361] : memref<8x128x32xi32, #tpu.memory_space<vmem>> -> memref<1x128x32xi32, #tpu.memory_space<vmem>>
        %gather3A_1363 = tpu.memref_squeeze %gather3A_1362 : memref<1x128x32xi32, #tpu.memory_space<vmem>> -> memref<128x32xi32, #tpu.memory_space<vmem>>
        %gather3A_1364 = tpu.vector_load_idx %gather3A_1363[%broadcast_in_dim3A, %add3A_1359] : memref<128x32xi32, #tpu.memory_space<vmem>>[vector<16xi32>, vector<16xi32>], vector<16xi32>,
        %and3A_1365 = vector.broadcast %scan3A_818 : i32 to vector<16xi32>
        %and3A_1366 = arith.andi %gather3A_1356, %and3A_1365 : vector<16xi32>
        %shift_left3A = arith.constant 16 : i32
        %shift_left3A_1367 = vector.broadcast %shift_left3A : i32 to vector<16xi32>
        %shift_left3A_1368 = arith.shli %gather3A_1364, %shift_left3A_1367 : vector<16xi32>
        %or3A = arith.ori %and3A_1366, %shift_left3A_1368 : vector<16xi32>
        %shift_right_logical3A = arith.constant 16 : i32
        %shift_right_logical3A_1369 = vector.broadcast %shift_right_logical3A : i32 to vector<16xi32>
        %shift_right_logical3A_1370 = arith.shrui %gather3A_1356, %shift_right_logical3A_1369 : vector<16xi32>
        %not3A = arith.constant -1 : i32
        %not3A_1371 = arith.xori %scan3A_818, %not3A : i32
        %and3A_1372 = vector.broadcast %not3A_1371 : i32 to vector<16xi32>
        %and3A_1373 = arith.andi %gather3A_1364, %and3A_1372 : vector<16xi32>
        %or3A_1374 = arith.ori %shift_right_logical3A_1370, %and3A_1373 : vector<16xi32>
        %bitcast3A = vector.bitcast %or3A : vector<16xi32> to vector<32xbf16>
        %swap3A = arith.constant 0 : i32
        %swap3A_1375 = arith.constant 0 : i32
        %swap3A_1376 = tpu.memref_slice %arg7[%scan3A_819, %swap3A, %swap3A_1375] : memref<8x128x64xbf16, #tpu.memory_space<vmem>> -> memref<1x128x64xbf16, #tpu.memory_space<vmem>>
        %swap3A_1377 = tpu.memref_squeeze %swap3A_1376 : memref<1x128x64xbf16, #tpu.memory_space<vmem>> -> memref<128x64xbf16, #tpu.memory_space<vmem>>
        %swap3A_1378 = arith.index_cast %scan3A_1352 : i32 to index
        %swap3A_1379 = arith.constant 0 : index
        %swap3A_1380 = tpu.vector_load %swap3A_1377[%swap3A_1378, %swap3A_1379] {strides = array<i32>} : memref<128x64xbf16, #tpu.memory_space<vmem>>, vector<32xbf16>,
        tpu.vector_store %swap3A_1377[%swap3A_1378, %swap3A_1379], %bitcast3A {strides = array<i32>} : memref<128x64xbf16, #tpu.memory_space<vmem>>, vector<32xbf16>,
        %bitcast3A_1381 = vector.bitcast %or3A_1374 : vector<16xi32> to vector<32xbf16>
        %swap3A_1382 = arith.constant 0 : i32
        %swap3A_1383 = arith.constant 0 : i32
        %swap3A_1384 = tpu.memref_slice %arg7[%scan3A_819, %swap3A_1382, %swap3A_1383] : memref<8x128x64xbf16, #tpu.memory_space<vmem>> -> memref<1x128x64xbf16, #tpu.memory_space<vmem>>
        %swap3A_1385 = tpu.memref_squeeze %swap3A_1384 : memref<1x128x64xbf16, #tpu.memory_space<vmem>> -> memref<128x64xbf16, #tpu.memory_space<vmem>>
        %swap3A_1386 = arith.index_cast %scan3A_1352 : i32 to index
        %swap3A_1387 = arith.constant 32 : index
        %swap3A_1388 = tpu.vector_load %swap3A_1385[%swap3A_1386, %swap3A_1387] {strides = array<i32>} : memref<128x64xbf16, #tpu.memory_space<vmem>>, vector<32xbf16>,
        tpu.vector_store %swap3A_1385[%swap3A_1386, %swap3A_1387], %bitcast3A_1381 {strides = array<i32>} : memref<128x64xbf16, #tpu.memory_space<vmem>>, vector<32xbf16>,
        %scan3A_1389 = arith.constant 1 : i32
        %scan3A_1390 = arith.addi %scan3A_1352, %scan3A_1389 : i32
        %broadcast_in_dim3A_1391 = vector.broadcast %scan3A_1390 : i32 to vector<16xi32>
        %gather3A_1392 = arith.constant 0 : i32
        %gather3A_1393 = arith.constant 0 : i32
        %gather3A_1394 = tpu.memref_slice %arg6[%scan3A_817, %gather3A_1392, %gather3A_1393] : memref<8x128x32xi32, #tpu.memory_space<vmem>> -> memref<1x128x32xi32, #tpu.memory_space<vmem>>
        %gather3A_1395 = tpu.memref_squeeze %gather3A_1394 : memref<1x128x32xi32, #tpu.memory_space<vmem>> -> memref<128x32xi32, #tpu.memory_space<vmem>>
        %gather3A_1396 = tpu.vector_load_idx %gather3A_1395[%broadcast_in_dim3A_1391, %mul3A_816] : memref<128x32xi32, #tpu.memory_space<vmem>>[vector<16xi32>, vector<16xi32>], vector<16xi32>,
        %add3A_1397 = arith.constant 1 : i32
        %add3A_1398 = vector.broadcast %add3A_1397 : i32 to vector<16xi32>
        %add3A_1399 = arith.addi %mul3A_816, %add3A_1398 : vector<16xi32>
        %gather3A_1400 = arith.constant 0 : i32
        %gather3A_1401 = arith.constant 0 : i32
        %gather3A_1402 = tpu.memref_slice %arg6[%scan3A_817, %gather3A_1400, %gather3A_1401] : memref<8x128x32xi32, #tpu.memory_space<vmem>> -> memref<1x128x32xi32, #tpu.memory_space<vmem>>
        %gather3A_1403 = tpu.memref_squeeze %gather3A_1402 : memref<1x128x32xi32, #tpu.memory_space<vmem>> -> memref<128x32xi32, #tpu.memory_space<vmem>>
        %gather3A_1404 = tpu.vector_load_idx %gather3A_1403[%broadcast_in_dim3A_1391, %add3A_1399] : memref<128x32xi32, #tpu.memory_space<vmem>>[vector<16xi32>, vector<16xi32>], vector<16xi32>,
        %and3A_1405 = vector.broadcast %scan3A_818 : i32 to vector<16xi32>
        %and3A_1406 = arith.andi %gather3A_1396, %and3A_1405 : vector<16xi32>
        %shift_left3A_1407 = arith.constant 16 : i32
        %shift_left3A_1408 = vector.broadcast %shift_left3A_1407 : i32 to vector<16xi32>
        %shift_left3A_1409 = arith.shli %gather3A_1404, %shift_left3A_1408 : vector<16xi32>
        %or3A_1410 = arith.ori %and3A_1406, %shift_left3A_1409 : vector<16xi32>
        %shift_right_logical3A_1411 = arith.constant 16 : i32
        %shift_right_logical3A_1412 = vector.broadcast %shift_right_logical3A_1411 : i32 to vector<16xi32>
        %shift_right_logical3A_1413 = arith.shrui %gather3A_1396, %shift_right_logical3A_1412 : vector<16xi32>
        %not3A_1414 = arith.constant -1 : i32
        %not3A_1415 = arith.xori %scan3A_818, %not3A_1414 : i32
        %and3A_1416 = vector.broadcast %not3A_1415 : i32 to vector<16xi32>
        %and3A_1417 = arith.andi %gather3A_1404, %and3A_1416 : vector<16xi32>
        %or3A_1418 = arith.ori %shift_right_logical3A_1413, %and3A_1417 : vector<16xi32>
        %bitcast3A_1419 = vector.bitcast %or3A_1410 : vector<16xi32> to vector<32xbf16>
        %swap3A_1420 = arith.constant 0 : i32
        %swap3A_1421 = arith.constant 0 : i32
        %swap3A_1422 = tpu.memref_slice %arg7[%scan3A_819, %swap3A_1420, %swap3A_1421] : memref<8x128x64xbf16, #tpu.memory_space<vmem>> -> memref<1x128x64xbf16, #tpu.memory_space<vmem>>
        %swap3A_1423 = tpu.memref_squeeze %swap3A_1422 : memref<1x128x64xbf16, #tpu.memory_space<vmem>> -> memref<128x64xbf16, #tpu.memory_space<vmem>>
        %swap3A_1424 = arith.index_cast %scan3A_1390 : i32 to index
        %swap3A_1425 = arith.constant 0 : index
        %swap3A_1426 = tpu.vector_load %swap3A_1423[%swap3A_1424, %swap3A_1425] {strides = array<i32>} : memref<128x64xbf16, #tpu.memory_space<vmem>>, vector<32xbf16>,
        tpu.vector_store %swap3A_1423[%swap3A_1424, %swap3A_1425], %bitcast3A_1419 {strides = array<i32>} : memref<128x64xbf16, #tpu.memory_space<vmem>>, vector<32xbf16>,
        %bitcast3A_1427 = vector.bitcast %or3A_1418 : vector<16xi32> to vector<32xbf16>
        %swap3A_1428 = arith.constant 0 : i32
        %swap3A_1429 = arith.constant 0 : i32
        %swap3A_1430 = tpu.memref_slice %arg7[%scan3A_819, %swap3A_1428, %swap3A_1429] : memref<8x128x64xbf16, #tpu.memory_space<vmem>> -> memref<1x128x64xbf16, #tpu.memory_space<vmem>>
        %swap3A_1431 = tpu.memref_squeeze %swap3A_1430 : memref<1x128x64xbf16, #tpu.memory_space<vmem>> -> memref<128x64xbf16, #tpu.memory_space<vmem>>
        %swap3A_1432 = arith.index_cast %scan3A_1390 : i32 to index
        %swap3A_1433 = arith.constant 32 : index
        %swap3A_1434 = tpu.vector_load %swap3A_1431[%swap3A_1432, %swap3A_1433] {strides = array<i32>} : memref<128x64xbf16, #tpu.memory_space<vmem>>, vector<32xbf16>,
        tpu.vector_store %swap3A_1431[%swap3A_1432, %swap3A_1433], %bitcast3A_1427 {strides = array<i32>} : memref<128x64xbf16, #tpu.memory_space<vmem>>, vector<32xbf16>,
      }
      %scan3A_824 = arith.constant 128 : i32
      %jit3A_825 = arith.constant 32 : i32
      %div3A_826 = arith.divsi %add3A_795, %jit3A_825 : i32
      %sign3A_827 = arith.constant 0 : i32
      %sign3A_828 = arith.cmpi sgt, %add3A_795, %sign3A_827 : i32
      %sign3A_829 = arith.extui %sign3A_828 : i1 to i32
      %sign3A_830 = arith.constant 0 : i32
      %sign3A_831 = arith.cmpi slt, %add3A_795, %sign3A_830 : i32
      %sign3A_832 = arith.extui %sign3A_831 : i1 to i32
      %sign3A_833 = arith.subi %sign3A_829, %sign3A_832 : i32
      %sign3A_834 = arith.constant 0 : i32
      %sign3A_835 = arith.cmpi sgt, %jit3A_825, %sign3A_834 : i32
      %sign3A_836 = arith.extui %sign3A_835 : i1 to i32
      %sign3A_837 = arith.constant 0 : i32
      %sign3A_838 = arith.cmpi slt, %jit3A_825, %sign3A_837 : i32
      %sign3A_839 = arith.extui %sign3A_838 : i1 to i32
      %sign3A_840 = arith.subi %sign3A_836, %sign3A_839 : i32
      %ne3A_841 = arith.cmpi ne, %sign3A_833, %sign3A_840 : i32
      %rem3A_842 = arith.remsi %add3A_795, %jit3A_825 : i32
      %ne3A_843 = arith.constant 0 : i32
      %ne3A_844 = arith.cmpi ne, %rem3A_842, %ne3A_843 : i32
      %and3A_845 = arith.andi %ne3A_841, %ne3A_844 : i1
      %sub3A_846 = arith.constant 1 : i32
      %sub3A_847 = arith.subi %div3A_826, %sub3A_846 : i32
      %select_n3A_848 = arith.select %and3A_845, %sub3A_847, %div3A_826 : i32
      %jit3A_849 = arith.constant 32 : i32
      %eq3A_850 = arith.constant 0 : i32
      %eq3A_851 = arith.cmpi eq, %jit3A_849, %eq3A_850 : i32
      %jit3A_852 = arith.constant 1 : i32
      %select_n3A_853 = arith.select %eq3A_851, %jit3A_852, %jit3A_849 : i32
      %rem3A_854 = arith.remsi %add3A_795, %select_n3A_853 : i32
      %ne3A_855 = arith.constant 0 : i32
      %ne3A_856 = arith.cmpi ne, %rem3A_854, %ne3A_855 : i32
      %lt3A_857 = arith.constant 0 : i32
      %lt3A_858 = arith.cmpi slt, %rem3A_854, %lt3A_857 : i32
      %lt3A_859 = arith.constant 0 : i32
      %lt3A_860 = arith.cmpi slt, %select_n3A_853, %lt3A_859 : i32
      %ne3A_861 = arith.xori %lt3A_858, %lt3A_860 : i1
      %and3A_862 = arith.andi %ne3A_861, %ne3A_856 : i1
      %add3A_863 = arith.addi %rem3A_854, %select_n3A_853 : i32
      %select_n3A_864 = arith.select %and3A_862, %add3A_863, %rem3A_854 : i32
      %mul3A_865 = arith.constant 128 : i32
      %mul3A_866 = arith.muli %select_n3A_864, %mul3A_865 : i32
      %dma_start3A_867 = arith.constant 2 : i32
      %dma_start3A_868 = arith.constant 0 : i32
      %dma_start3A_869 = arith.constant 0 : i32
      %dma_start3A_870 = tpu.memref_slice %arg7[%dma_start3A_867, %dma_start3A_868, %dma_start3A_869] : memref<8x128x64xbf16, #tpu.memory_space<vmem>> -> memref<1x128x64xbf16, #tpu.memory_space<vmem>>
      %dma_start3A_871 = tpu.memref_squeeze %dma_start3A_870 : memref<1x128x64xbf16, #tpu.memory_space<vmem>> -> memref<128x64xbf16, #tpu.memory_space<vmem>>
      %dma_start3A_872 = arith.constant 0 : i32
      %dma_start3A_873 = tpu.memref_slice %arg4[%mul3A_866, %select_n3A_848, %dma_start3A_872] : memref<4096x200x64xbf16, #tpu.memory_space<hbm>> -> memref<128x1x64xbf16, #tpu.memory_space<hbm>>
      %dma_start3A_874 = tpu.memref_squeeze %dma_start3A_873 : memref<128x1x64xbf16, #tpu.memory_space<hbm>> -> memref<128x64xbf16, #tpu.memory_space<hbm>>
      %dma_start3A_875 = arith.constant 0 : i32
      %dma_start3A_876 = tpu.memref_slice %arg4[%mul3A_866, %select_n3A_848, %dma_start3A_875] : memref<4096x200x64xbf16, #tpu.memory_space<hbm>> -> memref<128x1x64xbf16, #tpu.memory_space<hbm>>
      %dma_start3A_877 = tpu.memref_squeeze %dma_start3A_876 : memref<128x1x64xbf16, #tpu.memory_space<hbm>> -> memref<128x64xbf16, #tpu.memory_space<hbm>>
      %dma_start3A_878 = arith.constant 0 : i32
      %dma_start3A_879 = arith.constant 0 : i32
      %dma_start3A_880 = tpu.memref_slice %arg7[%dma_start3A_867, %dma_start3A_878, %dma_start3A_879] : memref<8x128x64xbf16, #tpu.memory_space<vmem>> -> memref<1x128x64xbf16, #tpu.memory_space<vmem>>
      %dma_start3A_881 = tpu.memref_squeeze %dma_start3A_880 : memref<1x128x64xbf16, #tpu.memory_space<vmem>> -> memref<128x64xbf16, #tpu.memory_space<vmem>>
      tpu.enqueue_dma source(%dma_start3A_881 : memref<128x64xbf16, #tpu.memory_space<vmem>>) target(%dma_start3A_877 : memref<128x64xbf16, #tpu.memory_space<hbm>>) target_semaphore(%arg19 : memref<!tpu.dma_semaphore, #tpu.memory_space<semaphore_mem>>)
      %lt3A_882 = arith.constant 24 : i32
      %lt3A_883 = arith.cmpi slt, %scan3A_608, %lt3A_882 : i32
      %convert_element_type3A_884 = arith.extui %lt3A_883 : i1 to i32
      %cond3A_885 = arith.constant 0 : i32
      %cond3A_886 = arith.cmpi ne, %convert_element_type3A_884, %cond3A_885 : i32
      scf.if %cond3A_886 {
        %add3A_1352 = arith.constant 8 : i32
        %add3A_1353 = arith.addi %add3A_795, %add3A_1352 : i32
        %sub3A_1354 = arith.subi %add3A_1353, %mul3A_2 : i32
        %mul3A_1355 = arith.constant 128 : i32
        %mul3A_1356 = arith.muli %sub3A_1354, %mul3A_1355 : i32
        %dma_start3A_1357 = arith.constant 2 : i32
        %dma_start3A_1358 = arith.constant 0 : i32
        %dma_start3A_1359 = arith.constant 0 : i32
        %dma_start3A_1360 = tpu.memref_slice %arg6[%dma_start3A_1357, %dma_start3A_1358, %dma_start3A_1359] : memref<8x128x32xi32, #tpu.memory_space<vmem>> -> memref<1x128x32xi32, #tpu.memory_space<vmem>>
        %dma_start3A_1361 = tpu.memref_squeeze %dma_start3A_1360 : memref<1x128x32xi32, #tpu.memory_space<vmem>> -> memref<128x32xi32, #tpu.memory_space<vmem>>
        %dma_start3A_1362 = tpu.memref_slice %arg5[%mul3A_1356] : memref<25600xi32, #tpu.memory_space<vmem>> -> memref<128xi32, #tpu.memory_space<vmem>>
        %dma_start3A_1363 = arith.constant 0 : i32
        %dma_start3A_1364 = arith.constant 0 : i32
        %dma_start3A_1365 = tpu.memref_slice %arg3[%dma_start3A_1363, %dma_start3A_1364] : memref<1007616x32xi32, #tpu.memory_space<hbm>> -> memref<1007616x32xi32, #tpu.memory_space<hbm>>
        tpu.enqueue_indirect_dma source(%dma_start3A_1365 : memref<1007616x32xi32, #tpu.memory_space<hbm>>) target(%dma_start3A_1361 : memref<128x32xi32, #tpu.memory_space<vmem>>) offsets(%dma_start3A_1362 : memref<128xi32, #tpu.memory_space<vmem>>) semaphore(%arg11 : memref<!tpu.dma_semaphore, #tpu.memory_space<semaphore_mem>>)
      } else {
      }
      %add3A_887 = arith.constant 3 : i32
      %add3A_888 = arith.addi %add3A_611, %add3A_887 : i32
      %sub3A_889 = arith.subi %add3A_888, %mul3A_2 : i32
      %mul3A_890 = arith.constant 128 : i32
      %mul3A_891 = arith.muli %sub3A_889, %mul3A_890 : i32
      %dma_wait3A_892 = arith.constant 3 : i32
      %dma_wait3A_893 = arith.constant 0 : i32
      %dma_wait3A_894 = arith.constant 0 : i32
      %dma_wait3A_895 = tpu.memref_slice %arg6[%dma_wait3A_892, %dma_wait3A_893, %dma_wait3A_894] : memref<8x128x32xi32, #tpu.memory_space<vmem>> -> memref<1x128x32xi32, #tpu.memory_space<vmem>>
      %dma_wait3A_896 = tpu.memref_squeeze %dma_wait3A_895 : memref<1x128x32xi32, #tpu.memory_space<vmem>> -> memref<128x32xi32, #tpu.memory_space<vmem>>
      %dma_wait3A_897 = tpu.memref_slice %arg5[%mul3A_891] : memref<25600xi32, #tpu.memory_space<vmem>> -> memref<128xi32, #tpu.memory_space<vmem>>
      %dma_wait3A_898 = arith.constant 0 : i32
      %dma_wait3A_899 = arith.constant 0 : i32
      %dma_wait3A_900 = tpu.memref_slice %arg3[%dma_wait3A_898, %dma_wait3A_899] : memref<1007616x32xi32, #tpu.memory_space<hbm>> -> memref<1007616x32xi32, #tpu.memory_space<hbm>>
      tpu.wait_indirect_dma semaphore(%arg12 : memref<!tpu.dma_semaphore, #tpu.memory_space<semaphore_mem>>) src(%dma_wait3A_900 : memref<1007616x32xi32, #tpu.memory_space<hbm>>) dst(%dma_wait3A_896 : memref<128x32xi32, #tpu.memory_space<vmem>>)
      %gt3A_901 = arith.constant 0 : i32
      %gt3A_902 = arith.cmpi sgt, %scan3A_608, %gt3A_901 : i32
      %convert_element_type3A_903 = arith.extui %gt3A_902 : i1 to i32
      %cond3A_904 = arith.constant 0 : i32
      %cond3A_905 = arith.cmpi ne, %convert_element_type3A_903, %cond3A_904 : i32
      scf.if %cond3A_905 {
        %sub3A_1352 = arith.constant 8 : i32
        %sub3A_1353 = arith.subi %add3A_888, %sub3A_1352 : i32
        %jit3A_1354 = arith.constant 32 : i32
        %div3A_1355 = arith.divsi %sub3A_1353, %jit3A_1354 : i32
        %sign3A_1356 = arith.constant 0 : i32
        %sign3A_1357 = arith.cmpi sgt, %sub3A_1353, %sign3A_1356 : i32
        %sign3A_1358 = arith.extui %sign3A_1357 : i1 to i32
        %sign3A_1359 = arith.constant 0 : i32
        %sign3A_1360 = arith.cmpi slt, %sub3A_1353, %sign3A_1359 : i32
        %sign3A_1361 = arith.extui %sign3A_1360 : i1 to i32
        %sign3A_1362 = arith.subi %sign3A_1358, %sign3A_1361 : i32
        %sign3A_1363 = arith.constant 0 : i32
        %sign3A_1364 = arith.cmpi sgt, %jit3A_1354, %sign3A_1363 : i32
        %sign3A_1365 = arith.extui %sign3A_1364 : i1 to i32
        %sign3A_1366 = arith.constant 0 : i32
        %sign3A_1367 = arith.cmpi slt, %jit3A_1354, %sign3A_1366 : i32
        %sign3A_1368 = arith.extui %sign3A_1367 : i1 to i32
        %sign3A_1369 = arith.subi %sign3A_1365, %sign3A_1368 : i32
        %ne3A_1370 = arith.cmpi ne, %sign3A_1362, %sign3A_1369 : i32
        %rem3A_1371 = arith.remsi %sub3A_1353, %jit3A_1354 : i32
        %ne3A_1372 = arith.constant 0 : i32
        %ne3A_1373 = arith.cmpi ne, %rem3A_1371, %ne3A_1372 : i32
        %and3A_1374 = arith.andi %ne3A_1370, %ne3A_1373 : i1
        %sub3A_1375 = arith.constant 1 : i32
        %sub3A_1376 = arith.subi %div3A_1355, %sub3A_1375 : i32
        %select_n3A_1377 = arith.select %and3A_1374, %sub3A_1376, %div3A_1355 : i32
        %jit3A_1378 = arith.constant 32 : i32
        %eq3A_1379 = arith.constant 0 : i32
        %eq3A_1380 = arith.cmpi eq, %jit3A_1378, %eq3A_1379 : i32
        %jit3A_1381 = arith.constant 1 : i32
        %select_n3A_1382 = arith.select %eq3A_1380, %jit3A_1381, %jit3A_1378 : i32
        %rem3A_1383 = arith.remsi %sub3A_1353, %select_n3A_1382 : i32
        %ne3A_1384 = arith.constant 0 : i32
        %ne3A_1385 = arith.cmpi ne, %rem3A_1383, %ne3A_1384 : i32
        %lt3A_1386 = arith.constant 0 : i32
        %lt3A_1387 = arith.cmpi slt, %rem3A_1383, %lt3A_1386 : i32
        %lt3A_1388 = arith.constant 0 : i32
        %lt3A_1389 = arith.cmpi slt, %select_n3A_1382, %lt3A_1388 : i32
        %ne3A_1390 = arith.xori %lt3A_1387, %lt3A_1389 : i1
        %and3A_1391 = arith.andi %ne3A_1390, %ne3A_1385 : i1
        %add3A_1392 = arith.addi %rem3A_1383, %select_n3A_1382 : i32
        %select_n3A_1393 = arith.select %and3A_1391, %add3A_1392, %rem3A_1383 : i32
        %mul3A_1394 = arith.constant 128 : i32
        %mul3A_1395 = arith.muli %select_n3A_1393, %mul3A_1394 : i32
        %dma_wait3A_1396 = arith.constant 3 : i32
        %dma_wait3A_1397 = arith.constant 0 : i32
        %dma_wait3A_1398 = arith.constant 0 : i32
        %dma_wait3A_1399 = tpu.memref_slice %arg7[%dma_wait3A_1396, %dma_wait3A_1397, %dma_wait3A_1398] : memref<8x128x64xbf16, #tpu.memory_space<vmem>> -> memref<1x128x64xbf16, #tpu.memory_space<vmem>>
        %dma_wait3A_1400 = tpu.memref_squeeze %dma_wait3A_1399 : memref<1x128x64xbf16, #tpu.memory_space<vmem>> -> memref<128x64xbf16, #tpu.memory_space<vmem>>
        %dma_wait3A_1401 = arith.constant 0 : i32
        %dma_wait3A_1402 = tpu.memref_slice %arg4[%mul3A_1395, %select_n3A_1377, %dma_wait3A_1401] : memref<4096x200x64xbf16, #tpu.memory_space<hbm>> -> memref<128x1x64xbf16, #tpu.memory_space<hbm>>
        %dma_wait3A_1403 = tpu.memref_squeeze %dma_wait3A_1402 : memref<128x1x64xbf16, #tpu.memory_space<hbm>> -> memref<128x64xbf16, #tpu.memory_space<hbm>>
        %dma_wait3A_1404 = arith.constant 0 : i32
        %dma_wait3A_1405 = tpu.memref_slice %arg4[%mul3A_1395, %select_n3A_1377, %dma_wait3A_1404] : memref<4096x200x64xbf16, #tpu.memory_space<hbm>> -> memref<128x1x64xbf16, #tpu.memory_space<hbm>>
        %dma_wait3A_1406 = tpu.memref_squeeze %dma_wait3A_1405 : memref<128x1x64xbf16, #tpu.memory_space<hbm>> -> memref<128x64xbf16, #tpu.memory_space<hbm>>
        %dma_wait3A_1407 = arith.constant 0 : i32
        %dma_wait3A_1408 = arith.constant 0 : i32
        %dma_wait3A_1409 = tpu.memref_slice %arg7[%dma_wait3A_1396, %dma_wait3A_1407, %dma_wait3A_1408] : memref<8x128x64xbf16, #tpu.memory_space<vmem>> -> memref<1x128x64xbf16, #tpu.memory_space<vmem>>
        %dma_wait3A_1410 = tpu.memref_squeeze %dma_wait3A_1409 : memref<1x128x64xbf16, #tpu.memory_space<vmem>> -> memref<128x64xbf16, #tpu.memory_space<vmem>>
        tpu.wait_dma2 semaphore(%arg20 : memref<!tpu.dma_semaphore, #tpu.memory_space<semaphore_mem>>) src(%dma_wait3A_1410 : memref<128x64xbf16, #tpu.memory_space<vmem>>) dst(%dma_wait3A_1406 : memref<128x64xbf16, #tpu.memory_space<hbm>>)
      } else {
      }
      %iota3A_906 = tpu.iota {dimensions = array<i32: 0>} : vector<16xi32>
      %mul3A_907 = arith.constant 2 : i32
      %mul3A_908 = vector.broadcast %mul3A_907 : i32 to vector<16xi32>
      %mul3A_909 = arith.muli %iota3A_906, %mul3A_908 : vector<16xi32>
      %scan3A_910 = arith.constant 3 : i32
      %scan3A_911 = arith.constant 65535 : i32
      %scan3A_912 = arith.constant 3 : i32
      %scan3A_913 = arith.constant 0 : i32
      %scan3A_914 = arith.constant 128 : i32
      %scan3A_915 = arith.addi %scan3A_913, %scan3A_914 : i32
      %scan3A_916 = arith.constant 2 : i32
      scf.for %scan3A_1352 = %scan3A_913 to %scan3A_915 step %scan3A_916  : i32 {
        %broadcast_in_dim3A = vector.broadcast %scan3A_1352 : i32 to vector<16xi32>
        %gather3A = arith.constant 0 : i32
        %gather3A_1353 = arith.constant 0 : i32
        %gather3A_1354 = tpu.memref_slice %arg6[%scan3A_910, %gather3A, %gather3A_1353] : memref<8x128x32xi32, #tpu.memory_space<vmem>> -> memref<1x128x32xi32, #tpu.memory_space<vmem>>
        %gather3A_1355 = tpu.memref_squeeze %gather3A_1354 : memref<1x128x32xi32, #tpu.memory_space<vmem>> -> memref<128x32xi32, #tpu.memory_space<vmem>>
        %gather3A_1356 = tpu.vector_load_idx %gather3A_1355[%broadcast_in_dim3A, %mul3A_909] : memref<128x32xi32, #tpu.memory_space<vmem>>[vector<16xi32>, vector<16xi32>], vector<16xi32>,
        %add3A_1357 = arith.constant 1 : i32
        %add3A_1358 = vector.broadcast %add3A_1357 : i32 to vector<16xi32>
        %add3A_1359 = arith.addi %mul3A_909, %add3A_1358 : vector<16xi32>
        %gather3A_1360 = arith.constant 0 : i32
        %gather3A_1361 = arith.constant 0 : i32
        %gather3A_1362 = tpu.memref_slice %arg6[%scan3A_910, %gather3A_1360, %gather3A_1361] : memref<8x128x32xi32, #tpu.memory_space<vmem>> -> memref<1x128x32xi32, #tpu.memory_space<vmem>>
        %gather3A_1363 = tpu.memref_squeeze %gather3A_1362 : memref<1x128x32xi32, #tpu.memory_space<vmem>> -> memref<128x32xi32, #tpu.memory_space<vmem>>
        %gather3A_1364 = tpu.vector_load_idx %gather3A_1363[%broadcast_in_dim3A, %add3A_1359] : memref<128x32xi32, #tpu.memory_space<vmem>>[vector<16xi32>, vector<16xi32>], vector<16xi32>,
        %and3A_1365 = vector.broadcast %scan3A_911 : i32 to vector<16xi32>
        %and3A_1366 = arith.andi %gather3A_1356, %and3A_1365 : vector<16xi32>
        %shift_left3A = arith.constant 16 : i32
        %shift_left3A_1367 = vector.broadcast %shift_left3A : i32 to vector<16xi32>
        %shift_left3A_1368 = arith.shli %gather3A_1364, %shift_left3A_1367 : vector<16xi32>
        %or3A = arith.ori %and3A_1366, %shift_left3A_1368 : vector<16xi32>
        %shift_right_logical3A = arith.constant 16 : i32
        %shift_right_logical3A_1369 = vector.broadcast %shift_right_logical3A : i32 to vector<16xi32>
        %shift_right_logical3A_1370 = arith.shrui %gather3A_1356, %shift_right_logical3A_1369 : vector<16xi32>
        %not3A = arith.constant -1 : i32
        %not3A_1371 = arith.xori %scan3A_911, %not3A : i32
        %and3A_1372 = vector.broadcast %not3A_1371 : i32 to vector<16xi32>
        %and3A_1373 = arith.andi %gather3A_1364, %and3A_1372 : vector<16xi32>
        %or3A_1374 = arith.ori %shift_right_logical3A_1370, %and3A_1373 : vector<16xi32>
        %bitcast3A = vector.bitcast %or3A : vector<16xi32> to vector<32xbf16>
        %swap3A = arith.constant 0 : i32
        %swap3A_1375 = arith.constant 0 : i32
        %swap3A_1376 = tpu.memref_slice %arg7[%scan3A_912, %swap3A, %swap3A_1375] : memref<8x128x64xbf16, #tpu.memory_space<vmem>> -> memref<1x128x64xbf16, #tpu.memory_space<vmem>>
        %swap3A_1377 = tpu.memref_squeeze %swap3A_1376 : memref<1x128x64xbf16, #tpu.memory_space<vmem>> -> memref<128x64xbf16, #tpu.memory_space<vmem>>
        %swap3A_1378 = arith.index_cast %scan3A_1352 : i32 to index
        %swap3A_1379 = arith.constant 0 : index
        %swap3A_1380 = tpu.vector_load %swap3A_1377[%swap3A_1378, %swap3A_1379] {strides = array<i32>} : memref<128x64xbf16, #tpu.memory_space<vmem>>, vector<32xbf16>,
        tpu.vector_store %swap3A_1377[%swap3A_1378, %swap3A_1379], %bitcast3A {strides = array<i32>} : memref<128x64xbf16, #tpu.memory_space<vmem>>, vector<32xbf16>,
        %bitcast3A_1381 = vector.bitcast %or3A_1374 : vector<16xi32> to vector<32xbf16>
        %swap3A_1382 = arith.constant 0 : i32
        %swap3A_1383 = arith.constant 0 : i32
        %swap3A_1384 = tpu.memref_slice %arg7[%scan3A_912, %swap3A_1382, %swap3A_1383] : memref<8x128x64xbf16, #tpu.memory_space<vmem>> -> memref<1x128x64xbf16, #tpu.memory_space<vmem>>
        %swap3A_1385 = tpu.memref_squeeze %swap3A_1384 : memref<1x128x64xbf16, #tpu.memory_space<vmem>> -> memref<128x64xbf16, #tpu.memory_space<vmem>>
        %swap3A_1386 = arith.index_cast %scan3A_1352 : i32 to index
        %swap3A_1387 = arith.constant 32 : index
        %swap3A_1388 = tpu.vector_load %swap3A_1385[%swap3A_1386, %swap3A_1387] {strides = array<i32>} : memref<128x64xbf16, #tpu.memory_space<vmem>>, vector<32xbf16>,
        tpu.vector_store %swap3A_1385[%swap3A_1386, %swap3A_1387], %bitcast3A_1381 {strides = array<i32>} : memref<128x64xbf16, #tpu.memory_space<vmem>>, vector<32xbf16>,
        %scan3A_1389 = arith.constant 1 : i32
        %scan3A_1390 = arith.addi %scan3A_1352, %scan3A_1389 : i32
        %broadcast_in_dim3A_1391 = vector.broadcast %scan3A_1390 : i32 to vector<16xi32>
        %gather3A_1392 = arith.constant 0 : i32
        %gather3A_1393 = arith.constant 0 : i32
        %gather3A_1394 = tpu.memref_slice %arg6[%scan3A_910, %gather3A_1392, %gather3A_1393] : memref<8x128x32xi32, #tpu.memory_space<vmem>> -> memref<1x128x32xi32, #tpu.memory_space<vmem>>
        %gather3A_1395 = tpu.memref_squeeze %gather3A_1394 : memref<1x128x32xi32, #tpu.memory_space<vmem>> -> memref<128x32xi32, #tpu.memory_space<vmem>>
        %gather3A_1396 = tpu.vector_load_idx %gather3A_1395[%broadcast_in_dim3A_1391, %mul3A_909] : memref<128x32xi32, #tpu.memory_space<vmem>>[vector<16xi32>, vector<16xi32>], vector<16xi32>,
        %add3A_1397 = arith.constant 1 : i32
        %add3A_1398 = vector.broadcast %add3A_1397 : i32 to vector<16xi32>
        %add3A_1399 = arith.addi %mul3A_909, %add3A_1398 : vector<16xi32>
        %gather3A_1400 = arith.constant 0 : i32
        %gather3A_1401 = arith.constant 0 : i32
        %gather3A_1402 = tpu.memref_slice %arg6[%scan3A_910, %gather3A_1400, %gather3A_1401] : memref<8x128x32xi32, #tpu.memory_space<vmem>> -> memref<1x128x32xi32, #tpu.memory_space<vmem>>
        %gather3A_1403 = tpu.memref_squeeze %gather3A_1402 : memref<1x128x32xi32, #tpu.memory_space<vmem>> -> memref<128x32xi32, #tpu.memory_space<vmem>>
        %gather3A_1404 = tpu.vector_load_idx %gather3A_1403[%broadcast_in_dim3A_1391, %add3A_1399] : memref<128x32xi32, #tpu.memory_space<vmem>>[vector<16xi32>, vector<16xi32>], vector<16xi32>,
        %and3A_1405 = vector.broadcast %scan3A_911 : i32 to vector<16xi32>
        %and3A_1406 = arith.andi %gather3A_1396, %and3A_1405 : vector<16xi32>
        %shift_left3A_1407 = arith.constant 16 : i32
        %shift_left3A_1408 = vector.broadcast %shift_left3A_1407 : i32 to vector<16xi32>
        %shift_left3A_1409 = arith.shli %gather3A_1404, %shift_left3A_1408 : vector<16xi32>
        %or3A_1410 = arith.ori %and3A_1406, %shift_left3A_1409 : vector<16xi32>
        %shift_right_logical3A_1411 = arith.constant 16 : i32
        %shift_right_logical3A_1412 = vector.broadcast %shift_right_logical3A_1411 : i32 to vector<16xi32>
        %shift_right_logical3A_1413 = arith.shrui %gather3A_1396, %shift_right_logical3A_1412 : vector<16xi32>
        %not3A_1414 = arith.constant -1 : i32
        %not3A_1415 = arith.xori %scan3A_911, %not3A_1414 : i32
        %and3A_1416 = vector.broadcast %not3A_1415 : i32 to vector<16xi32>
        %and3A_1417 = arith.andi %gather3A_1404, %and3A_1416 : vector<16xi32>
        %or3A_1418 = arith.ori %shift_right_logical3A_1413, %and3A_1417 : vector<16xi32>
        %bitcast3A_1419 = vector.bitcast %or3A_1410 : vector<16xi32> to vector<32xbf16>
        %swap3A_1420 = arith.constant 0 : i32
        %swap3A_1421 = arith.constant 0 : i32
        %swap3A_1422 = tpu.memref_slice %arg7[%scan3A_912, %swap3A_1420, %swap3A_1421] : memref<8x128x64xbf16, #tpu.memory_space<vmem>> -> memref<1x128x64xbf16, #tpu.memory_space<vmem>>
        %swap3A_1423 = tpu.memref_squeeze %swap3A_1422 : memref<1x128x64xbf16, #tpu.memory_space<vmem>> -> memref<128x64xbf16, #tpu.memory_space<vmem>>
        %swap3A_1424 = arith.index_cast %scan3A_1390 : i32 to index
        %swap3A_1425 = arith.constant 0 : index
        %swap3A_1426 = tpu.vector_load %swap3A_1423[%swap3A_1424, %swap3A_1425] {strides = array<i32>} : memref<128x64xbf16, #tpu.memory_space<vmem>>, vector<32xbf16>,
        tpu.vector_store %swap3A_1423[%swap3A_1424, %swap3A_1425], %bitcast3A_1419 {strides = array<i32>} : memref<128x64xbf16, #tpu.memory_space<vmem>>, vector<32xbf16>,
        %bitcast3A_1427 = vector.bitcast %or3A_1418 : vector<16xi32> to vector<32xbf16>
        %swap3A_1428 = arith.constant 0 : i32
        %swap3A_1429 = arith.constant 0 : i32
        %swap3A_1430 = tpu.memref_slice %arg7[%scan3A_912, %swap3A_1428, %swap3A_1429] : memref<8x128x64xbf16, #tpu.memory_space<vmem>> -> memref<1x128x64xbf16, #tpu.memory_space<vmem>>
        %swap3A_1431 = tpu.memref_squeeze %swap3A_1430 : memref<1x128x64xbf16, #tpu.memory_space<vmem>> -> memref<128x64xbf16, #tpu.memory_space<vmem>>
        %swap3A_1432 = arith.index_cast %scan3A_1390 : i32 to index
        %swap3A_1433 = arith.constant 32 : index
        %swap3A_1434 = tpu.vector_load %swap3A_1431[%swap3A_1432, %swap3A_1433] {strides = array<i32>} : memref<128x64xbf16, #tpu.memory_space<vmem>>, vector<32xbf16>,
        tpu.vector_store %swap3A_1431[%swap3A_1432, %swap3A_1433], %bitcast3A_1427 {strides = array<i32>} : memref<128x64xbf16, #tpu.memory_space<vmem>>, vector<32xbf16>,
      }
      %scan3A_917 = arith.constant 128 : i32
      %jit3A_918 = arith.constant 32 : i32
      %div3A_919 = arith.divsi %add3A_888, %jit3A_918 : i32
      %sign3A_920 = arith.constant 0 : i32
      %sign3A_921 = arith.cmpi sgt, %add3A_888, %sign3A_920 : i32
      %sign3A_922 = arith.extui %sign3A_921 : i1 to i32
      %sign3A_923 = arith.constant 0 : i32
      %sign3A_924 = arith.cmpi slt, %add3A_888, %sign3A_923 : i32
      %sign3A_925 = arith.extui %sign3A_924 : i1 to i32
      %sign3A_926 = arith.subi %sign3A_922, %sign3A_925 : i32
      %sign3A_927 = arith.constant 0 : i32
      %sign3A_928 = arith.cmpi sgt, %jit3A_918, %sign3A_927 : i32
      %sign3A_929 = arith.extui %sign3A_928 : i1 to i32
      %sign3A_930 = arith.constant 0 : i32
      %sign3A_931 = arith.cmpi slt, %jit3A_918, %sign3A_930 : i32
      %sign3A_932 = arith.extui %sign3A_931 : i1 to i32
      %sign3A_933 = arith.subi %sign3A_929, %sign3A_932 : i32
      %ne3A_934 = arith.cmpi ne, %sign3A_926, %sign3A_933 : i32
      %rem3A_935 = arith.remsi %add3A_888, %jit3A_918 : i32
      %ne3A_936 = arith.constant 0 : i32
      %ne3A_937 = arith.cmpi ne, %rem3A_935, %ne3A_936 : i32
      %and3A_938 = arith.andi %ne3A_934, %ne3A_937 : i1
      %sub3A_939 = arith.constant 1 : i32
      %sub3A_940 = arith.subi %div3A_919, %sub3A_939 : i32
      %select_n3A_941 = arith.select %and3A_938, %sub3A_940, %div3A_919 : i32
      %jit3A_942 = arith.constant 32 : i32
      %eq3A_943 = arith.constant 0 : i32
      %eq3A_944 = arith.cmpi eq, %jit3A_942, %eq3A_943 : i32
      %jit3A_945 = arith.constant 1 : i32
      %select_n3A_946 = arith.select %eq3A_944, %jit3A_945, %jit3A_942 : i32
      %rem3A_947 = arith.remsi %add3A_888, %select_n3A_946 : i32
      %ne3A_948 = arith.constant 0 : i32
      %ne3A_949 = arith.cmpi ne, %rem3A_947, %ne3A_948 : i32
      %lt3A_950 = arith.constant 0 : i32
      %lt3A_951 = arith.cmpi slt, %rem3A_947, %lt3A_950 : i32
      %lt3A_952 = arith.constant 0 : i32
      %lt3A_953 = arith.cmpi slt, %select_n3A_946, %lt3A_952 : i32
      %ne3A_954 = arith.xori %lt3A_951, %lt3A_953 : i1
      %and3A_955 = arith.andi %ne3A_954, %ne3A_949 : i1
      %add3A_956 = arith.addi %rem3A_947, %select_n3A_946 : i32
      %select_n3A_957 = arith.select %and3A_955, %add3A_956, %rem3A_947 : i32
      %mul3A_958 = arith.constant 128 : i32
      %mul3A_959 = arith.muli %select_n3A_957, %mul3A_958 : i32
      %dma_start3A_960 = arith.constant 3 : i32
      %dma_start3A_961 = arith.constant 0 : i32
      %dma_start3A_962 = arith.constant 0 : i32
      %dma_start3A_963 = tpu.memref_slice %arg7[%dma_start3A_960, %dma_start3A_961, %dma_start3A_962] : memref<8x128x64xbf16, #tpu.memory_space<vmem>> -> memref<1x128x64xbf16, #tpu.memory_space<vmem>>
      %dma_start3A_964 = tpu.memref_squeeze %dma_start3A_963 : memref<1x128x64xbf16, #tpu.memory_space<vmem>> -> memref<128x64xbf16, #tpu.memory_space<vmem>>
      %dma_start3A_965 = arith.constant 0 : i32
      %dma_start3A_966 = tpu.memref_slice %arg4[%mul3A_959, %select_n3A_941, %dma_start3A_965] : memref<4096x200x64xbf16, #tpu.memory_space<hbm>> -> memref<128x1x64xbf16, #tpu.memory_space<hbm>>
      %dma_start3A_967 = tpu.memref_squeeze %dma_start3A_966 : memref<128x1x64xbf16, #tpu.memory_space<hbm>> -> memref<128x64xbf16, #tpu.memory_space<hbm>>
      %dma_start3A_968 = arith.constant 0 : i32
      %dma_start3A_969 = tpu.memref_slice %arg4[%mul3A_959, %select_n3A_941, %dma_start3A_968] : memref<4096x200x64xbf16, #tpu.memory_space<hbm>> -> memref<128x1x64xbf16, #tpu.memory_space<hbm>>
      %dma_start3A_970 = tpu.memref_squeeze %dma_start3A_969 : memref<128x1x64xbf16, #tpu.memory_space<hbm>> -> memref<128x64xbf16, #tpu.memory_space<hbm>>
      %dma_start3A_971 = arith.constant 0 : i32
      %dma_start3A_972 = arith.constant 0 : i32
      %dma_start3A_973 = tpu.memref_slice %arg7[%dma_start3A_960, %dma_start3A_971, %dma_start3A_972] : memref<8x128x64xbf16, #tpu.memory_space<vmem>> -> memref<1x128x64xbf16, #tpu.memory_space<vmem>>
      %dma_start3A_974 = tpu.memref_squeeze %dma_start3A_973 : memref<1x128x64xbf16, #tpu.memory_space<vmem>> -> memref<128x64xbf16, #tpu.memory_space<vmem>>
      tpu.enqueue_dma source(%dma_start3A_974 : memref<128x64xbf16, #tpu.memory_space<vmem>>) target(%dma_start3A_970 : memref<128x64xbf16, #tpu.memory_space<hbm>>) target_semaphore(%arg20 : memref<!tpu.dma_semaphore, #tpu.memory_space<semaphore_mem>>)
      %lt3A_975 = arith.constant 24 : i32
      %lt3A_976 = arith.cmpi slt, %scan3A_608, %lt3A_975 : i32
      %convert_element_type3A_977 = arith.extui %lt3A_976 : i1 to i32
      %cond3A_978 = arith.constant 0 : i32
      %cond3A_979 = arith.cmpi ne, %convert_element_type3A_977, %cond3A_978 : i32
      scf.if %cond3A_979 {
        %add3A_1352 = arith.constant 8 : i32
        %add3A_1353 = arith.addi %add3A_888, %add3A_1352 : i32
        %sub3A_1354 = arith.subi %add3A_1353, %mul3A_2 : i32
        %mul3A_1355 = arith.constant 128 : i32
        %mul3A_1356 = arith.muli %sub3A_1354, %mul3A_1355 : i32
        %dma_start3A_1357 = arith.constant 3 : i32
        %dma_start3A_1358 = arith.constant 0 : i32
        %dma_start3A_1359 = arith.constant 0 : i32
        %dma_start3A_1360 = tpu.memref_slice %arg6[%dma_start3A_1357, %dma_start3A_1358, %dma_start3A_1359] : memref<8x128x32xi32, #tpu.memory_space<vmem>> -> memref<1x128x32xi32, #tpu.memory_space<vmem>>
        %dma_start3A_1361 = tpu.memref_squeeze %dma_start3A_1360 : memref<1x128x32xi32, #tpu.memory_space<vmem>> -> memref<128x32xi32, #tpu.memory_space<vmem>>
        %dma_start3A_1362 = tpu.memref_slice %arg5[%mul3A_1356] : memref<25600xi32, #tpu.memory_space<vmem>> -> memref<128xi32, #tpu.memory_space<vmem>>
        %dma_start3A_1363 = arith.constant 0 : i32
        %dma_start3A_1364 = arith.constant 0 : i32
        %dma_start3A_1365 = tpu.memref_slice %arg3[%dma_start3A_1363, %dma_start3A_1364] : memref<1007616x32xi32, #tpu.memory_space<hbm>> -> memref<1007616x32xi32, #tpu.memory_space<hbm>>
        tpu.enqueue_indirect_dma source(%dma_start3A_1365 : memref<1007616x32xi32, #tpu.memory_space<hbm>>) target(%dma_start3A_1361 : memref<128x32xi32, #tpu.memory_space<vmem>>) offsets(%dma_start3A_1362 : memref<128xi32, #tpu.memory_space<vmem>>) semaphore(%arg12 : memref<!tpu.dma_semaphore, #tpu.memory_space<semaphore_mem>>)
      } else {
      }
      %add3A_980 = arith.constant 4 : i32
      %add3A_981 = arith.addi %add3A_611, %add3A_980 : i32
      %sub3A_982 = arith.subi %add3A_981, %mul3A_2 : i32
      %mul3A_983 = arith.constant 128 : i32
      %mul3A_984 = arith.muli %sub3A_982, %mul3A_983 : i32
      %dma_wait3A_985 = arith.constant 4 : i32
      %dma_wait3A_986 = arith.constant 0 : i32
      %dma_wait3A_987 = arith.constant 0 : i32
      %dma_wait3A_988 = tpu.memref_slice %arg6[%dma_wait3A_985, %dma_wait3A_986, %dma_wait3A_987] : memref<8x128x32xi32, #tpu.memory_space<vmem>> -> memref<1x128x32xi32, #tpu.memory_space<vmem>>
      %dma_wait3A_989 = tpu.memref_squeeze %dma_wait3A_988 : memref<1x128x32xi32, #tpu.memory_space<vmem>> -> memref<128x32xi32, #tpu.memory_space<vmem>>
      %dma_wait3A_990 = tpu.memref_slice %arg5[%mul3A_984] : memref<25600xi32, #tpu.memory_space<vmem>> -> memref<128xi32, #tpu.memory_space<vmem>>
      %dma_wait3A_991 = arith.constant 0 : i32
      %dma_wait3A_992 = arith.constant 0 : i32
      %dma_wait3A_993 = tpu.memref_slice %arg3[%dma_wait3A_991, %dma_wait3A_992] : memref<1007616x32xi32, #tpu.memory_space<hbm>> -> memref<1007616x32xi32, #tpu.memory_space<hbm>>
      tpu.wait_indirect_dma semaphore(%arg13 : memref<!tpu.dma_semaphore, #tpu.memory_space<semaphore_mem>>) src(%dma_wait3A_993 : memref<1007616x32xi32, #tpu.memory_space<hbm>>) dst(%dma_wait3A_989 : memref<128x32xi32, #tpu.memory_space<vmem>>)
      %gt3A_994 = arith.constant 0 : i32
      %gt3A_995 = arith.cmpi sgt, %scan3A_608, %gt3A_994 : i32
      %convert_element_type3A_996 = arith.extui %gt3A_995 : i1 to i32
      %cond3A_997 = arith.constant 0 : i32
      %cond3A_998 = arith.cmpi ne, %convert_element_type3A_996, %cond3A_997 : i32
      scf.if %cond3A_998 {
        %sub3A_1352 = arith.constant 8 : i32
        %sub3A_1353 = arith.subi %add3A_981, %sub3A_1352 : i32
        %jit3A_1354 = arith.constant 32 : i32
        %div3A_1355 = arith.divsi %sub3A_1353, %jit3A_1354 : i32
        %sign3A_1356 = arith.constant 0 : i32
        %sign3A_1357 = arith.cmpi sgt, %sub3A_1353, %sign3A_1356 : i32
        %sign3A_1358 = arith.extui %sign3A_1357 : i1 to i32
        %sign3A_1359 = arith.constant 0 : i32
        %sign3A_1360 = arith.cmpi slt, %sub3A_1353, %sign3A_1359 : i32
        %sign3A_1361 = arith.extui %sign3A_1360 : i1 to i32
        %sign3A_1362 = arith.subi %sign3A_1358, %sign3A_1361 : i32
        %sign3A_1363 = arith.constant 0 : i32
        %sign3A_1364 = arith.cmpi sgt, %jit3A_1354, %sign3A_1363 : i32
        %sign3A_1365 = arith.extui %sign3A_1364 : i1 to i32
        %sign3A_1366 = arith.constant 0 : i32
        %sign3A_1367 = arith.cmpi slt, %jit3A_1354, %sign3A_1366 : i32
        %sign3A_1368 = arith.extui %sign3A_1367 : i1 to i32
        %sign3A_1369 = arith.subi %sign3A_1365, %sign3A_1368 : i32
        %ne3A_1370 = arith.cmpi ne, %sign3A_1362, %sign3A_1369 : i32
        %rem3A_1371 = arith.remsi %sub3A_1353, %jit3A_1354 : i32
        %ne3A_1372 = arith.constant 0 : i32
        %ne3A_1373 = arith.cmpi ne, %rem3A_1371, %ne3A_1372 : i32
        %and3A_1374 = arith.andi %ne3A_1370, %ne3A_1373 : i1
        %sub3A_1375 = arith.constant 1 : i32
        %sub3A_1376 = arith.subi %div3A_1355, %sub3A_1375 : i32
        %select_n3A_1377 = arith.select %and3A_1374, %sub3A_1376, %div3A_1355 : i32
        %jit3A_1378 = arith.constant 32 : i32
        %eq3A_1379 = arith.constant 0 : i32
        %eq3A_1380 = arith.cmpi eq, %jit3A_1378, %eq3A_1379 : i32
        %jit3A_1381 = arith.constant 1 : i32
        %select_n3A_1382 = arith.select %eq3A_1380, %jit3A_1381, %jit3A_1378 : i32
        %rem3A_1383 = arith.remsi %sub3A_1353, %select_n3A_1382 : i32
        %ne3A_1384 = arith.constant 0 : i32
        %ne3A_1385 = arith.cmpi ne, %rem3A_1383, %ne3A_1384 : i32
        %lt3A_1386 = arith.constant 0 : i32
        %lt3A_1387 = arith.cmpi slt, %rem3A_1383, %lt3A_1386 : i32
        %lt3A_1388 = arith.constant 0 : i32
        %lt3A_1389 = arith.cmpi slt, %select_n3A_1382, %lt3A_1388 : i32
        %ne3A_1390 = arith.xori %lt3A_1387, %lt3A_1389 : i1
        %and3A_1391 = arith.andi %ne3A_1390, %ne3A_1385 : i1
        %add3A_1392 = arith.addi %rem3A_1383, %select_n3A_1382 : i32
        %select_n3A_1393 = arith.select %and3A_1391, %add3A_1392, %rem3A_1383 : i32
        %mul3A_1394 = arith.constant 128 : i32
        %mul3A_1395 = arith.muli %select_n3A_1393, %mul3A_1394 : i32
        %dma_wait3A_1396 = arith.constant 4 : i32
        %dma_wait3A_1397 = arith.constant 0 : i32
        %dma_wait3A_1398 = arith.constant 0 : i32
        %dma_wait3A_1399 = tpu.memref_slice %arg7[%dma_wait3A_1396, %dma_wait3A_1397, %dma_wait3A_1398] : memref<8x128x64xbf16, #tpu.memory_space<vmem>> -> memref<1x128x64xbf16, #tpu.memory_space<vmem>>
        %dma_wait3A_1400 = tpu.memref_squeeze %dma_wait3A_1399 : memref<1x128x64xbf16, #tpu.memory_space<vmem>> -> memref<128x64xbf16, #tpu.memory_space<vmem>>
        %dma_wait3A_1401 = arith.constant 0 : i32
        %dma_wait3A_1402 = tpu.memref_slice %arg4[%mul3A_1395, %select_n3A_1377, %dma_wait3A_1401] : memref<4096x200x64xbf16, #tpu.memory_space<hbm>> -> memref<128x1x64xbf16, #tpu.memory_space<hbm>>
        %dma_wait3A_1403 = tpu.memref_squeeze %dma_wait3A_1402 : memref<128x1x64xbf16, #tpu.memory_space<hbm>> -> memref<128x64xbf16, #tpu.memory_space<hbm>>
        %dma_wait3A_1404 = arith.constant 0 : i32
        %dma_wait3A_1405 = tpu.memref_slice %arg4[%mul3A_1395, %select_n3A_1377, %dma_wait3A_1404] : memref<4096x200x64xbf16, #tpu.memory_space<hbm>> -> memref<128x1x64xbf16, #tpu.memory_space<hbm>>
        %dma_wait3A_1406 = tpu.memref_squeeze %dma_wait3A_1405 : memref<128x1x64xbf16, #tpu.memory_space<hbm>> -> memref<128x64xbf16, #tpu.memory_space<hbm>>
        %dma_wait3A_1407 = arith.constant 0 : i32
        %dma_wait3A_1408 = arith.constant 0 : i32
        %dma_wait3A_1409 = tpu.memref_slice %arg7[%dma_wait3A_1396, %dma_wait3A_1407, %dma_wait3A_1408] : memref<8x128x64xbf16, #tpu.memory_space<vmem>> -> memref<1x128x64xbf16, #tpu.memory_space<vmem>>
        %dma_wait3A_1410 = tpu.memref_squeeze %dma_wait3A_1409 : memref<1x128x64xbf16, #tpu.memory_space<vmem>> -> memref<128x64xbf16, #tpu.memory_space<vmem>>
        tpu.wait_dma2 semaphore(%arg21 : memref<!tpu.dma_semaphore, #tpu.memory_space<semaphore_mem>>) src(%dma_wait3A_1410 : memref<128x64xbf16, #tpu.memory_space<vmem>>) dst(%dma_wait3A_1406 : memref<128x64xbf16, #tpu.memory_space<hbm>>)
      } else {
      }
      %iota3A_999 = tpu.iota {dimensions = array<i32: 0>} : vector<16xi32>
      %mul3A_1000 = arith.constant 2 : i32
      %mul3A_1001 = vector.broadcast %mul3A_1000 : i32 to vector<16xi32>
      %mul3A_1002 = arith.muli %iota3A_999, %mul3A_1001 : vector<16xi32>
      %scan3A_1003 = arith.constant 4 : i32
      %scan3A_1004 = arith.constant 65535 : i32
      %scan3A_1005 = arith.constant 4 : i32
      %scan3A_1006 = arith.constant 0 : i32
      %scan3A_1007 = arith.constant 128 : i32
      %scan3A_1008 = arith.addi %scan3A_1006, %scan3A_1007 : i32
      %scan3A_1009 = arith.constant 2 : i32
      scf.for %scan3A_1352 = %scan3A_1006 to %scan3A_1008 step %scan3A_1009  : i32 {
        %broadcast_in_dim3A = vector.broadcast %scan3A_1352 : i32 to vector<16xi32>
        %gather3A = arith.constant 0 : i32
        %gather3A_1353 = arith.constant 0 : i32
        %gather3A_1354 = tpu.memref_slice %arg6[%scan3A_1003, %gather3A, %gather3A_1353] : memref<8x128x32xi32, #tpu.memory_space<vmem>> -> memref<1x128x32xi32, #tpu.memory_space<vmem>>
        %gather3A_1355 = tpu.memref_squeeze %gather3A_1354 : memref<1x128x32xi32, #tpu.memory_space<vmem>> -> memref<128x32xi32, #tpu.memory_space<vmem>>
        %gather3A_1356 = tpu.vector_load_idx %gather3A_1355[%broadcast_in_dim3A, %mul3A_1002] : memref<128x32xi32, #tpu.memory_space<vmem>>[vector<16xi32>, vector<16xi32>], vector<16xi32>,
        %add3A_1357 = arith.constant 1 : i32
        %add3A_1358 = vector.broadcast %add3A_1357 : i32 to vector<16xi32>
        %add3A_1359 = arith.addi %mul3A_1002, %add3A_1358 : vector<16xi32>
        %gather3A_1360 = arith.constant 0 : i32
        %gather3A_1361 = arith.constant 0 : i32
        %gather3A_1362 = tpu.memref_slice %arg6[%scan3A_1003, %gather3A_1360, %gather3A_1361] : memref<8x128x32xi32, #tpu.memory_space<vmem>> -> memref<1x128x32xi32, #tpu.memory_space<vmem>>
        %gather3A_1363 = tpu.memref_squeeze %gather3A_1362 : memref<1x128x32xi32, #tpu.memory_space<vmem>> -> memref<128x32xi32, #tpu.memory_space<vmem>>
        %gather3A_1364 = tpu.vector_load_idx %gather3A_1363[%broadcast_in_dim3A, %add3A_1359] : memref<128x32xi32, #tpu.memory_space<vmem>>[vector<16xi32>, vector<16xi32>], vector<16xi32>,
        %and3A_1365 = vector.broadcast %scan3A_1004 : i32 to vector<16xi32>
        %and3A_1366 = arith.andi %gather3A_1356, %and3A_1365 : vector<16xi32>
        %shift_left3A = arith.constant 16 : i32
        %shift_left3A_1367 = vector.broadcast %shift_left3A : i32 to vector<16xi32>
        %shift_left3A_1368 = arith.shli %gather3A_1364, %shift_left3A_1367 : vector<16xi32>
        %or3A = arith.ori %and3A_1366, %shift_left3A_1368 : vector<16xi32>
        %shift_right_logical3A = arith.constant 16 : i32
        %shift_right_logical3A_1369 = vector.broadcast %shift_right_logical3A : i32 to vector<16xi32>
        %shift_right_logical3A_1370 = arith.shrui %gather3A_1356, %shift_right_logical3A_1369 : vector<16xi32>
        %not3A = arith.constant -1 : i32
        %not3A_1371 = arith.xori %scan3A_1004, %not3A : i32
        %and3A_1372 = vector.broadcast %not3A_1371 : i32 to vector<16xi32>
        %and3A_1373 = arith.andi %gather3A_1364, %and3A_1372 : vector<16xi32>
        %or3A_1374 = arith.ori %shift_right_logical3A_1370, %and3A_1373 : vector<16xi32>
        %bitcast3A = vector.bitcast %or3A : vector<16xi32> to vector<32xbf16>
        %swap3A = arith.constant 0 : i32
        %swap3A_1375 = arith.constant 0 : i32
        %swap3A_1376 = tpu.memref_slice %arg7[%scan3A_1005, %swap3A, %swap3A_1375] : memref<8x128x64xbf16, #tpu.memory_space<vmem>> -> memref<1x128x64xbf16, #tpu.memory_space<vmem>>
        %swap3A_1377 = tpu.memref_squeeze %swap3A_1376 : memref<1x128x64xbf16, #tpu.memory_space<vmem>> -> memref<128x64xbf16, #tpu.memory_space<vmem>>
        %swap3A_1378 = arith.index_cast %scan3A_1352 : i32 to index
        %swap3A_1379 = arith.constant 0 : index
        %swap3A_1380 = tpu.vector_load %swap3A_1377[%swap3A_1378, %swap3A_1379] {strides = array<i32>} : memref<128x64xbf16, #tpu.memory_space<vmem>>, vector<32xbf16>,
        tpu.vector_store %swap3A_1377[%swap3A_1378, %swap3A_1379], %bitcast3A {strides = array<i32>} : memref<128x64xbf16, #tpu.memory_space<vmem>>, vector<32xbf16>,
        %bitcast3A_1381 = vector.bitcast %or3A_1374 : vector<16xi32> to vector<32xbf16>
        %swap3A_1382 = arith.constant 0 : i32
        %swap3A_1383 = arith.constant 0 : i32
        %swap3A_1384 = tpu.memref_slice %arg7[%scan3A_1005, %swap3A_1382, %swap3A_1383] : memref<8x128x64xbf16, #tpu.memory_space<vmem>> -> memref<1x128x64xbf16, #tpu.memory_space<vmem>>
        %swap3A_1385 = tpu.memref_squeeze %swap3A_1384 : memref<1x128x64xbf16, #tpu.memory_space<vmem>> -> memref<128x64xbf16, #tpu.memory_space<vmem>>
        %swap3A_1386 = arith.index_cast %scan3A_1352 : i32 to index
        %swap3A_1387 = arith.constant 32 : index
        %swap3A_1388 = tpu.vector_load %swap3A_1385[%swap3A_1386, %swap3A_1387] {strides = array<i32>} : memref<128x64xbf16, #tpu.memory_space<vmem>>, vector<32xbf16>,
        tpu.vector_store %swap3A_1385[%swap3A_1386, %swap3A_1387], %bitcast3A_1381 {strides = array<i32>} : memref<128x64xbf16, #tpu.memory_space<vmem>>, vector<32xbf16>,
        %scan3A_1389 = arith.constant 1 : i32
        %scan3A_1390 = arith.addi %scan3A_1352, %scan3A_1389 : i32
        %broadcast_in_dim3A_1391 = vector.broadcast %scan3A_1390 : i32 to vector<16xi32>
        %gather3A_1392 = arith.constant 0 : i32
        %gather3A_1393 = arith.constant 0 : i32
        %gather3A_1394 = tpu.memref_slice %arg6[%scan3A_1003, %gather3A_1392, %gather3A_1393] : memref<8x128x32xi32, #tpu.memory_space<vmem>> -> memref<1x128x32xi32, #tpu.memory_space<vmem>>
        %gather3A_1395 = tpu.memref_squeeze %gather3A_1394 : memref<1x128x32xi32, #tpu.memory_space<vmem>> -> memref<128x32xi32, #tpu.memory_space<vmem>>
        %gather3A_1396 = tpu.vector_load_idx %gather3A_1395[%broadcast_in_dim3A_1391, %mul3A_1002] : memref<128x32xi32, #tpu.memory_space<vmem>>[vector<16xi32>, vector<16xi32>], vector<16xi32>,
        %add3A_1397 = arith.constant 1 : i32
        %add3A_1398 = vector.broadcast %add3A_1397 : i32 to vector<16xi32>
        %add3A_1399 = arith.addi %mul3A_1002, %add3A_1398 : vector<16xi32>
        %gather3A_1400 = arith.constant 0 : i32
        %gather3A_1401 = arith.constant 0 : i32
        %gather3A_1402 = tpu.memref_slice %arg6[%scan3A_1003, %gather3A_1400, %gather3A_1401] : memref<8x128x32xi32, #tpu.memory_space<vmem>> -> memref<1x128x32xi32, #tpu.memory_space<vmem>>
        %gather3A_1403 = tpu.memref_squeeze %gather3A_1402 : memref<1x128x32xi32, #tpu.memory_space<vmem>> -> memref<128x32xi32, #tpu.memory_space<vmem>>
        %gather3A_1404 = tpu.vector_load_idx %gather3A_1403[%broadcast_in_dim3A_1391, %add3A_1399] : memref<128x32xi32, #tpu.memory_space<vmem>>[vector<16xi32>, vector<16xi32>], vector<16xi32>,
        %and3A_1405 = vector.broadcast %scan3A_1004 : i32 to vector<16xi32>
        %and3A_1406 = arith.andi %gather3A_1396, %and3A_1405 : vector<16xi32>
        %shift_left3A_1407 = arith.constant 16 : i32
        %shift_left3A_1408 = vector.broadcast %shift_left3A_1407 : i32 to vector<16xi32>
        %shift_left3A_1409 = arith.shli %gather3A_1404, %shift_left3A_1408 : vector<16xi32>
        %or3A_1410 = arith.ori %and3A_1406, %shift_left3A_1409 : vector<16xi32>
        %shift_right_logical3A_1411 = arith.constant 16 : i32
        %shift_right_logical3A_1412 = vector.broadcast %shift_right_logical3A_1411 : i32 to vector<16xi32>
        %shift_right_logical3A_1413 = arith.shrui %gather3A_1396, %shift_right_logical3A_1412 : vector<16xi32>
        %not3A_1414 = arith.constant -1 : i32
        %not3A_1415 = arith.xori %scan3A_1004, %not3A_1414 : i32
        %and3A_1416 = vector.broadcast %not3A_1415 : i32 to vector<16xi32>
        %and3A_1417 = arith.andi %gather3A_1404, %and3A_1416 : vector<16xi32>
        %or3A_1418 = arith.ori %shift_right_logical3A_1413, %and3A_1417 : vector<16xi32>
        %bitcast3A_1419 = vector.bitcast %or3A_1410 : vector<16xi32> to vector<32xbf16>
        %swap3A_1420 = arith.constant 0 : i32
        %swap3A_1421 = arith.constant 0 : i32
        %swap3A_1422 = tpu.memref_slice %arg7[%scan3A_1005, %swap3A_1420, %swap3A_1421] : memref<8x128x64xbf16, #tpu.memory_space<vmem>> -> memref<1x128x64xbf16, #tpu.memory_space<vmem>>
        %swap3A_1423 = tpu.memref_squeeze %swap3A_1422 : memref<1x128x64xbf16, #tpu.memory_space<vmem>> -> memref<128x64xbf16, #tpu.memory_space<vmem>>
        %swap3A_1424 = arith.index_cast %scan3A_1390 : i32 to index
        %swap3A_1425 = arith.constant 0 : index
        %swap3A_1426 = tpu.vector_load %swap3A_1423[%swap3A_1424, %swap3A_1425] {strides = array<i32>} : memref<128x64xbf16, #tpu.memory_space<vmem>>, vector<32xbf16>,
        tpu.vector_store %swap3A_1423[%swap3A_1424, %swap3A_1425], %bitcast3A_1419 {strides = array<i32>} : memref<128x64xbf16, #tpu.memory_space<vmem>>, vector<32xbf16>,
        %bitcast3A_1427 = vector.bitcast %or3A_1418 : vector<16xi32> to vector<32xbf16>
        %swap3A_1428 = arith.constant 0 : i32
        %swap3A_1429 = arith.constant 0 : i32
        %swap3A_1430 = tpu.memref_slice %arg7[%scan3A_1005, %swap3A_1428, %swap3A_1429] : memref<8x128x64xbf16, #tpu.memory_space<vmem>> -> memref<1x128x64xbf16, #tpu.memory_space<vmem>>
        %swap3A_1431 = tpu.memref_squeeze %swap3A_1430 : memref<1x128x64xbf16, #tpu.memory_space<vmem>> -> memref<128x64xbf16, #tpu.memory_space<vmem>>
        %swap3A_1432 = arith.index_cast %scan3A_1390 : i32 to index
        %swap3A_1433 = arith.constant 32 : index
        %swap3A_1434 = tpu.vector_load %swap3A_1431[%swap3A_1432, %swap3A_1433] {strides = array<i32>} : memref<128x64xbf16, #tpu.memory_space<vmem>>, vector<32xbf16>,
        tpu.vector_store %swap3A_1431[%swap3A_1432, %swap3A_1433], %bitcast3A_1427 {strides = array<i32>} : memref<128x64xbf16, #tpu.memory_space<vmem>>, vector<32xbf16>,
      }
      %scan3A_1010 = arith.constant 128 : i32
      %jit3A_1011 = arith.constant 32 : i32
      %div3A_1012 = arith.divsi %add3A_981, %jit3A_1011 : i32
      %sign3A_1013 = arith.constant 0 : i32
      %sign3A_1014 = arith.cmpi sgt, %add3A_981, %sign3A_1013 : i32
      %sign3A_1015 = arith.extui %sign3A_1014 : i1 to i32
      %sign3A_1016 = arith.constant 0 : i32
      %sign3A_1017 = arith.cmpi slt, %add3A_981, %sign3A_1016 : i32
      %sign3A_1018 = arith.extui %sign3A_1017 : i1 to i32
      %sign3A_1019 = arith.subi %sign3A_1015, %sign3A_1018 : i32
      %sign3A_1020 = arith.constant 0 : i32
      %sign3A_1021 = arith.cmpi sgt, %jit3A_1011, %sign3A_1020 : i32
      %sign3A_1022 = arith.extui %sign3A_1021 : i1 to i32
      %sign3A_1023 = arith.constant 0 : i32
      %sign3A_1024 = arith.cmpi slt, %jit3A_1011, %sign3A_1023 : i32
      %sign3A_1025 = arith.extui %sign3A_1024 : i1 to i32
      %sign3A_1026 = arith.subi %sign3A_1022, %sign3A_1025 : i32
      %ne3A_1027 = arith.cmpi ne, %sign3A_1019, %sign3A_1026 : i32
      %rem3A_1028 = arith.remsi %add3A_981, %jit3A_1011 : i32
      %ne3A_1029 = arith.constant 0 : i32
      %ne3A_1030 = arith.cmpi ne, %rem3A_1028, %ne3A_1029 : i32
      %and3A_1031 = arith.andi %ne3A_1027, %ne3A_1030 : i1
      %sub3A_1032 = arith.constant 1 : i32
      %sub3A_1033 = arith.subi %div3A_1012, %sub3A_1032 : i32
      %select_n3A_1034 = arith.select %and3A_1031, %sub3A_1033, %div3A_1012 : i32
      %jit3A_1035 = arith.constant 32 : i32
      %eq3A_1036 = arith.constant 0 : i32
      %eq3A_1037 = arith.cmpi eq, %jit3A_1035, %eq3A_1036 : i32
      %jit3A_1038 = arith.constant 1 : i32
      %select_n3A_1039 = arith.select %eq3A_1037, %jit3A_1038, %jit3A_1035 : i32
      %rem3A_1040 = arith.remsi %add3A_981, %select_n3A_1039 : i32
      %ne3A_1041 = arith.constant 0 : i32
      %ne3A_1042 = arith.cmpi ne, %rem3A_1040, %ne3A_1041 : i32
      %lt3A_1043 = arith.constant 0 : i32
      %lt3A_1044 = arith.cmpi slt, %rem3A_1040, %lt3A_1043 : i32
      %lt3A_1045 = arith.constant 0 : i32
      %lt3A_1046 = arith.cmpi slt, %select_n3A_1039, %lt3A_1045 : i32
      %ne3A_1047 = arith.xori %lt3A_1044, %lt3A_1046 : i1
      %and3A_1048 = arith.andi %ne3A_1047, %ne3A_1042 : i1
      %add3A_1049 = arith.addi %rem3A_1040, %select_n3A_1039 : i32
      %select_n3A_1050 = arith.select %and3A_1048, %add3A_1049, %rem3A_1040 : i32
      %mul3A_1051 = arith.constant 128 : i32
      %mul3A_1052 = arith.muli %select_n3A_1050, %mul3A_1051 : i32
      %dma_start3A_1053 = arith.constant 4 : i32
      %dma_start3A_1054 = arith.constant 0 : i32
      %dma_start3A_1055 = arith.constant 0 : i32
      %dma_start3A_1056 = tpu.memref_slice %arg7[%dma_start3A_1053, %dma_start3A_1054, %dma_start3A_1055] : memref<8x128x64xbf16, #tpu.memory_space<vmem>> -> memref<1x128x64xbf16, #tpu.memory_space<vmem>>
      %dma_start3A_1057 = tpu.memref_squeeze %dma_start3A_1056 : memref<1x128x64xbf16, #tpu.memory_space<vmem>> -> memref<128x64xbf16, #tpu.memory_space<vmem>>
      %dma_start3A_1058 = arith.constant 0 : i32
      %dma_start3A_1059 = tpu.memref_slice %arg4[%mul3A_1052, %select_n3A_1034, %dma_start3A_1058] : memref<4096x200x64xbf16, #tpu.memory_space<hbm>> -> memref<128x1x64xbf16, #tpu.memory_space<hbm>>
      %dma_start3A_1060 = tpu.memref_squeeze %dma_start3A_1059 : memref<128x1x64xbf16, #tpu.memory_space<hbm>> -> memref<128x64xbf16, #tpu.memory_space<hbm>>
      %dma_start3A_1061 = arith.constant 0 : i32
      %dma_start3A_1062 = tpu.memref_slice %arg4[%mul3A_1052, %select_n3A_1034, %dma_start3A_1061] : memref<4096x200x64xbf16, #tpu.memory_space<hbm>> -> memref<128x1x64xbf16, #tpu.memory_space<hbm>>
      %dma_start3A_1063 = tpu.memref_squeeze %dma_start3A_1062 : memref<128x1x64xbf16, #tpu.memory_space<hbm>> -> memref<128x64xbf16, #tpu.memory_space<hbm>>
      %dma_start3A_1064 = arith.constant 0 : i32
      %dma_start3A_1065 = arith.constant 0 : i32
      %dma_start3A_1066 = tpu.memref_slice %arg7[%dma_start3A_1053, %dma_start3A_1064, %dma_start3A_1065] : memref<8x128x64xbf16, #tpu.memory_space<vmem>> -> memref<1x128x64xbf16, #tpu.memory_space<vmem>>
      %dma_start3A_1067 = tpu.memref_squeeze %dma_start3A_1066 : memref<1x128x64xbf16, #tpu.memory_space<vmem>> -> memref<128x64xbf16, #tpu.memory_space<vmem>>
      tpu.enqueue_dma source(%dma_start3A_1067 : memref<128x64xbf16, #tpu.memory_space<vmem>>) target(%dma_start3A_1063 : memref<128x64xbf16, #tpu.memory_space<hbm>>) target_semaphore(%arg21 : memref<!tpu.dma_semaphore, #tpu.memory_space<semaphore_mem>>)
      %lt3A_1068 = arith.constant 24 : i32
      %lt3A_1069 = arith.cmpi slt, %scan3A_608, %lt3A_1068 : i32
      %convert_element_type3A_1070 = arith.extui %lt3A_1069 : i1 to i32
      %cond3A_1071 = arith.constant 0 : i32
      %cond3A_1072 = arith.cmpi ne, %convert_element_type3A_1070, %cond3A_1071 : i32
      scf.if %cond3A_1072 {
        %add3A_1352 = arith.constant 8 : i32
        %add3A_1353 = arith.addi %add3A_981, %add3A_1352 : i32
        %sub3A_1354 = arith.subi %add3A_1353, %mul3A_2 : i32
        %mul3A_1355 = arith.constant 128 : i32
        %mul3A_1356 = arith.muli %sub3A_1354, %mul3A_1355 : i32
        %dma_start3A_1357 = arith.constant 4 : i32
        %dma_start3A_1358 = arith.constant 0 : i32
        %dma_start3A_1359 = arith.constant 0 : i32
        %dma_start3A_1360 = tpu.memref_slice %arg6[%dma_start3A_1357, %dma_start3A_1358, %dma_start3A_1359] : memref<8x128x32xi32, #tpu.memory_space<vmem>> -> memref<1x128x32xi32, #tpu.memory_space<vmem>>
        %dma_start3A_1361 = tpu.memref_squeeze %dma_start3A_1360 : memref<1x128x32xi32, #tpu.memory_space<vmem>> -> memref<128x32xi32, #tpu.memory_space<vmem>>
        %dma_start3A_1362 = tpu.memref_slice %arg5[%mul3A_1356] : memref<25600xi32, #tpu.memory_space<vmem>> -> memref<128xi32, #tpu.memory_space<vmem>>
        %dma_start3A_1363 = arith.constant 0 : i32
        %dma_start3A_1364 = arith.constant 0 : i32
        %dma_start3A_1365 = tpu.memref_slice %arg3[%dma_start3A_1363, %dma_start3A_1364] : memref<1007616x32xi32, #tpu.memory_space<hbm>> -> memref<1007616x32xi32, #tpu.memory_space<hbm>>
        tpu.enqueue_indirect_dma source(%dma_start3A_1365 : memref<1007616x32xi32, #tpu.memory_space<hbm>>) target(%dma_start3A_1361 : memref<128x32xi32, #tpu.memory_space<vmem>>) offsets(%dma_start3A_1362 : memref<128xi32, #tpu.memory_space<vmem>>) semaphore(%arg13 : memref<!tpu.dma_semaphore, #tpu.memory_space<semaphore_mem>>)
      } else {
      }
      %add3A_1073 = arith.constant 5 : i32
      %add3A_1074 = arith.addi %add3A_611, %add3A_1073 : i32
      %sub3A_1075 = arith.subi %add3A_1074, %mul3A_2 : i32
      %mul3A_1076 = arith.constant 128 : i32
      %mul3A_1077 = arith.muli %sub3A_1075, %mul3A_1076 : i32
      %dma_wait3A_1078 = arith.constant 5 : i32
      %dma_wait3A_1079 = arith.constant 0 : i32
      %dma_wait3A_1080 = arith.constant 0 : i32
      %dma_wait3A_1081 = tpu.memref_slice %arg6[%dma_wait3A_1078, %dma_wait3A_1079, %dma_wait3A_1080] : memref<8x128x32xi32, #tpu.memory_space<vmem>> -> memref<1x128x32xi32, #tpu.memory_space<vmem>>
      %dma_wait3A_1082 = tpu.memref_squeeze %dma_wait3A_1081 : memref<1x128x32xi32, #tpu.memory_space<vmem>> -> memref<128x32xi32, #tpu.memory_space<vmem>>
      %dma_wait3A_1083 = tpu.memref_slice %arg5[%mul3A_1077] : memref<25600xi32, #tpu.memory_space<vmem>> -> memref<128xi32, #tpu.memory_space<vmem>>
      %dma_wait3A_1084 = arith.constant 0 : i32
      %dma_wait3A_1085 = arith.constant 0 : i32
      %dma_wait3A_1086 = tpu.memref_slice %arg3[%dma_wait3A_1084, %dma_wait3A_1085] : memref<1007616x32xi32, #tpu.memory_space<hbm>> -> memref<1007616x32xi32, #tpu.memory_space<hbm>>
      tpu.wait_indirect_dma semaphore(%arg14 : memref<!tpu.dma_semaphore, #tpu.memory_space<semaphore_mem>>) src(%dma_wait3A_1086 : memref<1007616x32xi32, #tpu.memory_space<hbm>>) dst(%dma_wait3A_1082 : memref<128x32xi32, #tpu.memory_space<vmem>>)
      %gt3A_1087 = arith.constant 0 : i32
      %gt3A_1088 = arith.cmpi sgt, %scan3A_608, %gt3A_1087 : i32
      %convert_element_type3A_1089 = arith.extui %gt3A_1088 : i1 to i32
      %cond3A_1090 = arith.constant 0 : i32
      %cond3A_1091 = arith.cmpi ne, %convert_element_type3A_1089, %cond3A_1090 : i32
      scf.if %cond3A_1091 {
        %sub3A_1352 = arith.constant 8 : i32
        %sub3A_1353 = arith.subi %add3A_1074, %sub3A_1352 : i32
        %jit3A_1354 = arith.constant 32 : i32
        %div3A_1355 = arith.divsi %sub3A_1353, %jit3A_1354 : i32
        %sign3A_1356 = arith.constant 0 : i32
        %sign3A_1357 = arith.cmpi sgt, %sub3A_1353, %sign3A_1356 : i32
        %sign3A_1358 = arith.extui %sign3A_1357 : i1 to i32
        %sign3A_1359 = arith.constant 0 : i32
        %sign3A_1360 = arith.cmpi slt, %sub3A_1353, %sign3A_1359 : i32
        %sign3A_1361 = arith.extui %sign3A_1360 : i1 to i32
        %sign3A_1362 = arith.subi %sign3A_1358, %sign3A_1361 : i32
        %sign3A_1363 = arith.constant 0 : i32
        %sign3A_1364 = arith.cmpi sgt, %jit3A_1354, %sign3A_1363 : i32
        %sign3A_1365 = arith.extui %sign3A_1364 : i1 to i32
        %sign3A_1366 = arith.constant 0 : i32
        %sign3A_1367 = arith.cmpi slt, %jit3A_1354, %sign3A_1366 : i32
        %sign3A_1368 = arith.extui %sign3A_1367 : i1 to i32
        %sign3A_1369 = arith.subi %sign3A_1365, %sign3A_1368 : i32
        %ne3A_1370 = arith.cmpi ne, %sign3A_1362, %sign3A_1369 : i32
        %rem3A_1371 = arith.remsi %sub3A_1353, %jit3A_1354 : i32
        %ne3A_1372 = arith.constant 0 : i32
        %ne3A_1373 = arith.cmpi ne, %rem3A_1371, %ne3A_1372 : i32
        %and3A_1374 = arith.andi %ne3A_1370, %ne3A_1373 : i1
        %sub3A_1375 = arith.constant 1 : i32
        %sub3A_1376 = arith.subi %div3A_1355, %sub3A_1375 : i32
        %select_n3A_1377 = arith.select %and3A_1374, %sub3A_1376, %div3A_1355 : i32
        %jit3A_1378 = arith.constant 32 : i32
        %eq3A_1379 = arith.constant 0 : i32
        %eq3A_1380 = arith.cmpi eq, %jit3A_1378, %eq3A_1379 : i32
        %jit3A_1381 = arith.constant 1 : i32
        %select_n3A_1382 = arith.select %eq3A_1380, %jit3A_1381, %jit3A_1378 : i32
        %rem3A_1383 = arith.remsi %sub3A_1353, %select_n3A_1382 : i32
        %ne3A_1384 = arith.constant 0 : i32
        %ne3A_1385 = arith.cmpi ne, %rem3A_1383, %ne3A_1384 : i32
        %lt3A_1386 = arith.constant 0 : i32
        %lt3A_1387 = arith.cmpi slt, %rem3A_1383, %lt3A_1386 : i32
        %lt3A_1388 = arith.constant 0 : i32
        %lt3A_1389 = arith.cmpi slt, %select_n3A_1382, %lt3A_1388 : i32
        %ne3A_1390 = arith.xori %lt3A_1387, %lt3A_1389 : i1
        %and3A_1391 = arith.andi %ne3A_1390, %ne3A_1385 : i1
        %add3A_1392 = arith.addi %rem3A_1383, %select_n3A_1382 : i32
        %select_n3A_1393 = arith.select %and3A_1391, %add3A_1392, %rem3A_1383 : i32
        %mul3A_1394 = arith.constant 128 : i32
        %mul3A_1395 = arith.muli %select_n3A_1393, %mul3A_1394 : i32
        %dma_wait3A_1396 = arith.constant 5 : i32
        %dma_wait3A_1397 = arith.constant 0 : i32
        %dma_wait3A_1398 = arith.constant 0 : i32
        %dma_wait3A_1399 = tpu.memref_slice %arg7[%dma_wait3A_1396, %dma_wait3A_1397, %dma_wait3A_1398] : memref<8x128x64xbf16, #tpu.memory_space<vmem>> -> memref<1x128x64xbf16, #tpu.memory_space<vmem>>
        %dma_wait3A_1400 = tpu.memref_squeeze %dma_wait3A_1399 : memref<1x128x64xbf16, #tpu.memory_space<vmem>> -> memref<128x64xbf16, #tpu.memory_space<vmem>>
        %dma_wait3A_1401 = arith.constant 0 : i32
        %dma_wait3A_1402 = tpu.memref_slice %arg4[%mul3A_1395, %select_n3A_1377, %dma_wait3A_1401] : memref<4096x200x64xbf16, #tpu.memory_space<hbm>> -> memref<128x1x64xbf16, #tpu.memory_space<hbm>>
        %dma_wait3A_1403 = tpu.memref_squeeze %dma_wait3A_1402 : memref<128x1x64xbf16, #tpu.memory_space<hbm>> -> memref<128x64xbf16, #tpu.memory_space<hbm>>
        %dma_wait3A_1404 = arith.constant 0 : i32
        %dma_wait3A_1405 = tpu.memref_slice %arg4[%mul3A_1395, %select_n3A_1377, %dma_wait3A_1404] : memref<4096x200x64xbf16, #tpu.memory_space<hbm>> -> memref<128x1x64xbf16, #tpu.memory_space<hbm>>
        %dma_wait3A_1406 = tpu.memref_squeeze %dma_wait3A_1405 : memref<128x1x64xbf16, #tpu.memory_space<hbm>> -> memref<128x64xbf16, #tpu.memory_space<hbm>>
        %dma_wait3A_1407 = arith.constant 0 : i32
        %dma_wait3A_1408 = arith.constant 0 : i32
        %dma_wait3A_1409 = tpu.memref_slice %arg7[%dma_wait3A_1396, %dma_wait3A_1407, %dma_wait3A_1408] : memref<8x128x64xbf16, #tpu.memory_space<vmem>> -> memref<1x128x64xbf16, #tpu.memory_space<vmem>>
        %dma_wait3A_1410 = tpu.memref_squeeze %dma_wait3A_1409 : memref<1x128x64xbf16, #tpu.memory_space<vmem>> -> memref<128x64xbf16, #tpu.memory_space<vmem>>
        tpu.wait_dma2 semaphore(%arg22 : memref<!tpu.dma_semaphore, #tpu.memory_space<semaphore_mem>>) src(%dma_wait3A_1410 : memref<128x64xbf16, #tpu.memory_space<vmem>>) dst(%dma_wait3A_1406 : memref<128x64xbf16, #tpu.memory_space<hbm>>)
      } else {
      }
      %iota3A_1092 = tpu.iota {dimensions = array<i32: 0>} : vector<16xi32>
      %mul3A_1093 = arith.constant 2 : i32
      %mul3A_1094 = vector.broadcast %mul3A_1093 : i32 to vector<16xi32>
      %mul3A_1095 = arith.muli %iota3A_1092, %mul3A_1094 : vector<16xi32>
      %scan3A_1096 = arith.constant 5 : i32
      %scan3A_1097 = arith.constant 65535 : i32
      %scan3A_1098 = arith.constant 5 : i32
      %scan3A_1099 = arith.constant 0 : i32
      %scan3A_1100 = arith.constant 128 : i32
      %scan3A_1101 = arith.addi %scan3A_1099, %scan3A_1100 : i32
      %scan3A_1102 = arith.constant 2 : i32
      scf.for %scan3A_1352 = %scan3A_1099 to %scan3A_1101 step %scan3A_1102  : i32 {
        %broadcast_in_dim3A = vector.broadcast %scan3A_1352 : i32 to vector<16xi32>
        %gather3A = arith.constant 0 : i32
        %gather3A_1353 = arith.constant 0 : i32
        %gather3A_1354 = tpu.memref_slice %arg6[%scan3A_1096, %gather3A, %gather3A_1353] : memref<8x128x32xi32, #tpu.memory_space<vmem>> -> memref<1x128x32xi32, #tpu.memory_space<vmem>>
        %gather3A_1355 = tpu.memref_squeeze %gather3A_1354 : memref<1x128x32xi32, #tpu.memory_space<vmem>> -> memref<128x32xi32, #tpu.memory_space<vmem>>
        %gather3A_1356 = tpu.vector_load_idx %gather3A_1355[%broadcast_in_dim3A, %mul3A_1095] : memref<128x32xi32, #tpu.memory_space<vmem>>[vector<16xi32>, vector<16xi32>], vector<16xi32>,
        %add3A_1357 = arith.constant 1 : i32
        %add3A_1358 = vector.broadcast %add3A_1357 : i32 to vector<16xi32>
        %add3A_1359 = arith.addi %mul3A_1095, %add3A_1358 : vector<16xi32>
        %gather3A_1360 = arith.constant 0 : i32
        %gather3A_1361 = arith.constant 0 : i32
        %gather3A_1362 = tpu.memref_slice %arg6[%scan3A_1096, %gather3A_1360, %gather3A_1361] : memref<8x128x32xi32, #tpu.memory_space<vmem>> -> memref<1x128x32xi32, #tpu.memory_space<vmem>>
        %gather3A_1363 = tpu.memref_squeeze %gather3A_1362 : memref<1x128x32xi32, #tpu.memory_space<vmem>> -> memref<128x32xi32, #tpu.memory_space<vmem>>
        %gather3A_1364 = tpu.vector_load_idx %gather3A_1363[%broadcast_in_dim3A, %add3A_1359] : memref<128x32xi32, #tpu.memory_space<vmem>>[vector<16xi32>, vector<16xi32>], vector<16xi32>,
        %and3A_1365 = vector.broadcast %scan3A_1097 : i32 to vector<16xi32>
        %and3A_1366 = arith.andi %gather3A_1356, %and3A_1365 : vector<16xi32>
        %shift_left3A = arith.constant 16 : i32
        %shift_left3A_1367 = vector.broadcast %shift_left3A : i32 to vector<16xi32>
        %shift_left3A_1368 = arith.shli %gather3A_1364, %shift_left3A_1367 : vector<16xi32>
        %or3A = arith.ori %and3A_1366, %shift_left3A_1368 : vector<16xi32>
        %shift_right_logical3A = arith.constant 16 : i32
        %shift_right_logical3A_1369 = vector.broadcast %shift_right_logical3A : i32 to vector<16xi32>
        %shift_right_logical3A_1370 = arith.shrui %gather3A_1356, %shift_right_logical3A_1369 : vector<16xi32>
        %not3A = arith.constant -1 : i32
        %not3A_1371 = arith.xori %scan3A_1097, %not3A : i32
        %and3A_1372 = vector.broadcast %not3A_1371 : i32 to vector<16xi32>
        %and3A_1373 = arith.andi %gather3A_1364, %and3A_1372 : vector<16xi32>
        %or3A_1374 = arith.ori %shift_right_logical3A_1370, %and3A_1373 : vector<16xi32>
        %bitcast3A = vector.bitcast %or3A : vector<16xi32> to vector<32xbf16>
        %swap3A = arith.constant 0 : i32
        %swap3A_1375 = arith.constant 0 : i32
        %swap3A_1376 = tpu.memref_slice %arg7[%scan3A_1098, %swap3A, %swap3A_1375] : memref<8x128x64xbf16, #tpu.memory_space<vmem>> -> memref<1x128x64xbf16, #tpu.memory_space<vmem>>
        %swap3A_1377 = tpu.memref_squeeze %swap3A_1376 : memref<1x128x64xbf16, #tpu.memory_space<vmem>> -> memref<128x64xbf16, #tpu.memory_space<vmem>>
        %swap3A_1378 = arith.index_cast %scan3A_1352 : i32 to index
        %swap3A_1379 = arith.constant 0 : index
        %swap3A_1380 = tpu.vector_load %swap3A_1377[%swap3A_1378, %swap3A_1379] {strides = array<i32>} : memref<128x64xbf16, #tpu.memory_space<vmem>>, vector<32xbf16>,
        tpu.vector_store %swap3A_1377[%swap3A_1378, %swap3A_1379], %bitcast3A {strides = array<i32>} : memref<128x64xbf16, #tpu.memory_space<vmem>>, vector<32xbf16>,
        %bitcast3A_1381 = vector.bitcast %or3A_1374 : vector<16xi32> to vector<32xbf16>
        %swap3A_1382 = arith.constant 0 : i32
        %swap3A_1383 = arith.constant 0 : i32
        %swap3A_1384 = tpu.memref_slice %arg7[%scan3A_1098, %swap3A_1382, %swap3A_1383] : memref<8x128x64xbf16, #tpu.memory_space<vmem>> -> memref<1x128x64xbf16, #tpu.memory_space<vmem>>
        %swap3A_1385 = tpu.memref_squeeze %swap3A_1384 : memref<1x128x64xbf16, #tpu.memory_space<vmem>> -> memref<128x64xbf16, #tpu.memory_space<vmem>>
        %swap3A_1386 = arith.index_cast %scan3A_1352 : i32 to index
        %swap3A_1387 = arith.constant 32 : index
        %swap3A_1388 = tpu.vector_load %swap3A_1385[%swap3A_1386, %swap3A_1387] {strides = array<i32>} : memref<128x64xbf16, #tpu.memory_space<vmem>>, vector<32xbf16>,
        tpu.vector_store %swap3A_1385[%swap3A_1386, %swap3A_1387], %bitcast3A_1381 {strides = array<i32>} : memref<128x64xbf16, #tpu.memory_space<vmem>>, vector<32xbf16>,
        %scan3A_1389 = arith.constant 1 : i32
        %scan3A_1390 = arith.addi %scan3A_1352, %scan3A_1389 : i32
        %broadcast_in_dim3A_1391 = vector.broadcast %scan3A_1390 : i32 to vector<16xi32>
        %gather3A_1392 = arith.constant 0 : i32
        %gather3A_1393 = arith.constant 0 : i32
        %gather3A_1394 = tpu.memref_slice %arg6[%scan3A_1096, %gather3A_1392, %gather3A_1393] : memref<8x128x32xi32, #tpu.memory_space<vmem>> -> memref<1x128x32xi32, #tpu.memory_space<vmem>>
        %gather3A_1395 = tpu.memref_squeeze %gather3A_1394 : memref<1x128x32xi32, #tpu.memory_space<vmem>> -> memref<128x32xi32, #tpu.memory_space<vmem>>
        %gather3A_1396 = tpu.vector_load_idx %gather3A_1395[%broadcast_in_dim3A_1391, %mul3A_1095] : memref<128x32xi32, #tpu.memory_space<vmem>>[vector<16xi32>, vector<16xi32>], vector<16xi32>,
        %add3A_1397 = arith.constant 1 : i32
        %add3A_1398 = vector.broadcast %add3A_1397 : i32 to vector<16xi32>
        %add3A_1399 = arith.addi %mul3A_1095, %add3A_1398 : vector<16xi32>
        %gather3A_1400 = arith.constant 0 : i32
        %gather3A_1401 = arith.constant 0 : i32
        %gather3A_1402 = tpu.memref_slice %arg6[%scan3A_1096, %gather3A_1400, %gather3A_1401] : memref<8x128x32xi32, #tpu.memory_space<vmem>> -> memref<1x128x32xi32, #tpu.memory_space<vmem>>
        %gather3A_1403 = tpu.memref_squeeze %gather3A_1402 : memref<1x128x32xi32, #tpu.memory_space<vmem>> -> memref<128x32xi32, #tpu.memory_space<vmem>>
        %gather3A_1404 = tpu.vector_load_idx %gather3A_1403[%broadcast_in_dim3A_1391, %add3A_1399] : memref<128x32xi32, #tpu.memory_space<vmem>>[vector<16xi32>, vector<16xi32>], vector<16xi32>,
        %and3A_1405 = vector.broadcast %scan3A_1097 : i32 to vector<16xi32>
        %and3A_1406 = arith.andi %gather3A_1396, %and3A_1405 : vector<16xi32>
        %shift_left3A_1407 = arith.constant 16 : i32
        %shift_left3A_1408 = vector.broadcast %shift_left3A_1407 : i32 to vector<16xi32>
        %shift_left3A_1409 = arith.shli %gather3A_1404, %shift_left3A_1408 : vector<16xi32>
        %or3A_1410 = arith.ori %and3A_1406, %shift_left3A_1409 : vector<16xi32>
        %shift_right_logical3A_1411 = arith.constant 16 : i32
        %shift_right_logical3A_1412 = vector.broadcast %shift_right_logical3A_1411 : i32 to vector<16xi32>
        %shift_right_logical3A_1413 = arith.shrui %gather3A_1396, %shift_right_logical3A_1412 : vector<16xi32>
        %not3A_1414 = arith.constant -1 : i32
        %not3A_1415 = arith.xori %scan3A_1097, %not3A_1414 : i32
        %and3A_1416 = vector.broadcast %not3A_1415 : i32 to vector<16xi32>
        %and3A_1417 = arith.andi %gather3A_1404, %and3A_1416 : vector<16xi32>
        %or3A_1418 = arith.ori %shift_right_logical3A_1413, %and3A_1417 : vector<16xi32>
        %bitcast3A_1419 = vector.bitcast %or3A_1410 : vector<16xi32> to vector<32xbf16>
        %swap3A_1420 = arith.constant 0 : i32
        %swap3A_1421 = arith.constant 0 : i32
        %swap3A_1422 = tpu.memref_slice %arg7[%scan3A_1098, %swap3A_1420, %swap3A_1421] : memref<8x128x64xbf16, #tpu.memory_space<vmem>> -> memref<1x128x64xbf16, #tpu.memory_space<vmem>>
        %swap3A_1423 = tpu.memref_squeeze %swap3A_1422 : memref<1x128x64xbf16, #tpu.memory_space<vmem>> -> memref<128x64xbf16, #tpu.memory_space<vmem>>
        %swap3A_1424 = arith.index_cast %scan3A_1390 : i32 to index
        %swap3A_1425 = arith.constant 0 : index
        %swap3A_1426 = tpu.vector_load %swap3A_1423[%swap3A_1424, %swap3A_1425] {strides = array<i32>} : memref<128x64xbf16, #tpu.memory_space<vmem>>, vector<32xbf16>,
        tpu.vector_store %swap3A_1423[%swap3A_1424, %swap3A_1425], %bitcast3A_1419 {strides = array<i32>} : memref<128x64xbf16, #tpu.memory_space<vmem>>, vector<32xbf16>,
        %bitcast3A_1427 = vector.bitcast %or3A_1418 : vector<16xi32> to vector<32xbf16>
        %swap3A_1428 = arith.constant 0 : i32
        %swap3A_1429 = arith.constant 0 : i32
        %swap3A_1430 = tpu.memref_slice %arg7[%scan3A_1098, %swap3A_1428, %swap3A_1429] : memref<8x128x64xbf16, #tpu.memory_space<vmem>> -> memref<1x128x64xbf16, #tpu.memory_space<vmem>>
        %swap3A_1431 = tpu.memref_squeeze %swap3A_1430 : memref<1x128x64xbf16, #tpu.memory_space<vmem>> -> memref<128x64xbf16, #tpu.memory_space<vmem>>
        %swap3A_1432 = arith.index_cast %scan3A_1390 : i32 to index
        %swap3A_1433 = arith.constant 32 : index
        %swap3A_1434 = tpu.vector_load %swap3A_1431[%swap3A_1432, %swap3A_1433] {strides = array<i32>} : memref<128x64xbf16, #tpu.memory_space<vmem>>, vector<32xbf16>,
        tpu.vector_store %swap3A_1431[%swap3A_1432, %swap3A_1433], %bitcast3A_1427 {strides = array<i32>} : memref<128x64xbf16, #tpu.memory_space<vmem>>, vector<32xbf16>,
      }
      %scan3A_1103 = arith.constant 128 : i32
      %jit3A_1104 = arith.constant 32 : i32
      %div3A_1105 = arith.divsi %add3A_1074, %jit3A_1104 : i32
      %sign3A_1106 = arith.constant 0 : i32
      %sign3A_1107 = arith.cmpi sgt, %add3A_1074, %sign3A_1106 : i32
      %sign3A_1108 = arith.extui %sign3A_1107 : i1 to i32
      %sign3A_1109 = arith.constant 0 : i32
      %sign3A_1110 = arith.cmpi slt, %add3A_1074, %sign3A_1109 : i32
      %sign3A_1111 = arith.extui %sign3A_1110 : i1 to i32
      %sign3A_1112 = arith.subi %sign3A_1108, %sign3A_1111 : i32
      %sign3A_1113 = arith.constant 0 : i32
      %sign3A_1114 = arith.cmpi sgt, %jit3A_1104, %sign3A_1113 : i32
      %sign3A_1115 = arith.extui %sign3A_1114 : i1 to i32
      %sign3A_1116 = arith.constant 0 : i32
      %sign3A_1117 = arith.cmpi slt, %jit3A_1104, %sign3A_1116 : i32
      %sign3A_1118 = arith.extui %sign3A_1117 : i1 to i32
      %sign3A_1119 = arith.subi %sign3A_1115, %sign3A_1118 : i32
      %ne3A_1120 = arith.cmpi ne, %sign3A_1112, %sign3A_1119 : i32
      %rem3A_1121 = arith.remsi %add3A_1074, %jit3A_1104 : i32
      %ne3A_1122 = arith.constant 0 : i32
      %ne3A_1123 = arith.cmpi ne, %rem3A_1121, %ne3A_1122 : i32
      %and3A_1124 = arith.andi %ne3A_1120, %ne3A_1123 : i1
      %sub3A_1125 = arith.constant 1 : i32
      %sub3A_1126 = arith.subi %div3A_1105, %sub3A_1125 : i32
      %select_n3A_1127 = arith.select %and3A_1124, %sub3A_1126, %div3A_1105 : i32
      %jit3A_1128 = arith.constant 32 : i32
      %eq3A_1129 = arith.constant 0 : i32
      %eq3A_1130 = arith.cmpi eq, %jit3A_1128, %eq3A_1129 : i32
      %jit3A_1131 = arith.constant 1 : i32
      %select_n3A_1132 = arith.select %eq3A_1130, %jit3A_1131, %jit3A_1128 : i32
      %rem3A_1133 = arith.remsi %add3A_1074, %select_n3A_1132 : i32
      %ne3A_1134 = arith.constant 0 : i32
      %ne3A_1135 = arith.cmpi ne, %rem3A_1133, %ne3A_1134 : i32
      %lt3A_1136 = arith.constant 0 : i32
      %lt3A_1137 = arith.cmpi slt, %rem3A_1133, %lt3A_1136 : i32
      %lt3A_1138 = arith.constant 0 : i32
      %lt3A_1139 = arith.cmpi slt, %select_n3A_1132, %lt3A_1138 : i32
      %ne3A_1140 = arith.xori %lt3A_1137, %lt3A_1139 : i1
      %and3A_1141 = arith.andi %ne3A_1140, %ne3A_1135 : i1
      %add3A_1142 = arith.addi %rem3A_1133, %select_n3A_1132 : i32
      %select_n3A_1143 = arith.select %and3A_1141, %add3A_1142, %rem3A_1133 : i32
      %mul3A_1144 = arith.constant 128 : i32
      %mul3A_1145 = arith.muli %select_n3A_1143, %mul3A_1144 : i32
      %dma_start3A_1146 = arith.constant 5 : i32
      %dma_start3A_1147 = arith.constant 0 : i32
      %dma_start3A_1148 = arith.constant 0 : i32
      %dma_start3A_1149 = tpu.memref_slice %arg7[%dma_start3A_1146, %dma_start3A_1147, %dma_start3A_1148] : memref<8x128x64xbf16, #tpu.memory_space<vmem>> -> memref<1x128x64xbf16, #tpu.memory_space<vmem>>
      %dma_start3A_1150 = tpu.memref_squeeze %dma_start3A_1149 : memref<1x128x64xbf16, #tpu.memory_space<vmem>> -> memref<128x64xbf16, #tpu.memory_space<vmem>>
      %dma_start3A_1151 = arith.constant 0 : i32
      %dma_start3A_1152 = tpu.memref_slice %arg4[%mul3A_1145, %select_n3A_1127, %dma_start3A_1151] : memref<4096x200x64xbf16, #tpu.memory_space<hbm>> -> memref<128x1x64xbf16, #tpu.memory_space<hbm>>
      %dma_start3A_1153 = tpu.memref_squeeze %dma_start3A_1152 : memref<128x1x64xbf16, #tpu.memory_space<hbm>> -> memref<128x64xbf16, #tpu.memory_space<hbm>>
      %dma_start3A_1154 = arith.constant 0 : i32
      %dma_start3A_1155 = tpu.memref_slice %arg4[%mul3A_1145, %select_n3A_1127, %dma_start3A_1154] : memref<4096x200x64xbf16, #tpu.memory_space<hbm>> -> memref<128x1x64xbf16, #tpu.memory_space<hbm>>
      %dma_start3A_1156 = tpu.memref_squeeze %dma_start3A_1155 : memref<128x1x64xbf16, #tpu.memory_space<hbm>> -> memref<128x64xbf16, #tpu.memory_space<hbm>>
      %dma_start3A_1157 = arith.constant 0 : i32
      %dma_start3A_1158 = arith.constant 0 : i32
      %dma_start3A_1159 = tpu.memref_slice %arg7[%dma_start3A_1146, %dma_start3A_1157, %dma_start3A_1158] : memref<8x128x64xbf16, #tpu.memory_space<vmem>> -> memref<1x128x64xbf16, #tpu.memory_space<vmem>>
      %dma_start3A_1160 = tpu.memref_squeeze %dma_start3A_1159 : memref<1x128x64xbf16, #tpu.memory_space<vmem>> -> memref<128x64xbf16, #tpu.memory_space<vmem>>
      tpu.enqueue_dma source(%dma_start3A_1160 : memref<128x64xbf16, #tpu.memory_space<vmem>>) target(%dma_start3A_1156 : memref<128x64xbf16, #tpu.memory_space<hbm>>) target_semaphore(%arg22 : memref<!tpu.dma_semaphore, #tpu.memory_space<semaphore_mem>>)
      %lt3A_1161 = arith.constant 24 : i32
      %lt3A_1162 = arith.cmpi slt, %scan3A_608, %lt3A_1161 : i32
      %convert_element_type3A_1163 = arith.extui %lt3A_1162 : i1 to i32
      %cond3A_1164 = arith.constant 0 : i32
      %cond3A_1165 = arith.cmpi ne, %convert_element_type3A_1163, %cond3A_1164 : i32
      scf.if %cond3A_1165 {
        %add3A_1352 = arith.constant 8 : i32
        %add3A_1353 = arith.addi %add3A_1074, %add3A_1352 : i32
        %sub3A_1354 = arith.subi %add3A_1353, %mul3A_2 : i32
        %mul3A_1355 = arith.constant 128 : i32
        %mul3A_1356 = arith.muli %sub3A_1354, %mul3A_1355 : i32
        %dma_start3A_1357 = arith.constant 5 : i32
        %dma_start3A_1358 = arith.constant 0 : i32
        %dma_start3A_1359 = arith.constant 0 : i32
        %dma_start3A_1360 = tpu.memref_slice %arg6[%dma_start3A_1357, %dma_start3A_1358, %dma_start3A_1359] : memref<8x128x32xi32, #tpu.memory_space<vmem>> -> memref<1x128x32xi32, #tpu.memory_space<vmem>>
        %dma_start3A_1361 = tpu.memref_squeeze %dma_start3A_1360 : memref<1x128x32xi32, #tpu.memory_space<vmem>> -> memref<128x32xi32, #tpu.memory_space<vmem>>
        %dma_start3A_1362 = tpu.memref_slice %arg5[%mul3A_1356] : memref<25600xi32, #tpu.memory_space<vmem>> -> memref<128xi32, #tpu.memory_space<vmem>>
        %dma_start3A_1363 = arith.constant 0 : i32
        %dma_start3A_1364 = arith.constant 0 : i32
        %dma_start3A_1365 = tpu.memref_slice %arg3[%dma_start3A_1363, %dma_start3A_1364] : memref<1007616x32xi32, #tpu.memory_space<hbm>> -> memref<1007616x32xi32, #tpu.memory_space<hbm>>
        tpu.enqueue_indirect_dma source(%dma_start3A_1365 : memref<1007616x32xi32, #tpu.memory_space<hbm>>) target(%dma_start3A_1361 : memref<128x32xi32, #tpu.memory_space<vmem>>) offsets(%dma_start3A_1362 : memref<128xi32, #tpu.memory_space<vmem>>) semaphore(%arg14 : memref<!tpu.dma_semaphore, #tpu.memory_space<semaphore_mem>>)
      } else {
      }
      %add3A_1166 = arith.constant 6 : i32
      %add3A_1167 = arith.addi %add3A_611, %add3A_1166 : i32
      %sub3A_1168 = arith.subi %add3A_1167, %mul3A_2 : i32
      %mul3A_1169 = arith.constant 128 : i32
      %mul3A_1170 = arith.muli %sub3A_1168, %mul3A_1169 : i32
      %dma_wait3A_1171 = arith.constant 6 : i32
      %dma_wait3A_1172 = arith.constant 0 : i32
      %dma_wait3A_1173 = arith.constant 0 : i32
      %dma_wait3A_1174 = tpu.memref_slice %arg6[%dma_wait3A_1171, %dma_wait3A_1172, %dma_wait3A_1173] : memref<8x128x32xi32, #tpu.memory_space<vmem>> -> memref<1x128x32xi32, #tpu.memory_space<vmem>>
      %dma_wait3A_1175 = tpu.memref_squeeze %dma_wait3A_1174 : memref<1x128x32xi32, #tpu.memory_space<vmem>> -> memref<128x32xi32, #tpu.memory_space<vmem>>
      %dma_wait3A_1176 = tpu.memref_slice %arg5[%mul3A_1170] : memref<25600xi32, #tpu.memory_space<vmem>> -> memref<128xi32, #tpu.memory_space<vmem>>
      %dma_wait3A_1177 = arith.constant 0 : i32
      %dma_wait3A_1178 = arith.constant 0 : i32
      %dma_wait3A_1179 = tpu.memref_slice %arg3[%dma_wait3A_1177, %dma_wait3A_1178] : memref<1007616x32xi32, #tpu.memory_space<hbm>> -> memref<1007616x32xi32, #tpu.memory_space<hbm>>
      tpu.wait_indirect_dma semaphore(%arg15 : memref<!tpu.dma_semaphore, #tpu.memory_space<semaphore_mem>>) src(%dma_wait3A_1179 : memref<1007616x32xi32, #tpu.memory_space<hbm>>) dst(%dma_wait3A_1175 : memref<128x32xi32, #tpu.memory_space<vmem>>)
      %gt3A_1180 = arith.constant 0 : i32
      %gt3A_1181 = arith.cmpi sgt, %scan3A_608, %gt3A_1180 : i32
      %convert_element_type3A_1182 = arith.extui %gt3A_1181 : i1 to i32
      %cond3A_1183 = arith.constant 0 : i32
      %cond3A_1184 = arith.cmpi ne, %convert_element_type3A_1182, %cond3A_1183 : i32
      scf.if %cond3A_1184 {
        %sub3A_1352 = arith.constant 8 : i32
        %sub3A_1353 = arith.subi %add3A_1167, %sub3A_1352 : i32
        %jit3A_1354 = arith.constant 32 : i32
        %div3A_1355 = arith.divsi %sub3A_1353, %jit3A_1354 : i32
        %sign3A_1356 = arith.constant 0 : i32
        %sign3A_1357 = arith.cmpi sgt, %sub3A_1353, %sign3A_1356 : i32
        %sign3A_1358 = arith.extui %sign3A_1357 : i1 to i32
        %sign3A_1359 = arith.constant 0 : i32
        %sign3A_1360 = arith.cmpi slt, %sub3A_1353, %sign3A_1359 : i32
        %sign3A_1361 = arith.extui %sign3A_1360 : i1 to i32
        %sign3A_1362 = arith.subi %sign3A_1358, %sign3A_1361 : i32
        %sign3A_1363 = arith.constant 0 : i32
        %sign3A_1364 = arith.cmpi sgt, %jit3A_1354, %sign3A_1363 : i32
        %sign3A_1365 = arith.extui %sign3A_1364 : i1 to i32
        %sign3A_1366 = arith.constant 0 : i32
        %sign3A_1367 = arith.cmpi slt, %jit3A_1354, %sign3A_1366 : i32
        %sign3A_1368 = arith.extui %sign3A_1367 : i1 to i32
        %sign3A_1369 = arith.subi %sign3A_1365, %sign3A_1368 : i32
        %ne3A_1370 = arith.cmpi ne, %sign3A_1362, %sign3A_1369 : i32
        %rem3A_1371 = arith.remsi %sub3A_1353, %jit3A_1354 : i32
        %ne3A_1372 = arith.constant 0 : i32
        %ne3A_1373 = arith.cmpi ne, %rem3A_1371, %ne3A_1372 : i32
        %and3A_1374 = arith.andi %ne3A_1370, %ne3A_1373 : i1
        %sub3A_1375 = arith.constant 1 : i32
        %sub3A_1376 = arith.subi %div3A_1355, %sub3A_1375 : i32
        %select_n3A_1377 = arith.select %and3A_1374, %sub3A_1376, %div3A_1355 : i32
        %jit3A_1378 = arith.constant 32 : i32
        %eq3A_1379 = arith.constant 0 : i32
        %eq3A_1380 = arith.cmpi eq, %jit3A_1378, %eq3A_1379 : i32
        %jit3A_1381 = arith.constant 1 : i32
        %select_n3A_1382 = arith.select %eq3A_1380, %jit3A_1381, %jit3A_1378 : i32
        %rem3A_1383 = arith.remsi %sub3A_1353, %select_n3A_1382 : i32
        %ne3A_1384 = arith.constant 0 : i32
        %ne3A_1385 = arith.cmpi ne, %rem3A_1383, %ne3A_1384 : i32
        %lt3A_1386 = arith.constant 0 : i32
        %lt3A_1387 = arith.cmpi slt, %rem3A_1383, %lt3A_1386 : i32
        %lt3A_1388 = arith.constant 0 : i32
        %lt3A_1389 = arith.cmpi slt, %select_n3A_1382, %lt3A_1388 : i32
        %ne3A_1390 = arith.xori %lt3A_1387, %lt3A_1389 : i1
        %and3A_1391 = arith.andi %ne3A_1390, %ne3A_1385 : i1
        %add3A_1392 = arith.addi %rem3A_1383, %select_n3A_1382 : i32
        %select_n3A_1393 = arith.select %and3A_1391, %add3A_1392, %rem3A_1383 : i32
        %mul3A_1394 = arith.constant 128 : i32
        %mul3A_1395 = arith.muli %select_n3A_1393, %mul3A_1394 : i32
        %dma_wait3A_1396 = arith.constant 6 : i32
        %dma_wait3A_1397 = arith.constant 0 : i32
        %dma_wait3A_1398 = arith.constant 0 : i32
        %dma_wait3A_1399 = tpu.memref_slice %arg7[%dma_wait3A_1396, %dma_wait3A_1397, %dma_wait3A_1398] : memref<8x128x64xbf16, #tpu.memory_space<vmem>> -> memref<1x128x64xbf16, #tpu.memory_space<vmem>>
        %dma_wait3A_1400 = tpu.memref_squeeze %dma_wait3A_1399 : memref<1x128x64xbf16, #tpu.memory_space<vmem>> -> memref<128x64xbf16, #tpu.memory_space<vmem>>
        %dma_wait3A_1401 = arith.constant 0 : i32
        %dma_wait3A_1402 = tpu.memref_slice %arg4[%mul3A_1395, %select_n3A_1377, %dma_wait3A_1401] : memref<4096x200x64xbf16, #tpu.memory_space<hbm>> -> memref<128x1x64xbf16, #tpu.memory_space<hbm>>
        %dma_wait3A_1403 = tpu.memref_squeeze %dma_wait3A_1402 : memref<128x1x64xbf16, #tpu.memory_space<hbm>> -> memref<128x64xbf16, #tpu.memory_space<hbm>>
        %dma_wait3A_1404 = arith.constant 0 : i32
        %dma_wait3A_1405 = tpu.memref_slice %arg4[%mul3A_1395, %select_n3A_1377, %dma_wait3A_1404] : memref<4096x200x64xbf16, #tpu.memory_space<hbm>> -> memref<128x1x64xbf16, #tpu.memory_space<hbm>>
        %dma_wait3A_1406 = tpu.memref_squeeze %dma_wait3A_1405 : memref<128x1x64xbf16, #tpu.memory_space<hbm>> -> memref<128x64xbf16, #tpu.memory_space<hbm>>
        %dma_wait3A_1407 = arith.constant 0 : i32
        %dma_wait3A_1408 = arith.constant 0 : i32
        %dma_wait3A_1409 = tpu.memref_slice %arg7[%dma_wait3A_1396, %dma_wait3A_1407, %dma_wait3A_1408] : memref<8x128x64xbf16, #tpu.memory_space<vmem>> -> memref<1x128x64xbf16, #tpu.memory_space<vmem>>
        %dma_wait3A_1410 = tpu.memref_squeeze %dma_wait3A_1409 : memref<1x128x64xbf16, #tpu.memory_space<vmem>> -> memref<128x64xbf16, #tpu.memory_space<vmem>>
        tpu.wait_dma2 semaphore(%arg23 : memref<!tpu.dma_semaphore, #tpu.memory_space<semaphore_mem>>) src(%dma_wait3A_1410 : memref<128x64xbf16, #tpu.memory_space<vmem>>) dst(%dma_wait3A_1406 : memref<128x64xbf16, #tpu.memory_space<hbm>>)
      } else {
      }
      %iota3A_1185 = tpu.iota {dimensions = array<i32: 0>} : vector<16xi32>
      %mul3A_1186 = arith.constant 2 : i32
      %mul3A_1187 = vector.broadcast %mul3A_1186 : i32 to vector<16xi32>
      %mul3A_1188 = arith.muli %iota3A_1185, %mul3A_1187 : vector<16xi32>
      %scan3A_1189 = arith.constant 6 : i32
      %scan3A_1190 = arith.constant 65535 : i32
      %scan3A_1191 = arith.constant 6 : i32
      %scan3A_1192 = arith.constant 0 : i32
      %scan3A_1193 = arith.constant 128 : i32
      %scan3A_1194 = arith.addi %scan3A_1192, %scan3A_1193 : i32
      %scan3A_1195 = arith.constant 2 : i32
      scf.for %scan3A_1352 = %scan3A_1192 to %scan3A_1194 step %scan3A_1195  : i32 {
        %broadcast_in_dim3A = vector.broadcast %scan3A_1352 : i32 to vector<16xi32>
        %gather3A = arith.constant 0 : i32
        %gather3A_1353 = arith.constant 0 : i32
        %gather3A_1354 = tpu.memref_slice %arg6[%scan3A_1189, %gather3A, %gather3A_1353] : memref<8x128x32xi32, #tpu.memory_space<vmem>> -> memref<1x128x32xi32, #tpu.memory_space<vmem>>
        %gather3A_1355 = tpu.memref_squeeze %gather3A_1354 : memref<1x128x32xi32, #tpu.memory_space<vmem>> -> memref<128x32xi32, #tpu.memory_space<vmem>>
        %gather3A_1356 = tpu.vector_load_idx %gather3A_1355[%broadcast_in_dim3A, %mul3A_1188] : memref<128x32xi32, #tpu.memory_space<vmem>>[vector<16xi32>, vector<16xi32>], vector<16xi32>,
        %add3A_1357 = arith.constant 1 : i32
        %add3A_1358 = vector.broadcast %add3A_1357 : i32 to vector<16xi32>
        %add3A_1359 = arith.addi %mul3A_1188, %add3A_1358 : vector<16xi32>
        %gather3A_1360 = arith.constant 0 : i32
        %gather3A_1361 = arith.constant 0 : i32
        %gather3A_1362 = tpu.memref_slice %arg6[%scan3A_1189, %gather3A_1360, %gather3A_1361] : memref<8x128x32xi32, #tpu.memory_space<vmem>> -> memref<1x128x32xi32, #tpu.memory_space<vmem>>
        %gather3A_1363 = tpu.memref_squeeze %gather3A_1362 : memref<1x128x32xi32, #tpu.memory_space<vmem>> -> memref<128x32xi32, #tpu.memory_space<vmem>>
        %gather3A_1364 = tpu.vector_load_idx %gather3A_1363[%broadcast_in_dim3A, %add3A_1359] : memref<128x32xi32, #tpu.memory_space<vmem>>[vector<16xi32>, vector<16xi32>], vector<16xi32>,
        %and3A_1365 = vector.broadcast %scan3A_1190 : i32 to vector<16xi32>
        %and3A_1366 = arith.andi %gather3A_1356, %and3A_1365 : vector<16xi32>
        %shift_left3A = arith.constant 16 : i32
        %shift_left3A_1367 = vector.broadcast %shift_left3A : i32 to vector<16xi32>
        %shift_left3A_1368 = arith.shli %gather3A_1364, %shift_left3A_1367 : vector<16xi32>
        %or3A = arith.ori %and3A_1366, %shift_left3A_1368 : vector<16xi32>
        %shift_right_logical3A = arith.constant 16 : i32
        %shift_right_logical3A_1369 = vector.broadcast %shift_right_logical3A : i32 to vector<16xi32>
        %shift_right_logical3A_1370 = arith.shrui %gather3A_1356, %shift_right_logical3A_1369 : vector<16xi32>
        %not3A = arith.constant -1 : i32
        %not3A_1371 = arith.xori %scan3A_1190, %not3A : i32
        %and3A_1372 = vector.broadcast %not3A_1371 : i32 to vector<16xi32>
        %and3A_1373 = arith.andi %gather3A_1364, %and3A_1372 : vector<16xi32>
        %or3A_1374 = arith.ori %shift_right_logical3A_1370, %and3A_1373 : vector<16xi32>
        %bitcast3A = vector.bitcast %or3A : vector<16xi32> to vector<32xbf16>
        %swap3A = arith.constant 0 : i32
        %swap3A_1375 = arith.constant 0 : i32
        %swap3A_1376 = tpu.memref_slice %arg7[%scan3A_1191, %swap3A, %swap3A_1375] : memref<8x128x64xbf16, #tpu.memory_space<vmem>> -> memref<1x128x64xbf16, #tpu.memory_space<vmem>>
        %swap3A_1377 = tpu.memref_squeeze %swap3A_1376 : memref<1x128x64xbf16, #tpu.memory_space<vmem>> -> memref<128x64xbf16, #tpu.memory_space<vmem>>
        %swap3A_1378 = arith.index_cast %scan3A_1352 : i32 to index
        %swap3A_1379 = arith.constant 0 : index
        %swap3A_1380 = tpu.vector_load %swap3A_1377[%swap3A_1378, %swap3A_1379] {strides = array<i32>} : memref<128x64xbf16, #tpu.memory_space<vmem>>, vector<32xbf16>,
        tpu.vector_store %swap3A_1377[%swap3A_1378, %swap3A_1379], %bitcast3A {strides = array<i32>} : memref<128x64xbf16, #tpu.memory_space<vmem>>, vector<32xbf16>,
        %bitcast3A_1381 = vector.bitcast %or3A_1374 : vector<16xi32> to vector<32xbf16>
        %swap3A_1382 = arith.constant 0 : i32
        %swap3A_1383 = arith.constant 0 : i32
        %swap3A_1384 = tpu.memref_slice %arg7[%scan3A_1191, %swap3A_1382, %swap3A_1383] : memref<8x128x64xbf16, #tpu.memory_space<vmem>> -> memref<1x128x64xbf16, #tpu.memory_space<vmem>>
        %swap3A_1385 = tpu.memref_squeeze %swap3A_1384 : memref<1x128x64xbf16, #tpu.memory_space<vmem>> -> memref<128x64xbf16, #tpu.memory_space<vmem>>
        %swap3A_1386 = arith.index_cast %scan3A_1352 : i32 to index
        %swap3A_1387 = arith.constant 32 : index
        %swap3A_1388 = tpu.vector_load %swap3A_1385[%swap3A_1386, %swap3A_1387] {strides = array<i32>} : memref<128x64xbf16, #tpu.memory_space<vmem>>, vector<32xbf16>,
        tpu.vector_store %swap3A_1385[%swap3A_1386, %swap3A_1387], %bitcast3A_1381 {strides = array<i32>} : memref<128x64xbf16, #tpu.memory_space<vmem>>, vector<32xbf16>,
        %scan3A_1389 = arith.constant 1 : i32
        %scan3A_1390 = arith.addi %scan3A_1352, %scan3A_1389 : i32
        %broadcast_in_dim3A_1391 = vector.broadcast %scan3A_1390 : i32 to vector<16xi32>
        %gather3A_1392 = arith.constant 0 : i32
        %gather3A_1393 = arith.constant 0 : i32
        %gather3A_1394 = tpu.memref_slice %arg6[%scan3A_1189, %gather3A_1392, %gather3A_1393] : memref<8x128x32xi32, #tpu.memory_space<vmem>> -> memref<1x128x32xi32, #tpu.memory_space<vmem>>
        %gather3A_1395 = tpu.memref_squeeze %gather3A_1394 : memref<1x128x32xi32, #tpu.memory_space<vmem>> -> memref<128x32xi32, #tpu.memory_space<vmem>>
        %gather3A_1396 = tpu.vector_load_idx %gather3A_1395[%broadcast_in_dim3A_1391, %mul3A_1188] : memref<128x32xi32, #tpu.memory_space<vmem>>[vector<16xi32>, vector<16xi32>], vector<16xi32>,
        %add3A_1397 = arith.constant 1 : i32
        %add3A_1398 = vector.broadcast %add3A_1397 : i32 to vector<16xi32>
        %add3A_1399 = arith.addi %mul3A_1188, %add3A_1398 : vector<16xi32>
        %gather3A_1400 = arith.constant 0 : i32
        %gather3A_1401 = arith.constant 0 : i32
        %gather3A_1402 = tpu.memref_slice %arg6[%scan3A_1189, %gather3A_1400, %gather3A_1401] : memref<8x128x32xi32, #tpu.memory_space<vmem>> -> memref<1x128x32xi32, #tpu.memory_space<vmem>>
        %gather3A_1403 = tpu.memref_squeeze %gather3A_1402 : memref<1x128x32xi32, #tpu.memory_space<vmem>> -> memref<128x32xi32, #tpu.memory_space<vmem>>
        %gather3A_1404 = tpu.vector_load_idx %gather3A_1403[%broadcast_in_dim3A_1391, %add3A_1399] : memref<128x32xi32, #tpu.memory_space<vmem>>[vector<16xi32>, vector<16xi32>], vector<16xi32>,
        %and3A_1405 = vector.broadcast %scan3A_1190 : i32 to vector<16xi32>
        %and3A_1406 = arith.andi %gather3A_1396, %and3A_1405 : vector<16xi32>
        %shift_left3A_1407 = arith.constant 16 : i32
        %shift_left3A_1408 = vector.broadcast %shift_left3A_1407 : i32 to vector<16xi32>
        %shift_left3A_1409 = arith.shli %gather3A_1404, %shift_left3A_1408 : vector<16xi32>
        %or3A_1410 = arith.ori %and3A_1406, %shift_left3A_1409 : vector<16xi32>
        %shift_right_logical3A_1411 = arith.constant 16 : i32
        %shift_right_logical3A_1412 = vector.broadcast %shift_right_logical3A_1411 : i32 to vector<16xi32>
        %shift_right_logical3A_1413 = arith.shrui %gather3A_1396, %shift_right_logical3A_1412 : vector<16xi32>
        %not3A_1414 = arith.constant -1 : i32
        %not3A_1415 = arith.xori %scan3A_1190, %not3A_1414 : i32
        %and3A_1416 = vector.broadcast %not3A_1415 : i32 to vector<16xi32>
        %and3A_1417 = arith.andi %gather3A_1404, %and3A_1416 : vector<16xi32>
        %or3A_1418 = arith.ori %shift_right_logical3A_1413, %and3A_1417 : vector<16xi32>
        %bitcast3A_1419 = vector.bitcast %or3A_1410 : vector<16xi32> to vector<32xbf16>
        %swap3A_1420 = arith.constant 0 : i32
        %swap3A_1421 = arith.constant 0 : i32
        %swap3A_1422 = tpu.memref_slice %arg7[%scan3A_1191, %swap3A_1420, %swap3A_1421] : memref<8x128x64xbf16, #tpu.memory_space<vmem>> -> memref<1x128x64xbf16, #tpu.memory_space<vmem>>
        %swap3A_1423 = tpu.memref_squeeze %swap3A_1422 : memref<1x128x64xbf16, #tpu.memory_space<vmem>> -> memref<128x64xbf16, #tpu.memory_space<vmem>>
        %swap3A_1424 = arith.index_cast %scan3A_1390 : i32 to index
        %swap3A_1425 = arith.constant 0 : index
        %swap3A_1426 = tpu.vector_load %swap3A_1423[%swap3A_1424, %swap3A_1425] {strides = array<i32>} : memref<128x64xbf16, #tpu.memory_space<vmem>>, vector<32xbf16>,
        tpu.vector_store %swap3A_1423[%swap3A_1424, %swap3A_1425], %bitcast3A_1419 {strides = array<i32>} : memref<128x64xbf16, #tpu.memory_space<vmem>>, vector<32xbf16>,
        %bitcast3A_1427 = vector.bitcast %or3A_1418 : vector<16xi32> to vector<32xbf16>
        %swap3A_1428 = arith.constant 0 : i32
        %swap3A_1429 = arith.constant 0 : i32
        %swap3A_1430 = tpu.memref_slice %arg7[%scan3A_1191, %swap3A_1428, %swap3A_1429] : memref<8x128x64xbf16, #tpu.memory_space<vmem>> -> memref<1x128x64xbf16, #tpu.memory_space<vmem>>
        %swap3A_1431 = tpu.memref_squeeze %swap3A_1430 : memref<1x128x64xbf16, #tpu.memory_space<vmem>> -> memref<128x64xbf16, #tpu.memory_space<vmem>>
        %swap3A_1432 = arith.index_cast %scan3A_1390 : i32 to index
        %swap3A_1433 = arith.constant 32 : index
        %swap3A_1434 = tpu.vector_load %swap3A_1431[%swap3A_1432, %swap3A_1433] {strides = array<i32>} : memref<128x64xbf16, #tpu.memory_space<vmem>>, vector<32xbf16>,
        tpu.vector_store %swap3A_1431[%swap3A_1432, %swap3A_1433], %bitcast3A_1427 {strides = array<i32>} : memref<128x64xbf16, #tpu.memory_space<vmem>>, vector<32xbf16>,
      }
      %scan3A_1196 = arith.constant 128 : i32
      %jit3A_1197 = arith.constant 32 : i32
      %div3A_1198 = arith.divsi %add3A_1167, %jit3A_1197 : i32
      %sign3A_1199 = arith.constant 0 : i32
      %sign3A_1200 = arith.cmpi sgt, %add3A_1167, %sign3A_1199 : i32
      %sign3A_1201 = arith.extui %sign3A_1200 : i1 to i32
      %sign3A_1202 = arith.constant 0 : i32
      %sign3A_1203 = arith.cmpi slt, %add3A_1167, %sign3A_1202 : i32
      %sign3A_1204 = arith.extui %sign3A_1203 : i1 to i32
      %sign3A_1205 = arith.subi %sign3A_1201, %sign3A_1204 : i32
      %sign3A_1206 = arith.constant 0 : i32
      %sign3A_1207 = arith.cmpi sgt, %jit3A_1197, %sign3A_1206 : i32
      %sign3A_1208 = arith.extui %sign3A_1207 : i1 to i32
      %sign3A_1209 = arith.constant 0 : i32
      %sign3A_1210 = arith.cmpi slt, %jit3A_1197, %sign3A_1209 : i32
      %sign3A_1211 = arith.extui %sign3A_1210 : i1 to i32
      %sign3A_1212 = arith.subi %sign3A_1208, %sign3A_1211 : i32
      %ne3A_1213 = arith.cmpi ne, %sign3A_1205, %sign3A_1212 : i32
      %rem3A_1214 = arith.remsi %add3A_1167, %jit3A_1197 : i32
      %ne3A_1215 = arith.constant 0 : i32
      %ne3A_1216 = arith.cmpi ne, %rem3A_1214, %ne3A_1215 : i32
      %and3A_1217 = arith.andi %ne3A_1213, %ne3A_1216 : i1
      %sub3A_1218 = arith.constant 1 : i32
      %sub3A_1219 = arith.subi %div3A_1198, %sub3A_1218 : i32
      %select_n3A_1220 = arith.select %and3A_1217, %sub3A_1219, %div3A_1198 : i32
      %jit3A_1221 = arith.constant 32 : i32
      %eq3A_1222 = arith.constant 0 : i32
      %eq3A_1223 = arith.cmpi eq, %jit3A_1221, %eq3A_1222 : i32
      %jit3A_1224 = arith.constant 1 : i32
      %select_n3A_1225 = arith.select %eq3A_1223, %jit3A_1224, %jit3A_1221 : i32
      %rem3A_1226 = arith.remsi %add3A_1167, %select_n3A_1225 : i32
      %ne3A_1227 = arith.constant 0 : i32
      %ne3A_1228 = arith.cmpi ne, %rem3A_1226, %ne3A_1227 : i32
      %lt3A_1229 = arith.constant 0 : i32
      %lt3A_1230 = arith.cmpi slt, %rem3A_1226, %lt3A_1229 : i32
      %lt3A_1231 = arith.constant 0 : i32
      %lt3A_1232 = arith.cmpi slt, %select_n3A_1225, %lt3A_1231 : i32
      %ne3A_1233 = arith.xori %lt3A_1230, %lt3A_1232 : i1
      %and3A_1234 = arith.andi %ne3A_1233, %ne3A_1228 : i1
      %add3A_1235 = arith.addi %rem3A_1226, %select_n3A_1225 : i32
      %select_n3A_1236 = arith.select %and3A_1234, %add3A_1235, %rem3A_1226 : i32
      %mul3A_1237 = arith.constant 128 : i32
      %mul3A_1238 = arith.muli %select_n3A_1236, %mul3A_1237 : i32
      %dma_start3A_1239 = arith.constant 6 : i32
      %dma_start3A_1240 = arith.constant 0 : i32
      %dma_start3A_1241 = arith.constant 0 : i32
      %dma_start3A_1242 = tpu.memref_slice %arg7[%dma_start3A_1239, %dma_start3A_1240, %dma_start3A_1241] : memref<8x128x64xbf16, #tpu.memory_space<vmem>> -> memref<1x128x64xbf16, #tpu.memory_space<vmem>>
      %dma_start3A_1243 = tpu.memref_squeeze %dma_start3A_1242 : memref<1x128x64xbf16, #tpu.memory_space<vmem>> -> memref<128x64xbf16, #tpu.memory_space<vmem>>
      %dma_start3A_1244 = arith.constant 0 : i32
      %dma_start3A_1245 = tpu.memref_slice %arg4[%mul3A_1238, %select_n3A_1220, %dma_start3A_1244] : memref<4096x200x64xbf16, #tpu.memory_space<hbm>> -> memref<128x1x64xbf16, #tpu.memory_space<hbm>>
      %dma_start3A_1246 = tpu.memref_squeeze %dma_start3A_1245 : memref<128x1x64xbf16, #tpu.memory_space<hbm>> -> memref<128x64xbf16, #tpu.memory_space<hbm>>
      %dma_start3A_1247 = arith.constant 0 : i32
      %dma_start3A_1248 = tpu.memref_slice %arg4[%mul3A_1238, %select_n3A_1220, %dma_start3A_1247] : memref<4096x200x64xbf16, #tpu.memory_space<hbm>> -> memref<128x1x64xbf16, #tpu.memory_space<hbm>>
      %dma_start3A_1249 = tpu.memref_squeeze %dma_start3A_1248 : memref<128x1x64xbf16, #tpu.memory_space<hbm>> -> memref<128x64xbf16, #tpu.memory_space<hbm>>
      %dma_start3A_1250 = arith.constant 0 : i32
      %dma_start3A_1251 = arith.constant 0 : i32
      %dma_start3A_1252 = tpu.memref_slice %arg7[%dma_start3A_1239, %dma_start3A_1250, %dma_start3A_1251] : memref<8x128x64xbf16, #tpu.memory_space<vmem>> -> memref<1x128x64xbf16, #tpu.memory_space<vmem>>
      %dma_start3A_1253 = tpu.memref_squeeze %dma_start3A_1252 : memref<1x128x64xbf16, #tpu.memory_space<vmem>> -> memref<128x64xbf16, #tpu.memory_space<vmem>>
      tpu.enqueue_dma source(%dma_start3A_1253 : memref<128x64xbf16, #tpu.memory_space<vmem>>) target(%dma_start3A_1249 : memref<128x64xbf16, #tpu.memory_space<hbm>>) target_semaphore(%arg23 : memref<!tpu.dma_semaphore, #tpu.memory_space<semaphore_mem>>)
      %lt3A_1254 = arith.constant 24 : i32
      %lt3A_1255 = arith.cmpi slt, %scan3A_608, %lt3A_1254 : i32
      %convert_element_type3A_1256 = arith.extui %lt3A_1255 : i1 to i32
      %cond3A_1257 = arith.constant 0 : i32
      %cond3A_1258 = arith.cmpi ne, %convert_element_type3A_1256, %cond3A_1257 : i32
      scf.if %cond3A_1258 {
        %add3A_1352 = arith.constant 8 : i32
        %add3A_1353 = arith.addi %add3A_1167, %add3A_1352 : i32
        %sub3A_1354 = arith.subi %add3A_1353, %mul3A_2 : i32
        %mul3A_1355 = arith.constant 128 : i32
        %mul3A_1356 = arith.muli %sub3A_1354, %mul3A_1355 : i32
        %dma_start3A_1357 = arith.constant 6 : i32
        %dma_start3A_1358 = arith.constant 0 : i32
        %dma_start3A_1359 = arith.constant 0 : i32
        %dma_start3A_1360 = tpu.memref_slice %arg6[%dma_start3A_1357, %dma_start3A_1358, %dma_start3A_1359] : memref<8x128x32xi32, #tpu.memory_space<vmem>> -> memref<1x128x32xi32, #tpu.memory_space<vmem>>
        %dma_start3A_1361 = tpu.memref_squeeze %dma_start3A_1360 : memref<1x128x32xi32, #tpu.memory_space<vmem>> -> memref<128x32xi32, #tpu.memory_space<vmem>>
        %dma_start3A_1362 = tpu.memref_slice %arg5[%mul3A_1356] : memref<25600xi32, #tpu.memory_space<vmem>> -> memref<128xi32, #tpu.memory_space<vmem>>
        %dma_start3A_1363 = arith.constant 0 : i32
        %dma_start3A_1364 = arith.constant 0 : i32
        %dma_start3A_1365 = tpu.memref_slice %arg3[%dma_start3A_1363, %dma_start3A_1364] : memref<1007616x32xi32, #tpu.memory_space<hbm>> -> memref<1007616x32xi32, #tpu.memory_space<hbm>>
        tpu.enqueue_indirect_dma source(%dma_start3A_1365 : memref<1007616x32xi32, #tpu.memory_space<hbm>>) target(%dma_start3A_1361 : memref<128x32xi32, #tpu.memory_space<vmem>>) offsets(%dma_start3A_1362 : memref<128xi32, #tpu.memory_space<vmem>>) semaphore(%arg15 : memref<!tpu.dma_semaphore, #tpu.memory_space<semaphore_mem>>)
      } else {
      }
      %add3A_1259 = arith.constant 7 : i32
      %add3A_1260 = arith.addi %add3A_611, %add3A_1259 : i32
      %sub3A_1261 = arith.subi %add3A_1260, %mul3A_2 : i32
      %mul3A_1262 = arith.constant 128 : i32
      %mul3A_1263 = arith.muli %sub3A_1261, %mul3A_1262 : i32
      %dma_wait3A_1264 = arith.constant 7 : i32
      %dma_wait3A_1265 = arith.constant 0 : i32
      %dma_wait3A_1266 = arith.constant 0 : i32
      %dma_wait3A_1267 = tpu.memref_slice %arg6[%dma_wait3A_1264, %dma_wait3A_1265, %dma_wait3A_1266] : memref<8x128x32xi32, #tpu.memory_space<vmem>> -> memref<1x128x32xi32, #tpu.memory_space<vmem>>
      %dma_wait3A_1268 = tpu.memref_squeeze %dma_wait3A_1267 : memref<1x128x32xi32, #tpu.memory_space<vmem>> -> memref<128x32xi32, #tpu.memory_space<vmem>>
      %dma_wait3A_1269 = tpu.memref_slice %arg5[%mul3A_1263] : memref<25600xi32, #tpu.memory_space<vmem>> -> memref<128xi32, #tpu.memory_space<vmem>>
      %dma_wait3A_1270 = arith.constant 0 : i32
      %dma_wait3A_1271 = arith.constant 0 : i32
      %dma_wait3A_1272 = tpu.memref_slice %arg3[%dma_wait3A_1270, %dma_wait3A_1271] : memref<1007616x32xi32, #tpu.memory_space<hbm>> -> memref<1007616x32xi32, #tpu.memory_space<hbm>>
      tpu.wait_indirect_dma semaphore(%arg16 : memref<!tpu.dma_semaphore, #tpu.memory_space<semaphore_mem>>) src(%dma_wait3A_1272 : memref<1007616x32xi32, #tpu.memory_space<hbm>>) dst(%dma_wait3A_1268 : memref<128x32xi32, #tpu.memory_space<vmem>>)
      %gt3A_1273 = arith.constant 0 : i32
      %gt3A_1274 = arith.cmpi sgt, %scan3A_608, %gt3A_1273 : i32
      %convert_element_type3A_1275 = arith.extui %gt3A_1274 : i1 to i32
      %cond3A_1276 = arith.constant 0 : i32
      %cond3A_1277 = arith.cmpi ne, %convert_element_type3A_1275, %cond3A_1276 : i32
      scf.if %cond3A_1277 {
        %sub3A_1352 = arith.constant 8 : i32
        %sub3A_1353 = arith.subi %add3A_1260, %sub3A_1352 : i32
        %jit3A_1354 = arith.constant 32 : i32
        %div3A_1355 = arith.divsi %sub3A_1353, %jit3A_1354 : i32
        %sign3A_1356 = arith.constant 0 : i32
        %sign3A_1357 = arith.cmpi sgt, %sub3A_1353, %sign3A_1356 : i32
        %sign3A_1358 = arith.extui %sign3A_1357 : i1 to i32
        %sign3A_1359 = arith.constant 0 : i32
        %sign3A_1360 = arith.cmpi slt, %sub3A_1353, %sign3A_1359 : i32
        %sign3A_1361 = arith.extui %sign3A_1360 : i1 to i32
        %sign3A_1362 = arith.subi %sign3A_1358, %sign3A_1361 : i32
        %sign3A_1363 = arith.constant 0 : i32
        %sign3A_1364 = arith.cmpi sgt, %jit3A_1354, %sign3A_1363 : i32
        %sign3A_1365 = arith.extui %sign3A_1364 : i1 to i32
        %sign3A_1366 = arith.constant 0 : i32
        %sign3A_1367 = arith.cmpi slt, %jit3A_1354, %sign3A_1366 : i32
        %sign3A_1368 = arith.extui %sign3A_1367 : i1 to i32
        %sign3A_1369 = arith.subi %sign3A_1365, %sign3A_1368 : i32
        %ne3A_1370 = arith.cmpi ne, %sign3A_1362, %sign3A_1369 : i32
        %rem3A_1371 = arith.remsi %sub3A_1353, %jit3A_1354 : i32
        %ne3A_1372 = arith.constant 0 : i32
        %ne3A_1373 = arith.cmpi ne, %rem3A_1371, %ne3A_1372 : i32
        %and3A_1374 = arith.andi %ne3A_1370, %ne3A_1373 : i1
        %sub3A_1375 = arith.constant 1 : i32
        %sub3A_1376 = arith.subi %div3A_1355, %sub3A_1375 : i32
        %select_n3A_1377 = arith.select %and3A_1374, %sub3A_1376, %div3A_1355 : i32
        %jit3A_1378 = arith.constant 32 : i32
        %eq3A_1379 = arith.constant 0 : i32
        %eq3A_1380 = arith.cmpi eq, %jit3A_1378, %eq3A_1379 : i32
        %jit3A_1381 = arith.constant 1 : i32
        %select_n3A_1382 = arith.select %eq3A_1380, %jit3A_1381, %jit3A_1378 : i32
        %rem3A_1383 = arith.remsi %sub3A_1353, %select_n3A_1382 : i32
        %ne3A_1384 = arith.constant 0 : i32
        %ne3A_1385 = arith.cmpi ne, %rem3A_1383, %ne3A_1384 : i32
        %lt3A_1386 = arith.constant 0 : i32
        %lt3A_1387 = arith.cmpi slt, %rem3A_1383, %lt3A_1386 : i32
        %lt3A_1388 = arith.constant 0 : i32
        %lt3A_1389 = arith.cmpi slt, %select_n3A_1382, %lt3A_1388 : i32
        %ne3A_1390 = arith.xori %lt3A_1387, %lt3A_1389 : i1
        %and3A_1391 = arith.andi %ne3A_1390, %ne3A_1385 : i1
        %add3A_1392 = arith.addi %rem3A_1383, %select_n3A_1382 : i32
        %select_n3A_1393 = arith.select %and3A_1391, %add3A_1392, %rem3A_1383 : i32
        %mul3A_1394 = arith.constant 128 : i32
        %mul3A_1395 = arith.muli %select_n3A_1393, %mul3A_1394 : i32
        %dma_wait3A_1396 = arith.constant 7 : i32
        %dma_wait3A_1397 = arith.constant 0 : i32
        %dma_wait3A_1398 = arith.constant 0 : i32
        %dma_wait3A_1399 = tpu.memref_slice %arg7[%dma_wait3A_1396, %dma_wait3A_1397, %dma_wait3A_1398] : memref<8x128x64xbf16, #tpu.memory_space<vmem>> -> memref<1x128x64xbf16, #tpu.memory_space<vmem>>
        %dma_wait3A_1400 = tpu.memref_squeeze %dma_wait3A_1399 : memref<1x128x64xbf16, #tpu.memory_space<vmem>> -> memref<128x64xbf16, #tpu.memory_space<vmem>>
        %dma_wait3A_1401 = arith.constant 0 : i32
        %dma_wait3A_1402 = tpu.memref_slice %arg4[%mul3A_1395, %select_n3A_1377, %dma_wait3A_1401] : memref<4096x200x64xbf16, #tpu.memory_space<hbm>> -> memref<128x1x64xbf16, #tpu.memory_space<hbm>>
        %dma_wait3A_1403 = tpu.memref_squeeze %dma_wait3A_1402 : memref<128x1x64xbf16, #tpu.memory_space<hbm>> -> memref<128x64xbf16, #tpu.memory_space<hbm>>
        %dma_wait3A_1404 = arith.constant 0 : i32
        %dma_wait3A_1405 = tpu.memref_slice %arg4[%mul3A_1395, %select_n3A_1377, %dma_wait3A_1404] : memref<4096x200x64xbf16, #tpu.memory_space<hbm>> -> memref<128x1x64xbf16, #tpu.memory_space<hbm>>
        %dma_wait3A_1406 = tpu.memref_squeeze %dma_wait3A_1405 : memref<128x1x64xbf16, #tpu.memory_space<hbm>> -> memref<128x64xbf16, #tpu.memory_space<hbm>>
        %dma_wait3A_1407 = arith.constant 0 : i32
        %dma_wait3A_1408 = arith.constant 0 : i32
        %dma_wait3A_1409 = tpu.memref_slice %arg7[%dma_wait3A_1396, %dma_wait3A_1407, %dma_wait3A_1408] : memref<8x128x64xbf16, #tpu.memory_space<vmem>> -> memref<1x128x64xbf16, #tpu.memory_space<vmem>>
        %dma_wait3A_1410 = tpu.memref_squeeze %dma_wait3A_1409 : memref<1x128x64xbf16, #tpu.memory_space<vmem>> -> memref<128x64xbf16, #tpu.memory_space<vmem>>
        tpu.wait_dma2 semaphore(%arg24 : memref<!tpu.dma_semaphore, #tpu.memory_space<semaphore_mem>>) src(%dma_wait3A_1410 : memref<128x64xbf16, #tpu.memory_space<vmem>>) dst(%dma_wait3A_1406 : memref<128x64xbf16, #tpu.memory_space<hbm>>)
      } else {
      }
      %iota3A_1278 = tpu.iota {dimensions = array<i32: 0>} : vector<16xi32>
      %mul3A_1279 = arith.constant 2 : i32
      %mul3A_1280 = vector.broadcast %mul3A_1279 : i32 to vector<16xi32>
      %mul3A_1281 = arith.muli %iota3A_1278, %mul3A_1280 : vector<16xi32>
      %scan3A_1282 = arith.constant 7 : i32
      %scan3A_1283 = arith.constant 65535 : i32
      %scan3A_1284 = arith.constant 7 : i32
      %scan3A_1285 = arith.constant 0 : i32
      %scan3A_1286 = arith.constant 128 : i32
      %scan3A_1287 = arith.addi %scan3A_1285, %scan3A_1286 : i32
      %scan3A_1288 = arith.constant 2 : i32
      scf.for %scan3A_1352 = %scan3A_1285 to %scan3A_1287 step %scan3A_1288  : i32 {
        %broadcast_in_dim3A = vector.broadcast %scan3A_1352 : i32 to vector<16xi32>
        %gather3A = arith.constant 0 : i32
        %gather3A_1353 = arith.constant 0 : i32
        %gather3A_1354 = tpu.memref_slice %arg6[%scan3A_1282, %gather3A, %gather3A_1353] : memref<8x128x32xi32, #tpu.memory_space<vmem>> -> memref<1x128x32xi32, #tpu.memory_space<vmem>>
        %gather3A_1355 = tpu.memref_squeeze %gather3A_1354 : memref<1x128x32xi32, #tpu.memory_space<vmem>> -> memref<128x32xi32, #tpu.memory_space<vmem>>
        %gather3A_1356 = tpu.vector_load_idx %gather3A_1355[%broadcast_in_dim3A, %mul3A_1281] : memref<128x32xi32, #tpu.memory_space<vmem>>[vector<16xi32>, vector<16xi32>], vector<16xi32>,
        %add3A_1357 = arith.constant 1 : i32
        %add3A_1358 = vector.broadcast %add3A_1357 : i32 to vector<16xi32>
        %add3A_1359 = arith.addi %mul3A_1281, %add3A_1358 : vector<16xi32>
        %gather3A_1360 = arith.constant 0 : i32
        %gather3A_1361 = arith.constant 0 : i32
        %gather3A_1362 = tpu.memref_slice %arg6[%scan3A_1282, %gather3A_1360, %gather3A_1361] : memref<8x128x32xi32, #tpu.memory_space<vmem>> -> memref<1x128x32xi32, #tpu.memory_space<vmem>>
        %gather3A_1363 = tpu.memref_squeeze %gather3A_1362 : memref<1x128x32xi32, #tpu.memory_space<vmem>> -> memref<128x32xi32, #tpu.memory_space<vmem>>
        %gather3A_1364 = tpu.vector_load_idx %gather3A_1363[%broadcast_in_dim3A, %add3A_1359] : memref<128x32xi32, #tpu.memory_space<vmem>>[vector<16xi32>, vector<16xi32>], vector<16xi32>,
        %and3A_1365 = vector.broadcast %scan3A_1283 : i32 to vector<16xi32>
        %and3A_1366 = arith.andi %gather3A_1356, %and3A_1365 : vector<16xi32>
        %shift_left3A = arith.constant 16 : i32
        %shift_left3A_1367 = vector.broadcast %shift_left3A : i32 to vector<16xi32>
        %shift_left3A_1368 = arith.shli %gather3A_1364, %shift_left3A_1367 : vector<16xi32>
        %or3A = arith.ori %and3A_1366, %shift_left3A_1368 : vector<16xi32>
        %shift_right_logical3A = arith.constant 16 : i32
        %shift_right_logical3A_1369 = vector.broadcast %shift_right_logical3A : i32 to vector<16xi32>
        %shift_right_logical3A_1370 = arith.shrui %gather3A_1356, %shift_right_logical3A_1369 : vector<16xi32>
        %not3A = arith.constant -1 : i32
        %not3A_1371 = arith.xori %scan3A_1283, %not3A : i32
        %and3A_1372 = vector.broadcast %not3A_1371 : i32 to vector<16xi32>
        %and3A_1373 = arith.andi %gather3A_1364, %and3A_1372 : vector<16xi32>
        %or3A_1374 = arith.ori %shift_right_logical3A_1370, %and3A_1373 : vector<16xi32>
        %bitcast3A = vector.bitcast %or3A : vector<16xi32> to vector<32xbf16>
        %swap3A = arith.constant 0 : i32
        %swap3A_1375 = arith.constant 0 : i32
        %swap3A_1376 = tpu.memref_slice %arg7[%scan3A_1284, %swap3A, %swap3A_1375] : memref<8x128x64xbf16, #tpu.memory_space<vmem>> -> memref<1x128x64xbf16, #tpu.memory_space<vmem>>
        %swap3A_1377 = tpu.memref_squeeze %swap3A_1376 : memref<1x128x64xbf16, #tpu.memory_space<vmem>> -> memref<128x64xbf16, #tpu.memory_space<vmem>>
        %swap3A_1378 = arith.index_cast %scan3A_1352 : i32 to index
        %swap3A_1379 = arith.constant 0 : index
        %swap3A_1380 = tpu.vector_load %swap3A_1377[%swap3A_1378, %swap3A_1379] {strides = array<i32>} : memref<128x64xbf16, #tpu.memory_space<vmem>>, vector<32xbf16>,
        tpu.vector_store %swap3A_1377[%swap3A_1378, %swap3A_1379], %bitcast3A {strides = array<i32>} : memref<128x64xbf16, #tpu.memory_space<vmem>>, vector<32xbf16>,
        %bitcast3A_1381 = vector.bitcast %or3A_1374 : vector<16xi32> to vector<32xbf16>
        %swap3A_1382 = arith.constant 0 : i32
        %swap3A_1383 = arith.constant 0 : i32
        %swap3A_1384 = tpu.memref_slice %arg7[%scan3A_1284, %swap3A_1382, %swap3A_1383] : memref<8x128x64xbf16, #tpu.memory_space<vmem>> -> memref<1x128x64xbf16, #tpu.memory_space<vmem>>
        %swap3A_1385 = tpu.memref_squeeze %swap3A_1384 : memref<1x128x64xbf16, #tpu.memory_space<vmem>> -> memref<128x64xbf16, #tpu.memory_space<vmem>>
        %swap3A_1386 = arith.index_cast %scan3A_1352 : i32 to index
        %swap3A_1387 = arith.constant 32 : index
        %swap3A_1388 = tpu.vector_load %swap3A_1385[%swap3A_1386, %swap3A_1387] {strides = array<i32>} : memref<128x64xbf16, #tpu.memory_space<vmem>>, vector<32xbf16>,
        tpu.vector_store %swap3A_1385[%swap3A_1386, %swap3A_1387], %bitcast3A_1381 {strides = array<i32>} : memref<128x64xbf16, #tpu.memory_space<vmem>>, vector<32xbf16>,
        %scan3A_1389 = arith.constant 1 : i32
        %scan3A_1390 = arith.addi %scan3A_1352, %scan3A_1389 : i32
        %broadcast_in_dim3A_1391 = vector.broadcast %scan3A_1390 : i32 to vector<16xi32>
        %gather3A_1392 = arith.constant 0 : i32
        %gather3A_1393 = arith.constant 0 : i32
        %gather3A_1394 = tpu.memref_slice %arg6[%scan3A_1282, %gather3A_1392, %gather3A_1393] : memref<8x128x32xi32, #tpu.memory_space<vmem>> -> memref<1x128x32xi32, #tpu.memory_space<vmem>>
        %gather3A_1395 = tpu.memref_squeeze %gather3A_1394 : memref<1x128x32xi32, #tpu.memory_space<vmem>> -> memref<128x32xi32, #tpu.memory_space<vmem>>
        %gather3A_1396 = tpu.vector_load_idx %gather3A_1395[%broadcast_in_dim3A_1391, %mul3A_1281] : memref<128x32xi32, #tpu.memory_space<vmem>>[vector<16xi32>, vector<16xi32>], vector<16xi32>,
        %add3A_1397 = arith.constant 1 : i32
        %add3A_1398 = vector.broadcast %add3A_1397 : i32 to vector<16xi32>
        %add3A_1399 = arith.addi %mul3A_1281, %add3A_1398 : vector<16xi32>
        %gather3A_1400 = arith.constant 0 : i32
        %gather3A_1401 = arith.constant 0 : i32
        %gather3A_1402 = tpu.memref_slice %arg6[%scan3A_1282, %gather3A_1400, %gather3A_1401] : memref<8x128x32xi32, #tpu.memory_space<vmem>> -> memref<1x128x32xi32, #tpu.memory_space<vmem>>
        %gather3A_1403 = tpu.memref_squeeze %gather3A_1402 : memref<1x128x32xi32, #tpu.memory_space<vmem>> -> memref<128x32xi32, #tpu.memory_space<vmem>>
        %gather3A_1404 = tpu.vector_load_idx %gather3A_1403[%broadcast_in_dim3A_1391, %add3A_1399] : memref<128x32xi32, #tpu.memory_space<vmem>>[vector<16xi32>, vector<16xi32>], vector<16xi32>,
        %and3A_1405 = vector.broadcast %scan3A_1283 : i32 to vector<16xi32>
        %and3A_1406 = arith.andi %gather3A_1396, %and3A_1405 : vector<16xi32>
        %shift_left3A_1407 = arith.constant 16 : i32
        %shift_left3A_1408 = vector.broadcast %shift_left3A_1407 : i32 to vector<16xi32>
        %shift_left3A_1409 = arith.shli %gather3A_1404, %shift_left3A_1408 : vector<16xi32>
        %or3A_1410 = arith.ori %and3A_1406, %shift_left3A_1409 : vector<16xi32>
        %shift_right_logical3A_1411 = arith.constant 16 : i32
        %shift_right_logical3A_1412 = vector.broadcast %shift_right_logical3A_1411 : i32 to vector<16xi32>
        %shift_right_logical3A_1413 = arith.shrui %gather3A_1396, %shift_right_logical3A_1412 : vector<16xi32>
        %not3A_1414 = arith.constant -1 : i32
        %not3A_1415 = arith.xori %scan3A_1283, %not3A_1414 : i32
        %and3A_1416 = vector.broadcast %not3A_1415 : i32 to vector<16xi32>
        %and3A_1417 = arith.andi %gather3A_1404, %and3A_1416 : vector<16xi32>
        %or3A_1418 = arith.ori %shift_right_logical3A_1413, %and3A_1417 : vector<16xi32>
        %bitcast3A_1419 = vector.bitcast %or3A_1410 : vector<16xi32> to vector<32xbf16>
        %swap3A_1420 = arith.constant 0 : i32
        %swap3A_1421 = arith.constant 0 : i32
        %swap3A_1422 = tpu.memref_slice %arg7[%scan3A_1284, %swap3A_1420, %swap3A_1421] : memref<8x128x64xbf16, #tpu.memory_space<vmem>> -> memref<1x128x64xbf16, #tpu.memory_space<vmem>>
        %swap3A_1423 = tpu.memref_squeeze %swap3A_1422 : memref<1x128x64xbf16, #tpu.memory_space<vmem>> -> memref<128x64xbf16, #tpu.memory_space<vmem>>
        %swap3A_1424 = arith.index_cast %scan3A_1390 : i32 to index
        %swap3A_1425 = arith.constant 0 : index
        %swap3A_1426 = tpu.vector_load %swap3A_1423[%swap3A_1424, %swap3A_1425] {strides = array<i32>} : memref<128x64xbf16, #tpu.memory_space<vmem>>, vector<32xbf16>,
        tpu.vector_store %swap3A_1423[%swap3A_1424, %swap3A_1425], %bitcast3A_1419 {strides = array<i32>} : memref<128x64xbf16, #tpu.memory_space<vmem>>, vector<32xbf16>,
        %bitcast3A_1427 = vector.bitcast %or3A_1418 : vector<16xi32> to vector<32xbf16>
        %swap3A_1428 = arith.constant 0 : i32
        %swap3A_1429 = arith.constant 0 : i32
        %swap3A_1430 = tpu.memref_slice %arg7[%scan3A_1284, %swap3A_1428, %swap3A_1429] : memref<8x128x64xbf16, #tpu.memory_space<vmem>> -> memref<1x128x64xbf16, #tpu.memory_space<vmem>>
        %swap3A_1431 = tpu.memref_squeeze %swap3A_1430 : memref<1x128x64xbf16, #tpu.memory_space<vmem>> -> memref<128x64xbf16, #tpu.memory_space<vmem>>
        %swap3A_1432 = arith.index_cast %scan3A_1390 : i32 to index
        %swap3A_1433 = arith.constant 32 : index
        %swap3A_1434 = tpu.vector_load %swap3A_1431[%swap3A_1432, %swap3A_1433] {strides = array<i32>} : memref<128x64xbf16, #tpu.memory_space<vmem>>, vector<32xbf16>,
        tpu.vector_store %swap3A_1431[%swap3A_1432, %swap3A_1433], %bitcast3A_1427 {strides = array<i32>} : memref<128x64xbf16, #tpu.memory_space<vmem>>, vector<32xbf16>,
      }
      %scan3A_1289 = arith.constant 128 : i32
      %jit3A_1290 = arith.constant 32 : i32
      %div3A_1291 = arith.divsi %add3A_1260, %jit3A_1290 : i32
      %sign3A_1292 = arith.constant 0 : i32
      %sign3A_1293 = arith.cmpi sgt, %add3A_1260, %sign3A_1292 : i32
      %sign3A_1294 = arith.extui %sign3A_1293 : i1 to i32
      %sign3A_1295 = arith.constant 0 : i32
      %sign3A_1296 = arith.cmpi slt, %add3A_1260, %sign3A_1295 : i32
      %sign3A_1297 = arith.extui %sign3A_1296 : i1 to i32
      %sign3A_1298 = arith.subi %sign3A_1294, %sign3A_1297 : i32
      %sign3A_1299 = arith.constant 0 : i32
      %sign3A_1300 = arith.cmpi sgt, %jit3A_1290, %sign3A_1299 : i32
      %sign3A_1301 = arith.extui %sign3A_1300 : i1 to i32
      %sign3A_1302 = arith.constant 0 : i32
      %sign3A_1303 = arith.cmpi slt, %jit3A_1290, %sign3A_1302 : i32
      %sign3A_1304 = arith.extui %sign3A_1303 : i1 to i32
      %sign3A_1305 = arith.subi %sign3A_1301, %sign3A_1304 : i32
      %ne3A_1306 = arith.cmpi ne, %sign3A_1298, %sign3A_1305 : i32
      %rem3A_1307 = arith.remsi %add3A_1260, %jit3A_1290 : i32
      %ne3A_1308 = arith.constant 0 : i32
      %ne3A_1309 = arith.cmpi ne, %rem3A_1307, %ne3A_1308 : i32
      %and3A_1310 = arith.andi %ne3A_1306, %ne3A_1309 : i1
      %sub3A_1311 = arith.constant 1 : i32
      %sub3A_1312 = arith.subi %div3A_1291, %sub3A_1311 : i32
      %select_n3A_1313 = arith.select %and3A_1310, %sub3A_1312, %div3A_1291 : i32
      %jit3A_1314 = arith.constant 32 : i32
      %eq3A_1315 = arith.constant 0 : i32
      %eq3A_1316 = arith.cmpi eq, %jit3A_1314, %eq3A_1315 : i32
      %jit3A_1317 = arith.constant 1 : i32
      %select_n3A_1318 = arith.select %eq3A_1316, %jit3A_1317, %jit3A_1314 : i32
      %rem3A_1319 = arith.remsi %add3A_1260, %select_n3A_1318 : i32
      %ne3A_1320 = arith.constant 0 : i32
      %ne3A_1321 = arith.cmpi ne, %rem3A_1319, %ne3A_1320 : i32
      %lt3A_1322 = arith.constant 0 : i32
      %lt3A_1323 = arith.cmpi slt, %rem3A_1319, %lt3A_1322 : i32
      %lt3A_1324 = arith.constant 0 : i32
      %lt3A_1325 = arith.cmpi slt, %select_n3A_1318, %lt3A_1324 : i32
      %ne3A_1326 = arith.xori %lt3A_1323, %lt3A_1325 : i1
      %and3A_1327 = arith.andi %ne3A_1326, %ne3A_1321 : i1
      %add3A_1328 = arith.addi %rem3A_1319, %select_n3A_1318 : i32
      %select_n3A_1329 = arith.select %and3A_1327, %add3A_1328, %rem3A_1319 : i32
      %mul3A_1330 = arith.constant 128 : i32
      %mul3A_1331 = arith.muli %select_n3A_1329, %mul3A_1330 : i32
      %dma_start3A_1332 = arith.constant 7 : i32
      %dma_start3A_1333 = arith.constant 0 : i32
      %dma_start3A_1334 = arith.constant 0 : i32
      %dma_start3A_1335 = tpu.memref_slice %arg7[%dma_start3A_1332, %dma_start3A_1333, %dma_start3A_1334] : memref<8x128x64xbf16, #tpu.memory_space<vmem>> -> memref<1x128x64xbf16, #tpu.memory_space<vmem>>
      %dma_start3A_1336 = tpu.memref_squeeze %dma_start3A_1335 : memref<1x128x64xbf16, #tpu.memory_space<vmem>> -> memref<128x64xbf16, #tpu.memory_space<vmem>>
      %dma_start3A_1337 = arith.constant 0 : i32
      %dma_start3A_1338 = tpu.memref_slice %arg4[%mul3A_1331, %select_n3A_1313, %dma_start3A_1337] : memref<4096x200x64xbf16, #tpu.memory_space<hbm>> -> memref<128x1x64xbf16, #tpu.memory_space<hbm>>
      %dma_start3A_1339 = tpu.memref_squeeze %dma_start3A_1338 : memref<128x1x64xbf16, #tpu.memory_space<hbm>> -> memref<128x64xbf16, #tpu.memory_space<hbm>>
      %dma_start3A_1340 = arith.constant 0 : i32
      %dma_start3A_1341 = tpu.memref_slice %arg4[%mul3A_1331, %select_n3A_1313, %dma_start3A_1340] : memref<4096x200x64xbf16, #tpu.memory_space<hbm>> -> memref<128x1x64xbf16, #tpu.memory_space<hbm>>
      %dma_start3A_1342 = tpu.memref_squeeze %dma_start3A_1341 : memref<128x1x64xbf16, #tpu.memory_space<hbm>> -> memref<128x64xbf16, #tpu.memory_space<hbm>>
      %dma_start3A_1343 = arith.constant 0 : i32
      %dma_start3A_1344 = arith.constant 0 : i32
      %dma_start3A_1345 = tpu.memref_slice %arg7[%dma_start3A_1332, %dma_start3A_1343, %dma_start3A_1344] : memref<8x128x64xbf16, #tpu.memory_space<vmem>> -> memref<1x128x64xbf16, #tpu.memory_space<vmem>>
      %dma_start3A_1346 = tpu.memref_squeeze %dma_start3A_1345 : memref<1x128x64xbf16, #tpu.memory_space<vmem>> -> memref<128x64xbf16, #tpu.memory_space<vmem>>
      tpu.enqueue_dma source(%dma_start3A_1346 : memref<128x64xbf16, #tpu.memory_space<vmem>>) target(%dma_start3A_1342 : memref<128x64xbf16, #tpu.memory_space<hbm>>) target_semaphore(%arg24 : memref<!tpu.dma_semaphore, #tpu.memory_space<semaphore_mem>>)
      %lt3A_1347 = arith.constant 24 : i32
      %lt3A_1348 = arith.cmpi slt, %scan3A_608, %lt3A_1347 : i32
      %convert_element_type3A_1349 = arith.extui %lt3A_1348 : i1 to i32
      %cond3A_1350 = arith.constant 0 : i32
      %cond3A_1351 = arith.cmpi ne, %convert_element_type3A_1349, %cond3A_1350 : i32
      scf.if %cond3A_1351 {
        %add3A_1352 = arith.constant 8 : i32
        %add3A_1353 = arith.addi %add3A_1260, %add3A_1352 : i32
        %sub3A_1354 = arith.subi %add3A_1353, %mul3A_2 : i32
        %mul3A_1355 = arith.constant 128 : i32
        %mul3A_1356 = arith.muli %sub3A_1354, %mul3A_1355 : i32
        %dma_start3A_1357 = arith.constant 7 : i32
        %dma_start3A_1358 = arith.constant 0 : i32
        %dma_start3A_1359 = arith.constant 0 : i32
        %dma_start3A_1360 = tpu.memref_slice %arg6[%dma_start3A_1357, %dma_start3A_1358, %dma_start3A_1359] : memref<8x128x32xi32, #tpu.memory_space<vmem>> -> memref<1x128x32xi32, #tpu.memory_space<vmem>>
        %dma_start3A_1361 = tpu.memref_squeeze %dma_start3A_1360 : memref<1x128x32xi32, #tpu.memory_space<vmem>> -> memref<128x32xi32, #tpu.memory_space<vmem>>
        %dma_start3A_1362 = tpu.memref_slice %arg5[%mul3A_1356] : memref<25600xi32, #tpu.memory_space<vmem>> -> memref<128xi32, #tpu.memory_space<vmem>>
        %dma_start3A_1363 = arith.constant 0 : i32
        %dma_start3A_1364 = arith.constant 0 : i32
        %dma_start3A_1365 = tpu.memref_slice %arg3[%dma_start3A_1363, %dma_start3A_1364] : memref<1007616x32xi32, #tpu.memory_space<hbm>> -> memref<1007616x32xi32, #tpu.memory_space<hbm>>
        tpu.enqueue_indirect_dma source(%dma_start3A_1365 : memref<1007616x32xi32, #tpu.memory_space<hbm>>) target(%dma_start3A_1361 : memref<128x32xi32, #tpu.memory_space<vmem>>) offsets(%dma_start3A_1362 : memref<128xi32, #tpu.memory_space<vmem>>) semaphore(%arg16 : memref<!tpu.dma_semaphore, #tpu.memory_space<semaphore_mem>>)
      } else {
      }
    }
    %scan3A_128 = arith.constant 25 : i32
    %add3A_129 = arith.constant 192 : i32
    %add3A_130 = arith.addi %mul3A_2, %add3A_129 : i32
    %add3A_131 = arith.constant 0 : i32
    %add3A_132 = arith.addi %add3A_130, %add3A_131 : i32
    %jit3A = arith.constant 32 : i32
    %div3A = arith.divsi %add3A_132, %jit3A : i32
    %sign3A = arith.constant 0 : i32
    %sign3A_133 = arith.cmpi sgt, %add3A_132, %sign3A : i32
    %sign3A_134 = arith.extui %sign3A_133 : i1 to i32
    %sign3A_135 = arith.constant 0 : i32
    %sign3A_136 = arith.cmpi slt, %add3A_132, %sign3A_135 : i32
    %sign3A_137 = arith.extui %sign3A_136 : i1 to i32
    %sign3A_138 = arith.subi %sign3A_134, %sign3A_137 : i32
    %sign3A_139 = arith.constant 0 : i32
    %sign3A_140 = arith.cmpi sgt, %jit3A, %sign3A_139 : i32
    %sign3A_141 = arith.extui %sign3A_140 : i1 to i32
    %sign3A_142 = arith.constant 0 : i32
    %sign3A_143 = arith.cmpi slt, %jit3A, %sign3A_142 : i32
    %sign3A_144 = arith.extui %sign3A_143 : i1 to i32
    %sign3A_145 = arith.subi %sign3A_141, %sign3A_144 : i32
    %ne3A = arith.cmpi ne, %sign3A_138, %sign3A_145 : i32
    %rem3A = arith.remsi %add3A_132, %jit3A : i32
    %ne3A_146 = arith.constant 0 : i32
    %ne3A_147 = arith.cmpi ne, %rem3A, %ne3A_146 : i32
    %and3A = arith.andi %ne3A, %ne3A_147 : i1
    %sub3A_148 = arith.constant 1 : i32
    %sub3A_149 = arith.subi %div3A, %sub3A_148 : i32
    %select_n3A = arith.select %and3A, %sub3A_149, %div3A : i32
    %jit3A_150 = arith.constant 32 : i32
    %eq3A = arith.constant 0 : i32
    %eq3A_151 = arith.cmpi eq, %jit3A_150, %eq3A : i32
    %jit3A_152 = arith.constant 1 : i32
    %select_n3A_153 = arith.select %eq3A_151, %jit3A_152, %jit3A_150 : i32
    %rem3A_154 = arith.remsi %add3A_132, %select_n3A_153 : i32
    %ne3A_155 = arith.constant 0 : i32
    %ne3A_156 = arith.cmpi ne, %rem3A_154, %ne3A_155 : i32
    %lt3A = arith.constant 0 : i32
    %lt3A_157 = arith.cmpi slt, %rem3A_154, %lt3A : i32
    %lt3A_158 = arith.constant 0 : i32
    %lt3A_159 = arith.cmpi slt, %select_n3A_153, %lt3A_158 : i32
    %ne3A_160 = arith.xori %lt3A_157, %lt3A_159 : i1
    %and3A_161 = arith.andi %ne3A_160, %ne3A_156 : i1
    %add3A_162 = arith.addi %rem3A_154, %select_n3A_153 : i32
    %select_n3A_163 = arith.select %and3A_161, %add3A_162, %rem3A_154 : i32
    %mul3A_164 = arith.constant 128 : i32
    %mul3A_165 = arith.muli %select_n3A_163, %mul3A_164 : i32
    %dma_wait3A_166 = arith.constant 0 : i32
    %dma_wait3A_167 = arith.constant 0 : i32
    %dma_wait3A_168 = arith.constant 0 : i32
    %dma_wait3A_169 = tpu.memref_slice %arg7[%dma_wait3A_166, %dma_wait3A_167, %dma_wait3A_168] : memref<8x128x64xbf16, #tpu.memory_space<vmem>> -> memref<1x128x64xbf16, #tpu.memory_space<vmem>>
    %dma_wait3A_170 = tpu.memref_squeeze %dma_wait3A_169 : memref<1x128x64xbf16, #tpu.memory_space<vmem>> -> memref<128x64xbf16, #tpu.memory_space<vmem>>
    %dma_wait3A_171 = arith.constant 0 : i32
    %dma_wait3A_172 = tpu.memref_slice %arg4[%mul3A_165, %select_n3A, %dma_wait3A_171] : memref<4096x200x64xbf16, #tpu.memory_space<hbm>> -> memref<128x1x64xbf16, #tpu.memory_space<hbm>>
    %dma_wait3A_173 = tpu.memref_squeeze %dma_wait3A_172 : memref<128x1x64xbf16, #tpu.memory_space<hbm>> -> memref<128x64xbf16, #tpu.memory_space<hbm>>
    %dma_wait3A_174 = arith.constant 0 : i32
    %dma_wait3A_175 = tpu.memref_slice %arg4[%mul3A_165, %select_n3A, %dma_wait3A_174] : memref<4096x200x64xbf16, #tpu.memory_space<hbm>> -> memref<128x1x64xbf16, #tpu.memory_space<hbm>>
    %dma_wait3A_176 = tpu.memref_squeeze %dma_wait3A_175 : memref<128x1x64xbf16, #tpu.memory_space<hbm>> -> memref<128x64xbf16, #tpu.memory_space<hbm>>
    %dma_wait3A_177 = arith.constant 0 : i32
    %dma_wait3A_178 = arith.constant 0 : i32
    %dma_wait3A_179 = tpu.memref_slice %arg7[%dma_wait3A_166, %dma_wait3A_177, %dma_wait3A_178] : memref<8x128x64xbf16, #tpu.memory_space<vmem>> -> memref<1x128x64xbf16, #tpu.memory_space<vmem>>
    %dma_wait3A_180 = tpu.memref_squeeze %dma_wait3A_179 : memref<1x128x64xbf16, #tpu.memory_space<vmem>> -> memref<128x64xbf16, #tpu.memory_space<vmem>>
    tpu.wait_dma2 semaphore(%arg17 : memref<!tpu.dma_semaphore, #tpu.memory_space<semaphore_mem>>) src(%dma_wait3A_180 : memref<128x64xbf16, #tpu.memory_space<vmem>>) dst(%dma_wait3A_176 : memref<128x64xbf16, #tpu.memory_space<hbm>>)
    %add3A_181 = arith.constant 192 : i32
    %add3A_182 = arith.addi %mul3A_2, %add3A_181 : i32
    %add3A_183 = arith.constant 1 : i32
    %add3A_184 = arith.addi %add3A_182, %add3A_183 : i32
    %jit3A_185 = arith.constant 32 : i32
    %div3A_186 = arith.divsi %add3A_184, %jit3A_185 : i32
    %sign3A_187 = arith.constant 0 : i32
    %sign3A_188 = arith.cmpi sgt, %add3A_184, %sign3A_187 : i32
    %sign3A_189 = arith.extui %sign3A_188 : i1 to i32
    %sign3A_190 = arith.constant 0 : i32
    %sign3A_191 = arith.cmpi slt, %add3A_184, %sign3A_190 : i32
    %sign3A_192 = arith.extui %sign3A_191 : i1 to i32
    %sign3A_193 = arith.subi %sign3A_189, %sign3A_192 : i32
    %sign3A_194 = arith.constant 0 : i32
    %sign3A_195 = arith.cmpi sgt, %jit3A_185, %sign3A_194 : i32
    %sign3A_196 = arith.extui %sign3A_195 : i1 to i32
    %sign3A_197 = arith.constant 0 : i32
    %sign3A_198 = arith.cmpi slt, %jit3A_185, %sign3A_197 : i32
    %sign3A_199 = arith.extui %sign3A_198 : i1 to i32
    %sign3A_200 = arith.subi %sign3A_196, %sign3A_199 : i32
    %ne3A_201 = arith.cmpi ne, %sign3A_193, %sign3A_200 : i32
    %rem3A_202 = arith.remsi %add3A_184, %jit3A_185 : i32
    %ne3A_203 = arith.constant 0 : i32
    %ne3A_204 = arith.cmpi ne, %rem3A_202, %ne3A_203 : i32
    %and3A_205 = arith.andi %ne3A_201, %ne3A_204 : i1
    %sub3A_206 = arith.constant 1 : i32
    %sub3A_207 = arith.subi %div3A_186, %sub3A_206 : i32
    %select_n3A_208 = arith.select %and3A_205, %sub3A_207, %div3A_186 : i32
    %jit3A_209 = arith.constant 32 : i32
    %eq3A_210 = arith.constant 0 : i32
    %eq3A_211 = arith.cmpi eq, %jit3A_209, %eq3A_210 : i32
    %jit3A_212 = arith.constant 1 : i32
    %select_n3A_213 = arith.select %eq3A_211, %jit3A_212, %jit3A_209 : i32
    %rem3A_214 = arith.remsi %add3A_184, %select_n3A_213 : i32
    %ne3A_215 = arith.constant 0 : i32
    %ne3A_216 = arith.cmpi ne, %rem3A_214, %ne3A_215 : i32
    %lt3A_217 = arith.constant 0 : i32
    %lt3A_218 = arith.cmpi slt, %rem3A_214, %lt3A_217 : i32
    %lt3A_219 = arith.constant 0 : i32
    %lt3A_220 = arith.cmpi slt, %select_n3A_213, %lt3A_219 : i32
    %ne3A_221 = arith.xori %lt3A_218, %lt3A_220 : i1
    %and3A_222 = arith.andi %ne3A_221, %ne3A_216 : i1
    %add3A_223 = arith.addi %rem3A_214, %select_n3A_213 : i32
    %select_n3A_224 = arith.select %and3A_222, %add3A_223, %rem3A_214 : i32
    %mul3A_225 = arith.constant 128 : i32
    %mul3A_226 = arith.muli %select_n3A_224, %mul3A_225 : i32
    %dma_wait3A_227 = arith.constant 1 : i32
    %dma_wait3A_228 = arith.constant 0 : i32
    %dma_wait3A_229 = arith.constant 0 : i32
    %dma_wait3A_230 = tpu.memref_slice %arg7[%dma_wait3A_227, %dma_wait3A_228, %dma_wait3A_229] : memref<8x128x64xbf16, #tpu.memory_space<vmem>> -> memref<1x128x64xbf16, #tpu.memory_space<vmem>>
    %dma_wait3A_231 = tpu.memref_squeeze %dma_wait3A_230 : memref<1x128x64xbf16, #tpu.memory_space<vmem>> -> memref<128x64xbf16, #tpu.memory_space<vmem>>
    %dma_wait3A_232 = arith.constant 0 : i32
    %dma_wait3A_233 = tpu.memref_slice %arg4[%mul3A_226, %select_n3A_208, %dma_wait3A_232] : memref<4096x200x64xbf16, #tpu.memory_space<hbm>> -> memref<128x1x64xbf16, #tpu.memory_space<hbm>>
    %dma_wait3A_234 = tpu.memref_squeeze %dma_wait3A_233 : memref<128x1x64xbf16, #tpu.memory_space<hbm>> -> memref<128x64xbf16, #tpu.memory_space<hbm>>
    %dma_wait3A_235 = arith.constant 0 : i32
    %dma_wait3A_236 = tpu.memref_slice %arg4[%mul3A_226, %select_n3A_208, %dma_wait3A_235] : memref<4096x200x64xbf16, #tpu.memory_space<hbm>> -> memref<128x1x64xbf16, #tpu.memory_space<hbm>>
    %dma_wait3A_237 = tpu.memref_squeeze %dma_wait3A_236 : memref<128x1x64xbf16, #tpu.memory_space<hbm>> -> memref<128x64xbf16, #tpu.memory_space<hbm>>
    %dma_wait3A_238 = arith.constant 0 : i32
    %dma_wait3A_239 = arith.constant 0 : i32
    %dma_wait3A_240 = tpu.memref_slice %arg7[%dma_wait3A_227, %dma_wait3A_238, %dma_wait3A_239] : memref<8x128x64xbf16, #tpu.memory_space<vmem>> -> memref<1x128x64xbf16, #tpu.memory_space<vmem>>
    %dma_wait3A_241 = tpu.memref_squeeze %dma_wait3A_240 : memref<1x128x64xbf16, #tpu.memory_space<vmem>> -> memref<128x64xbf16, #tpu.memory_space<vmem>>
    tpu.wait_dma2 semaphore(%arg18 : memref<!tpu.dma_semaphore, #tpu.memory_space<semaphore_mem>>) src(%dma_wait3A_241 : memref<128x64xbf16, #tpu.memory_space<vmem>>) dst(%dma_wait3A_237 : memref<128x64xbf16, #tpu.memory_space<hbm>>)
    %add3A_242 = arith.constant 192 : i32
    %add3A_243 = arith.addi %mul3A_2, %add3A_242 : i32
    %add3A_244 = arith.constant 2 : i32
    %add3A_245 = arith.addi %add3A_243, %add3A_244 : i32
    %jit3A_246 = arith.constant 32 : i32
    %div3A_247 = arith.divsi %add3A_245, %jit3A_246 : i32
    %sign3A_248 = arith.constant 0 : i32
    %sign3A_249 = arith.cmpi sgt, %add3A_245, %sign3A_248 : i32
    %sign3A_250 = arith.extui %sign3A_249 : i1 to i32
    %sign3A_251 = arith.constant 0 : i32
    %sign3A_252 = arith.cmpi slt, %add3A_245, %sign3A_251 : i32
    %sign3A_253 = arith.extui %sign3A_252 : i1 to i32
    %sign3A_254 = arith.subi %sign3A_250, %sign3A_253 : i32
    %sign3A_255 = arith.constant 0 : i32
    %sign3A_256 = arith.cmpi sgt, %jit3A_246, %sign3A_255 : i32
    %sign3A_257 = arith.extui %sign3A_256 : i1 to i32
    %sign3A_258 = arith.constant 0 : i32
    %sign3A_259 = arith.cmpi slt, %jit3A_246, %sign3A_258 : i32
    %sign3A_260 = arith.extui %sign3A_259 : i1 to i32
    %sign3A_261 = arith.subi %sign3A_257, %sign3A_260 : i32
    %ne3A_262 = arith.cmpi ne, %sign3A_254, %sign3A_261 : i32
    %rem3A_263 = arith.remsi %add3A_245, %jit3A_246 : i32
    %ne3A_264 = arith.constant 0 : i32
    %ne3A_265 = arith.cmpi ne, %rem3A_263, %ne3A_264 : i32
    %and3A_266 = arith.andi %ne3A_262, %ne3A_265 : i1
    %sub3A_267 = arith.constant 1 : i32
    %sub3A_268 = arith.subi %div3A_247, %sub3A_267 : i32
    %select_n3A_269 = arith.select %and3A_266, %sub3A_268, %div3A_247 : i32
    %jit3A_270 = arith.constant 32 : i32
    %eq3A_271 = arith.constant 0 : i32
    %eq3A_272 = arith.cmpi eq, %jit3A_270, %eq3A_271 : i32
    %jit3A_273 = arith.constant 1 : i32
    %select_n3A_274 = arith.select %eq3A_272, %jit3A_273, %jit3A_270 : i32
    %rem3A_275 = arith.remsi %add3A_245, %select_n3A_274 : i32
    %ne3A_276 = arith.constant 0 : i32
    %ne3A_277 = arith.cmpi ne, %rem3A_275, %ne3A_276 : i32
    %lt3A_278 = arith.constant 0 : i32
    %lt3A_279 = arith.cmpi slt, %rem3A_275, %lt3A_278 : i32
    %lt3A_280 = arith.constant 0 : i32
    %lt3A_281 = arith.cmpi slt, %select_n3A_274, %lt3A_280 : i32
    %ne3A_282 = arith.xori %lt3A_279, %lt3A_281 : i1
    %and3A_283 = arith.andi %ne3A_282, %ne3A_277 : i1
    %add3A_284 = arith.addi %rem3A_275, %select_n3A_274 : i32
    %select_n3A_285 = arith.select %and3A_283, %add3A_284, %rem3A_275 : i32
    %mul3A_286 = arith.constant 128 : i32
    %mul3A_287 = arith.muli %select_n3A_285, %mul3A_286 : i32
    %dma_wait3A_288 = arith.constant 2 : i32
    %dma_wait3A_289 = arith.constant 0 : i32
    %dma_wait3A_290 = arith.constant 0 : i32
    %dma_wait3A_291 = tpu.memref_slice %arg7[%dma_wait3A_288, %dma_wait3A_289, %dma_wait3A_290] : memref<8x128x64xbf16, #tpu.memory_space<vmem>> -> memref<1x128x64xbf16, #tpu.memory_space<vmem>>
    %dma_wait3A_292 = tpu.memref_squeeze %dma_wait3A_291 : memref<1x128x64xbf16, #tpu.memory_space<vmem>> -> memref<128x64xbf16, #tpu.memory_space<vmem>>
    %dma_wait3A_293 = arith.constant 0 : i32
    %dma_wait3A_294 = tpu.memref_slice %arg4[%mul3A_287, %select_n3A_269, %dma_wait3A_293] : memref<4096x200x64xbf16, #tpu.memory_space<hbm>> -> memref<128x1x64xbf16, #tpu.memory_space<hbm>>
    %dma_wait3A_295 = tpu.memref_squeeze %dma_wait3A_294 : memref<128x1x64xbf16, #tpu.memory_space<hbm>> -> memref<128x64xbf16, #tpu.memory_space<hbm>>
    %dma_wait3A_296 = arith.constant 0 : i32
    %dma_wait3A_297 = tpu.memref_slice %arg4[%mul3A_287, %select_n3A_269, %dma_wait3A_296] : memref<4096x200x64xbf16, #tpu.memory_space<hbm>> -> memref<128x1x64xbf16, #tpu.memory_space<hbm>>
    %dma_wait3A_298 = tpu.memref_squeeze %dma_wait3A_297 : memref<128x1x64xbf16, #tpu.memory_space<hbm>> -> memref<128x64xbf16, #tpu.memory_space<hbm>>
    %dma_wait3A_299 = arith.constant 0 : i32
    %dma_wait3A_300 = arith.constant 0 : i32
    %dma_wait3A_301 = tpu.memref_slice %arg7[%dma_wait3A_288, %dma_wait3A_299, %dma_wait3A_300] : memref<8x128x64xbf16, #tpu.memory_space<vmem>> -> memref<1x128x64xbf16, #tpu.memory_space<vmem>>
    %dma_wait3A_302 = tpu.memref_squeeze %dma_wait3A_301 : memref<1x128x64xbf16, #tpu.memory_space<vmem>> -> memref<128x64xbf16, #tpu.memory_space<vmem>>
    tpu.wait_dma2 semaphore(%arg19 : memref<!tpu.dma_semaphore, #tpu.memory_space<semaphore_mem>>) src(%dma_wait3A_302 : memref<128x64xbf16, #tpu.memory_space<vmem>>) dst(%dma_wait3A_298 : memref<128x64xbf16, #tpu.memory_space<hbm>>)
    %add3A_303 = arith.constant 192 : i32
    %add3A_304 = arith.addi %mul3A_2, %add3A_303 : i32
    %add3A_305 = arith.constant 3 : i32
    %add3A_306 = arith.addi %add3A_304, %add3A_305 : i32
    %jit3A_307 = arith.constant 32 : i32
    %div3A_308 = arith.divsi %add3A_306, %jit3A_307 : i32
    %sign3A_309 = arith.constant 0 : i32
    %sign3A_310 = arith.cmpi sgt, %add3A_306, %sign3A_309 : i32
    %sign3A_311 = arith.extui %sign3A_310 : i1 to i32
    %sign3A_312 = arith.constant 0 : i32
    %sign3A_313 = arith.cmpi slt, %add3A_306, %sign3A_312 : i32
    %sign3A_314 = arith.extui %sign3A_313 : i1 to i32
    %sign3A_315 = arith.subi %sign3A_311, %sign3A_314 : i32
    %sign3A_316 = arith.constant 0 : i32
    %sign3A_317 = arith.cmpi sgt, %jit3A_307, %sign3A_316 : i32
    %sign3A_318 = arith.extui %sign3A_317 : i1 to i32
    %sign3A_319 = arith.constant 0 : i32
    %sign3A_320 = arith.cmpi slt, %jit3A_307, %sign3A_319 : i32
    %sign3A_321 = arith.extui %sign3A_320 : i1 to i32
    %sign3A_322 = arith.subi %sign3A_318, %sign3A_321 : i32
    %ne3A_323 = arith.cmpi ne, %sign3A_315, %sign3A_322 : i32
    %rem3A_324 = arith.remsi %add3A_306, %jit3A_307 : i32
    %ne3A_325 = arith.constant 0 : i32
    %ne3A_326 = arith.cmpi ne, %rem3A_324, %ne3A_325 : i32
    %and3A_327 = arith.andi %ne3A_323, %ne3A_326 : i1
    %sub3A_328 = arith.constant 1 : i32
    %sub3A_329 = arith.subi %div3A_308, %sub3A_328 : i32
    %select_n3A_330 = arith.select %and3A_327, %sub3A_329, %div3A_308 : i32
    %jit3A_331 = arith.constant 32 : i32
    %eq3A_332 = arith.constant 0 : i32
    %eq3A_333 = arith.cmpi eq, %jit3A_331, %eq3A_332 : i32
    %jit3A_334 = arith.constant 1 : i32
    %select_n3A_335 = arith.select %eq3A_333, %jit3A_334, %jit3A_331 : i32
    %rem3A_336 = arith.remsi %add3A_306, %select_n3A_335 : i32
    %ne3A_337 = arith.constant 0 : i32
    %ne3A_338 = arith.cmpi ne, %rem3A_336, %ne3A_337 : i32
    %lt3A_339 = arith.constant 0 : i32
    %lt3A_340 = arith.cmpi slt, %rem3A_336, %lt3A_339 : i32
    %lt3A_341 = arith.constant 0 : i32
    %lt3A_342 = arith.cmpi slt, %select_n3A_335, %lt3A_341 : i32
    %ne3A_343 = arith.xori %lt3A_340, %lt3A_342 : i1
    %and3A_344 = arith.andi %ne3A_343, %ne3A_338 : i1
    %add3A_345 = arith.addi %rem3A_336, %select_n3A_335 : i32
    %select_n3A_346 = arith.select %and3A_344, %add3A_345, %rem3A_336 : i32
    %mul3A_347 = arith.constant 128 : i32
    %mul3A_348 = arith.muli %select_n3A_346, %mul3A_347 : i32
    %dma_wait3A_349 = arith.constant 3 : i32
    %dma_wait3A_350 = arith.constant 0 : i32
    %dma_wait3A_351 = arith.constant 0 : i32
    %dma_wait3A_352 = tpu.memref_slice %arg7[%dma_wait3A_349, %dma_wait3A_350, %dma_wait3A_351] : memref<8x128x64xbf16, #tpu.memory_space<vmem>> -> memref<1x128x64xbf16, #tpu.memory_space<vmem>>
    %dma_wait3A_353 = tpu.memref_squeeze %dma_wait3A_352 : memref<1x128x64xbf16, #tpu.memory_space<vmem>> -> memref<128x64xbf16, #tpu.memory_space<vmem>>
    %dma_wait3A_354 = arith.constant 0 : i32
    %dma_wait3A_355 = tpu.memref_slice %arg4[%mul3A_348, %select_n3A_330, %dma_wait3A_354] : memref<4096x200x64xbf16, #tpu.memory_space<hbm>> -> memref<128x1x64xbf16, #tpu.memory_space<hbm>>
    %dma_wait3A_356 = tpu.memref_squeeze %dma_wait3A_355 : memref<128x1x64xbf16, #tpu.memory_space<hbm>> -> memref<128x64xbf16, #tpu.memory_space<hbm>>
    %dma_wait3A_357 = arith.constant 0 : i32
    %dma_wait3A_358 = tpu.memref_slice %arg4[%mul3A_348, %select_n3A_330, %dma_wait3A_357] : memref<4096x200x64xbf16, #tpu.memory_space<hbm>> -> memref<128x1x64xbf16, #tpu.memory_space<hbm>>
    %dma_wait3A_359 = tpu.memref_squeeze %dma_wait3A_358 : memref<128x1x64xbf16, #tpu.memory_space<hbm>> -> memref<128x64xbf16, #tpu.memory_space<hbm>>
    %dma_wait3A_360 = arith.constant 0 : i32
    %dma_wait3A_361 = arith.constant 0 : i32
    %dma_wait3A_362 = tpu.memref_slice %arg7[%dma_wait3A_349, %dma_wait3A_360, %dma_wait3A_361] : memref<8x128x64xbf16, #tpu.memory_space<vmem>> -> memref<1x128x64xbf16, #tpu.memory_space<vmem>>
    %dma_wait3A_363 = tpu.memref_squeeze %dma_wait3A_362 : memref<1x128x64xbf16, #tpu.memory_space<vmem>> -> memref<128x64xbf16, #tpu.memory_space<vmem>>
    tpu.wait_dma2 semaphore(%arg20 : memref<!tpu.dma_semaphore, #tpu.memory_space<semaphore_mem>>) src(%dma_wait3A_363 : memref<128x64xbf16, #tpu.memory_space<vmem>>) dst(%dma_wait3A_359 : memref<128x64xbf16, #tpu.memory_space<hbm>>)
    %add3A_364 = arith.constant 192 : i32
    %add3A_365 = arith.addi %mul3A_2, %add3A_364 : i32
    %add3A_366 = arith.constant 4 : i32
    %add3A_367 = arith.addi %add3A_365, %add3A_366 : i32
    %jit3A_368 = arith.constant 32 : i32
    %div3A_369 = arith.divsi %add3A_367, %jit3A_368 : i32
    %sign3A_370 = arith.constant 0 : i32
    %sign3A_371 = arith.cmpi sgt, %add3A_367, %sign3A_370 : i32
    %sign3A_372 = arith.extui %sign3A_371 : i1 to i32
    %sign3A_373 = arith.constant 0 : i32
    %sign3A_374 = arith.cmpi slt, %add3A_367, %sign3A_373 : i32
    %sign3A_375 = arith.extui %sign3A_374 : i1 to i32
    %sign3A_376 = arith.subi %sign3A_372, %sign3A_375 : i32
    %sign3A_377 = arith.constant 0 : i32
    %sign3A_378 = arith.cmpi sgt, %jit3A_368, %sign3A_377 : i32
    %sign3A_379 = arith.extui %sign3A_378 : i1 to i32
    %sign3A_380 = arith.constant 0 : i32
    %sign3A_381 = arith.cmpi slt, %jit3A_368, %sign3A_380 : i32
    %sign3A_382 = arith.extui %sign3A_381 : i1 to i32
    %sign3A_383 = arith.subi %sign3A_379, %sign3A_382 : i32
    %ne3A_384 = arith.cmpi ne, %sign3A_376, %sign3A_383 : i32
    %rem3A_385 = arith.remsi %add3A_367, %jit3A_368 : i32
    %ne3A_386 = arith.constant 0 : i32
    %ne3A_387 = arith.cmpi ne, %rem3A_385, %ne3A_386 : i32
    %and3A_388 = arith.andi %ne3A_384, %ne3A_387 : i1
    %sub3A_389 = arith.constant 1 : i32
    %sub3A_390 = arith.subi %div3A_369, %sub3A_389 : i32
    %select_n3A_391 = arith.select %and3A_388, %sub3A_390, %div3A_369 : i32
    %jit3A_392 = arith.constant 32 : i32
    %eq3A_393 = arith.constant 0 : i32
    %eq3A_394 = arith.cmpi eq, %jit3A_392, %eq3A_393 : i32
    %jit3A_395 = arith.constant 1 : i32
    %select_n3A_396 = arith.select %eq3A_394, %jit3A_395, %jit3A_392 : i32
    %rem3A_397 = arith.remsi %add3A_367, %select_n3A_396 : i32
    %ne3A_398 = arith.constant 0 : i32
    %ne3A_399 = arith.cmpi ne, %rem3A_397, %ne3A_398 : i32
    %lt3A_400 = arith.constant 0 : i32
    %lt3A_401 = arith.cmpi slt, %rem3A_397, %lt3A_400 : i32
    %lt3A_402 = arith.constant 0 : i32
    %lt3A_403 = arith.cmpi slt, %select_n3A_396, %lt3A_402 : i32
    %ne3A_404 = arith.xori %lt3A_401, %lt3A_403 : i1
    %and3A_405 = arith.andi %ne3A_404, %ne3A_399 : i1
    %add3A_406 = arith.addi %rem3A_397, %select_n3A_396 : i32
    %select_n3A_407 = arith.select %and3A_405, %add3A_406, %rem3A_397 : i32
    %mul3A_408 = arith.constant 128 : i32
    %mul3A_409 = arith.muli %select_n3A_407, %mul3A_408 : i32
    %dma_wait3A_410 = arith.constant 4 : i32
    %dma_wait3A_411 = arith.constant 0 : i32
    %dma_wait3A_412 = arith.constant 0 : i32
    %dma_wait3A_413 = tpu.memref_slice %arg7[%dma_wait3A_410, %dma_wait3A_411, %dma_wait3A_412] : memref<8x128x64xbf16, #tpu.memory_space<vmem>> -> memref<1x128x64xbf16, #tpu.memory_space<vmem>>
    %dma_wait3A_414 = tpu.memref_squeeze %dma_wait3A_413 : memref<1x128x64xbf16, #tpu.memory_space<vmem>> -> memref<128x64xbf16, #tpu.memory_space<vmem>>
    %dma_wait3A_415 = arith.constant 0 : i32
    %dma_wait3A_416 = tpu.memref_slice %arg4[%mul3A_409, %select_n3A_391, %dma_wait3A_415] : memref<4096x200x64xbf16, #tpu.memory_space<hbm>> -> memref<128x1x64xbf16, #tpu.memory_space<hbm>>
    %dma_wait3A_417 = tpu.memref_squeeze %dma_wait3A_416 : memref<128x1x64xbf16, #tpu.memory_space<hbm>> -> memref<128x64xbf16, #tpu.memory_space<hbm>>
    %dma_wait3A_418 = arith.constant 0 : i32
    %dma_wait3A_419 = tpu.memref_slice %arg4[%mul3A_409, %select_n3A_391, %dma_wait3A_418] : memref<4096x200x64xbf16, #tpu.memory_space<hbm>> -> memref<128x1x64xbf16, #tpu.memory_space<hbm>>
    %dma_wait3A_420 = tpu.memref_squeeze %dma_wait3A_419 : memref<128x1x64xbf16, #tpu.memory_space<hbm>> -> memref<128x64xbf16, #tpu.memory_space<hbm>>
    %dma_wait3A_421 = arith.constant 0 : i32
    %dma_wait3A_422 = arith.constant 0 : i32
    %dma_wait3A_423 = tpu.memref_slice %arg7[%dma_wait3A_410, %dma_wait3A_421, %dma_wait3A_422] : memref<8x128x64xbf16, #tpu.memory_space<vmem>> -> memref<1x128x64xbf16, #tpu.memory_space<vmem>>
    %dma_wait3A_424 = tpu.memref_squeeze %dma_wait3A_423 : memref<1x128x64xbf16, #tpu.memory_space<vmem>> -> memref<128x64xbf16, #tpu.memory_space<vmem>>
    tpu.wait_dma2 semaphore(%arg21 : memref<!tpu.dma_semaphore, #tpu.memory_space<semaphore_mem>>) src(%dma_wait3A_424 : memref<128x64xbf16, #tpu.memory_space<vmem>>) dst(%dma_wait3A_420 : memref<128x64xbf16, #tpu.memory_space<hbm>>)
    %add3A_425 = arith.constant 192 : i32
    %add3A_426 = arith.addi %mul3A_2, %add3A_425 : i32
    %add3A_427 = arith.constant 5 : i32
    %add3A_428 = arith.addi %add3A_426, %add3A_427 : i32
    %jit3A_429 = arith.constant 32 : i32
    %div3A_430 = arith.divsi %add3A_428, %jit3A_429 : i32
    %sign3A_431 = arith.constant 0 : i32
    %sign3A_432 = arith.cmpi sgt, %add3A_428, %sign3A_431 : i32
    %sign3A_433 = arith.extui %sign3A_432 : i1 to i32
    %sign3A_434 = arith.constant 0 : i32
    %sign3A_435 = arith.cmpi slt, %add3A_428, %sign3A_434 : i32
    %sign3A_436 = arith.extui %sign3A_435 : i1 to i32
    %sign3A_437 = arith.subi %sign3A_433, %sign3A_436 : i32
    %sign3A_438 = arith.constant 0 : i32
    %sign3A_439 = arith.cmpi sgt, %jit3A_429, %sign3A_438 : i32
    %sign3A_440 = arith.extui %sign3A_439 : i1 to i32
    %sign3A_441 = arith.constant 0 : i32
    %sign3A_442 = arith.cmpi slt, %jit3A_429, %sign3A_441 : i32
    %sign3A_443 = arith.extui %sign3A_442 : i1 to i32
    %sign3A_444 = arith.subi %sign3A_440, %sign3A_443 : i32
    %ne3A_445 = arith.cmpi ne, %sign3A_437, %sign3A_444 : i32
    %rem3A_446 = arith.remsi %add3A_428, %jit3A_429 : i32
    %ne3A_447 = arith.constant 0 : i32
    %ne3A_448 = arith.cmpi ne, %rem3A_446, %ne3A_447 : i32
    %and3A_449 = arith.andi %ne3A_445, %ne3A_448 : i1
    %sub3A_450 = arith.constant 1 : i32
    %sub3A_451 = arith.subi %div3A_430, %sub3A_450 : i32
    %select_n3A_452 = arith.select %and3A_449, %sub3A_451, %div3A_430 : i32
    %jit3A_453 = arith.constant 32 : i32
    %eq3A_454 = arith.constant 0 : i32
    %eq3A_455 = arith.cmpi eq, %jit3A_453, %eq3A_454 : i32
    %jit3A_456 = arith.constant 1 : i32
    %select_n3A_457 = arith.select %eq3A_455, %jit3A_456, %jit3A_453 : i32
    %rem3A_458 = arith.remsi %add3A_428, %select_n3A_457 : i32
    %ne3A_459 = arith.constant 0 : i32
    %ne3A_460 = arith.cmpi ne, %rem3A_458, %ne3A_459 : i32
    %lt3A_461 = arith.constant 0 : i32
    %lt3A_462 = arith.cmpi slt, %rem3A_458, %lt3A_461 : i32
    %lt3A_463 = arith.constant 0 : i32
    %lt3A_464 = arith.cmpi slt, %select_n3A_457, %lt3A_463 : i32
    %ne3A_465 = arith.xori %lt3A_462, %lt3A_464 : i1
    %and3A_466 = arith.andi %ne3A_465, %ne3A_460 : i1
    %add3A_467 = arith.addi %rem3A_458, %select_n3A_457 : i32
    %select_n3A_468 = arith.select %and3A_466, %add3A_467, %rem3A_458 : i32
    %mul3A_469 = arith.constant 128 : i32
    %mul3A_470 = arith.muli %select_n3A_468, %mul3A_469 : i32
    %dma_wait3A_471 = arith.constant 5 : i32
    %dma_wait3A_472 = arith.constant 0 : i32
    %dma_wait3A_473 = arith.constant 0 : i32
    %dma_wait3A_474 = tpu.memref_slice %arg7[%dma_wait3A_471, %dma_wait3A_472, %dma_wait3A_473] : memref<8x128x64xbf16, #tpu.memory_space<vmem>> -> memref<1x128x64xbf16, #tpu.memory_space<vmem>>
    %dma_wait3A_475 = tpu.memref_squeeze %dma_wait3A_474 : memref<1x128x64xbf16, #tpu.memory_space<vmem>> -> memref<128x64xbf16, #tpu.memory_space<vmem>>
    %dma_wait3A_476 = arith.constant 0 : i32
    %dma_wait3A_477 = tpu.memref_slice %arg4[%mul3A_470, %select_n3A_452, %dma_wait3A_476] : memref<4096x200x64xbf16, #tpu.memory_space<hbm>> -> memref<128x1x64xbf16, #tpu.memory_space<hbm>>
    %dma_wait3A_478 = tpu.memref_squeeze %dma_wait3A_477 : memref<128x1x64xbf16, #tpu.memory_space<hbm>> -> memref<128x64xbf16, #tpu.memory_space<hbm>>
    %dma_wait3A_479 = arith.constant 0 : i32
    %dma_wait3A_480 = tpu.memref_slice %arg4[%mul3A_470, %select_n3A_452, %dma_wait3A_479] : memref<4096x200x64xbf16, #tpu.memory_space<hbm>> -> memref<128x1x64xbf16, #tpu.memory_space<hbm>>
    %dma_wait3A_481 = tpu.memref_squeeze %dma_wait3A_480 : memref<128x1x64xbf16, #tpu.memory_space<hbm>> -> memref<128x64xbf16, #tpu.memory_space<hbm>>
    %dma_wait3A_482 = arith.constant 0 : i32
    %dma_wait3A_483 = arith.constant 0 : i32
    %dma_wait3A_484 = tpu.memref_slice %arg7[%dma_wait3A_471, %dma_wait3A_482, %dma_wait3A_483] : memref<8x128x64xbf16, #tpu.memory_space<vmem>> -> memref<1x128x64xbf16, #tpu.memory_space<vmem>>
    %dma_wait3A_485 = tpu.memref_squeeze %dma_wait3A_484 : memref<1x128x64xbf16, #tpu.memory_space<vmem>> -> memref<128x64xbf16, #tpu.memory_space<vmem>>
    tpu.wait_dma2 semaphore(%arg22 : memref<!tpu.dma_semaphore, #tpu.memory_space<semaphore_mem>>) src(%dma_wait3A_485 : memref<128x64xbf16, #tpu.memory_space<vmem>>) dst(%dma_wait3A_481 : memref<128x64xbf16, #tpu.memory_space<hbm>>)
    %add3A_486 = arith.constant 192 : i32
    %add3A_487 = arith.addi %mul3A_2, %add3A_486 : i32
    %add3A_488 = arith.constant 6 : i32
    %add3A_489 = arith.addi %add3A_487, %add3A_488 : i32
    %jit3A_490 = arith.constant 32 : i32
    %div3A_491 = arith.divsi %add3A_489, %jit3A_490 : i32
    %sign3A_492 = arith.constant 0 : i32
    %sign3A_493 = arith.cmpi sgt, %add3A_489, %sign3A_492 : i32
    %sign3A_494 = arith.extui %sign3A_493 : i1 to i32
    %sign3A_495 = arith.constant 0 : i32
    %sign3A_496 = arith.cmpi slt, %add3A_489, %sign3A_495 : i32
    %sign3A_497 = arith.extui %sign3A_496 : i1 to i32
    %sign3A_498 = arith.subi %sign3A_494, %sign3A_497 : i32
    %sign3A_499 = arith.constant 0 : i32
    %sign3A_500 = arith.cmpi sgt, %jit3A_490, %sign3A_499 : i32
    %sign3A_501 = arith.extui %sign3A_500 : i1 to i32
    %sign3A_502 = arith.constant 0 : i32
    %sign3A_503 = arith.cmpi slt, %jit3A_490, %sign3A_502 : i32
    %sign3A_504 = arith.extui %sign3A_503 : i1 to i32
    %sign3A_505 = arith.subi %sign3A_501, %sign3A_504 : i32
    %ne3A_506 = arith.cmpi ne, %sign3A_498, %sign3A_505 : i32
    %rem3A_507 = arith.remsi %add3A_489, %jit3A_490 : i32
    %ne3A_508 = arith.constant 0 : i32
    %ne3A_509 = arith.cmpi ne, %rem3A_507, %ne3A_508 : i32
    %and3A_510 = arith.andi %ne3A_506, %ne3A_509 : i1
    %sub3A_511 = arith.constant 1 : i32
    %sub3A_512 = arith.subi %div3A_491, %sub3A_511 : i32
    %select_n3A_513 = arith.select %and3A_510, %sub3A_512, %div3A_491 : i32
    %jit3A_514 = arith.constant 32 : i32
    %eq3A_515 = arith.constant 0 : i32
    %eq3A_516 = arith.cmpi eq, %jit3A_514, %eq3A_515 : i32
    %jit3A_517 = arith.constant 1 : i32
    %select_n3A_518 = arith.select %eq3A_516, %jit3A_517, %jit3A_514 : i32
    %rem3A_519 = arith.remsi %add3A_489, %select_n3A_518 : i32
    %ne3A_520 = arith.constant 0 : i32
    %ne3A_521 = arith.cmpi ne, %rem3A_519, %ne3A_520 : i32
    %lt3A_522 = arith.constant 0 : i32
    %lt3A_523 = arith.cmpi slt, %rem3A_519, %lt3A_522 : i32
    %lt3A_524 = arith.constant 0 : i32
    %lt3A_525 = arith.cmpi slt, %select_n3A_518, %lt3A_524 : i32
    %ne3A_526 = arith.xori %lt3A_523, %lt3A_525 : i1
    %and3A_527 = arith.andi %ne3A_526, %ne3A_521 : i1
    %add3A_528 = arith.addi %rem3A_519, %select_n3A_518 : i32
    %select_n3A_529 = arith.select %and3A_527, %add3A_528, %rem3A_519 : i32
    %mul3A_530 = arith.constant 128 : i32
    %mul3A_531 = arith.muli %select_n3A_529, %mul3A_530 : i32
    %dma_wait3A_532 = arith.constant 6 : i32
    %dma_wait3A_533 = arith.constant 0 : i32
    %dma_wait3A_534 = arith.constant 0 : i32
    %dma_wait3A_535 = tpu.memref_slice %arg7[%dma_wait3A_532, %dma_wait3A_533, %dma_wait3A_534] : memref<8x128x64xbf16, #tpu.memory_space<vmem>> -> memref<1x128x64xbf16, #tpu.memory_space<vmem>>
    %dma_wait3A_536 = tpu.memref_squeeze %dma_wait3A_535 : memref<1x128x64xbf16, #tpu.memory_space<vmem>> -> memref<128x64xbf16, #tpu.memory_space<vmem>>
    %dma_wait3A_537 = arith.constant 0 : i32
    %dma_wait3A_538 = tpu.memref_slice %arg4[%mul3A_531, %select_n3A_513, %dma_wait3A_537] : memref<4096x200x64xbf16, #tpu.memory_space<hbm>> -> memref<128x1x64xbf16, #tpu.memory_space<hbm>>
    %dma_wait3A_539 = tpu.memref_squeeze %dma_wait3A_538 : memref<128x1x64xbf16, #tpu.memory_space<hbm>> -> memref<128x64xbf16, #tpu.memory_space<hbm>>
    %dma_wait3A_540 = arith.constant 0 : i32
    %dma_wait3A_541 = tpu.memref_slice %arg4[%mul3A_531, %select_n3A_513, %dma_wait3A_540] : memref<4096x200x64xbf16, #tpu.memory_space<hbm>> -> memref<128x1x64xbf16, #tpu.memory_space<hbm>>
    %dma_wait3A_542 = tpu.memref_squeeze %dma_wait3A_541 : memref<128x1x64xbf16, #tpu.memory_space<hbm>> -> memref<128x64xbf16, #tpu.memory_space<hbm>>
    %dma_wait3A_543 = arith.constant 0 : i32
    %dma_wait3A_544 = arith.constant 0 : i32
    %dma_wait3A_545 = tpu.memref_slice %arg7[%dma_wait3A_532, %dma_wait3A_543, %dma_wait3A_544] : memref<8x128x64xbf16, #tpu.memory_space<vmem>> -> memref<1x128x64xbf16, #tpu.memory_space<vmem>>
    %dma_wait3A_546 = tpu.memref_squeeze %dma_wait3A_545 : memref<1x128x64xbf16, #tpu.memory_space<vmem>> -> memref<128x64xbf16, #tpu.memory_space<vmem>>
    tpu.wait_dma2 semaphore(%arg23 : memref<!tpu.dma_semaphore, #tpu.memory_space<semaphore_mem>>) src(%dma_wait3A_546 : memref<128x64xbf16, #tpu.memory_space<vmem>>) dst(%dma_wait3A_542 : memref<128x64xbf16, #tpu.memory_space<hbm>>)
    %add3A_547 = arith.constant 192 : i32
    %add3A_548 = arith.addi %mul3A_2, %add3A_547 : i32
    %add3A_549 = arith.constant 7 : i32
    %add3A_550 = arith.addi %add3A_548, %add3A_549 : i32
    %jit3A_551 = arith.constant 32 : i32
    %div3A_552 = arith.divsi %add3A_550, %jit3A_551 : i32
    %sign3A_553 = arith.constant 0 : i32
    %sign3A_554 = arith.cmpi sgt, %add3A_550, %sign3A_553 : i32
    %sign3A_555 = arith.extui %sign3A_554 : i1 to i32
    %sign3A_556 = arith.constant 0 : i32
    %sign3A_557 = arith.cmpi slt, %add3A_550, %sign3A_556 : i32
    %sign3A_558 = arith.extui %sign3A_557 : i1 to i32
    %sign3A_559 = arith.subi %sign3A_555, %sign3A_558 : i32
    %sign3A_560 = arith.constant 0 : i32
    %sign3A_561 = arith.cmpi sgt, %jit3A_551, %sign3A_560 : i32
    %sign3A_562 = arith.extui %sign3A_561 : i1 to i32
    %sign3A_563 = arith.constant 0 : i32
    %sign3A_564 = arith.cmpi slt, %jit3A_551, %sign3A_563 : i32
    %sign3A_565 = arith.extui %sign3A_564 : i1 to i32
    %sign3A_566 = arith.subi %sign3A_562, %sign3A_565 : i32
    %ne3A_567 = arith.cmpi ne, %sign3A_559, %sign3A_566 : i32
    %rem3A_568 = arith.remsi %add3A_550, %jit3A_551 : i32
    %ne3A_569 = arith.constant 0 : i32
    %ne3A_570 = arith.cmpi ne, %rem3A_568, %ne3A_569 : i32
    %and3A_571 = arith.andi %ne3A_567, %ne3A_570 : i1
    %sub3A_572 = arith.constant 1 : i32
    %sub3A_573 = arith.subi %div3A_552, %sub3A_572 : i32
    %select_n3A_574 = arith.select %and3A_571, %sub3A_573, %div3A_552 : i32
    %jit3A_575 = arith.constant 32 : i32
    %eq3A_576 = arith.constant 0 : i32
    %eq3A_577 = arith.cmpi eq, %jit3A_575, %eq3A_576 : i32
    %jit3A_578 = arith.constant 1 : i32
    %select_n3A_579 = arith.select %eq3A_577, %jit3A_578, %jit3A_575 : i32
    %rem3A_580 = arith.remsi %add3A_550, %select_n3A_579 : i32
    %ne3A_581 = arith.constant 0 : i32
    %ne3A_582 = arith.cmpi ne, %rem3A_580, %ne3A_581 : i32
    %lt3A_583 = arith.constant 0 : i32
    %lt3A_584 = arith.cmpi slt, %rem3A_580, %lt3A_583 : i32
    %lt3A_585 = arith.constant 0 : i32
    %lt3A_586 = arith.cmpi slt, %select_n3A_579, %lt3A_585 : i32
    %ne3A_587 = arith.xori %lt3A_584, %lt3A_586 : i1
    %and3A_588 = arith.andi %ne3A_587, %ne3A_582 : i1
    %add3A_589 = arith.addi %rem3A_580, %select_n3A_579 : i32
    %select_n3A_590 = arith.select %and3A_588, %add3A_589, %rem3A_580 : i32
    %mul3A_591 = arith.constant 128 : i32
    %mul3A_592 = arith.muli %select_n3A_590, %mul3A_591 : i32
    %dma_wait3A_593 = arith.constant 7 : i32
    %dma_wait3A_594 = arith.constant 0 : i32
    %dma_wait3A_595 = arith.constant 0 : i32
    %dma_wait3A_596 = tpu.memref_slice %arg7[%dma_wait3A_593, %dma_wait3A_594, %dma_wait3A_595] : memref<8x128x64xbf16, #tpu.memory_space<vmem>> -> memref<1x128x64xbf16, #tpu.memory_space<vmem>>
    %dma_wait3A_597 = tpu.memref_squeeze %dma_wait3A_596 : memref<1x128x64xbf16, #tpu.memory_space<vmem>> -> memref<128x64xbf16, #tpu.memory_space<vmem>>
    %dma_wait3A_598 = arith.constant 0 : i32
    %dma_wait3A_599 = tpu.memref_slice %arg4[%mul3A_592, %select_n3A_574, %dma_wait3A_598] : memref<4096x200x64xbf16, #tpu.memory_space<hbm>> -> memref<128x1x64xbf16, #tpu.memory_space<hbm>>
    %dma_wait3A_600 = tpu.memref_squeeze %dma_wait3A_599 : memref<128x1x64xbf16, #tpu.memory_space<hbm>> -> memref<128x64xbf16, #tpu.memory_space<hbm>>
    %dma_wait3A_601 = arith.constant 0 : i32
    %dma_wait3A_602 = tpu.memref_slice %arg4[%mul3A_592, %select_n3A_574, %dma_wait3A_601] : memref<4096x200x64xbf16, #tpu.memory_space<hbm>> -> memref<128x1x64xbf16, #tpu.memory_space<hbm>>
    %dma_wait3A_603 = tpu.memref_squeeze %dma_wait3A_602 : memref<128x1x64xbf16, #tpu.memory_space<hbm>> -> memref<128x64xbf16, #tpu.memory_space<hbm>>
    %dma_wait3A_604 = arith.constant 0 : i32
    %dma_wait3A_605 = arith.constant 0 : i32
    %dma_wait3A_606 = tpu.memref_slice %arg7[%dma_wait3A_593, %dma_wait3A_604, %dma_wait3A_605] : memref<8x128x64xbf16, #tpu.memory_space<vmem>> -> memref<1x128x64xbf16, #tpu.memory_space<vmem>>
    %dma_wait3A_607 = tpu.memref_squeeze %dma_wait3A_606 : memref<1x128x64xbf16, #tpu.memory_space<vmem>> -> memref<128x64xbf16, #tpu.memory_space<vmem>>
    tpu.wait_dma2 semaphore(%arg24 : memref<!tpu.dma_semaphore, #tpu.memory_space<semaphore_mem>>) src(%dma_wait3A_607 : memref<128x64xbf16, #tpu.memory_space<vmem>>) dst(%dma_wait3A_603 : memref<128x64xbf16, #tpu.memory_space<hbm>>)
    return
  }
}

module attributes {stable_mosaic.version = 14 : i64} {
  func.func @_pack_tc_body(%arg0: i32, %arg1: memref<64x8192xf32, #tpu.memory_space<vmem>>, %arg2: memref<2048x128xi32, #tpu.memory_space<vmem>>) attributes {dimension_semantics = [#tpu.dimension_semantics<arbitrary>], iteration_bounds = array<i64: 123>, scalar_prefetch = 0 : i64, scratch_operands = 0 : i64, tpu.core_type = #tpu.core_type<tc>, window_params = [{transform_indices = @transform_0, window_bounds = array<i64: 64, 8192>}, {transform_indices = @transform_1, window_bounds = array<i64: 2048, 128>}]} {
    %get3A = arith.constant 0 : index
    %get3A_0 = arith.constant 0 : index
    %get3A_1 = vector.load %arg1[%get3A, %get3A_0] : memref<64x8192xf32, #tpu.memory_space<vmem>>, vector<32x8192xf32>
    %get3A_2 = arith.constant 32 : index
    %get3A_3 = arith.constant 0 : index
    %get3A_4 = vector.load %arg1[%get3A_2, %get3A_3] : memref<64x8192xf32, #tpu.memory_space<vmem>>, vector<32x8192xf32>
    %bitcast_convert_type3A = tpu.bitcast %get3A_1 : vector<32x8192xf32> -> vector<32x8192xi32>
    %add3A = arith.constant 32767 : i32
    %add3A_5 = vector.broadcast %add3A : i32 to vector<32x8192xi32>
    %add3A_6 = arith.addi %bitcast_convert_type3A, %add3A_5 : vector<32x8192xi32>
    %shift_right_logical3A = arith.constant 16 : i32
    %shift_right_logical3A_7 = vector.broadcast %shift_right_logical3A : i32 to vector<32x8192xi32>
    %shift_right_logical3A_8 = arith.shrui %bitcast_convert_type3A, %shift_right_logical3A_7 : vector<32x8192xi32>
    %and3A = arith.constant 1 : i32
    %and3A_9 = vector.broadcast %and3A : i32 to vector<32x8192xi32>
    %and3A_10 = arith.andi %shift_right_logical3A_8, %and3A_9 : vector<32x8192xi32>
    %add3A_11 = arith.addi %add3A_6, %and3A_10 : vector<32x8192xi32>
    %shift_right_logical3A_12 = arith.constant 16 : i32
    %shift_right_logical3A_13 = vector.broadcast %shift_right_logical3A_12 : i32 to vector<32x8192xi32>
    %shift_right_logical3A_14 = arith.shrui %add3A_11, %shift_right_logical3A_13 : vector<32x8192xi32>
    %bitcast_convert_type3A_15 = tpu.bitcast %get3A_4 : vector<32x8192xf32> -> vector<32x8192xi32>
    %add3A_16 = arith.constant 32767 : i32
    %add3A_17 = vector.broadcast %add3A_16 : i32 to vector<32x8192xi32>
    %add3A_18 = arith.addi %bitcast_convert_type3A_15, %add3A_17 : vector<32x8192xi32>
    %shift_right_logical3A_19 = arith.constant 16 : i32
    %shift_right_logical3A_20 = vector.broadcast %shift_right_logical3A_19 : i32 to vector<32x8192xi32>
    %shift_right_logical3A_21 = arith.shrui %bitcast_convert_type3A_15, %shift_right_logical3A_20 : vector<32x8192xi32>
    %and3A_22 = arith.constant 1 : i32
    %and3A_23 = vector.broadcast %and3A_22 : i32 to vector<32x8192xi32>
    %and3A_24 = arith.andi %shift_right_logical3A_21, %and3A_23 : vector<32x8192xi32>
    %add3A_25 = arith.addi %add3A_18, %and3A_24 : vector<32x8192xi32>
    %shift_right_logical3A_26 = arith.constant 16 : i32
    %shift_right_logical3A_27 = vector.broadcast %shift_right_logical3A_26 : i32 to vector<32x8192xi32>
    %shift_right_logical3A_28 = arith.shrui %add3A_25, %shift_right_logical3A_27 : vector<32x8192xi32>
    %shift_left3A = arith.constant 16 : i32
    %shift_left3A_29 = vector.broadcast %shift_left3A : i32 to vector<32x8192xi32>
    %shift_left3A_30 = arith.shli %shift_right_logical3A_28, %shift_left3A_29 : vector<32x8192xi32>
    %or3A = arith.ori %shift_right_logical3A_14, %shift_left3A_30 : vector<32x8192xi32>
    %slice3A = vector.extract_strided_slice %or3A {offsets = [0, 0], sizes = [32, 2048], strides = [1, 1]} : vector<32x8192xi32> to vector<32x2048xi32>
    %slice3A_31 = vector.extract_strided_slice %or3A {offsets = [0, 2048], sizes = [32, 2048], strides = [1, 1]} : vector<32x8192xi32> to vector<32x2048xi32>
    %slice3A_32 = vector.extract_strided_slice %or3A {offsets = [0, 4096], sizes = [32, 2048], strides = [1, 1]} : vector<32x8192xi32> to vector<32x2048xi32>
    %slice3A_33 = vector.extract_strided_slice %or3A {offsets = [0, 6144], sizes = [32, 2048], strides = [1, 1]} : vector<32x8192xi32> to vector<32x2048xi32>
    %concatenate3A = tpu.concatenate %slice3A, %slice3A_31, %slice3A_32, %slice3A_33 in 0 : vector<32x2048xi32>, vector<32x2048xi32>, vector<32x2048xi32>, vector<32x2048xi32> -> vector<128x2048xi32>
    %transpose3A = tpu.transpose %concatenate3A, [1, 0] : vector<128x2048xi32> -> vector<2048x128xi32>
    %bitcast_convert_type3A_34 = tpu.bitcast %transpose3A : vector<2048x128xi32> -> vector<2048x128xi32>
    %swap3A = arith.constant 0 : index
    %swap3A_35 = arith.constant 0 : index
    %swap3A_36 = vector.load %arg2[%swap3A, %swap3A_35] : memref<2048x128xi32, #tpu.memory_space<vmem>>, vector<2048x128xi32>
    tpu.vector_store %arg2[%swap3A, %swap3A_35], %bitcast_convert_type3A_34 {strides = array<i32>} : memref<2048x128xi32, #tpu.memory_space<vmem>>, vector<2048x128xi32>,
    return
  }
  func.func @transform_0(%arg0: i32) -> (i32, i32) {
    %c0_i32 = arith.constant 0 : i32
    %c0_i32_0 = arith.constant 0 : i32
    return %c0_i32, %arg0 : i32, i32
  }
  func.func @transform_1(%arg0: i32) -> (i32, i32) {
    %c0_i32 = arith.constant 0 : i32
    %c0_i32_0 = arith.constant 0 : i32
    return %arg0, %c0_i32 : i32, i32
  }
}

</mosaic_0001>

<sc_bundles>
// kernel: _run.4.cloned.1.call-start
scs
__scs_entry_jumppad:
0x0: {  	(pc) =	sbr.rel $0x88, $3  }
0x1: {  	(tag) =	ssettag $0x0;
	lr =	simm.s32 $0x1  }
0x2: {  	[smem:$0x3F9F] =	sst lr;
	_ =	strace $0xD0000000  }
0x3: {  	_ = 	snop  }
0x4: {  	_ = 	snop  }
0x5: {  	_ = 	snop  }
0x6: {  	_ = 	snop  }
0x7: {  	_ = 	snop  }
__scs_overlays_trampoline_lowered:
0x8: {  	[smem:$0x3FAE] =	sst s0  }
0x9: {  	[smem:$0x3FAF] =	sst s1  }
0xa: {  	[smem:$0x3FB0] =	sst s2  }
0xb: {  	[smem:$0x3FB1] =	sst s3  }
0xc: {  	[smem:$0x3FB2] =	sst s4  }
0xd: {  	[smem:$0x3FB3] =	sst s5  }
0xe: {  	[smem:$0x3FB4] =	sst s6  }
0xf: {  	[smem:$0x3FB5] =	sst s7  }
0x10: {  	[smem:$0x3FB6] =	sst s8  }
0x11: {  	[smem:$0x3FB7] =	sst s9;
	s0 =	simm.s32 @!p0 $0x0  }
0x12: {  	s1 =	sld [smem:$0x3F9D];
	s0 =	simm.s32 @p0 $0x1  }
0x13: {  	[smem:$0x3FB8] =	sst s0;
	s0 =	simm.s32 @!p1 $0x0  }
0x14: {  	s2 =	sld [smem:$0x3F9C];
	s0 =	simm.s32 @p1 $0x1  }
0x15: {  	[smem:$0x3FB9] =	sst s0;
	s0 =	simm.s32 @!p2 $0x0  }
0x16: {  	s3 =	sld [smem:$0x3FDB];
	s0 =	simm.s32 @p2 $0x1  }
0x17: {  	s4 =	simm.s32 $0x1BF5;
	[smem:$0x3FBB] =	sst s0  }
0x18: {  	s0 =	sld [smem:$0x3F9E];
	_ =	swait.ge [sflag:s4], $0x0  }
0x19: {  	s7 =	sld [smem:$0x3F9F]  }
0x1a: {  	s8 =	sadd.s32 $0xFFFFE003, lr  }
0x1b: {  	s9 =	sadd.s32 $0xFFFFFEF7, lr;
	s5 =	simm.s32 $0xFFFFFFFF;
	p2 =	slt.u32 s8, $0xFFFFF086  }
0x1c: {  	p1 =	slt.u32 s9, $0xF7A;
	s5 =	simm.s32 @!p2 $0x0  }
0x1d: {  	s5 =	simm.s32 @p1 $0x1;
	p0 =	seq.s32 s7, s2  }
0x1e: {  	s7 =	smul.u32 @!p0 $0xF7A, s2;
	p2 =	seq.s32 @!p0 s5, $0x0  }
0x1f: {  	s9 =	smul.u32 $0xF7A, s1;
	s8 =	simm.s32 @!p0 $0x1BF5;
	p2 =	por !p2, p0  }
0x20: {  	[sflag:s8] =	ssyncset.s32 @!p0 $0xFFFFF086;
	s6 =	sadd.s32 @!p0 s3, s7;
	s7 =	simm.s32 @!p0 $0x108  }
0x21: {  	s3 =	sadd.s32 s3, s9;
	s6 =	sadd.s32 @!p0 $0x88, s6;
	s7 =	simm.s32 @p2 $0x1082  }
0x22: {  	[simem:s7], [sflag:s8] =	dma.local @!p0 [hbm:s6], $0xF7A  }
0x23: {  	s9 =	sor.u32 $0xD0000000, s2;
	s6 =	simm.s32 $0x108;
	_ =	swait.ge @!p0 [sflag:s8], $0x0  }
0x24: {  	s3 =	sadd.s32 $0x88, s3;
	s6 =	simm.s32 @!p1 $0x1082;
	[sflag:s4] =	ssyncset.s32 $0xFFFFF086  }
0x25: {  	[simem:s6], [sflag:s4] =	dma.local [hbm:s3], $0xF7A  }
0x26: {  	[smem:$0x3F9F] =	sst s1;
	(tag) =	ssettag s2;
	_ =	strace s9  }
0x27: {  	s1 =	sld [smem:$0x3FAF]  }
0x28: {  	s2 =	sld [smem:$0x3FB0]  }
0x29: {  	s4 =	sld [smem:$0x3FB2]  }
0x2a: {  	p0 =	seq.s32 s5, $0x0;
	s5 =	sld [smem:$0x3FB3]  }
0x2b: {  	s6 =	sld [smem:$0x3FB4]  }
0x2c: {  	s7 =	sld [smem:$0x3FB5]  }
0x2d: {  	s3 =	simm.s32 $0x108;
	s8 =	sld [smem:$0x3FB6]  }
0x2e: {  	s3 =	simm.s32 @!p0 $0x1082;
	s9 =	sld [smem:$0x3FB7]  }
0x2f: {  	lr =	sadd.s32 s0, s3;
	s0 =	sld [smem:$0x3FAE]  }
0x30: {  	s3 =	sld [smem:$0x3FB1]  }
0x31: {  	[smem:$0x3FBA] =	sst s10  }
0x32: {  	s10 =	sld [smem:$0x3FB8];
	_ =	sdelay $0x3  }
0x33: {  	p0 =	seq.s32 s10, $0x1;
	s10 =	sld [smem:$0x3FBA];
	_ =	sdelay $0x3  }
0x34: {  	[smem:$0x3FBA] =	sst s10  }
0x35: {  	s10 =	sld [smem:$0x3FB9];
	_ =	sdelay $0x3  }
0x36: {  	p1 =	seq.s32 s10, $0x1;
	s10 =	sld [smem:$0x3FBA];
	_ =	sdelay $0x3  }
0x37: {  	[smem:$0x3FBA] =	sst s10  }
0x38: {  	s10 =	sld [smem:$0x3FBB]  }
0x39: {  	_ = 	snop;
	(pc) =	sbr.ind lr, $3  }
0x3a: {  	_ = 	snop  }
0x3b: {  	_ = 	snop  }
0x3c: {  	p2 =	seq.s32 s10, $0x1;
	s10 =	sld [smem:$0x3FBA]  }
0x3d: {  	_ =	shalt  }
0x3e: {  	_ =	shalt  }
0x3f: {  	_ =	shalt  }
0x40: {  	_ =	shalt  }
0x41: {  	_ =	shalt  }
0x42: {  	_ =	shalt  }
0x43: {  	_ =	shalt  }
0x44: {  	_ =	shalt  }
0x45: {  	_ =	shalt  }
0x46: {  	_ =	shalt  }
0x47: {  	_ =	shalt  }
0x48: {  	_ =	shalt  }
0x49: {  	_ =	shalt  }
0x4a: {  	_ =	shalt  }
0x4b: {  	_ =	shalt  }
0x4c: {  	_ =	shalt  }
0x4d: {  	_ =	shalt  }
0x4e: {  	_ =	shalt  }
0x4f: {  	_ =	shalt  }
0x50: {  	_ =	shalt  }
0x51: {  	_ =	shalt  }
0x52: {  	_ =	shalt  }
0x53: {  	_ =	shalt  }
0x54: {  	_ =	shalt  }
0x55: {  	_ =	shalt  }
0x56: {  	_ =	shalt  }
0x57: {  	_ =	shalt  }
0x58: {  	_ =	shalt  }
0x59: {  	_ =	shalt  }
0x5a: {  	_ =	shalt  }
0x5b: {  	_ =	shalt  }
0x5c: {  	_ =	shalt  }
0x5d: {  	_ =	shalt  }
0x5e: {  	_ =	shalt  }
0x5f: {  	_ =	shalt  }
0x60: {  	_ =	shalt  }
0x61: {  	_ =	shalt  }
0x62: {  	_ =	shalt  }
0x63: {  	_ =	shalt  }
0x64: {  	_ =	shalt  }
0x65: {  	_ =	shalt  }
0x66: {  	_ =	shalt  }
0x67: {  	_ =	shalt  }
0x68: {  	_ =	shalt  }
0x69: {  	_ =	shalt  }
0x6a: {  	_ =	shalt  }
0x6b: {  	_ =	shalt  }
0x6c: {  	_ =	shalt  }
0x6d: {  	_ =	shalt  }
0x6e: {  	_ =	shalt  }
0x6f: {  	_ =	shalt  }
0x70: {  	_ =	shalt  }
0x71: {  	_ =	shalt  }
0x72: {  	_ =	shalt  }
0x73: {  	_ =	shalt  }
0x74: {  	_ =	shalt  }
0x75: {  	_ =	shalt  }
0x76: {  	_ =	shalt  }
0x77: {  	_ =	shalt  }
0x78: {  	_ =	shalt  }
0x79: {  	_ =	shalt  }
0x7a: {  	_ =	shalt  }
0x7b: {  	_ =	shalt  }
0x7c: {  	_ =	shalt  }
0x7d: {  	_ =	shalt  }
0x7e: {  	_ =	shalt  }
0x7f: {  	_ =	shalt  }
0x80: {  	_ =	shalt  }
0x81: {  	_ =	shalt  }
0x82: {  	_ =	shalt  }
0x83: {  	_ =	shalt  }
0x84: {  	_ =	shalt  }
0x85: {  	_ =	shalt  }
0x86: {  	_ =	shalt  }
0x87: {  	_ =	shalt  }
.Lfunc_end0:
.L_simem_size_0:
called_computation.1_lowered:
.L_overlay_start_0:
0x88: {  	s2 =	sld [smem:$0x3FD9]  }
0x89: {  	s3 =	sld [smem:$0x3FFE];
	_ =	sdelay $0x1  }
0x8a: {  	s1 =	srdreg.scid  }
0x8b: {  	s0 =	sand.u32 $0x1, s1  }
0x8c: {  	s17 =	sshll.u32 s0, $0xA;
	s2 =	sadd.s32 s3, s2  }
0x8d: {  	s2 =	sadd.s32 s2, s17  }
0x8e: {  	[smem:$0x3FC6] =	sst s2  }
0x8f: {  	_ = 	snop  }
0x90: {  	s2 =	sld [smem:$0x3FD0];
	(tm) =	ssettm $0x1  }
0x91: {  	s18 =	sld [smem:$0x3FFB];
	_ =	sdelay $0x3  }
0x92: {  	_ =	strace s18  }
0x93: {  	s3 =	sld [smem:$0x3FFC];
	_ =	sdelay $0x3  }
0x94: {  	_ =	strace s3  }
0x95: {  	s3 =	sld [smem:$0x3FFD];
	_ =	sdelay $0x3  }
0x96: {  	_ =	strace s3  }
0x97: {  	_ =	strace $0x8FFFFFFF  }
0x98: {  	s19 =	sld [smem:$0x3FDB];
	_ =	sdelay $0x1  }
0x99: {  	s4 =	simm.s32 $_scs_section_size  }
0x9a: {  	s5 =	simm.s32 $_size__tile_overlayer_lowered;
	s6 =	simm.s32 $_tile_overlayer_lowered  }
0x9b: {  	s22 =	simm.s32 $0x1BFF;
	s21 =	sshll.u32 s6, $0x1;
	s3 =	sadd.s32 s4, s19  }
0x9c: {  	s7 =	simm.s32 $0x0;
	s20 =	sshll.u32 s5, $0x1;
	s5 =	sadd.s32 s21, s3  }
0x9d: {  	[timem:s7], [sflag:s22] =	dma.local [hbm:s5], s20  }
0x9e: {  	_ =	swait.ge [sflag:s22], s20  }
0x9f: {  	s4 =	ssub.s32 $0x0, s20;
	[sflag:s22] =	ssyncset.done $0x0  }
0xa0: {  	[sflag:s22] =	ssyncadd.s32 s4;
	_ =	sdelay $0x1  }
0xa1: {  	s23 =	simm.s32 $0x1B8B  }
0xa2: {  	_ =	swait.ge [sflag:s23], $0x1  }
0xa3: {  	[sflag:s23] =	ssyncset.done $0x0  }
0xa4: {  	s25 =	simm.s32 $0x1B8E;
	s24 =	sld [smem:$0x3FFE];
	[sflag:s23] =	ssyncadd.s32 $0xFFFFFFFF  }
0xa5: {  	s26 =	simm.s32 $execute0_lowered;
	[smem:$0x3FD2] =	sst s25  }
0xa6: {  	s5 =	sshll.u32 s26, $0x1;
	_ =	strace $0x80000046;
	[dreg:$0x1] =	wrdreg $0xFFFFFFFF  }
0xa7: {  	s28 =	simm.s32 $_size_execute0_lowered;
	s3 =	sadd.s32 s3, s5;
	[dreg:$0x0] =	wrdreg $0x0  }
0xa8: {  	s5 =	sshll.u32 s28, $0x1;
	[dreg:$0x2] =	wrdreg s3  }
0xa9: {  	[dreg:$0x3] =	wrdreg s5  }
0xaa: {  	[dreg:$0x4] =	wrdreg $0xC0  }
0xab: {  	_ =	task [dreg:s7], $0x5FFFF  }
0xac: {  	[dreg:$0x1] =	wrdreg $0xFFFFFFFF  }
0xad: {  	[dreg:$0x0] =	wrdreg $0x60  }
0xae: {  	[dreg:$0x2] =	wrdreg s2  }
0xaf: {  	[dreg:$0x3] =	wrdreg s24  }
0xb0: {  	[dreg:$0x4] =	wrdreg $0x9  }
0xb1: {  	_ =	task.clear_ibuf [dreg:s7], $0x5FFFF;
	_ =	strace $0x90000046  }
0xb2: {  	s29 =	simm.s32 $0x9;
	_ =	strace $0x80000048  }
0xb3: {  	_ =	swait.ge [sflag:s29], $0x1  }
0xb4: {  	[sflag:s29] =	ssyncadd.s32 $0xFFFFFFFF  }
0xb5: {  	_ =	strace $0x90000048  }
0xb6: {  	_ =	sfence  }
0xb7: {  	s30 =	sld [smem:$0x0];
	_ =	sdelay $0x2  }
0xb8: {  	s31 =	sshll.u32 s1, $0xD;
	s1 =	sshrl.u32 s1, $0x2  }
0xb9: {  	s3 =	sand.u32 $0x4000, s31;
	s1 =	sadd.s32 s1, s30  }
0xba: {  	s0 =	sor.u32 s3, s0;
	s1 =	sshll.u32 s1, $0x11  }
0xbb: {  	s0 =	sor.u32 s1, s0  }
0xbc: {  	s0 =	sadd.s32 $0x8F2B, s0  }
0xbd: {  	[sflag:s0] =	ssyncadd.remote.s32 $0x1  }
0xbe: {  	_ =	sfence.sel $0xFFFF  }
0xbf: {  	[dreg:$0x0] =	wrdreg $0xFFFFFFFF;
	(pc) =	sbr.abs _section_cstart, $3  }
0xc0: {  	[dreg:$0x1] =	wrdreg $0xFFFFFFFF  }
0xc1: {  	_ =	task.clear_ibuf [dreg:s7], $0x2FFFF;
	_ =	strace $0x9FFFFFFF  }
0xc2: {  	(tm) =	ssettm $0x7FFFFFFF  }
0xc3: {  	_ =	shalt  }
tec
execute0_lowered:
.L_overlay_start_1:
0x0: {  	(tag) =	ssettag $0x1  }
0x1: {  	s0 =	rddreg [dreg:$0x0]  }
0x2: {  	s1 =	rddreg [dreg:$0x1];
	s4 =	simm.s32 $0x0  }
0x3: {  	s2 =	srdreg.scid;
	s3 =	stileid.u32;
	s9 =	simm.s32 $0x80  }
0x4: {  	s10 =	simm.s32 $0x6400;
	s11 =	simm.s32 $0x7400;
	s13 =	simm.s32 $0x8400  }
0x5: {  	s15 =	simm.s32 $0x9400;
	s17 =	simm.s32 $0xA400;
	s19 =	simm.s32 $0xB400  }
0x6: {  	s21 =	simm.s32 $0xC400;
	s23 =	simm.s32 $0xD400;
	s24 =	simm.s32 $0x2  }
0x7: {  	s29 =	simm.s32 $0x3;
	s14 =	simm.s32 $0x5;
	s20 =	simm.s32 $0x6  }
0x8: {  	s22 =	simm.s32 $0xE;
	s7 =	simm.s32 $0xF;
	s28 =	simm.s32 $0x8  }
0x9: {  	s31 =	simm.s32 $0x10;
	s2 =	sand.u32 $0x1, s2;
	s3 =	sshll.u32 s3, $0x1  }
0xa: {  	s18 =	simm.s32 $0x9;
	s25 =	ssub.s32 $0x2, s2;
	s2 =	sor.u32 s2, s3  }
0xb: {  	[smem:$0x7FF] =	sst s4;
	s4 =	simm.s32 $0x0;
	s6 =	smul.u32 $0xC80, s2  }
0xc: {  	_ =	strace $0x80000047;
	s3 =	sadd.s32 $0x800, s1;
	s2 =	smul.u32 $0xC8, s2  }
.Ltmp0:
0xd: {  	s1 =	sadd.s32 $0x3D8800, s1;
	s5 =	sshrl.u32 s25, $0x1;
	(pc) =	sbr.rel .LBB2_1-.Ltmp0, $4  }
0xe: {  	v0 =	vlaneseq.u32;
	[dreg:$0x3] =	wrdreg s1;
	s26 =	ssub.s32 s25, s5;
	s25 =	simm.s32 $0x20  }
0xf: {  	v0 =	vmul.u32 $0x2, v0;
	[dreg:$0x4] =	wrdreg s2;
	s0 =	sadd.s32 s0, s6;
	s30 =	smax.u32 s26, $0x1  }
0x10: {  	s26 =	simm.s32 $0x1900;
	s6 =	simm.s32 $0x7;
	[dreg:$0x5] =	wrdreg s0  }
0x11: {  	v1 =	vor.u32 $0x1, v0;
	s2 =	simm.s32 $0x11;
	[dreg:$0x6] =	wrdreg s30;
	s0 =	simm.s32 $0x4  }
.LBB2_50:
0x12: {  	s1 =	simm.s32 $0xA  }
0x13: {  	_ =	swait.ge [sflag:s1], $0x1000  }
0x14: {  	[sflag:s1] =	ssyncset.done $0x0  }
0x15: {  	s8 =	simm.s32 $0xB;
	[sflag:s1] =	ssyncadd.s32 $0xFFFFF000  }
0x16: {  	_ =	swait.ge [sflag:s8], $0x1000  }
0x17: {  	[sflag:s8] =	ssyncset.done $0x0  }
0x18: {  	s12 =	simm.s32 $0xC;
	[sflag:s8] =	ssyncadd.s32 $0xFFFFF000  }
0x19: {  	_ =	swait.ge [sflag:s12], $0x1000  }
0x1a: {  	[sflag:s12] =	ssyncset.done $0x0  }
0x1b: {  	s16 =	simm.s32 $0xD;
	[sflag:s12] =	ssyncadd.s32 $0xFFFFF000  }
0x1c: {  	_ =	swait.ge [sflag:s16], $0x1000  }
0x1d: {  	[sflag:s16] =	ssyncset.done $0x0  }
0x1e: {  	[sflag:s16] =	ssyncadd.s32 $0xFFFFF000  }
0x1f: {  	_ =	swait.ge [sflag:s22], $0x1000  }
0x20: {  	[sflag:s22] =	ssyncset.done $0x0  }
0x21: {  	[sflag:s22] =	ssyncadd.s32 $0xFFFFF000  }
0x22: {  	_ =	swait.ge [sflag:s7], $0x1000  }
0x23: {  	[sflag:s7] =	ssyncset.done $0x0  }
0x24: {  	[sflag:s7] =	ssyncadd.s32 $0xFFFFF000  }
0x25: {  	_ =	swait.ge [sflag:s31], $0x1000  }
0x26: {  	[sflag:s31] =	ssyncset.done $0x0  }
0x27: {  	[sflag:s31] =	ssyncadd.s32 $0xFFFFF000  }
0x28: {  	_ =	swait.ge [sflag:s2], $0x1000  }
0x29: {  	s4 =	rddreg [dreg:$0x7]  }
0x2a: {  	s30 =	rddreg [dreg:$0x6];
	s4 =	sadd.s32 $0x1, s4  }
0x2b: {  	p0 =	sne.s32 s4, s30  }
.Ltmp1:
0x2c: {  	_ = 	snop;
	(pc) =	sbr.rel @!p0 .LBB2_51-.Ltmp1, $3  }
0x2d: {  	_ =	sdelay $0x1  }
0x2e: {  	[sflag:s2] =	ssyncset.done $0x0  }
0x2f: {  	[sflag:s2] =	ssyncadd.s32 $0xFFFFF000  }
.LBB2_1:
0x30: {  	[dreg:$0x7] =	wrdreg s4  }
0x31: {  	s1 =	simm.s32 $0x0;
	s16 =	rddreg [dreg:$0x5];
	s30 =	simm.s32 $0x1  }
0x32: {  	[tilespmem:s1], [sflag:$0x1] =	stream.linear.gather [hbm4b:s16+s1], $0x6400, $0x38;
	[tilespmem:$0x16400] =	vst v63  }
0x33: {  	_ =	swait.ge [sflag:s30], $0x6400  }
0x34: {  	[sflag:s30] =	ssyncset.done $0x0  }
0x35: {  	[sflag:s30] =	ssyncadd.s32 $0xFFFF9C00  }
0x36: {  	v3 =	vld [tilespmem:s25+$0xFFFFFFF0];
	_ =	sdelay $0x3  }
0x37: {  	v4 =	vld [tilespmem:s25+$0x10]  }
0x38: {  	v5 =	vshll.u32 v3, $0x2  }
0x39: {  	v6 =	vand.u32 $0xFFFFE000, v3;
	v3 =	vshrl.u32 v3, $0xB;
	v5 =	vand.u32 $0x1FFC, v5  }
0x3a: {  	v2 =	vld [tilespmem:s25+$0xFFFFFFE0];
	v3 =	vand.u32 $0x3, v3;
	v5 =	vor.u32 v6, v5  }
0x3b: {  	v5 =	vor.u32 v3, v5;
	v3 =	vld [tilespmem:s25+$0x0]  }
0x3c: {  	v8 =	vshll.u32 v4, $0x2  }
0x3d: {  	v7 =	vshrl.u32 v4, $0xB;
	v4 =	vand.u32 $0xFFFFE000, v4;
	v6 =	vand.u32 $0x1FFC, v8  }
0x3e: {  	v7 =	vand.u32 $0x3, v7;
	v6 =	vor.u32 v4, v6  }
0x3f: {  	s5 =	simm.s32 $0x0;
	s8 =	simm.s32 $0x60;
	s4 =	simm.s32 $0x20;
	v4 =	vand.u32 $0xFFFFE000, v2;
	[tilespmem:s25+$0xFFFFFFF0] =	vst v5;
	v5 =	vor.u32 v7, v6  }
.LBB2_2:
0x40: {  	v6 =	vld [tilespmem:s8+$0xFFFFFFF0];
	s5 =	sadd.s32 $0x4, s5;
	v7 =	vshll.u32 v2, $0x2;
	v2 =	vshrl.u32 v2, $0xB;
	v8 =	vshll.u32 v3, $0x2;
	[tilespmem:s4+$0x10] =	vst v5  }
0x41: {  	v9 =	vshrl.u32 v3, $0xB;
	v5 =	vld [tilespmem:s8+$0x10];
	p0 =	slt.u32 s5, $0x63C;
	v7 =	vand.u32 $0x1FFC, v7;
	v2 =	vand.u32 $0x3, v2  }
0x42: {  	v3 =	vand.u32 $0xFFFFE000, v3;
	v4 =	vor.u32 v4, v7;
	v7 =	vand.u32 $0x1FFC, v8  }
0x43: {  	v2 =	vor.u32 v2, v4;
	v4 =	vand.u32 $0x3, v9;
	v3 =	vor.u32 v3, v7  }
0x44: {  	[tilespmem:s4+$0xFFFFFFE0] =	vst v2;
	v3 =	vor.u32 v4, v3  }
0x45: {  	v2 =	vld [tilespmem:s8+$0xFFFFFFE0];
	v4 =	vand.u32 $0xFFFFE000, v6;
	v7 =	vshll.u32 v6, $0x2;
	v6 =	vshrl.u32 v6, $0xB;
	[tilespmem:s4+$0x0] =	vst v3;
	s4 =	smov.u32 s8  }
.Ltmp2:
0x46: {  	v7 =	vand.u32 $0x1FFC, v7;
	v6 =	vand.u32 $0x3, v6;
	v3 =	vld [tilespmem:s8+$0x0];
	v8 =	vshrl.u32 v5, $0xB;
	(pc) =	sbr.rel @p0 .LBB2_2-.Ltmp2, $4  }
0x47: {  	v4 =	vor.u32 v4, v7;
	v7 =	vand.u32 $0xFFFFE000, v5;
	v5 =	vshll.u32 v5, $0x2  }
0x48: {  	v4 =	vor.u32 v6, v4;
	v5 =	vand.u32 $0x1FFC, v5  }
0x49: {  	v6 =	vand.u32 $0x3, v8;
	[tilespmem:s8+$0xFFFFFFF0] =	vst v4;
	v5 =	vor.u32 v7, v5  }
0x4a: {  	s8 =	sadd.s32 $0x40, s8;
	v4 =	vand.u32 $0xFFFFE000, v2;
	v5 =	vor.u32 v6, v5  }
0x4b: {  	v6 =	vshll.u32 v2, $0x2;
	v2 =	vshrl.u32 v2, $0xB;
	v7 =	vshll.u32 v3, $0x2  }
0x4c: {  	v62 =	vshrl.u32 v3, $0xB;
	v3 =	vand.u32 $0xFFFFE000, v3;
	v6 =	vand.u32 $0x1FFC, v6  }
0x4d: {  	v2 =	vand.u32 $0x3, v2;
	v7 =	vand.u32 $0x1FFC, v7;
	v4 =	vor.u32 v4, v6  }
0x4e: {  	[tilespmem:s4+$0x10] =	vst v5;
	v63 =	vand.u32 $0x3, v62;
	v3 =	vor.u32 v3, v7;
	v2 =	vor.u32 v2, v4  }
0x4f: {  	[tilespmem:s4+$0xFFFFFFE0] =	vst v2;
	v2 =	vor.u32 v63, v3  }
0x50: {  	s12 =	simm.s32 $0x0;
	[tilespmem:s4+$0x0] =	vst v2  }
0x51: {  	[tilespmem:s10], [sflag:$0x2] =	stream.indirect.gather [hbm4b:s3+s9], $0x20, s12, s9, $0xb8;
	[tilespmem:$0x16400] =	vst v63  }
0x52: {  	_ = 	snop  }
0x53: {  	[tilespmem:s11], [sflag:$0x3] =	stream.indirect.gather [hbm4b:s3+s9], $0x20, s9, s9, $0xb8;
	[tilespmem:$0x16400] =	vst v63  }
0x54: {  	s1 =	simm.s32 $0x100  }
0x55: {  	[tilespmem:s13], [sflag:$0x4] =	stream.indirect.gather [hbm4b:s3+s9], $0x20, s1, s9, $0xb8;
	[tilespmem:$0x16400] =	vst v63  }
0x56: {  	s4 =	simm.s32 $0x180  }
0x57: {  	[tilespmem:s15], [sflag:$0x5] =	stream.indirect.gather [hbm4b:s3+s9], $0x20, s4, s9, $0xb8;
	[tilespmem:$0x16400] =	vst v63  }
0x58: {  	s5 =	simm.s32 $0x200  }
0x59: {  	[tilespmem:s17], [sflag:$0x6] =	stream.indirect.gather [hbm4b:s3+s9], $0x20, s5, s9, $0xb8;
	[tilespmem:$0x16400] =	vst v63  }
0x5a: {  	s8 =	simm.s32 $0x280  }
0x5b: {  	[tilespmem:s19], [sflag:$0x7] =	stream.indirect.gather [hbm4b:s3+s9], $0x20, s8, s9, $0xb8;
	[tilespmem:$0x16400] =	vst v63  }
0x5c: {  	s16 =	simm.s32 $0x300  }
0x5d: {  	[tilespmem:s21], [sflag:$0x8] =	stream.indirect.gather [hbm4b:s3+s9], $0x20, s16, s9, $0xb8;
	[tilespmem:$0x16400] =	vst v63  }
0x5e: {  	s30 =	simm.s32 $0x380  }
0x5f: {  	[tilespmem:s23], [sflag:$0x9] =	stream.indirect.gather [hbm4b:s3+s9], $0x20, s30, s9, $0xb8;
	[tilespmem:$0x16400] =	vst v63  }
.LBB2_4:
0x60: {  	_ =	swait.ge [sflag:s24], $0x1000;
	s1 =	simm.s32 $0x0  }
0x61: {  	p0 =	seq.s32 s12, $0x0;
	[sflag:s24] =	ssyncset.done $0x0;
	v2 =	vor.u32 s1, v0  }
0x62: {  	s4 =	simm.s32 @!p0 $0xA;
	v3 =	vor.u32 s1, v1;
	[sflag:s24] =	ssyncadd.s32 $0xFFFFF000  }
0x63: {  	_ =	swait.ge @!p0 [sflag:s4], $0x1000  }
0x64: {  	[sflag:s4] =	ssyncset.done @!p0 $0x0  }
0x65: {  	[sflag:s4] =	ssyncadd.s32 @!p0 $0xFFFFF000  }
0x66: {  	v2 =	vld.idx.msk [tilespmem:v2+s10+$0x0], $0xffff  }
0x67: {  	v3 =	vld.idx.msk [tilespmem:v3+s10+$0x0], $0xffff;
	_ =	sdelay $0x2  }
0x68: {  	s8 =	simm.s32 $0x20  }
0x69: {  	v4 =	vor.u32 s8, v0  }
0x6a: {  	v7 =	vor.u32 s8, v1;
	v5 =	vand.u32 $0xFFFF, v2;
	v6 =	vshll.u32 v3, $0x10  }
0x6b: {  	s4 =	simm.s32 $0xE420;
	v2 =	vshrl.u32 v2, $0x10;
	v3 =	vand.u32 $0xFFFF0000, v3;
	v5 =	vor.u32 v5, v6  }
0x6c: {  	v2 =	vor.u32 v2, v3;
	[tilespmem:s4+$0xFFFFFFE0] =	vst v5  }
0x6d: {  	[tilespmem:s4+$0xFFFFFFF0] =	vst v2  }
0x6e: {  	v2 =	vld.idx.msk [tilespmem:v4+s10+$0x0], $0xffff  }
0x6f: {  	v3 =	vld.idx.msk [tilespmem:v7+s10+$0x0], $0xffff  }
0x70: {  	s16 =	sshll.u32 s12, $0x3;
	s30 =	simm.s32 $0x4;
	s5 =	rddreg [dreg:$0x4]  }
0x71: {  	s1 =	simm.s32 $0x40;
	s8 =	sadd.s32 s5, s16;
	s5 =	simm.s32 $0xE420  }
.LBB2_5:
0x72: {  	p1 =	slt.u32 s30, $0x7E  }
0x73: {  	v4 =	vor.u32 s1, v0;
	v5 =	vor.u32 s1, v1;
	v6 =	vshrl.u32 v2, $0x10;
	s4 =	sadd.s32 $0x40, s4;
	s16 =	smov.u32 s30;
	s30 =	sadd.s32 $0x2, s30  }
0x74: {  	v2 =	vand.u32 $0xFFFF, v2;
	v7 =	vshll.u32 v3, $0x10;
	v3 =	vand.u32 $0xFFFF0000, v3  }
0x75: {  	v2 =	vor.u32 v2, v7;
	v3 =	vor.u32 v6, v3  }
0x76: {  	[tilespmem:s5+$0x0] =	vst v2  }
0x77: {  	[tilespmem:s5+$0x10] =	vst v3;
	s5 =	smov.u32 s4  }
0x78: {  	v2 =	vld.idx.msk [tilespmem:v4+s10+$0x0], $0xffff  }
0x79: {  	v3 =	vld.idx.msk [tilespmem:v5+s10+$0x0], $0xffff;
	_ =	sdelay $0x3  }
0x7a: {  	s1 =	sadd.s32 $0x20, s1  }
0x7b: {  	v5 =	vor.u32 s1, v0;
	v4 =	vand.u32 $0xFFFF, v2;
	v2 =	vshrl.u32 v2, $0x10  }
0x7c: {  	v7 =	vor.u32 s1, v1;
	v6 =	vshll.u32 v3, $0x10;
	v3 =	vand.u32 $0xFFFF0000, v3  }
0x7d: {  	v4 =	vor.u32 v4, v6;
	v2 =	vor.u32 v2, v3  }
0x7e: {  	[tilespmem:s4+$0xFFFFFFE0] =	vst v4  }
0x7f: {  	[tilespmem:s4+$0xFFFFFFF0] =	vst v2  }
0x80: {  	v2 =	vld.idx.msk [tilespmem:v5+s10+$0x0], $0xffff  }
.Ltmp3:
0x81: {  	v3 =	vld.idx.msk [tilespmem:v7+s10+$0x0], $0xffff;
	(pc) =	sbr.rel @p1 .LBB2_5-.Ltmp3, $2  }
0x82: {  	_ =	sdelay $0x2  }
0x83: {  	s1 =	sshll.u32 s16, $0x5  }
0x84: {  	v4 =	vor.u32 s1, v0  }
0x85: {  	v5 =	vor.u32 s1, v1;
	v6 =	vand.u32 $0xFFFF, v2;
	v7 =	vshll.u32 v3, $0x10  }
0x86: {  	v2 =	vshrl.u32 v2, $0x10;
	v3 =	vand.u32 $0xFFFF0000, v3;
	v6 =	vor.u32 v6, v7  }
0x87: {  	v2 =	vor.u32 v2, v3;
	[tilespmem:s5+$0x0] =	vst v6  }
0x88: {  	[tilespmem:s5+$0x10] =	vst v2  }
0x89: {  	v2 =	vld.idx.msk [tilespmem:v4+s10+$0x0], $0xffff  }
0x8a: {  	v3 =	vld.idx.msk [tilespmem:v5+s10+$0x0], $0xffff;
	_ =	sdelay $0x2  }
0x8b: {  	s16 =	sadd.s32 $0x20, s1  }
0x8c: {  	v59 =	vor.u32 s16, v0  }
0x8d: {  	v62 =	vor.u32 s16, v1;
	v60 =	vand.u32 $0xFFFF, v2;
	v61 =	vshll.u32 v3, $0x10  }
0x8e: {  	s30 =	sadd.s32 $0x40, s4;
	v2 =	vshrl.u32 v2, $0x10;
	v3 =	vand.u32 $0xFFFF0000, v3;
	v5 =	vor.u32 v60, v61  }
0x8f: {  	v2 =	vor.u32 v2, v3;
	[tilespmem:s30+$0xFFFFFFE0] =	vst v5  }
0x90: {  	[tilespmem:s30+$0xFFFFFFF0] =	vst v2  }
0x91: {  	v2 =	vld.idx.msk [tilespmem:v59+s10+$0x0], $0xffff  }
0x92: {  	v3 =	vld.idx.msk [tilespmem:v62+s10+$0x0], $0xffff;
	_ =	sdelay $0x1  }
0x93: {  	s5 =	sshll.u32 s8, $0x7  }
0x94: {  	s4 =	sand.u32 $0xC00, s5  }
0x95: {  	p1 =	sne.s32 s12, $0x18;
	s8 =	sshll.u32 s8, $0x1;
	s4 =	smul.u32 $0x3200, s4  }
.Ltmp4:
0x96: {  	s5 =	sand.u32 $0x7FFFFFC0, s8;
	v4 =	vand.u32 $0xFFFF, v2;
	v63 =	vshll.u32 v3, $0x10;
	(pc) =	sbr.rel @p1 .LBB2_8-.Ltmp4, $4  }
0x97: {  	s4 =	sadd.s32 s5, s4;
	v2 =	vshrl.u32 v2, $0x10;
	v3 =	vand.u32 $0xFFFF0000, v3;
	v4 =	vor.u32 v4, v63  }
0x98: {  	s16 =	rddreg [dreg:$0x3];
	s4 =	sshrl.u32 s4, $0x4;
	v2 =	vor.u32 v2, v3;
	[tilespmem:s30+$0x0] =	vst v4  }
0x99: {  	s8 =	sadd.s32 s16, s4;
	[tilespmem:s30+$0x10] =	vst v2;
	s30 =	simm.s32 $0xE400  }
0x9a: {  	[hbm4b:s8+s25] =	stream.strided.scatter [tilespmem:s30], [sflag:$0xA], $0x1000, s26, s25, $0x38;
	[tilespmem:$0x16400] =	vst v63  }
.Ltmp5:
0x9b: {  	(pc) =	sbr.rel .LBB2_9-.Ltmp5, $4  }
0x9c: {  	_ = 	snop  }
0x9d: {  	_ =	swait.ge [sflag:s29], $0x1000  }
0x9e: {  	[sflag:s29] =	ssyncset.done $0x0  }
0x9f: {  	[sflag:s29] =	ssyncadd.s32 $0xFFFFF000  }
.LBB2_8:
0xa0: {  	s1 =	sshll.u32 s12, $0xC  }
0xa1: {  	s1 =	sshra.s32 s1, $0x2  }
.Ltmp6:
0xa2: {  	s1 =	sadd.s32 $0x400, s1;
	(pc) =	sbr.rel @p0 .LBB2_10-.Ltmp6, $4  }
0xa3: {  	[tilespmem:s10], [sflag:$0x2] =	stream.indirect.gather [hbm4b:s3+s9], $0x20, s1, s9, $0xb8;
	[tilespmem:$0x16400] =	vst v63  }
0xa4: {  	_ =	swait.ge [sflag:s29], $0x1000  }
0xa5: {  	[sflag:s29] =	ssyncset.done $0x0  }
0xa6: {  	[sflag:s29] =	ssyncadd.s32 $0xFFFFF000  }
.LBB2_9:
0xa7: {  	s1 =	simm.s32 $0xB  }
0xa8: {  	_ =	swait.ge [sflag:s1], $0x1000  }
0xa9: {  	[sflag:s1] =	ssyncset.done $0x0  }
0xaa: {  	[sflag:s1] =	ssyncadd.s32 $0xFFFFF000  }
.LBB2_10:
0xab: {  	s1 =	simm.s32 $0x0  }
0xac: {  	v2 =	vor.u32 s1, v0  }
0xad: {  	v3 =	vor.u32 s1, v1;
	_ =	sdelay $0x3  }
0xae: {  	v2 =	vld.idx.msk [tilespmem:v2+s11+$0x0], $0xffff  }
0xaf: {  	v3 =	vld.idx.msk [tilespmem:v3+s11+$0x0], $0xffff;
	_ =	sdelay $0x2  }
0xb0: {  	s16 =	simm.s32 $0x20  }
0xb1: {  	v4 =	vor.u32 s16, v0  }
0xb2: {  	v7 =	vor.u32 s16, v1;
	v5 =	vand.u32 $0xFFFF, v2;
	v6 =	vshll.u32 v3, $0x10  }
0xb3: {  	s4 =	simm.s32 $0xF430;
	v2 =	vshrl.u32 v2, $0x10;
	v3 =	vand.u32 $0xFFFF0000, v3;
	v5 =	vor.u32 v5, v6  }
0xb4: {  	v2 =	vor.u32 v2, v3;
	[tilespmem:s4+$0xFFFFFFD0] =	vst v5  }
0xb5: {  	[tilespmem:s4+$0xFFFFFFE0] =	vst v2  }
0xb6: {  	v2 =	vld.idx.msk [tilespmem:v4+s11+$0x0], $0xffff  }
0xb7: {  	v3 =	vld.idx.msk [tilespmem:v7+s11+$0x0], $0xffff;
	_ =	sdelay $0x1  }
0xb8: {  	s30 =	simm.s32 $0x4;
	s5 =	simm.s32 $0xF430;
	s1 =	simm.s32 $0x40  }
.LBB2_11:
0xb9: {  	p2 =	slt.u32 s30, $0x7E  }
0xba: {  	v4 =	vor.u32 s1, v0;
	v5 =	vor.u32 s1, v1;
	v6 =	vshrl.u32 v2, $0x10;
	s4 =	sadd.s32 $0x40, s4;
	s16 =	smov.u32 s30;
	s30 =	sadd.s32 $0x2, s30  }
0xbb: {  	v2 =	vand.u32 $0xFFFF, v2;
	v7 =	vshll.u32 v3, $0x10;
	v3 =	vand.u32 $0xFFFF0000, v3  }
0xbc: {  	v2 =	vor.u32 v2, v7;
	v3 =	vor.u32 v6, v3  }
0xbd: {  	[tilespmem:s5+$0xFFFFFFF0] =	vst v2  }
0xbe: {  	[tilespmem:s5+$0x0] =	vst v3;
	s5 =	smov.u32 s4  }
0xbf: {  	v2 =	vld.idx.msk [tilespmem:v4+s11+$0x0], $0xffff  }
0xc0: {  	v3 =	vld.idx.msk [tilespmem:v5+s11+$0x0], $0xffff;
	_ =	sdelay $0x3  }
0xc1: {  	s1 =	sadd.s32 $0x20, s1  }
0xc2: {  	v5 =	vor.u32 s1, v0;
	v4 =	vand.u32 $0xFFFF, v2;
	v2 =	vshrl.u32 v2, $0x10  }
0xc3: {  	v7 =	vor.u32 s1, v1;
	v6 =	vshll.u32 v3, $0x10;
	v3 =	vand.u32 $0xFFFF0000, v3  }
0xc4: {  	v4 =	vor.u32 v4, v6;
	v2 =	vor.u32 v2, v3  }
0xc5: {  	[tilespmem:s4+$0xFFFFFFD0] =	vst v4  }
0xc6: {  	[tilespmem:s4+$0xFFFFFFE0] =	vst v2  }
0xc7: {  	v2 =	vld.idx.msk [tilespmem:v5+s11+$0x0], $0xffff  }
.Ltmp7:
0xc8: {  	v3 =	vld.idx.msk [tilespmem:v7+s11+$0x0], $0xffff;
	(pc) =	sbr.rel @p2 .LBB2_11-.Ltmp7, $2  }
0xc9: {  	_ =	sdelay $0x2  }
0xca: {  	s1 =	sshll.u32 s16, $0x5  }
0xcb: {  	v4 =	vor.u32 s1, v0  }
0xcc: {  	v5 =	vor.u32 s1, v1;
	v6 =	vand.u32 $0xFFFF, v2;
	v7 =	vshll.u32 v3, $0x10  }
0xcd: {  	v2 =	vshrl.u32 v2, $0x10;
	v3 =	vand.u32 $0xFFFF0000, v3;
	v6 =	vor.u32 v6, v7  }
0xce: {  	v2 =	vor.u32 v2, v3;
	[tilespmem:s5+$0xFFFFFFF0] =	vst v6  }
0xcf: {  	[tilespmem:s5+$0x0] =	vst v2  }
0xd0: {  	v2 =	vld.idx.msk [tilespmem:v4+s11+$0x0], $0xffff  }
0xd1: {  	v3 =	vld.idx.msk [tilespmem:v5+s11+$0x0], $0xffff;
	_ =	sdelay $0x2  }
0xd2: {  	s30 =	sadd.s32 $0x20, s1  }
0xd3: {  	v59 =	vor.u32 s30, v0  }
0xd4: {  	v62 =	vor.u32 s30, v1;
	v60 =	vand.u32 $0xFFFF, v2;
	v61 =	vshll.u32 v3, $0x10  }
0xd5: {  	s5 =	sadd.s32 $0x40, s4;
	v2 =	vshrl.u32 v2, $0x10;
	v3 =	vand.u32 $0xFFFF0000, v3;
	v5 =	vor.u32 v60, v61  }
0xd6: {  	v2 =	vor.u32 v2, v3;
	[tilespmem:s5+$0xFFFFFFD0] =	vst v5  }
0xd7: {  	[tilespmem:s5+$0xFFFFFFE0] =	vst v2  }
0xd8: {  	v2 =	vld.idx.msk [tilespmem:v59+s11+$0x0], $0xffff  }
0xd9: {  	v3 =	vld.idx.msk [tilespmem:v62+s11+$0x0], $0xffff;
	_ =	sdelay $0x4  }
.Ltmp8:
0xda: {  	v4 =	vand.u32 $0xFFFF, v2;
	v63 =	vshll.u32 v3, $0x10;
	(pc) =	sbr.rel @p1 .LBB2_14-.Ltmp8, $4  }
0xdb: {  	v2 =	vshrl.u32 v2, $0x10;
	v3 =	vand.u32 $0xFFFF0000, v3;
	v4 =	vor.u32 v4, v63  }
0xdc: {  	v2 =	vor.u32 v2, v3;
	[tilespmem:s5+$0xFFFFFFF0] =	vst v4  }
0xdd: {  	s16 =	sadd.s32 $0x19000, s8;
	s30 =	simm.s32 $0xF400;
	[tilespmem:s5+$0x0] =	vst v2  }
0xde: {  	[hbm4b:s16+s25] =	stream.strided.scatter [tilespmem:s30], [sflag:$0xB], $0x1000, s26, s25, $0x38;
	[tilespmem:$0x16400] =	vst v63  }
.Ltmp9:
0xdf: {  	(pc) =	sbr.rel .LBB2_15-.Ltmp9, $4  }
0xe0: {  	_ = 	snop  }
0xe1: {  	_ =	swait.ge [sflag:s0], $0x1000  }
0xe2: {  	[sflag:s0] =	ssyncset.done $0x0  }
0xe3: {  	[sflag:s0] =	ssyncadd.s32 $0xFFFFF000  }
.LBB2_14:
0xe4: {  	s1 =	sshll.u32 s12, $0xC  }
0xe5: {  	s1 =	sshra.s32 s1, $0x2  }
.Ltmp10:
0xe6: {  	s1 =	sadd.s32 $0x480, s1;
	(pc) =	sbr.rel @p0 .LBB2_16-.Ltmp10, $4  }
0xe7: {  	[tilespmem:s11], [sflag:$0x3] =	stream.indirect.gather [hbm4b:s3+s9], $0x20, s1, s9, $0xb8;
	[tilespmem:$0x16400] =	vst v63  }
0xe8: {  	_ =	swait.ge [sflag:s0], $0x1000  }
0xe9: {  	[sflag:s0] =	ssyncset.done $0x0  }
0xea: {  	[sflag:s0] =	ssyncadd.s32 $0xFFFFF000  }
.LBB2_15:
0xeb: {  	s1 =	simm.s32 $0xC  }
0xec: {  	_ =	swait.ge [sflag:s1], $0x1000  }
0xed: {  	[sflag:s1] =	ssyncset.done $0x0  }
0xee: {  	[sflag:s1] =	ssyncadd.s32 $0xFFFFF000  }
.LBB2_16:
0xef: {  	s1 =	simm.s32 $0x0  }
0xf0: {  	v2 =	vor.u32 s1, v0  }
0xf1: {  	v3 =	vor.u32 s1, v1;
	_ =	sdelay $0x3  }
0xf2: {  	v2 =	vld.idx.msk [tilespmem:v2+s13+$0x0], $0xffff  }
0xf3: {  	v3 =	vld.idx.msk [tilespmem:v3+s13+$0x0], $0xffff;
	_ =	sdelay $0x2  }
0xf4: {  	s16 =	simm.s32 $0x20  }
0xf5: {  	v4 =	vor.u32 s16, v0  }
0xf6: {  	v7 =	vor.u32 s16, v1;
	v5 =	vand.u32 $0xFFFF, v2;
	v6 =	vshll.u32 v3, $0x10  }
0xf7: {  	s4 =	simm.s32 $0x10430;
	v2 =	vshrl.u32 v2, $0x10;
	v3 =	vand.u32 $0xFFFF0000, v3;
	v5 =	vor.u32 v5, v6  }
0xf8: {  	v2 =	vor.u32 v2, v3;
	[tilespmem:s4+$0xFFFFFFD0] =	vst v5  }
0xf9: {  	[tilespmem:s4+$0xFFFFFFE0] =	vst v2  }
0xfa: {  	v2 =	vld.idx.msk [tilespmem:v4+s13+$0x0], $0xffff  }
0xfb: {  	v3 =	vld.idx.msk [tilespmem:v7+s13+$0x0], $0xffff;
	_ =	sdelay $0x1  }
0xfc: {  	s30 =	simm.s32 $0x4;
	s5 =	simm.s32 $0x10430;
	s1 =	simm.s32 $0x40  }
.LBB2_17:
0xfd: {  	p2 =	slt.u32 s30, $0x7E  }
0xfe: {  	v4 =	vor.u32 s1, v0;
	v5 =	vor.u32 s1, v1;
	v6 =	vshrl.u32 v2, $0x10;
	s4 =	sadd.s32 $0x40, s4;
	s16 =	smov.u32 s30;
	s30 =	sadd.s32 $0x2, s30  }
0xff: {  	v2 =	vand.u32 $0xFFFF, v2;
	v7 =	vshll.u32 v3, $0x10;
	v3 =	vand.u32 $0xFFFF0000, v3  }
0x100: {  	v2 =	vor.u32 v2, v7;
	v3 =	vor.u32 v6, v3  }
0x101: {  	[tilespmem:s5+$0xFFFFFFF0] =	vst v2  }
0x102: {  	[tilespmem:s5+$0x0] =	vst v3;
	s5 =	smov.u32 s4  }
0x103: {  	v2 =	vld.idx.msk [tilespmem:v4+s13+$0x0], $0xffff  }
0x104: {  	v3 =	vld.idx.msk [tilespmem:v5+s13+$0x0], $0xffff;
	_ =	sdelay $0x3  }
0x105: {  	s1 =	sadd.s32 $0x20, s1  }
0x106: {  	v5 =	vor.u32 s1, v0;
	v4 =	vand.u32 $0xFFFF, v2;
	v2 =	vshrl.u32 v2, $0x10  }
0x107: {  	v7 =	vor.u32 s1, v1;
	v6 =	vshll.u32 v3, $0x10;
	v3 =	vand.u32 $0xFFFF0000, v3  }
0x108: {  	v4 =	vor.u32 v4, v6;
	v2 =	vor.u32 v2, v3  }
0x109: {  	[tilespmem:s4+$0xFFFFFFD0] =	vst v4  }
0x10a: {  	[tilespmem:s4+$0xFFFFFFE0] =	vst v2  }
0x10b: {  	v2 =	vld.idx.msk [tilespmem:v5+s13+$0x0], $0xffff  }
.Ltmp11:
0x10c: {  	v3 =	vld.idx.msk [tilespmem:v7+s13+$0x0], $0xffff;
	(pc) =	sbr.rel @p2 .LBB2_17-.Ltmp11, $2  }
0x10d: {  	_ =	sdelay $0x2  }
0x10e: {  	s1 =	sshll.u32 s16, $0x5  }
0x10f: {  	v4 =	vor.u32 s1, v0  }
0x110: {  	v5 =	vor.u32 s1, v1;
	v6 =	vand.u32 $0xFFFF, v2;
	v7 =	vshll.u32 v3, $0x10  }
0x111: {  	v2 =	vshrl.u32 v2, $0x10;
	v3 =	vand.u32 $0xFFFF0000, v3;
	v6 =	vor.u32 v6, v7  }
0x112: {  	v2 =	vor.u32 v2, v3;
	[tilespmem:s5+$0xFFFFFFF0] =	vst v6  }
0x113: {  	[tilespmem:s5+$0x0] =	vst v2  }
0x114: {  	v2 =	vld.idx.msk [tilespmem:v4+s13+$0x0], $0xffff  }
0x115: {  	v3 =	vld.idx.msk [tilespmem:v5+s13+$0x0], $0xffff;
	_ =	sdelay $0x2  }
0x116: {  	s30 =	sadd.s32 $0x20, s1  }
0x117: {  	v59 =	vor.u32 s30, v0  }
0x118: {  	v62 =	vor.u32 s30, v1;
	v60 =	vand.u32 $0xFFFF, v2;
	v61 =	vshll.u32 v3, $0x10  }
0x119: {  	s5 =	sadd.s32 $0x40, s4;
	v2 =	vshrl.u32 v2, $0x10;
	v3 =	vand.u32 $0xFFFF0000, v3;
	v5 =	vor.u32 v60, v61  }
0x11a: {  	v2 =	vor.u32 v2, v3;
	[tilespmem:s5+$0xFFFFFFD0] =	vst v5  }
0x11b: {  	[tilespmem:s5+$0xFFFFFFE0] =	vst v2  }
0x11c: {  	v2 =	vld.idx.msk [tilespmem:v59+s13+$0x0], $0xffff  }
0x11d: {  	v3 =	vld.idx.msk [tilespmem:v62+s13+$0x0], $0xffff;
	_ =	sdelay $0x4  }
.Ltmp12:
0x11e: {  	v4 =	vand.u32 $0xFFFF, v2;
	v63 =	vshll.u32 v3, $0x10;
	(pc) =	sbr.rel @p1 .LBB2_20-.Ltmp12, $4  }
0x11f: {  	v2 =	vshrl.u32 v2, $0x10;
	v3 =	vand.u32 $0xFFFF0000, v3;
	v4 =	vor.u32 v4, v63  }
0x120: {  	v2 =	vor.u32 v2, v3;
	[tilespmem:s5+$0xFFFFFFF0] =	vst v4  }
0x121: {  	s16 =	sadd.s32 $0x32000, s8;
	s30 =	simm.s32 $0x10400;
	[tilespmem:s5+$0x0] =	vst v2  }
0x122: {  	[hbm4b:s16+s25] =	stream.strided.scatter [tilespmem:s30], [sflag:$0xC], $0x1000, s26, s25, $0x38;
	[tilespmem:$0x16400] =	vst v63  }
.Ltmp13:
0x123: {  	(pc) =	sbr.rel .LBB2_21-.Ltmp13, $4  }
0x124: {  	_ = 	snop  }
0x125: {  	_ =	swait.ge [sflag:s14], $0x1000  }
0x126: {  	[sflag:s14] =	ssyncset.done $0x0  }
0x127: {  	[sflag:s14] =	ssyncadd.s32 $0xFFFFF000  }
.LBB2_20:
0x128: {  	s1 =	sshll.u32 s12, $0xC  }
0x129: {  	s1 =	sshra.s32 s1, $0x2  }
.Ltmp14:
0x12a: {  	s1 =	sadd.s32 $0x500, s1;
	(pc) =	sbr.rel @p0 .LBB2_22-.Ltmp14, $4  }
0x12b: {  	[tilespmem:s13], [sflag:$0x4] =	stream.indirect.gather [hbm4b:s3+s9], $0x20, s1, s9, $0xb8;
	[tilespmem:$0x16400] =	vst v63  }
0x12c: {  	_ =	swait.ge [sflag:s14], $0x1000  }
0x12d: {  	[sflag:s14] =	ssyncset.done $0x0  }
0x12e: {  	[sflag:s14] =	ssyncadd.s32 $0xFFFFF000  }
.LBB2_21:
0x12f: {  	s1 =	simm.s32 $0xD  }
0x130: {  	_ =	swait.ge [sflag:s1], $0x1000  }
0x131: {  	[sflag:s1] =	ssyncset.done $0x0  }
0x132: {  	[sflag:s1] =	ssyncadd.s32 $0xFFFFF000  }
.LBB2_22:
0x133: {  	s1 =	simm.s32 $0x0  }
0x134: {  	v2 =	vor.u32 s1, v0  }
0x135: {  	v3 =	vor.u32 s1, v1;
	_ =	sdelay $0x3  }
0x136: {  	v2 =	vld.idx.msk [tilespmem:v2+s15+$0x0], $0xffff  }
0x137: {  	v3 =	vld.idx.msk [tilespmem:v3+s15+$0x0], $0xffff;
	_ =	sdelay $0x2  }
0x138: {  	s16 =	simm.s32 $0x20  }
0x139: {  	v4 =	vor.u32 s16, v0  }
0x13a: {  	v7 =	vor.u32 s16, v1;
	v5 =	vand.u32 $0xFFFF, v2;
	v6 =	vshll.u32 v3, $0x10  }
0x13b: {  	s4 =	simm.s32 $0x11430;
	v2 =	vshrl.u32 v2, $0x10;
	v3 =	vand.u32 $0xFFFF0000, v3;
	v5 =	vor.u32 v5, v6  }
0x13c: {  	v2 =	vor.u32 v2, v3;
	[tilespmem:s4+$0xFFFFFFD0] =	vst v5  }
0x13d: {  	[tilespmem:s4+$0xFFFFFFE0] =	vst v2  }
0x13e: {  	v2 =	vld.idx.msk [tilespmem:v4+s15+$0x0], $0xffff  }
0x13f: {  	v3 =	vld.idx.msk [tilespmem:v7+s15+$0x0], $0xffff;
	_ =	sdelay $0x1  }
0x140: {  	s30 =	simm.s32 $0x4;
	s5 =	simm.s32 $0x11430;
	s1 =	simm.s32 $0x40  }
.LBB2_23:
0x141: {  	p2 =	slt.u32 s30, $0x7E  }
0x142: {  	v4 =	vor.u32 s1, v0;
	v5 =	vor.u32 s1, v1;
	v6 =	vshrl.u32 v2, $0x10;
	s4 =	sadd.s32 $0x40, s4;
	s16 =	smov.u32 s30;
	s30 =	sadd.s32 $0x2, s30  }
0x143: {  	v2 =	vand.u32 $0xFFFF, v2;
	v7 =	vshll.u32 v3, $0x10;
	v3 =	vand.u32 $0xFFFF0000, v3  }
0x144: {  	v2 =	vor.u32 v2, v7;
	v3 =	vor.u32 v6, v3  }
0x145: {  	[tilespmem:s5+$0xFFFFFFF0] =	vst v2  }
0x146: {  	[tilespmem:s5+$0x0] =	vst v3;
	s5 =	smov.u32 s4  }
0x147: {  	v2 =	vld.idx.msk [tilespmem:v4+s15+$0x0], $0xffff  }
0x148: {  	v3 =	vld.idx.msk [tilespmem:v5+s15+$0x0], $0xffff;
	_ =	sdelay $0x3  }
0x149: {  	s1 =	sadd.s32 $0x20, s1  }
0x14a: {  	v5 =	vor.u32 s1, v0;
	v4 =	vand.u32 $0xFFFF, v2;
	v2 =	vshrl.u32 v2, $0x10  }
0x14b: {  	v7 =	vor.u32 s1, v1;
	v6 =	vshll.u32 v3, $0x10;
	v3 =	vand.u32 $0xFFFF0000, v3  }
0x14c: {  	v4 =	vor.u32 v4, v6;
	v2 =	vor.u32 v2, v3  }
0x14d: {  	[tilespmem:s4+$0xFFFFFFD0] =	vst v4  }
0x14e: {  	[tilespmem:s4+$0xFFFFFFE0] =	vst v2  }
0x14f: {  	v2 =	vld.idx.msk [tilespmem:v5+s15+$0x0], $0xffff  }
.Ltmp15:
0x150: {  	v3 =	vld.idx.msk [tilespmem:v7+s15+$0x0], $0xffff;
	(pc) =	sbr.rel @p2 .LBB2_23-.Ltmp15, $2  }
0x151: {  	_ =	sdelay $0x2  }
0x152: {  	s1 =	sshll.u32 s16, $0x5  }
0x153: {  	v4 =	vor.u32 s1, v0  }
0x154: {  	v5 =	vor.u32 s1, v1;
	v6 =	vand.u32 $0xFFFF, v2;
	v7 =	vshll.u32 v3, $0x10  }
0x155: {  	v2 =	vshrl.u32 v2, $0x10;
	v3 =	vand.u32 $0xFFFF0000, v3;
	v6 =	vor.u32 v6, v7  }
0x156: {  	v2 =	vor.u32 v2, v3;
	[tilespmem:s5+$0xFFFFFFF0] =	vst v6  }
0x157: {  	[tilespmem:s5+$0x0] =	vst v2  }
0x158: {  	v2 =	vld.idx.msk [tilespmem:v4+s15+$0x0], $0xffff  }
0x159: {  	v3 =	vld.idx.msk [tilespmem:v5+s15+$0x0], $0xffff;
	_ =	sdelay $0x2  }
0x15a: {  	s30 =	sadd.s32 $0x20, s1  }
0x15b: {  	v59 =	vor.u32 s30, v0  }
0x15c: {  	v62 =	vor.u32 s30, v1;
	v60 =	vand.u32 $0xFFFF, v2;
	v61 =	vshll.u32 v3, $0x10  }
0x15d: {  	s5 =	sadd.s32 $0x40, s4;
	v2 =	vshrl.u32 v2, $0x10;
	v3 =	vand.u32 $0xFFFF0000, v3;
	v5 =	vor.u32 v60, v61  }
0x15e: {  	v2 =	vor.u32 v2, v3;
	[tilespmem:s5+$0xFFFFFFD0] =	vst v5  }
0x15f: {  	[tilespmem:s5+$0xFFFFFFE0] =	vst v2  }
0x160: {  	v2 =	vld.idx.msk [tilespmem:v59+s15+$0x0], $0xffff  }
0x161: {  	v3 =	vld.idx.msk [tilespmem:v62+s15+$0x0], $0xffff;
	_ =	sdelay $0x4  }
.Ltmp16:
0x162: {  	v4 =	vand.u32 $0xFFFF, v2;
	v63 =	vshll.u32 v3, $0x10;
	(pc) =	sbr.rel @p1 .LBB2_26-.Ltmp16, $4  }
0x163: {  	v2 =	vshrl.u32 v2, $0x10;
	v3 =	vand.u32 $0xFFFF0000, v3;
	v4 =	vor.u32 v4, v63  }
0x164: {  	v2 =	vor.u32 v2, v3;
	[tilespmem:s5+$0xFFFFFFF0] =	vst v4  }
0x165: {  	s16 =	sadd.s32 $0x4B000, s8;
	s30 =	simm.s32 $0x11400;
	[tilespmem:s5+$0x0] =	vst v2  }
0x166: {  	[hbm4b:s16+s25] =	stream.strided.scatter [tilespmem:s30], [sflag:$0xD], $0x1000, s26, s25, $0x38;
	[tilespmem:$0x16400] =	vst v63  }
.Ltmp17:
0x167: {  	(pc) =	sbr.rel .LBB2_27-.Ltmp17, $4  }
0x168: {  	_ = 	snop  }
0x169: {  	_ =	swait.ge [sflag:s20], $0x1000  }
0x16a: {  	[sflag:s20] =	ssyncset.done $0x0  }
0x16b: {  	[sflag:s20] =	ssyncadd.s32 $0xFFFFF000  }
.LBB2_26:
0x16c: {  	s1 =	sshll.u32 s12, $0xC  }
0x16d: {  	s1 =	sshra.s32 s1, $0x2  }
.Ltmp18:
0x16e: {  	s1 =	sadd.s32 $0x580, s1;
	(pc) =	sbr.rel @p0 .LBB2_28-.Ltmp18, $4  }
0x16f: {  	[tilespmem:s15], [sflag:$0x5] =	stream.indirect.gather [hbm4b:s3+s9], $0x20, s1, s9, $0xb8;
	[tilespmem:$0x16400] =	vst v63  }
0x170: {  	_ =	swait.ge [sflag:s20], $0x1000  }
0x171: {  	[sflag:s20] =	ssyncset.done $0x0  }
0x172: {  	[sflag:s20] =	ssyncadd.s32 $0xFFFFF000  }
.LBB2_27:
0x173: {  	_ =	swait.ge [sflag:s22], $0x1000  }
0x174: {  	[sflag:s22] =	ssyncset.done $0x0  }
0x175: {  	[sflag:s22] =	ssyncadd.s32 $0xFFFFF000  }
.LBB2_28:
0x176: {  	s1 =	simm.s32 $0x0  }
0x177: {  	v2 =	vor.u32 s1, v0  }
0x178: {  	v3 =	vor.u32 s1, v1;
	_ =	sdelay $0x3  }
0x179: {  	v2 =	vld.idx.msk [tilespmem:v2+s17+$0x0], $0xffff  }
0x17a: {  	v3 =	vld.idx.msk [tilespmem:v3+s17+$0x0], $0xffff;
	_ =	sdelay $0x2  }
0x17b: {  	s16 =	simm.s32 $0x20  }
0x17c: {  	v4 =	vor.u32 s16, v0  }
0x17d: {  	v7 =	vor.u32 s16, v1;
	v5 =	vand.u32 $0xFFFF, v2;
	v6 =	vshll.u32 v3, $0x10  }
0x17e: {  	s4 =	simm.s32 $0x12430;
	v2 =	vshrl.u32 v2, $0x10;
	v3 =	vand.u32 $0xFFFF0000, v3;
	v5 =	vor.u32 v5, v6  }
0x17f: {  	v2 =	vor.u32 v2, v3;
	[tilespmem:s4+$0xFFFFFFD0] =	vst v5  }
0x180: {  	[tilespmem:s4+$0xFFFFFFE0] =	vst v2  }
0x181: {  	v2 =	vld.idx.msk [tilespmem:v4+s17+$0x0], $0xffff  }
0x182: {  	v3 =	vld.idx.msk [tilespmem:v7+s17+$0x0], $0xffff;
	_ =	sdelay $0x1  }
0x183: {  	s30 =	simm.s32 $0x4;
	s5 =	simm.s32 $0x12430;
	s1 =	simm.s32 $0x40  }
.LBB2_29:
0x184: {  	p2 =	slt.u32 s30, $0x7E  }
0x185: {  	v4 =	vor.u32 s1, v0;
	v5 =	vor.u32 s1, v1;
	v6 =	vshrl.u32 v2, $0x10;
	s4 =	sadd.s32 $0x40, s4;
	s16 =	smov.u32 s30;
	s30 =	sadd.s32 $0x2, s30  }
0x186: {  	v2 =	vand.u32 $0xFFFF, v2;
	v7 =	vshll.u32 v3, $0x10;
	v3 =	vand.u32 $0xFFFF0000, v3  }
0x187: {  	v2 =	vor.u32 v2, v7;
	v3 =	vor.u32 v6, v3  }
0x188: {  	[tilespmem:s5+$0xFFFFFFF0] =	vst v2  }
0x189: {  	[tilespmem:s5+$0x0] =	vst v3;
	s5 =	smov.u32 s4  }
0x18a: {  	v2 =	vld.idx.msk [tilespmem:v4+s17+$0x0], $0xffff  }
0x18b: {  	v3 =	vld.idx.msk [tilespmem:v5+s17+$0x0], $0xffff;
	_ =	sdelay $0x3  }
0x18c: {  	s1 =	sadd.s32 $0x20, s1  }
0x18d: {  	v5 =	vor.u32 s1, v0;
	v4 =	vand.u32 $0xFFFF, v2;
	v2 =	vshrl.u32 v2, $0x10  }
0x18e: {  	v7 =	vor.u32 s1, v1;
	v6 =	vshll.u32 v3, $0x10;
	v3 =	vand.u32 $0xFFFF0000, v3  }
0x18f: {  	v4 =	vor.u32 v4, v6;
	v2 =	vor.u32 v2, v3  }
0x190: {  	[tilespmem:s4+$0xFFFFFFD0] =	vst v4  }
0x191: {  	[tilespmem:s4+$0xFFFFFFE0] =	vst v2  }
0x192: {  	v2 =	vld.idx.msk [tilespmem:v5+s17+$0x0], $0xffff  }
.Ltmp19:
0x193: {  	v3 =	vld.idx.msk [tilespmem:v7+s17+$0x0], $0xffff;
	(pc) =	sbr.rel @p2 .LBB2_29-.Ltmp19, $2  }
0x194: {  	_ =	sdelay $0x2  }
0x195: {  	s1 =	sshll.u32 s16, $0x5  }
0x196: {  	v4 =	vor.u32 s1, v0  }
0x197: {  	v5 =	vor.u32 s1, v1;
	v6 =	vand.u32 $0xFFFF, v2;
	v7 =	vshll.u32 v3, $0x10  }
0x198: {  	v2 =	vshrl.u32 v2, $0x10;
	v3 =	vand.u32 $0xFFFF0000, v3;
	v6 =	vor.u32 v6, v7  }
0x199: {  	v2 =	vor.u32 v2, v3;
	[tilespmem:s5+$0xFFFFFFF0] =	vst v6  }
0x19a: {  	[tilespmem:s5+$0x0] =	vst v2  }
0x19b: {  	v2 =	vld.idx.msk [tilespmem:v4+s17+$0x0], $0xffff  }
0x19c: {  	v3 =	vld.idx.msk [tilespmem:v5+s17+$0x0], $0xffff;
	_ =	sdelay $0x2  }
0x19d: {  	s30 =	sadd.s32 $0x20, s1  }
0x19e: {  	v59 =	vor.u32 s30, v0  }
0x19f: {  	v62 =	vor.u32 s30, v1;
	v60 =	vand.u32 $0xFFFF, v2;
	v61 =	vshll.u32 v3, $0x10  }
0x1a0: {  	s5 =	sadd.s32 $0x40, s4;
	v2 =	vshrl.u32 v2, $0x10;
	v3 =	vand.u32 $0xFFFF0000, v3;
	v5 =	vor.u32 v60, v61  }
0x1a1: {  	v2 =	vor.u32 v2, v3;
	[tilespmem:s5+$0xFFFFFFD0] =	vst v5  }
0x1a2: {  	[tilespmem:s5+$0xFFFFFFE0] =	vst v2  }
0x1a3: {  	v2 =	vld.idx.msk [tilespmem:v59+s17+$0x0], $0xffff  }
0x1a4: {  	v3 =	vld.idx.msk [tilespmem:v62+s17+$0x0], $0xffff;
	_ =	sdelay $0x4  }
.Ltmp20:
0x1a5: {  	v4 =	vand.u32 $0xFFFF, v2;
	v63 =	vshll.u32 v3, $0x10;
	(pc) =	sbr.rel @p1 .LBB2_32-.Ltmp20, $4  }
0x1a6: {  	v2 =	vshrl.u32 v2, $0x10;
	v3 =	vand.u32 $0xFFFF0000, v3;
	v4 =	vor.u32 v4, v63  }
0x1a7: {  	v2 =	vor.u32 v2, v3;
	[tilespmem:s5+$0xFFFFFFF0] =	vst v4  }
0x1a8: {  	s16 =	sadd.s32 $0x64000, s8;
	s30 =	simm.s32 $0x12400;
	[tilespmem:s5+$0x0] =	vst v2  }
0x1a9: {  	[hbm4b:s16+s25] =	stream.strided.scatter [tilespmem:s30], [sflag:$0xE], $0x1000, s26, s25, $0x38;
	[tilespmem:$0x16400] =	vst v63  }
.Ltmp21:
0x1aa: {  	(pc) =	sbr.rel .LBB2_33-.Ltmp21, $4  }
0x1ab: {  	_ = 	snop  }
0x1ac: {  	_ =	swait.ge [sflag:s6], $0x1000  }
0x1ad: {  	[sflag:s6] =	ssyncset.done $0x0  }
0x1ae: {  	[sflag:s6] =	ssyncadd.s32 $0xFFFFF000  }
.LBB2_32:
0x1af: {  	s1 =	sshll.u32 s12, $0xC  }
0x1b0: {  	s1 =	sshra.s32 s1, $0x2  }
.Ltmp22:
0x1b1: {  	s1 =	sadd.s32 $0x600, s1;
	(pc) =	sbr.rel @p0 .LBB2_34-.Ltmp22, $4  }
0x1b2: {  	[tilespmem:s17], [sflag:$0x6] =	stream.indirect.gather [hbm4b:s3+s9], $0x20, s1, s9, $0xb8;
	[tilespmem:$0x16400] =	vst v63  }
0x1b3: {  	_ =	swait.ge [sflag:s6], $0x1000  }
0x1b4: {  	[sflag:s6] =	ssyncset.done $0x0  }
0x1b5: {  	[sflag:s6] =	ssyncadd.s32 $0xFFFFF000  }
.LBB2_33:
0x1b6: {  	_ =	swait.ge [sflag:s7], $0x1000  }
0x1b7: {  	[sflag:s7] =	ssyncset.done $0x0  }
0x1b8: {  	[sflag:s7] =	ssyncadd.s32 $0xFFFFF000  }
.LBB2_34:
0x1b9: {  	s1 =	simm.s32 $0x0  }
0x1ba: {  	v2 =	vor.u32 s1, v0  }
0x1bb: {  	v3 =	vor.u32 s1, v1;
	_ =	sdelay $0x3  }
0x1bc: {  	v2 =	vld.idx.msk [tilespmem:v2+s19+$0x0], $0xffff  }
0x1bd: {  	v3 =	vld.idx.msk [tilespmem:v3+s19+$0x0], $0xffff;
	_ =	sdelay $0x2  }
0x1be: {  	s16 =	simm.s32 $0x20  }
0x1bf: {  	v4 =	vor.u32 s16, v0  }
0x1c0: {  	v7 =	vor.u32 s16, v1;
	v5 =	vand.u32 $0xFFFF, v2;
	v6 =	vshll.u32 v3, $0x10  }
0x1c1: {  	s4 =	simm.s32 $0x13430;
	v2 =	vshrl.u32 v2, $0x10;
	v3 =	vand.u32 $0xFFFF0000, v3;
	v5 =	vor.u32 v5, v6  }
0x1c2: {  	v2 =	vor.u32 v2, v3;
	[tilespmem:s4+$0xFFFFFFD0] =	vst v5  }
0x1c3: {  	[tilespmem:s4+$0xFFFFFFE0] =	vst v2  }
0x1c4: {  	v2 =	vld.idx.msk [tilespmem:v4+s19+$0x0], $0xffff  }
0x1c5: {  	v3 =	vld.idx.msk [tilespmem:v7+s19+$0x0], $0xffff;
	_ =	sdelay $0x1  }
0x1c6: {  	s30 =	simm.s32 $0x4;
	s5 =	simm.s32 $0x13430;
	s1 =	simm.s32 $0x40  }
.LBB2_35:
0x1c7: {  	p2 =	slt.u32 s30, $0x7E  }
0x1c8: {  	v4 =	vor.u32 s1, v0;
	v5 =	vor.u32 s1, v1;
	v6 =	vshrl.u32 v2, $0x10;
	s4 =	sadd.s32 $0x40, s4;
	s16 =	smov.u32 s30;
	s30 =	sadd.s32 $0x2, s30  }
0x1c9: {  	v2 =	vand.u32 $0xFFFF, v2;
	v7 =	vshll.u32 v3, $0x10;
	v3 =	vand.u32 $0xFFFF0000, v3  }
0x1ca: {  	v2 =	vor.u32 v2, v7;
	v3 =	vor.u32 v6, v3  }
0x1cb: {  	[tilespmem:s5+$0xFFFFFFF0] =	vst v2  }
0x1cc: {  	[tilespmem:s5+$0x0] =	vst v3;
	s5 =	smov.u32 s4  }
0x1cd: {  	v2 =	vld.idx.msk [tilespmem:v4+s19+$0x0], $0xffff  }
0x1ce: {  	v3 =	vld.idx.msk [tilespmem:v5+s19+$0x0], $0xffff;
	_ =	sdelay $0x3  }
0x1cf: {  	s1 =	sadd.s32 $0x20, s1  }
0x1d0: {  	v5 =	vor.u32 s1, v0;
	v4 =	vand.u32 $0xFFFF, v2;
	v2 =	vshrl.u32 v2, $0x10  }
0x1d1: {  	v7 =	vor.u32 s1, v1;
	v6 =	vshll.u32 v3, $0x10;
	v3 =	vand.u32 $0xFFFF0000, v3  }
0x1d2: {  	v4 =	vor.u32 v4, v6;
	v2 =	vor.u32 v2, v3  }
0x1d3: {  	[tilespmem:s4+$0xFFFFFFD0] =	vst v4  }
0x1d4: {  	[tilespmem:s4+$0xFFFFFFE0] =	vst v2  }
0x1d5: {  	v2 =	vld.idx.msk [tilespmem:v5+s19+$0x0], $0xffff  }
.Ltmp23:
0x1d6: {  	v3 =	vld.idx.msk [tilespmem:v7+s19+$0x0], $0xffff;
	(pc) =	sbr.rel @p2 .LBB2_35-.Ltmp23, $2  }
0x1d7: {  	_ =	sdelay $0x2  }
0x1d8: {  	s1 =	sshll.u32 s16, $0x5  }
0x1d9: {  	v4 =	vor.u32 s1, v0  }
0x1da: {  	v5 =	vor.u32 s1, v1;
	v6 =	vand.u32 $0xFFFF, v2;
	v7 =	vshll.u32 v3, $0x10  }
0x1db: {  	v2 =	vshrl.u32 v2, $0x10;
	v3 =	vand.u32 $0xFFFF0000, v3;
	v6 =	vor.u32 v6, v7  }
0x1dc: {  	v2 =	vor.u32 v2, v3;
	[tilespmem:s5+$0xFFFFFFF0] =	vst v6  }
0x1dd: {  	[tilespmem:s5+$0x0] =	vst v2  }
0x1de: {  	v2 =	vld.idx.msk [tilespmem:v4+s19+$0x0], $0xffff  }
0x1df: {  	v3 =	vld.idx.msk [tilespmem:v5+s19+$0x0], $0xffff;
	_ =	sdelay $0x2  }
0x1e0: {  	s30 =	sadd.s32 $0x20, s1  }
0x1e1: {  	v59 =	vor.u32 s30, v0  }
0x1e2: {  	v62 =	vor.u32 s30, v1;
	v60 =	vand.u32 $0xFFFF, v2;
	v61 =	vshll.u32 v3, $0x10  }
0x1e3: {  	s5 =	sadd.s32 $0x40, s4;
	v2 =	vshrl.u32 v2, $0x10;
	v3 =	vand.u32 $0xFFFF0000, v3;
	v5 =	vor.u32 v60, v61  }
0x1e4: {  	v2 =	vor.u32 v2, v3;
	[tilespmem:s5+$0xFFFFFFD0] =	vst v5  }
0x1e5: {  	[tilespmem:s5+$0xFFFFFFE0] =	vst v2  }
0x1e6: {  	v2 =	vld.idx.msk [tilespmem:v59+s19+$0x0], $0xffff  }
0x1e7: {  	v3 =	vld.idx.msk [tilespmem:v62+s19+$0x0], $0xffff;
	_ =	sdelay $0x4  }
.Ltmp24:
0x1e8: {  	v4 =	vand.u32 $0xFFFF, v2;
	v63 =	vshll.u32 v3, $0x10;
	(pc) =	sbr.rel @p1 .LBB2_38-.Ltmp24, $4  }
0x1e9: {  	v2 =	vshrl.u32 v2, $0x10;
	v3 =	vand.u32 $0xFFFF0000, v3;
	v4 =	vor.u32 v4, v63  }
0x1ea: {  	v2 =	vor.u32 v2, v3;
	[tilespmem:s5+$0xFFFFFFF0] =	vst v4  }
0x1eb: {  	s16 =	sadd.s32 $0x7D000, s8;
	s30 =	simm.s32 $0x13400;
	[tilespmem:s5+$0x0] =	vst v2  }
0x1ec: {  	[hbm4b:s16+s25] =	stream.strided.scatter [tilespmem:s30], [sflag:$0xF], $0x1000, s26, s25, $0x38;
	[tilespmem:$0x16400] =	vst v63  }
.Ltmp25:
0x1ed: {  	(pc) =	sbr.rel .LBB2_39-.Ltmp25, $4  }
0x1ee: {  	_ = 	snop  }
0x1ef: {  	_ =	swait.ge [sflag:s28], $0x1000  }
0x1f0: {  	[sflag:s28] =	ssyncset.done $0x0  }
0x1f1: {  	[sflag:s28] =	ssyncadd.s32 $0xFFFFF000  }
.LBB2_38:
0x1f2: {  	s1 =	sshll.u32 s12, $0xC  }
0x1f3: {  	s1 =	sshra.s32 s1, $0x2  }
.Ltmp26:
0x1f4: {  	s1 =	sadd.s32 $0x680, s1;
	(pc) =	sbr.rel @p0 .LBB2_40-.Ltmp26, $4  }
0x1f5: {  	[tilespmem:s19], [sflag:$0x7] =	stream.indirect.gather [hbm4b:s3+s9], $0x20, s1, s9, $0xb8;
	[tilespmem:$0x16400] =	vst v63  }
0x1f6: {  	_ =	swait.ge [sflag:s28], $0x1000  }
0x1f7: {  	[sflag:s28] =	ssyncset.done $0x0  }
0x1f8: {  	[sflag:s28] =	ssyncadd.s32 $0xFFFFF000  }
.LBB2_39:
0x1f9: {  	_ =	swait.ge [sflag:s31], $0x1000  }
0x1fa: {  	[sflag:s31] =	ssyncset.done $0x0  }
0x1fb: {  	[sflag:s31] =	ssyncadd.s32 $0xFFFFF000  }
.LBB2_40:
0x1fc: {  	s1 =	simm.s32 $0x0  }
0x1fd: {  	v2 =	vor.u32 s1, v0  }
0x1fe: {  	v3 =	vor.u32 s1, v1;
	_ =	sdelay $0x3  }
0x1ff: {  	v2 =	vld.idx.msk [tilespmem:v2+s21+$0x0], $0xffff  }
0x200: {  	v3 =	vld.idx.msk [tilespmem:v3+s21+$0x0], $0xffff;
	_ =	sdelay $0x2  }
0x201: {  	s16 =	simm.s32 $0x20  }
0x202: {  	v4 =	vor.u32 s16, v0  }
0x203: {  	v7 =	vor.u32 s16, v1;
	v5 =	vand.u32 $0xFFFF, v2;
	v6 =	vshll.u32 v3, $0x10  }
0x204: {  	s4 =	simm.s32 $0x14430;
	v2 =	vshrl.u32 v2, $0x10;
	v3 =	vand.u32 $0xFFFF0000, v3;
	v5 =	vor.u32 v5, v6  }
0x205: {  	v2 =	vor.u32 v2, v3;
	[tilespmem:s4+$0xFFFFFFD0] =	vst v5  }
0x206: {  	[tilespmem:s4+$0xFFFFFFE0] =	vst v2  }
0x207: {  	v2 =	vld.idx.msk [tilespmem:v4+s21+$0x0], $0xffff  }
0x208: {  	v3 =	vld.idx.msk [tilespmem:v7+s21+$0x0], $0xffff;
	_ =	sdelay $0x1  }
0x209: {  	s30 =	simm.s32 $0x4;
	s5 =	simm.s32 $0x14430;
	s1 =	simm.s32 $0x40  }
.LBB2_41:
0x20a: {  	p2 =	slt.u32 s30, $0x7E  }
0x20b: {  	v4 =	vor.u32 s1, v0;
	v5 =	vor.u32 s1, v1;
	v6 =	vshrl.u32 v2, $0x10;
	s4 =	sadd.s32 $0x40, s4;
	s16 =	smov.u32 s30;
	s30 =	sadd.s32 $0x2, s30  }
0x20c: {  	v2 =	vand.u32 $0xFFFF, v2;
	v7 =	vshll.u32 v3, $0x10;
	v3 =	vand.u32 $0xFFFF0000, v3  }
0x20d: {  	v2 =	vor.u32 v2, v7;
	v3 =	vor.u32 v6, v3  }
0x20e: {  	[tilespmem:s5+$0xFFFFFFF0] =	vst v2  }
0x20f: {  	[tilespmem:s5+$0x0] =	vst v3;
	s5 =	smov.u32 s4  }
0x210: {  	v2 =	vld.idx.msk [tilespmem:v4+s21+$0x0], $0xffff  }
0x211: {  	v3 =	vld.idx.msk [tilespmem:v5+s21+$0x0], $0xffff;
	_ =	sdelay $0x3  }
0x212: {  	s1 =	sadd.s32 $0x20, s1  }
0x213: {  	v5 =	vor.u32 s1, v0;
	v4 =	vand.u32 $0xFFFF, v2;
	v2 =	vshrl.u32 v2, $0x10  }
0x214: {  	v7 =	vor.u32 s1, v1;
	v6 =	vshll.u32 v3, $0x10;
	v3 =	vand.u32 $0xFFFF0000, v3  }
0x215: {  	v4 =	vor.u32 v4, v6;
	v2 =	vor.u32 v2, v3  }
0x216: {  	[tilespmem:s4+$0xFFFFFFD0] =	vst v4  }
0x217: {  	[tilespmem:s4+$0xFFFFFFE0] =	vst v2  }
0x218: {  	v2 =	vld.idx.msk [tilespmem:v5+s21+$0x0], $0xffff  }
.Ltmp27:
0x219: {  	v3 =	vld.idx.msk [tilespmem:v7+s21+$0x0], $0xffff;
	(pc) =	sbr.rel @p2 .LBB2_41-.Ltmp27, $2  }
0x21a: {  	_ =	sdelay $0x2  }
0x21b: {  	s1 =	sshll.u32 s16, $0x5  }
0x21c: {  	v4 =	vor.u32 s1, v0  }
0x21d: {  	v5 =	vor.u32 s1, v1;
	v6 =	vand.u32 $0xFFFF, v2;
	v7 =	vshll.u32 v3, $0x10  }
0x21e: {  	v2 =	vshrl.u32 v2, $0x10;
	v3 =	vand.u32 $0xFFFF0000, v3;
	v6 =	vor.u32 v6, v7  }
0x21f: {  	v2 =	vor.u32 v2, v3;
	[tilespmem:s5+$0xFFFFFFF0] =	vst v6  }
0x220: {  	[tilespmem:s5+$0x0] =	vst v2  }
0x221: {  	v2 =	vld.idx.msk [tilespmem:v4+s21+$0x0], $0xffff  }
0x222: {  	v3 =	vld.idx.msk [tilespmem:v5+s21+$0x0], $0xffff;
	_ =	sdelay $0x2  }
0x223: {  	s30 =	sadd.s32 $0x20, s1  }
0x224: {  	v59 =	vor.u32 s30, v0  }
0x225: {  	v62 =	vor.u32 s30, v1;
	v60 =	vand.u32 $0xFFFF, v2;
	v61 =	vshll.u32 v3, $0x10  }
0x226: {  	s5 =	sadd.s32 $0x40, s4;
	v2 =	vshrl.u32 v2, $0x10;
	v3 =	vand.u32 $0xFFFF0000, v3;
	v5 =	vor.u32 v60, v61  }
0x227: {  	v2 =	vor.u32 v2, v3;
	[tilespmem:s5+$0xFFFFFFD0] =	vst v5  }
0x228: {  	[tilespmem:s5+$0xFFFFFFE0] =	vst v2  }
0x229: {  	v2 =	vld.idx.msk [tilespmem:v59+s21+$0x0], $0xffff  }
0x22a: {  	v3 =	vld.idx.msk [tilespmem:v62+s21+$0x0], $0xffff;
	_ =	sdelay $0x4  }
.Ltmp28:
0x22b: {  	v4 =	vand.u32 $0xFFFF, v2;
	v63 =	vshll.u32 v3, $0x10;
	(pc) =	sbr.rel @p1 .LBB2_44-.Ltmp28, $4  }
0x22c: {  	v2 =	vshrl.u32 v2, $0x10;
	v3 =	vand.u32 $0xFFFF0000, v3;
	v4 =	vor.u32 v4, v63  }
0x22d: {  	v2 =	vor.u32 v2, v3;
	[tilespmem:s5+$0xFFFFFFF0] =	vst v4  }
0x22e: {  	s16 =	sadd.s32 $0x96000, s8;
	s30 =	simm.s32 $0x14400;
	[tilespmem:s5+$0x0] =	vst v2  }
0x22f: {  	[hbm4b:s16+s25] =	stream.strided.scatter [tilespmem:s30], [sflag:$0x10], $0x1000, s26, s25, $0x38;
	[tilespmem:$0x16400] =	vst v63  }
.Ltmp29:
0x230: {  	(pc) =	sbr.rel .LBB2_45-.Ltmp29, $4  }
0x231: {  	_ = 	snop  }
0x232: {  	_ =	swait.ge [sflag:s18], $0x1000  }
0x233: {  	[sflag:s18] =	ssyncset.done $0x0  }
0x234: {  	[sflag:s18] =	ssyncadd.s32 $0xFFFFF000  }
.LBB2_44:
0x235: {  	s1 =	sshll.u32 s12, $0xC  }
0x236: {  	s1 =	sshra.s32 s1, $0x2  }
.Ltmp30:
0x237: {  	s1 =	sadd.s32 $0x700, s1;
	(pc) =	sbr.rel @p0 .LBB2_46-.Ltmp30, $4  }
0x238: {  	[tilespmem:s21], [sflag:$0x8] =	stream.indirect.gather [hbm4b:s3+s9], $0x20, s1, s9, $0xb8;
	[tilespmem:$0x16400] =	vst v63  }
0x239: {  	_ =	swait.ge [sflag:s18], $0x1000  }
0x23a: {  	[sflag:s18] =	ssyncset.done $0x0  }
0x23b: {  	[sflag:s18] =	ssyncadd.s32 $0xFFFFF000  }
.LBB2_45:
0x23c: {  	_ =	swait.ge [sflag:s2], $0x1000  }
0x23d: {  	[sflag:s2] =	ssyncset.done $0x0  }
0x23e: {  	[sflag:s2] =	ssyncadd.s32 $0xFFFFF000  }
.LBB2_46:
0x23f: {  	s1 =	simm.s32 $0x0  }
0x240: {  	v2 =	vor.u32 s1, v0  }
0x241: {  	v3 =	vor.u32 s1, v1;
	_ =	sdelay $0x3  }
0x242: {  	v2 =	vld.idx.msk [tilespmem:v2+s23+$0x0], $0xffff  }
0x243: {  	v3 =	vld.idx.msk [tilespmem:v3+s23+$0x0], $0xffff;
	_ =	sdelay $0x2  }
0x244: {  	s16 =	simm.s32 $0x20  }
0x245: {  	v4 =	vor.u32 s16, v0  }
0x246: {  	v7 =	vor.u32 s16, v1;
	v5 =	vand.u32 $0xFFFF, v2;
	v6 =	vshll.u32 v3, $0x10  }
0x247: {  	s4 =	simm.s32 $0x15430;
	v2 =	vshrl.u32 v2, $0x10;
	v3 =	vand.u32 $0xFFFF0000, v3;
	v5 =	vor.u32 v5, v6  }
0x248: {  	v2 =	vor.u32 v2, v3;
	[tilespmem:s4+$0xFFFFFFD0] =	vst v5  }
0x249: {  	[tilespmem:s4+$0xFFFFFFE0] =	vst v2  }
0x24a: {  	v2 =	vld.idx.msk [tilespmem:v4+s23+$0x0], $0xffff  }
0x24b: {  	v3 =	vld.idx.msk [tilespmem:v7+s23+$0x0], $0xffff;
	_ =	sdelay $0x1  }
0x24c: {  	s30 =	simm.s32 $0x4;
	s5 =	simm.s32 $0x15430;
	s1 =	simm.s32 $0x40  }
.LBB2_47:
0x24d: {  	p0 =	slt.u32 s30, $0x7E  }
0x24e: {  	v4 =	vor.u32 s1, v0;
	v5 =	vor.u32 s1, v1;
	v6 =	vshrl.u32 v2, $0x10;
	s4 =	sadd.s32 $0x40, s4;
	s16 =	smov.u32 s30;
	s30 =	sadd.s32 $0x2, s30  }
0x24f: {  	v2 =	vand.u32 $0xFFFF, v2;
	v7 =	vshll.u32 v3, $0x10;
	v3 =	vand.u32 $0xFFFF0000, v3  }
0x250: {  	v2 =	vor.u32 v2, v7;
	v3 =	vor.u32 v6, v3  }
0x251: {  	[tilespmem:s5+$0xFFFFFFF0] =	vst v2  }
0x252: {  	[tilespmem:s5+$0x0] =	vst v3;
	s5 =	smov.u32 s4  }
0x253: {  	v2 =	vld.idx.msk [tilespmem:v4+s23+$0x0], $0xffff  }
0x254: {  	v3 =	vld.idx.msk [tilespmem:v5+s23+$0x0], $0xffff;
	_ =	sdelay $0x3  }
0x255: {  	s1 =	sadd.s32 $0x20, s1  }
0x256: {  	v5 =	vor.u32 s1, v0;
	v4 =	vand.u32 $0xFFFF, v2;
	v2 =	vshrl.u32 v2, $0x10  }
0x257: {  	v7 =	vor.u32 s1, v1;
	v6 =	vshll.u32 v3, $0x10;
	v3 =	vand.u32 $0xFFFF0000, v3  }
0x258: {  	v4 =	vor.u32 v4, v6;
	v2 =	vor.u32 v2, v3  }
0x259: {  	[tilespmem:s4+$0xFFFFFFD0] =	vst v4  }
0x25a: {  	[tilespmem:s4+$0xFFFFFFE0] =	vst v2  }
0x25b: {  	v2 =	vld.idx.msk [tilespmem:v5+s23+$0x0], $0xffff  }
.Ltmp31:
0x25c: {  	v3 =	vld.idx.msk [tilespmem:v7+s23+$0x0], $0xffff;
	(pc) =	sbr.rel @p0 .LBB2_47-.Ltmp31, $2  }
0x25d: {  	_ =	sdelay $0x2  }
0x25e: {  	s1 =	sshll.u32 s16, $0x5  }
0x25f: {  	v4 =	vor.u32 s1, v0  }
0x260: {  	v5 =	vor.u32 s1, v1;
	v6 =	vand.u32 $0xFFFF, v2;
	v7 =	vshll.u32 v3, $0x10  }
0x261: {  	v2 =	vshrl.u32 v2, $0x10;
	v3 =	vand.u32 $0xFFFF0000, v3;
	v6 =	vor.u32 v6, v7  }
0x262: {  	v2 =	vor.u32 v2, v3;
	[tilespmem:s5+$0xFFFFFFF0] =	vst v6  }
0x263: {  	[tilespmem:s5+$0x0] =	vst v2  }
0x264: {  	v2 =	vld.idx.msk [tilespmem:v4+s23+$0x0], $0xffff  }
0x265: {  	v3 =	vld.idx.msk [tilespmem:v5+s23+$0x0], $0xffff;
	_ =	sdelay $0x2  }
0x266: {  	s30 =	sadd.s32 $0x20, s1  }
0x267: {  	v59 =	vor.u32 s30, v0  }
0x268: {  	v62 =	vor.u32 s30, v1;
	v60 =	vand.u32 $0xFFFF, v2;
	v61 =	vshll.u32 v3, $0x10  }
0x269: {  	s5 =	sadd.s32 $0x40, s4;
	v2 =	vshrl.u32 v2, $0x10;
	v3 =	vand.u32 $0xFFFF0000, v3;
	v5 =	vor.u32 v60, v61  }
0x26a: {  	v2 =	vor.u32 v2, v3;
	[tilespmem:s5+$0xFFFFFFD0] =	vst v5  }
0x26b: {  	[tilespmem:s5+$0xFFFFFFE0] =	vst v2  }
0x26c: {  	v2 =	vld.idx.msk [tilespmem:v59+s23+$0x0], $0xffff  }
0x26d: {  	v3 =	vld.idx.msk [tilespmem:v62+s23+$0x0], $0xffff;
	_ =	sdelay $0x3  }
0x26e: {  	p0 =	seq.s32 s12, $0x18  }
.Ltmp32:
0x26f: {  	v4 =	vand.u32 $0xFFFF, v2;
	v63 =	vshll.u32 v3, $0x10;
	(pc) =	sbr.rel @p0 .LBB2_50-.Ltmp32, $4  }
0x270: {  	v2 =	vshrl.u32 v2, $0x10;
	v3 =	vand.u32 $0xFFFF0000, v3;
	v4 =	vor.u32 v4, v63  }
0x271: {  	v2 =	vor.u32 v2, v3;
	[tilespmem:s5+$0xFFFFFFF0] =	vst v4  }
0x272: {  	s16 =	sadd.s32 $0xAF000, s8;
	s30 =	simm.s32 $0x15400;
	[tilespmem:s5+$0x0] =	vst v2  }
0x273: {  	[hbm4b:s16+s25] =	stream.strided.scatter [tilespmem:s30], [sflag:$0x11], $0x1000, s26, s25, $0x38;
	[tilespmem:$0x16400] =	vst v63  }
.Ltmp33:
0x274: {  	(pc) =	sbr.rel .LBB2_4-.Ltmp33, $4  }
0x275: {  	s1 =	sshll.u32 s12, $0xC  }
0x276: {  	s1 =	sshra.s32 s1, $0x2  }
0x277: {  	s12 =	sadd.s32 $0x1, s12;
	s1 =	sadd.s32 $0x780, s1  }
0x278: {  	[tilespmem:s23], [sflag:$0x9] =	stream.indirect.gather [hbm4b:s3+s9], $0x20, s1, s9, $0xb8;
	[tilespmem:$0x16400] =	vst v63  }
.LBB2_51:
0x279: {  	_ =	sfence.sel $0x180000  }
0x27a: {  	[bflag:$0x0] =	sbarrier.arrive $0xFFFF  }
0x27b: {  	_ =	strace $0x90000047  }
0x27c: {  	s0 =	stileid.u32;
	[bflag:$0x2] =	sbarrier.arrive $0xFFFF  }
0x27d: {  	p0 =	sne.s32 s0, $0x0;
	s0 =	rddreg [dreg:$0x2]  }
0x27e: {  	s0 =	sadd.s32 @!p0 $0x100000, s0  }
0x27f: {  	[sflag:s0] =	ssyncadd.tile.s32 @!p0 $0x1;
	_ =	shalt  }
.Lfunc_end2:
_tile_overlayer_lowered:
.L_overlay_start_2:
0x280: {  	(tag) =	ssettag $0x2  }
0x281: {  	s0 =	rddreg [dreg:$0x0];
	s2 =	stileid.u32  }
0x282: {  	s1 =	rddreg [dreg:$0x1];
	p0 =	sne.s32 s2, $0x0  }
0x283: {  	s3 =	rddreg [dreg:$0x2];
	[bflag:$0x3] =	sbarrier.arrive $0xFFFF;
	s2 =	simm.s32 @!p0 $0x1C12  }
0x284: {  	[timem:s3], [sflag:s2] =	dma.local @!p0 [hbm:s0], s1  }
0x285: {  	s0 =	simm.s32 @!p0 $0x12  }
0x286: {  	_ =	swait.ge @!p0 [sflag:s0], s1  }
0x287: {  	s1 =	ssub.s32 @!p0 $0x0, s1;
	[sflag:s0] =	ssyncset.done @!p0 $0x0  }
0x288: {  	[sflag:s0] =	ssyncadd.s32 @!p0 s1  }
0x289: {  	[bflag:$0x3] =	sbarrier.arrive $0xFFFF  }
0x28a: {  	_ =	shalt  }

// kernel: sparse-core-data-format-call.cloned.1.call-start
scs
called_computation_lowered:
.L_overlay_start_0:
0x0: {  	s2 =	sld [smem:$0x3FD9]  }
0x1: {  	s3 =	sld [smem:$0x3FFE];
	_ =	sdelay $0x1  }
0x2: {  	s1 =	srdreg.scid  }
0x3: {  	s0 =	sand.u32 $0x1, s1  }
0x4: {  	s18 =	sshll.u32 s0, $0xA;
	s2 =	sadd.s32 s3, s2  }
0x5: {  	s2 =	sadd.s32 s2, s18  }
0x6: {  	[smem:$0x3FC6] =	sst s2  }
0x7: {  	_ = 	snop  }
0x8: {  	s2 =	sld [smem:$0x3FD0];
	(tm) =	ssettm $0x1  }
0x9: {  	s19 =	sld [smem:$0x3FFB];
	_ =	sdelay $0x3  }
0xa: {  	_ =	strace s19  }
0xb: {  	s3 =	sld [smem:$0x3FFC];
	_ =	sdelay $0x3  }
0xc: {  	_ =	strace s3  }
0xd: {  	s3 =	sld [smem:$0x3FFD];
	_ =	sdelay $0x3  }
0xe: {  	_ =	strace s3  }
0xf: {  	_ =	strace $0x8FFFFFFF  }
0x10: {  	s20 =	sld [smem:$0x3FDB];
	_ =	sdelay $0x1  }
0x11: {  	s4 =	simm.s32 $_scs_section_size  }
0x12: {  	s5 =	simm.s32 $_size__tile_overlayer_lowered;
	s6 =	simm.s32 $_tile_overlayer_lowered  }
0x13: {  	s23 =	simm.s32 $0x1BFF;
	s22 =	sshll.u32 s6, $0x1;
	s3 =	sadd.s32 s4, s20  }
0x14: {  	s7 =	simm.s32 $0x0;
	s21 =	sshll.u32 s5, $0x1;
	s5 =	sadd.s32 s22, s3  }
0x15: {  	[timem:s7], [sflag:s23] =	dma.local [hbm:s5], s21  }
0x16: {  	_ =	swait.ge [sflag:s23], s21  }
0x17: {  	s4 =	ssub.s32 $0x0, s21;
	[sflag:s23] =	ssyncset.done $0x0  }
0x18: {  	[sflag:s23] =	ssyncadd.s32 s4;
	_ =	sdelay $0x1  }
0x19: {  	s24 =	simm.s32 $0x1B8B  }
0x1a: {  	_ =	swait.ge [sflag:s24], $0x1  }
0x1b: {  	[sflag:s24] =	ssyncset.done $0x0  }
0x1c: {  	s26 =	simm.s32 $0x1B8E;
	s25 =	sld [smem:$0x3FFE];
	[sflag:s24] =	ssyncadd.s32 $0xFFFFFFFF  }
0x1d: {  	s27 =	simm.s32 $execute0_lowered;
	[smem:$0x3FD2] =	sst s26  }
0x1e: {  	s5 =	sshll.u32 s27, $0x1;
	_ =	strace $0x80000049;
	[dreg:$0x1] =	wrdreg $0xFFFFFFFF  }
0x1f: {  	s28 =	simm.s32 $_size_execute0_lowered;
	s3 =	sadd.s32 s3, s5;
	[dreg:$0x0] =	wrdreg $0x0  }
0x20: {  	s5 =	sshll.u32 s28, $0x1;
	[dreg:$0x2] =	wrdreg s3  }
0x21: {  	[dreg:$0x3] =	wrdreg s5  }
0x22: {  	[dreg:$0x4] =	wrdreg $0xC0  }
0x23: {  	_ =	task [dreg:s7], $0x5FFFF  }
0x24: {  	[dreg:$0x1] =	wrdreg $0xFFFFFFFF  }
0x25: {  	[dreg:$0x0] =	wrdreg $0x60  }
0x26: {  	[dreg:$0x2] =	wrdreg s25  }
0x27: {  	[dreg:$0x3] =	wrdreg s2  }
0x28: {  	[dreg:$0x4] =	wrdreg $0x9  }
0x29: {  	_ =	task.clear_ibuf [dreg:s7], $0x5FFFF;
	_ =	strace $0x90000049  }
0x2a: {  	s29 =	simm.s32 $0x9;
	_ =	strace $0x8000004B  }
0x2b: {  	_ =	swait.ge [sflag:s29], $0x1  }
0x2c: {  	[sflag:s29] =	ssyncadd.s32 $0xFFFFFFFF  }
0x2d: {  	_ =	strace $0x9000004B  }
0x2e: {  	_ =	sfence  }
0x2f: {  	s30 =	sld [smem:$0x0];
	_ =	sdelay $0x2  }
0x30: {  	s31 =	sshll.u32 s1, $0xD;
	s1 =	sshrl.u32 s1, $0x2  }
0x31: {  	s3 =	sand.u32 $0x4000, s31;
	s1 =	sadd.s32 s1, s30  }
0x32: {  	s0 =	sor.u32 s3, s0;
	s1 =	sshll.u32 s1, $0x11  }
0x33: {  	s0 =	sor.u32 s1, s0  }
0x34: {  	s0 =	sadd.s32 $0x8F2B, s0  }
0x35: {  	[sflag:s0] =	ssyncadd.remote.s32 $0x1  }
0x36: {  	_ =	sfence.sel $0xFFFF  }
0x37: {  	[dreg:$0x0] =	wrdreg $0xFFFFFFFF;
	(pc) =	sbr.abs _section_cstart, $3  }
0x38: {  	[dreg:$0x1] =	wrdreg $0xFFFFFFFF  }
0x39: {  	_ =	task.clear_ibuf [dreg:s7], $0x2FFFF;
	_ =	strace $0x9FFFFFFF  }
0x3a: {  	(tm) =	ssettm $0x7FFFFFFF  }
0x3b: {  	_ =	shalt  }
tec
execute0_lowered:
.L_overlay_start_1:
0x0: {  	(tag) =	ssettag $0x1  }
0x1: {  	s0 =	srdreg.scid  }
0x2: {  	s1 =	sshll.u32 s0, $0x4  }
0x3: {  	s0 =	stileid.u32;
	s1 =	sand.u32 $0x10, s1  }
0x4: {  	s1 =	sor.u32 s0, s1  }
0x5: {  	s6 =	rddreg [dreg:$0x0];
	s4 =	simm.s32 $0x1;
	s2 =	sshll.u32 s1, $0x7  }
0x6: {  	s7 =	simm.s32 $0x2;
	s13 =	simm.s32 $0x0;
	s1 =	ssub.s32 $0x1000, s2  }
0x7: {  	s8 =	simm.s32 $0x4000;
	s12 =	simm.s32 $0x0;
	s3 =	sand.u32 $0xF80, s1  }
0x8: {  	s9 =	simm.s32 $0x0;
	s5 =	sshrl.u32 s1, $0xC;
	p0 =	sne.s32 s3, $0x0  }
.Ltmp0:
0x9: {  	s1 =	rddreg [dreg:$0x2];
	s4 =	simm.s32 @!p0 $0x0;
	(pc) =	sbr.rel .LBB1_1-.Ltmp0, $4  }
0xa: {  	s11 =	simm.s32 $0x0;
	s3 =	rddreg [dreg:$0x1];
	s5 =	sadd.s32 s4, s5  }
0xb: {  	_ =	strace $0x8000004A;
	s4 =	simm.s32 $0x1;
	s5 =	smul.u32 $0x64, s5  }
0xc: {  	s6 =	sadd.s32 $0x320800, s6;
	s10 =	smov.u32 s2;
	[sflag:s4] =	ssyncpa.u1 $0x0  }
0xd: {  	p0 =	por $0x0, $0x0;
	[sflag:s7] =	ssyncpa.u1 $0x0;
	s7 =	sor.u32 $0x1, s5  }
.LBB1_4:
0xe: {  	v1 =	vperm.xlane.i2c.b16 v1;
	v0 =	vperm.xlane.i2c.b16 v0  }
0xf: {  	v2 =	vperm.xlane.i2c.b16 v2;
	v3 =	vperm.xlane.i2c.b16 v3  }
0x10: {  	[tilespmem:s16+$0x0 ss:$0x81] =	vst.msk $0xffff, v5;
	s17 =	sshra.s32 s17, $0x2;
	s18 =	sshll.u32 s12, $0x3;
	s19 =	sshll.u32 s12, $0x1;
	v62 =	vcombine.low v0, v1  }
0x11: {  	s13 =	sshll.u32 s13, $0xE;
	s30 =	sshrl.u32 s12, $0x1;
	[tilespmem:s16+$0x1020 ss:$0x81] =	vst.msk $0xffff, v4;
	s15 =	sadd.s32 s17, s15;
	v63 =	vcombine.low v3, v2  }
0x12: {  	s31 =	sand.u32 $0x7, s12;
	s28 =	sand.u32 $0xF0, s19;
	s29 =	sand.u32 $0xC00, s18;
	v0 =	vcombine.high v0, v1;
	[tilespmem:s15+$0x810 ss:$0x81] =	vst.msk $0xffff, v62  }
0x13: {  	s17 =	sand.u32 $0x3F00, s30;
	s13 =	sadd.s32 s3, s13;
	s16 =	sor.u32 s28, s29;
	v2 =	vcombine.high v3, v2;
	[tilespmem:s15+$0x0 ss:$0x81] =	vst.msk $0xffff, v63  }
0x14: {  	s12 =	sshll.u32 s31, $0x12;
	s13 =	sadd.s32 s17, s13;
	s16 =	sshrl.u32 s16, $0x4;
	[tilespmem:s15+$0x1830 ss:$0x81] =	vst.msk $0xffff, v0  }
0x15: {  	s12 =	sor.u32 $0x200, s12;
	s13 =	sadd.s32 s16, s13;
	[tilespmem:s15+$0x1020 ss:$0x81] =	vst.msk $0xffff, v2  }
0x16: {  	[hbm4b:s13+s12] =	stream.strided.scatter [tilespmem:s14], [sflag:$0x2], $0x2000, s8, s12, $0x20;
	[tilespmem:$0x8080] =	vst v63  }
.LBB1_5:
0x17: {  	s14 =	sadd.s32 $0x2, s9  }
0x18: {  	s12 =	sadd.s32 $0x1000, s10;
	s16 =	smov.u32 s10;
	p2 =	sgt.s32 s14, $0xC7  }
0x19: {  	s16 =	smov.u32 @p2 s12  }
0x1a: {  	s14 =	simm.s32 @p2 $0x0;
	p2 =	sgt.s32 s16, $0xFFF  }
0x1b: {  	s16 =	smov.u32 @p2 s2;
	p2 =	sne.s32 s11, s7  }
.Ltmp1:
0x1c: {  	p1 =	slt.u32 s11, $0x2;
	(pc) =	sbr.rel @!p2 .LBB1_6-.Ltmp1, $4  }
0x1d: {  	s15 =	simm.s32 @!p1 $0x2  }
0x1e: {  	s13 =	smov.u32 s9;
	p0 =	por !p0, !p0;
	_ =	swait.ge @!p1 [sflag:s15], $0x2000  }
0x1f: {  	s12 =	smov.u32 s10;
	[sflag:s15] =	ssyncset.done @!p1 $0x0;
	s9 =	smov.u32 s14  }
0x20: {  	s11 =	sadd.s32 $0x1, s11;
	[sflag:s15] =	ssyncadd.s32 @!p1 $0xFFFFE000;
	s10 =	smov.u32 s16  }
.LBB1_1:
0x21: {  	p1 =	sge.u32 s11, s5  }
0x22: {  	s14 =	sand.u32 @!p1 $0x1FFFFFE, s9  }
0x23: {  	s15 =	smulhi.u32 @!p1 $0x147AE15, s14;
	_ =	sdelay $0x1  }
0x24: {  	s15 =	smul.u32 @!p1 $0xC8, s15  }
0x25: {  	s31 =	sadd.s32 $0xFFFFFFFF, s11;
	s16 =	smul.u32 @!p1 $0x640, s10  }
0x26: {  	s17 =	simm.s32 @!p1 $0x3200;
	s14 =	ssub.s32 @!p1 s14, s15;
	s15 =	sxor.u32 @!p1 $0xFFFFFFFF, s11  }
0x27: {  	s16 =	sadd.s32 @!p1 s6, s16;
	s14 =	sshll.u32 @!p1 s14, $0x3;
	s15 =	sshll.u32 @!p1 s15, $0xD  }
0x28: {  	s14 =	sadd.s32 @!p1 s14, s16;
	s15 =	sand.u32 @!p1 $0x2000, s15;
	s16 =	simm.s32 @!p1 $0x40  }
0x29: {  	[tilespmem:s15], [sflag:$0x1] =	stream.strided.gather @!p1 [hbm4b:s14+s16], $0x2000, s17, s16, $0x38;
	[tilespmem:$0x8080] =	vst v63  }
0x2a: {  	p1 =	sge.u32 s31, s5  }
.Ltmp2:
0x2b: {  	_ = 	snop;
	(pc) =	sbr.rel @p1 .LBB1_5-.Ltmp2, $1  }
0x2c: {  	_ =	sdelay $0x3  }
0x2d: {  	s14 =	simm.s32 $0x1  }
0x2e: {  	_ =	swait.ge [sflag:s4], $0x2000;
	s14 =	simm.s32 @!p0 $0x0  }
0x2f: {  	[sflag:s4] =	ssyncset.done $0x0;
	s15 =	sshll.u32 s14, $0xD  }
0x30: {  	[sflag:s4] =	ssyncadd.s32 $0xFFFFE000;
	s15 =	sor.u32 $0x20, s15  }
0x31: {  	v0 =	vld [tilespmem:s15+$0x0]  }
0x32: {  	v1 =	vld [tilespmem:s15+$0x10]  }
0x33: {  	v2 =	vld [tilespmem:s15+$0xFFFFFFF0]  }
0x34: {  	v3 =	vld [tilespmem:s15+$0xFFFFFFE0];
	_ =	sdelay $0x1  }
0x35: {  	s14 =	smul.u32 $0x8100, s14;
	s19 =	sadd.s32 $0x40, s15  }
0x36: {  	s16 =	sand.u32 $0x1, s11;
	v4 =	vperm.xlane.i2c.b16 v1;
	v5 =	vperm.xlane.i2c.b16 v0;
	v0 =	vld [tilespmem:s19+$0x0]  }
0x37: {  	s16 =	smul.u32 $0x8100, s16;
	s14 =	sshrl.u32 s14, $0x2;
	v6 =	vperm.xlane.i2c.b16 v2;
	v1 =	vld [tilespmem:s19+$0x10]  }
0x38: {  	s15 =	sor.u32 $0x4000, s14;
	v8 =	vperm.xlane.i2c.b16 v3;
	v2 =	vld [tilespmem:s19+$0xFFFFFFF0];
	v7 =	vcombine.low v5, v4  }
0x39: {  	s31 =	sshrl.u32 s16, $0x2;
	s16 =	sadd.s32 $0x0, s15;
	v3 =	vld [tilespmem:s19+$0xFFFFFFE0];
	v9 =	vcombine.high v5, v4  }
0x3a: {  	s17 =	simm.s32 $0x4;
	v5 =	vcombine.low v8, v6;
	[tilespmem:s16+$0x810 ss:$0x81] =	vst.msk $0xffff, v7  }
0x3b: {  	s18 =	simm.s32 $0x8;
	s14 =	sor.u32 $0x4000, s31;
	s19 =	sadd.s32 $0x40, s19;
	v4 =	vcombine.high v8, v6;
	[tilespmem:s16+$0x1830 ss:$0x81] =	vst.msk $0xffff, v9  }
.LBB1_3:
0x3c: {  	v6 =	vperm.xlane.i2c.b16 v1;
	v7 =	vperm.xlane.i2c.b16 v0;
	v0 =	vld [tilespmem:s19+$0x0];
	[tilespmem:s16+$0x0 ss:$0x81] =	vst.msk $0xffff, v5;
	s20 =	smov.u32 s18;
	p1 =	sne.s32 s18, $0x1FC  }
.Ltmp3:
0x3d: {  	v8 =	vperm.xlane.i2c.b16 v2;
	v1 =	vld [tilespmem:s19+$0x10];
	[tilespmem:s16+$0x1020 ss:$0x81] =	vst.msk $0xffff, v4;
	(pc) =	sbr.rel @p1 .LBB1_3-.Ltmp3, $4  }
0x3e: {  	s18 =	sadd.s32 $0x4, s18;
	v4 =	vperm.xlane.i2c.b16 v3;
	s16 =	sshra.s32 s17, $0x2;
	v2 =	vld [tilespmem:s19+$0xFFFFFFF0];
	v9 =	vcombine.low v7, v6  }
0x3f: {  	s17 =	smov.u32 s20;
	s16 =	sadd.s32 s16, s15;
	v6 =	vcombine.high v7, v6;
	v3 =	vld [tilespmem:s19+$0xFFFFFFE0]  }
0x40: {  	v5 =	vcombine.low v4, v8;
	v4 =	vcombine.high v4, v8;
	[tilespmem:s16+$0x810 ss:$0x81] =	vst.msk $0xffff, v9  }
0x41: {  	s19 =	sadd.s32 $0x40, s19;
	[tilespmem:s16+$0x1830 ss:$0x81] =	vst.msk $0xffff, v6  }
.Ltmp4:
0x42: {  	_ = 	snop;
	(pc) =	sbr.rel .LBB1_4-.Ltmp4, $1  }
0x43: {  	_ =	sdelay $0x3  }
.LBB1_6:
0x44: {  	_ =	sfence.sel $0x180000  }
0x45: {  	s2 =	simm.s32 $0x1;
	[bflag:$0x0] =	sbarrier.arrive $0xFFFF  }
0x46: {  	s31 =	simm.s32 $0x2;
	[sflag:s2] =	ssyncpa.u1 $0x1  }
0x47: {  	[sflag:s31] =	ssyncpa.u1 $0x1  }
0x48: {  	p0 =	sne.s32 s0, $0x0;
	_ =	strace $0x9000004A  }
0x49: {  	s0 =	sadd.s32 @!p0 $0x100000, s1;
	[bflag:$0x2] =	sbarrier.arrive $0xFFFF  }
0x4a: {  	[sflag:s0] =	ssyncadd.tile.s32 @!p0 $0x1;
	_ =	shalt  }
.Lfunc_end1:
_tile_overlayer_lowered:
.L_overlay_start_2:
0x4b: {  	(tag) =	ssettag $0x2  }
0x4c: {  	s0 =	rddreg [dreg:$0x0];
	s2 =	stileid.u32  }
0x4d: {  	s1 =	rddreg [dreg:$0x1];
	p0 =	sne.s32 s2, $0x0  }
0x4e: {  	s3 =	rddreg [dreg:$0x2];
	[bflag:$0x3] =	sbarrier.arrive $0xFFFF;
	s2 =	simm.s32 @!p0 $0x1C01  }
0x4f: {  	[timem:s3], [sflag:s2] =	dma.local @!p0 [hbm:s0], s1  }
0x50: {  	s0 =	simm.s32 @!p0 $0x1  }
0x51: {  	_ =	swait.ge @!p0 [sflag:s0], s1  }
0x52: {  	s1 =	ssub.s32 @!p0 $0x0, s1;
	[sflag:s0] =	ssyncset.done @!p0 $0x0  }
0x53: {  	[sflag:s0] =	ssyncadd.s32 @!p0 s1  }
0x54: {  	[bflag:$0x3] =	sbarrier.arrive $0xFFFF  }
0x55: {  	_ =	shalt  }

</sc_bundles>
